<compile_context>
chip_gen: v7x
topology: tpu7x:2x2x1
jax: 0.10.2.dev20260603
libtpu: 0.0.44.dev20260713+nightly
codegen_flags: <defaults>
</compile_context>

<pallas_src>
import functools

import jax
import jax.numpy as jnp
from jax import lax
from jax.experimental import pallas as pl
from jax.experimental.pallas import tpu as pltpu
from jax.experimental.pallas import tpu_sc as plsc

_NUM_CP = 10
_FEAT = 128
_BATCH = 16384

_NC, _NS, _L = 2, 16, 16
_NW = _NC * _NS
_ROWS_PER_TILE = _BATCH // _NW
_CSIZES = (64, 192, 192, 64)
_COFFS = (0, 64, 256, 448)
_NCHUNK = len(_CSIZES)
_SCALE = float(_NUM_CP * (1.0 - 1e-06))

_mesh = plsc.VectorSubcoreMesh(
    core_axis_name="c", subcore_axis_name="s", num_cores=_NC, num_subcores=_NS
)


@functools.partial(
    pl.kernel,
    out_type=jax.ShapeDtypeStruct((_BATCH, _FEAT), jnp.float32),
    mesh=_mesh,
    scratch_types=[
        pltpu.VMEM((_NUM_CP * _FEAT,), jnp.float32),
        pltpu.VMEM(((_NUM_CP + 1) * _FEAT,), jnp.float32),
        *[pltpu.VMEM((n, _FEAT), jnp.float32) for n in _CSIZES],
        *[pltpu.SemaphoreType.DMA for _ in range(2 * len(_CSIZES))],
    ],
    compiler_params=pltpu.CompilerParams(needs_layout_passes=False),
)
def _curve_map_sc(x_hbm, cp_hbm, out_hbm, cp_v, curve_v, *bufs_and_sems):
    bufs = bufs_and_sems[:_NCHUNK]
    in_sems = bufs_and_sems[_NCHUNK:2 * _NCHUNK]
    out_sems = bufs_and_sems[2 * _NCHUNK:]
    wid = lax.axis_index("s") * _NC + lax.axis_index("c")
    iota = lax.iota(jnp.int32, _L)
    row0 = wid * _ROWS_PER_TILE

    h_in = [None] * _NCHUNK
    h_out = [None] * _NCHUNK

    def start_in(ch):
        h_in[ch] = pltpu.async_copy(
            x_hbm.at[pl.ds(row0 + _COFFS[ch], _CSIZES[ch])], bufs[ch],
            in_sems[ch])

    start_in(0)
    start_in(1)

    pltpu.sync_copy(cp_hbm, cp_v)

    @plsc.parallel_loop(0, _FEAT // _L)
    def col_body(c):
        col = c * _L
        curve_v[pl.ds(col, _L)] = jnp.zeros((_L,), jnp.float32)

        def cum_body(r, acc):
            acc = acc + jnp.exp(cp_v[pl.ds(r * _FEAT + col, _L)])
            curve_v[pl.ds((r + 1) * _FEAT + col, _L)] = acc
            return acc

        total = lax.fori_loop(0, _NUM_CP, cum_body, jnp.zeros((_L,), jnp.float32))
        inv = 1.0 / total

        def norm_body(r, _):
            off = r * _FEAT + col
            curve_v[pl.ds(off, _L)] = curve_v[pl.ds(off, _L)] * inv
            return 0

        lax.fori_loop(1, _NUM_CP + 1, norm_body, 0)

    curve_hi = curve_v.at[pl.ds(_FEAT, _NUM_CP * _FEAT)]
    for ch in range(_NCHUNK):
        buf = bufs[ch]
        h_in[ch].wait()
        if ch + 2 < _NCHUNK:
            start_in(ch + 2)

        @plsc.parallel_loop(0, _CSIZES[ch], unroll=4)
        def row_body(r):
            for c in range(_FEAT // _L):
                col = c * _L
                xv = buf[r, pl.ds(col, _L)] * _SCALE
                idx = xv.astype(jnp.int32)
                w = xv - idx.astype(jnp.float32)
                t = idx * _FEAT + (iota + col)
                lo = plsc.load_gather(curve_v, [t])
                hi = plsc.load_gather(curve_hi, [t])
                buf[r, pl.ds(col, _L)] = lo + w * (hi - lo)

        h_out[ch] = pltpu.async_copy(
            buf, out_hbm.at[pl.ds(row0 + _COFFS[ch], _CSIZES[ch])], out_sems[ch])

    for ch in range(_NCHUNK):
        h_out[ch].wait()


def kernel(inputs, control_points):
    return _curve_map_sc(inputs, control_points.reshape(-1))

# --- scband reference (transcript-rebuilt; emitter-appended) ---
"""Pipeline reference for scband-curve-mapping-88837103551018 (READ-ONLY COPY).

The authoritative reference and input builder live on the scoring server;
editing this copy changes nothing except your own understanding.
"""

import jax, jax.numpy as jnp
import numpy as np

NUM_CP = 10
FEAT = 128
BATCH = 16384


def setup_inputs(seed: int = 0) -> dict:
    key = jax.random.key(seed)
    k1, k2 = jax.random.split(key)
    inputs = jax.random.uniform(k1, (BATCH, FEAT), dtype=jnp.float32)
    control_points = jax.random.normal(k2, (NUM_CP, FEAT), dtype=jnp.float32) * 0.1
    return {"inputs": inputs, "control_points": control_points}


def reference(inputs, control_points):
    shape = inputs.shape
    x_in = inputs.reshape(-1, shape[-1]) * (1 - 1e-06)
    # build normalized monotone curve points: pad cumsum(exp(cp)) with a zero row
    cp = jnp.cumsum(jnp.exp(control_points), axis=0)
    curve_points = jnp.pad(cp, ((1, 0), (0, 0)), mode="constant", constant_values=0.0)
    curve_points = curve_points / curve_points[-1:, :]
    # uniform point distribution: no input transform
    x = x_in * NUM_CP
    indices = jnp.floor(x).astype(jnp.int32)
    weights = x - indices.astype(x.dtype)
    # gather(dim=0, index=indices): out[i, j] = curve_points[indices[i, j], j]
    lo = jnp.take_along_axis(curve_points, indices, axis=0)
    hi = jnp.take_along_axis(curve_points, indices + 1, axis=0)
    out = lo * (1.0 - weights) + hi * weights
    return out.reshape(shape)

if __name__ == "__main__":
    import jax
    _d = setup_inputs()
    print(jax.jit(kernel)(*tuple(_d.values())))

</pallas_src>

<mosaic_0001>
#map = affine_map<(d0, d1) -> (0, 0)>
#map1 = affine_map<(d0, d1) -> (0)>
module attributes {stable_mosaic.version = 14 : i64} {
  func.func @_curve_map_sc(%arg0: i32, %arg1: i32, %arg2: memref<16384x128xf32, #tpu.memory_space<hbm>>, %arg3: memref<1280xf32, #tpu.memory_space<hbm>>, %arg4: memref<16384x128xf32, #tpu.memory_space<hbm>>, %arg5: memref<1280xf32, #tpu.memory_space<vmem>>, %arg6: memref<1408xf32, #tpu.memory_space<vmem>>, %arg7: memref<64x128xf32, #tpu.memory_space<vmem>>, %arg8: memref<192x128xf32, #tpu.memory_space<vmem>>, %arg9: memref<192x128xf32, #tpu.memory_space<vmem>>, %arg10: memref<64x128xf32, #tpu.memory_space<vmem>>, %arg11: memref<!tpu.dma_semaphore, #tpu.memory_space<semaphore_mem>>, %arg12: memref<!tpu.dma_semaphore, #tpu.memory_space<semaphore_mem>>, %arg13: memref<!tpu.dma_semaphore, #tpu.memory_space<semaphore_mem>>, %arg14: memref<!tpu.dma_semaphore, #tpu.memory_space<semaphore_mem>>, %arg15: memref<!tpu.dma_semaphore, #tpu.memory_space<semaphore_mem>>, %arg16: memref<!tpu.dma_semaphore, #tpu.memory_space<semaphore_mem>>, %arg17: memref<!tpu.dma_semaphore, #tpu.memory_space<semaphore_mem>>, %arg18: memref<!tpu.dma_semaphore, #tpu.memory_space<semaphore_mem>>) attributes {dimension_semantics = [#tpu.dimension_semantics<core_parallel>, #tpu.dimension_semantics<subcore_parallel>], iteration_bounds = array<i64: 2, 16>, scalar_prefetch = 0 : i64, scratch_operands = 14 : i64, tpu.core_type = #tpu.core_type<sc_vector_subcore>, window_params = [{transform_indices = #map}, {transform_indices = #map1}, {transform_indices = #map}]} {
    %mul3A = arith.constant 2 : i32
    %mul3A_0 = arith.muli %arg1, %mul3A : i32
    %add3A = arith.addi %mul3A_0, %arg0 : i32
    %iota3A = tpu.iota {dimensions = array<i32: 0>} : vector<16xi32>
    %mul3A_1 = arith.constant 512 : i32
    %mul3A_2 = arith.muli %add3A, %mul3A_1 : i32
    %add3A_3 = arith.constant 0 : i32
    %add3A_4 = arith.addi %mul3A_2, %add3A_3 : i32
    %dma_start3A = arith.constant 0 : i32
    %dma_start3A_5 = tpu.memref_slice %arg2[%add3A_4, %dma_start3A] : memref<16384x128xf32, #tpu.memory_space<hbm>> -> memref<64x128xf32, #tpu.memory_space<hbm>>
    %dma_start3A_6 = arith.constant 0 : i32
    %dma_start3A_7 = tpu.memref_slice %arg2[%add3A_4, %dma_start3A_6] : memref<16384x128xf32, #tpu.memory_space<hbm>> -> memref<64x128xf32, #tpu.memory_space<hbm>>
    tpu.enqueue_dma source(%dma_start3A_7 : memref<64x128xf32, #tpu.memory_space<hbm>>) target(%arg7 : memref<64x128xf32, #tpu.memory_space<vmem>>) target_semaphore(%arg11 : memref<!tpu.dma_semaphore, #tpu.memory_space<semaphore_mem>>)
    %add3A_8 = arith.constant 64 : i32
    %add3A_9 = arith.addi %mul3A_2, %add3A_8 : i32
    %dma_start3A_10 = arith.constant 0 : i32
    %dma_start3A_11 = tpu.memref_slice %arg2[%add3A_9, %dma_start3A_10] : memref<16384x128xf32, #tpu.memory_space<hbm>> -> memref<192x128xf32, #tpu.memory_space<hbm>>
    %dma_start3A_12 = arith.constant 0 : i32
    %dma_start3A_13 = tpu.memref_slice %arg2[%add3A_9, %dma_start3A_12] : memref<16384x128xf32, #tpu.memory_space<hbm>> -> memref<192x128xf32, #tpu.memory_space<hbm>>
    tpu.enqueue_dma source(%dma_start3A_13 : memref<192x128xf32, #tpu.memory_space<hbm>>) target(%arg8 : memref<192x128xf32, #tpu.memory_space<vmem>>) target_semaphore(%arg12 : memref<!tpu.dma_semaphore, #tpu.memory_space<semaphore_mem>>)
    "tpu.region"() ({
      %run_scoped3A = tpu.sem_alloc : memref<!tpu.dma_semaphore, #tpu.memory_space<semaphore_mem>>
      tpu.enqueue_dma source(%arg3 : memref<1280xf32, #tpu.memory_space<hbm>>) target(%arg5 : memref<1280xf32, #tpu.memory_space<vmem>>) target_semaphore(%run_scoped3A : memref<!tpu.dma_semaphore, #tpu.memory_space<semaphore_mem>>)
      tpu.wait_dma2 semaphore(%run_scoped3A : memref<!tpu.dma_semaphore, #tpu.memory_space<semaphore_mem>>) src(%arg3 : memref<1280xf32, #tpu.memory_space<hbm>>) dst(%arg5 : memref<1280xf32, #tpu.memory_space<vmem>>)
      tpu.yield
    }) : () -> ()
    %parallel_loop3A = arith.constant 0 : i32
    %parallel_loop3A_14 = arith.constant 8 : i32
    %parallel_loop3A_15 = arith.constant 1 : i32
    scf.for %parallel_loop3A_95 = %parallel_loop3A to %parallel_loop3A_14 step %parallel_loop3A_15  : i32 {
      %parallel_loop3A_96 = arith.constant 16 : i32
      %parallel_loop3A_97 = arith.muli %parallel_loop3A_95, %parallel_loop3A_96 : i32
      %parallel_loop3A_98 = arith.constant 0.000000e+00 : f32
      %parallel_loop3A_99 = vector.broadcast %parallel_loop3A_98 : f32 to vector<16xf32>
      %parallel_loop3A_100 = arith.index_cast %parallel_loop3A_97 : i32 to index
      %parallel_loop3A_101 = tpu.vector_load %arg6[%parallel_loop3A_100] {strides = array<i32>} : memref<1408xf32, #tpu.memory_space<vmem>>, vector<16xf32>,
      tpu.vector_store %arg6[%parallel_loop3A_100], %parallel_loop3A_99 {strides = array<i32>} : memref<1408xf32, #tpu.memory_space<vmem>>, vector<16xf32>,
      %parallel_loop3A_102 = arith.constant 0.000000e+00 : f32
      %parallel_loop3A_103 = vector.broadcast %parallel_loop3A_102 : f32 to vector<16xf32>
      %parallel_loop3A_104 = arith.constant 0 : i32
      %parallel_loop3A_105 = arith.constant 10 : i32
      %parallel_loop3A_106 = arith.addi %parallel_loop3A_104, %parallel_loop3A_105 : i32
      %parallel_loop3A_107 = arith.constant 1 : i32
      %parallel_loop3A_108 = scf.for %scan3A = %parallel_loop3A_104 to %parallel_loop3A_106 step %parallel_loop3A_107 iter_args(%scan3A_120 = %parallel_loop3A_103) -> (vector<16xf32>)  : i32 {
        %parallel_loop3A_121 = arith.constant 128 : i32
        %parallel_loop3A_122 = arith.muli %scan3A, %parallel_loop3A_121 : i32
        %parallel_loop3A_123 = arith.addi %parallel_loop3A_122, %parallel_loop3A_97 : i32
        %parallel_loop3A_124 = arith.index_cast %parallel_loop3A_123 : i32 to index
        %parallel_loop3A_125 = tpu.vector_load %arg5[%parallel_loop3A_124] {strides = array<i32>} : memref<1280xf32, #tpu.memory_space<vmem>>, vector<16xf32>,
        %parallel_loop3A_126 = math.exp %parallel_loop3A_125 : vector<16xf32>
        %parallel_loop3A_127 = arith.addf %scan3A_120, %parallel_loop3A_126 : vector<16xf32>
        %parallel_loop3A_128 = arith.constant 1 : i32
        %parallel_loop3A_129 = arith.addi %scan3A, %parallel_loop3A_128 : i32
        %parallel_loop3A_130 = arith.constant 128 : i32
        %parallel_loop3A_131 = arith.muli %parallel_loop3A_129, %parallel_loop3A_130 : i32
        %parallel_loop3A_132 = arith.addi %parallel_loop3A_131, %parallel_loop3A_97 : i32
        %parallel_loop3A_133 = arith.index_cast %parallel_loop3A_132 : i32 to index
        %parallel_loop3A_134 = tpu.vector_load %arg6[%parallel_loop3A_133] {strides = array<i32>} : memref<1408xf32, #tpu.memory_space<vmem>>, vector<16xf32>,
        tpu.vector_store %arg6[%parallel_loop3A_133], %parallel_loop3A_127 {strides = array<i32>} : memref<1408xf32, #tpu.memory_space<vmem>>, vector<16xf32>,
        scf.yield %parallel_loop3A_127 : vector<16xf32>
      }
      %parallel_loop3A_109 = arith.constant 10 : i32
      %parallel_loop3A_110 = arith.constant 1.000000e+00 : f32
      %parallel_loop3A_111 = vector.broadcast %parallel_loop3A_110 : f32 to vector<16xf32>
      %parallel_loop3A_112 = arith.divf %parallel_loop3A_111, %parallel_loop3A_108 : vector<16xf32>
      %parallel_loop3A_113 = arith.constant 0 : i32
      %parallel_loop3A_114 = arith.constant 1 : i32
      %parallel_loop3A_115 = arith.constant 10 : i32
      %parallel_loop3A_116 = arith.addi %parallel_loop3A_114, %parallel_loop3A_115 : i32
      %parallel_loop3A_117 = arith.constant 1 : i32
      %parallel_loop3A_118 = scf.for %scan3A = %parallel_loop3A_114 to %parallel_loop3A_116 step %parallel_loop3A_117 iter_args(%scan3A_120 = %parallel_loop3A_113) -> (i32)  : i32 {
        %parallel_loop3A_121 = arith.constant 128 : i32
        %parallel_loop3A_122 = arith.muli %scan3A, %parallel_loop3A_121 : i32
        %parallel_loop3A_123 = arith.addi %parallel_loop3A_122, %parallel_loop3A_97 : i32
        %parallel_loop3A_124 = arith.index_cast %parallel_loop3A_123 : i32 to index
        %parallel_loop3A_125 = tpu.vector_load %arg6[%parallel_loop3A_124] {strides = array<i32>} : memref<1408xf32, #tpu.memory_space<vmem>>, vector<16xf32>,
        %parallel_loop3A_126 = arith.mulf %parallel_loop3A_125, %parallel_loop3A_112 : vector<16xf32>
        %parallel_loop3A_127 = arith.index_cast %parallel_loop3A_123 : i32 to index
        %parallel_loop3A_128 = tpu.vector_load %arg6[%parallel_loop3A_127] {strides = array<i32>} : memref<1408xf32, #tpu.memory_space<vmem>>, vector<16xf32>,
        tpu.vector_store %arg6[%parallel_loop3A_127], %parallel_loop3A_126 {strides = array<i32>} : memref<1408xf32, #tpu.memory_space<vmem>>, vector<16xf32>,
        %parallel_loop3A_129 = arith.constant 0 : i32
        scf.yield %parallel_loop3A_129 : i32
      }
      %parallel_loop3A_119 = arith.constant 10 : i32
    } {sc.loop_unroll_factor = 1 : i64, sc.parallel_access}
    %dma_wait3A = arith.constant 0 : i32
    %dma_wait3A_16 = tpu.memref_slice %arg2[%add3A_4, %dma_wait3A] : memref<16384x128xf32, #tpu.memory_space<hbm>> -> memref<64x128xf32, #tpu.memory_space<hbm>>
    %dma_wait3A_17 = arith.constant 0 : i32
    %dma_wait3A_18 = tpu.memref_slice %arg2[%add3A_4, %dma_wait3A_17] : memref<16384x128xf32, #tpu.memory_space<hbm>> -> memref<64x128xf32, #tpu.memory_space<hbm>>
    tpu.wait_dma2 semaphore(%arg11 : memref<!tpu.dma_semaphore, #tpu.memory_space<semaphore_mem>>) src(%dma_wait3A_18 : memref<64x128xf32, #tpu.memory_space<hbm>>) dst(%arg7 : memref<64x128xf32, #tpu.memory_space<vmem>>)
    %add3A_19 = arith.constant 256 : i32
    %add3A_20 = arith.addi %mul3A_2, %add3A_19 : i32
    %dma_start3A_21 = arith.constant 0 : i32
    %dma_start3A_22 = tpu.memref_slice %arg2[%add3A_20, %dma_start3A_21] : memref<16384x128xf32, #tpu.memory_space<hbm>> -> memref<192x128xf32, #tpu.memory_space<hbm>>
    %dma_start3A_23 = arith.constant 0 : i32
    %dma_start3A_24 = tpu.memref_slice %arg2[%add3A_20, %dma_start3A_23] : memref<16384x128xf32, #tpu.memory_space<hbm>> -> memref<192x128xf32, #tpu.memory_space<hbm>>
    tpu.enqueue_dma source(%dma_start3A_24 : memref<192x128xf32, #tpu.memory_space<hbm>>) target(%arg9 : memref<192x128xf32, #tpu.memory_space<vmem>>) target_semaphore(%arg13 : memref<!tpu.dma_semaphore, #tpu.memory_space<semaphore_mem>>)
    %parallel_loop3A_25 = arith.constant 0 : i32
    %parallel_loop3A_26 = arith.constant 64 : i32
    %parallel_loop3A_27 = arith.constant 1 : i32
    scf.for %parallel_loop3A_95 = %parallel_loop3A_25 to %parallel_loop3A_26 step %parallel_loop3A_27  : i32 {
      %parallel_loop3A_96 = arith.index_cast %parallel_loop3A_95 : i32 to index
      %parallel_loop3A_97 = arith.constant 0 : index
      %parallel_loop3A_98 = tpu.vector_load %arg7[%parallel_loop3A_96, %parallel_loop3A_97] {strides = array<i32>} : memref<64x128xf32, #tpu.memory_space<vmem>>, vector<16xf32>,
      %parallel_loop3A_99 = arith.constant 9.999990e+00 : f32
      %parallel_loop3A_100 = vector.broadcast %parallel_loop3A_99 : f32 to vector<16xf32>
      %parallel_loop3A_101 = arith.mulf %parallel_loop3A_98, %parallel_loop3A_100 : vector<16xf32>
      %parallel_loop3A_102 = arith.fptosi %parallel_loop3A_101 : vector<16xf32> to vector<16xi32>
      %parallel_loop3A_103 = arith.sitofp %parallel_loop3A_102 : vector<16xi32> to vector<16xf32>
      %parallel_loop3A_104 = arith.subf %parallel_loop3A_101, %parallel_loop3A_103 : vector<16xf32>
      %parallel_loop3A_105 = arith.constant 128 : i32
      %parallel_loop3A_106 = vector.broadcast %parallel_loop3A_105 : i32 to vector<16xi32>
      %parallel_loop3A_107 = arith.muli %parallel_loop3A_102, %parallel_loop3A_106 : vector<16xi32>
      %parallel_loop3A_108 = arith.constant 0 : i32
      %parallel_loop3A_109 = vector.broadcast %parallel_loop3A_108 : i32 to vector<16xi32>
      %parallel_loop3A_110 = arith.addi %iota3A, %parallel_loop3A_109 : vector<16xi32>
      %parallel_loop3A_111 = arith.addi %parallel_loop3A_107, %parallel_loop3A_110 : vector<16xi32>
      %parallel_loop3A_112 = tpu.vector_load_idx %arg6[%parallel_loop3A_111] : memref<1408xf32, #tpu.memory_space<vmem>>[vector<16xi32>], vector<16xf32>,
      %parallel_loop3A_113 = arith.constant 128 : i32
      %parallel_loop3A_114 = tpu.memref_slice %arg6[%parallel_loop3A_113] : memref<1408xf32, #tpu.memory_space<vmem>> -> memref<1280xf32, #tpu.memory_space<vmem>>
      %parallel_loop3A_115 = tpu.vector_load_idx %parallel_loop3A_114[%parallel_loop3A_111] : memref<1280xf32, #tpu.memory_space<vmem>>[vector<16xi32>], vector<16xf32>,
      %parallel_loop3A_116 = arith.subf %parallel_loop3A_115, %parallel_loop3A_112 : vector<16xf32>
      %parallel_loop3A_117 = arith.mulf %parallel_loop3A_104, %parallel_loop3A_116 : vector<16xf32>
      %parallel_loop3A_118 = arith.addf %parallel_loop3A_112, %parallel_loop3A_117 : vector<16xf32>
      %parallel_loop3A_119 = arith.index_cast %parallel_loop3A_95 : i32 to index
      %parallel_loop3A_120 = arith.constant 0 : index
      %parallel_loop3A_121 = tpu.vector_load %arg7[%parallel_loop3A_119, %parallel_loop3A_120] {strides = array<i32>} : memref<64x128xf32, #tpu.memory_space<vmem>>, vector<16xf32>,
      tpu.vector_store %arg7[%parallel_loop3A_119, %parallel_loop3A_120], %parallel_loop3A_118 {strides = array<i32>} : memref<64x128xf32, #tpu.memory_space<vmem>>, vector<16xf32>,
      %parallel_loop3A_122 = arith.index_cast %parallel_loop3A_95 : i32 to index
      %parallel_loop3A_123 = arith.constant 16 : index
      %parallel_loop3A_124 = tpu.vector_load %arg7[%parallel_loop3A_122, %parallel_loop3A_123] {strides = array<i32>} : memref<64x128xf32, #tpu.memory_space<vmem>>, vector<16xf32>,
      %parallel_loop3A_125 = arith.constant 9.999990e+00 : f32
      %parallel_loop3A_126 = vector.broadcast %parallel_loop3A_125 : f32 to vector<16xf32>
      %parallel_loop3A_127 = arith.mulf %parallel_loop3A_124, %parallel_loop3A_126 : vector<16xf32>
      %parallel_loop3A_128 = arith.fptosi %parallel_loop3A_127 : vector<16xf32> to vector<16xi32>
      %parallel_loop3A_129 = arith.sitofp %parallel_loop3A_128 : vector<16xi32> to vector<16xf32>
      %parallel_loop3A_130 = arith.subf %parallel_loop3A_127, %parallel_loop3A_129 : vector<16xf32>
      %parallel_loop3A_131 = arith.constant 128 : i32
      %parallel_loop3A_132 = vector.broadcast %parallel_loop3A_131 : i32 to vector<16xi32>
      %parallel_loop3A_133 = arith.muli %parallel_loop3A_128, %parallel_loop3A_132 : vector<16xi32>
      %parallel_loop3A_134 = arith.constant 16 : i32
      %parallel_loop3A_135 = vector.broadcast %parallel_loop3A_134 : i32 to vector<16xi32>
      %parallel_loop3A_136 = arith.addi %iota3A, %parallel_loop3A_135 : vector<16xi32>
      %parallel_loop3A_137 = arith.addi %parallel_loop3A_133, %parallel_loop3A_136 : vector<16xi32>
      %parallel_loop3A_138 = tpu.vector_load_idx %arg6[%parallel_loop3A_137] : memref<1408xf32, #tpu.memory_space<vmem>>[vector<16xi32>], vector<16xf32>,
      %parallel_loop3A_139 = arith.constant 128 : i32
      %parallel_loop3A_140 = tpu.memref_slice %arg6[%parallel_loop3A_139] : memref<1408xf32, #tpu.memory_space<vmem>> -> memref<1280xf32, #tpu.memory_space<vmem>>
      %parallel_loop3A_141 = tpu.vector_load_idx %parallel_loop3A_140[%parallel_loop3A_137] : memref<1280xf32, #tpu.memory_space<vmem>>[vector<16xi32>], vector<16xf32>,
      %parallel_loop3A_142 = arith.subf %parallel_loop3A_141, %parallel_loop3A_138 : vector<16xf32>
      %parallel_loop3A_143 = arith.mulf %parallel_loop3A_130, %parallel_loop3A_142 : vector<16xf32>
      %parallel_loop3A_144 = arith.addf %parallel_loop3A_138, %parallel_loop3A_143 : vector<16xf32>
      %parallel_loop3A_145 = arith.index_cast %parallel_loop3A_95 : i32 to index
      %parallel_loop3A_146 = arith.constant 16 : index
      %parallel_loop3A_147 = tpu.vector_load %arg7[%parallel_loop3A_145, %parallel_loop3A_146] {strides = array<i32>} : memref<64x128xf32, #tpu.memory_space<vmem>>, vector<16xf32>,
      tpu.vector_store %arg7[%parallel_loop3A_145, %parallel_loop3A_146], %parallel_loop3A_144 {strides = array<i32>} : memref<64x128xf32, #tpu.memory_space<vmem>>, vector<16xf32>,
      %parallel_loop3A_148 = arith.index_cast %parallel_loop3A_95 : i32 to index
      %parallel_loop3A_149 = arith.constant 32 : index
      %parallel_loop3A_150 = tpu.vector_load %arg7[%parallel_loop3A_148, %parallel_loop3A_149] {strides = array<i32>} : memref<64x128xf32, #tpu.memory_space<vmem>>, vector<16xf32>,
      %parallel_loop3A_151 = arith.constant 9.999990e+00 : f32
      %parallel_loop3A_152 = vector.broadcast %parallel_loop3A_151 : f32 to vector<16xf32>
      %parallel_loop3A_153 = arith.mulf %parallel_loop3A_150, %parallel_loop3A_152 : vector<16xf32>
      %parallel_loop3A_154 = arith.fptosi %parallel_loop3A_153 : vector<16xf32> to vector<16xi32>
      %parallel_loop3A_155 = arith.sitofp %parallel_loop3A_154 : vector<16xi32> to vector<16xf32>
      %parallel_loop3A_156 = arith.subf %parallel_loop3A_153, %parallel_loop3A_155 : vector<16xf32>
      %parallel_loop3A_157 = arith.constant 128 : i32
      %parallel_loop3A_158 = vector.broadcast %parallel_loop3A_157 : i32 to vector<16xi32>
      %parallel_loop3A_159 = arith.muli %parallel_loop3A_154, %parallel_loop3A_158 : vector<16xi32>
      %parallel_loop3A_160 = arith.constant 32 : i32
      %parallel_loop3A_161 = vector.broadcast %parallel_loop3A_160 : i32 to vector<16xi32>
      %parallel_loop3A_162 = arith.addi %iota3A, %parallel_loop3A_161 : vector<16xi32>
      %parallel_loop3A_163 = arith.addi %parallel_loop3A_159, %parallel_loop3A_162 : vector<16xi32>
      %parallel_loop3A_164 = tpu.vector_load_idx %arg6[%parallel_loop3A_163] : memref<1408xf32, #tpu.memory_space<vmem>>[vector<16xi32>], vector<16xf32>,
      %parallel_loop3A_165 = arith.constant 128 : i32
      %parallel_loop3A_166 = tpu.memref_slice %arg6[%parallel_loop3A_165] : memref<1408xf32, #tpu.memory_space<vmem>> -> memref<1280xf32, #tpu.memory_space<vmem>>
      %parallel_loop3A_167 = tpu.vector_load_idx %parallel_loop3A_166[%parallel_loop3A_163] : memref<1280xf32, #tpu.memory_space<vmem>>[vector<16xi32>], vector<16xf32>,
      %parallel_loop3A_168 = arith.subf %parallel_loop3A_167, %parallel_loop3A_164 : vector<16xf32>
      %parallel_loop3A_169 = arith.mulf %parallel_loop3A_156, %parallel_loop3A_168 : vector<16xf32>
      %parallel_loop3A_170 = arith.addf %parallel_loop3A_164, %parallel_loop3A_169 : vector<16xf32>
      %parallel_loop3A_171 = arith.index_cast %parallel_loop3A_95 : i32 to index
      %parallel_loop3A_172 = arith.constant 32 : index
      %parallel_loop3A_173 = tpu.vector_load %arg7[%parallel_loop3A_171, %parallel_loop3A_172] {strides = array<i32>} : memref<64x128xf32, #tpu.memory_space<vmem>>, vector<16xf32>,
      tpu.vector_store %arg7[%parallel_loop3A_171, %parallel_loop3A_172], %parallel_loop3A_170 {strides = array<i32>} : memref<64x128xf32, #tpu.memory_space<vmem>>, vector<16xf32>,
      %parallel_loop3A_174 = arith.index_cast %parallel_loop3A_95 : i32 to index
      %parallel_loop3A_175 = arith.constant 48 : index
      %parallel_loop3A_176 = tpu.vector_load %arg7[%parallel_loop3A_174, %parallel_loop3A_175] {strides = array<i32>} : memref<64x128xf32, #tpu.memory_space<vmem>>, vector<16xf32>,
      %parallel_loop3A_177 = arith.constant 9.999990e+00 : f32
      %parallel_loop3A_178 = vector.broadcast %parallel_loop3A_177 : f32 to vector<16xf32>
      %parallel_loop3A_179 = arith.mulf %parallel_loop3A_176, %parallel_loop3A_178 : vector<16xf32>
      %parallel_loop3A_180 = arith.fptosi %parallel_loop3A_179 : vector<16xf32> to vector<16xi32>
      %parallel_loop3A_181 = arith.sitofp %parallel_loop3A_180 : vector<16xi32> to vector<16xf32>
      %parallel_loop3A_182 = arith.subf %parallel_loop3A_179, %parallel_loop3A_181 : vector<16xf32>
      %parallel_loop3A_183 = arith.constant 128 : i32
      %parallel_loop3A_184 = vector.broadcast %parallel_loop3A_183 : i32 to vector<16xi32>
      %parallel_loop3A_185 = arith.muli %parallel_loop3A_180, %parallel_loop3A_184 : vector<16xi32>
      %parallel_loop3A_186 = arith.constant 48 : i32
      %parallel_loop3A_187 = vector.broadcast %parallel_loop3A_186 : i32 to vector<16xi32>
      %parallel_loop3A_188 = arith.addi %iota3A, %parallel_loop3A_187 : vector<16xi32>
      %parallel_loop3A_189 = arith.addi %parallel_loop3A_185, %parallel_loop3A_188 : vector<16xi32>
      %parallel_loop3A_190 = tpu.vector_load_idx %arg6[%parallel_loop3A_189] : memref<1408xf32, #tpu.memory_space<vmem>>[vector<16xi32>], vector<16xf32>,
      %parallel_loop3A_191 = arith.constant 128 : i32
      %parallel_loop3A_192 = tpu.memref_slice %arg6[%parallel_loop3A_191] : memref<1408xf32, #tpu.memory_space<vmem>> -> memref<1280xf32, #tpu.memory_space<vmem>>
      %parallel_loop3A_193 = tpu.vector_load_idx %parallel_loop3A_192[%parallel_loop3A_189] : memref<1280xf32, #tpu.memory_space<vmem>>[vector<16xi32>], vector<16xf32>,
      %parallel_loop3A_194 = arith.subf %parallel_loop3A_193, %parallel_loop3A_190 : vector<16xf32>
      %parallel_loop3A_195 = arith.mulf %parallel_loop3A_182, %parallel_loop3A_194 : vector<16xf32>
      %parallel_loop3A_196 = arith.addf %parallel_loop3A_190, %parallel_loop3A_195 : vector<16xf32>
      %parallel_loop3A_197 = arith.index_cast %parallel_loop3A_95 : i32 to index
      %parallel_loop3A_198 = arith.constant 48 : index
      %parallel_loop3A_199 = tpu.vector_load %arg7[%parallel_loop3A_197, %parallel_loop3A_198] {strides = array<i32>} : memref<64x128xf32, #tpu.memory_space<vmem>>, vector<16xf32>,
      tpu.vector_store %arg7[%parallel_loop3A_197, %parallel_loop3A_198], %parallel_loop3A_196 {strides = array<i32>} : memref<64x128xf32, #tpu.memory_space<vmem>>, vector<16xf32>,
      %parallel_loop3A_200 = arith.index_cast %parallel_loop3A_95 : i32 to index
      %parallel_loop3A_201 = arith.constant 64 : index
      %parallel_loop3A_202 = tpu.vector_load %arg7[%parallel_loop3A_200, %parallel_loop3A_201] {strides = array<i32>} : memref<64x128xf32, #tpu.memory_space<vmem>>, vector<16xf32>,
      %parallel_loop3A_203 = arith.constant 9.999990e+00 : f32
      %parallel_loop3A_204 = vector.broadcast %parallel_loop3A_203 : f32 to vector<16xf32>
      %parallel_loop3A_205 = arith.mulf %parallel_loop3A_202, %parallel_loop3A_204 : vector<16xf32>
      %parallel_loop3A_206 = arith.fptosi %parallel_loop3A_205 : vector<16xf32> to vector<16xi32>
      %parallel_loop3A_207 = arith.sitofp %parallel_loop3A_206 : vector<16xi32> to vector<16xf32>
      %parallel_loop3A_208 = arith.subf %parallel_loop3A_205, %parallel_loop3A_207 : vector<16xf32>
      %parallel_loop3A_209 = arith.constant 128 : i32
      %parallel_loop3A_210 = vector.broadcast %parallel_loop3A_209 : i32 to vector<16xi32>
      %parallel_loop3A_211 = arith.muli %parallel_loop3A_206, %parallel_loop3A_210 : vector<16xi32>
      %parallel_loop3A_212 = arith.constant 64 : i32
      %parallel_loop3A_213 = vector.broadcast %parallel_loop3A_212 : i32 to vector<16xi32>
      %parallel_loop3A_214 = arith.addi %iota3A, %parallel_loop3A_213 : vector<16xi32>
      %parallel_loop3A_215 = arith.addi %parallel_loop3A_211, %parallel_loop3A_214 : vector<16xi32>
      %parallel_loop3A_216 = tpu.vector_load_idx %arg6[%parallel_loop3A_215] : memref<1408xf32, #tpu.memory_space<vmem>>[vector<16xi32>], vector<16xf32>,
      %parallel_loop3A_217 = arith.constant 128 : i32
      %parallel_loop3A_218 = tpu.memref_slice %arg6[%parallel_loop3A_217] : memref<1408xf32, #tpu.memory_space<vmem>> -> memref<1280xf32, #tpu.memory_space<vmem>>
      %parallel_loop3A_219 = tpu.vector_load_idx %parallel_loop3A_218[%parallel_loop3A_215] : memref<1280xf32, #tpu.memory_space<vmem>>[vector<16xi32>], vector<16xf32>,
      %parallel_loop3A_220 = arith.subf %parallel_loop3A_219, %parallel_loop3A_216 : vector<16xf32>
      %parallel_loop3A_221 = arith.mulf %parallel_loop3A_208, %parallel_loop3A_220 : vector<16xf32>
      %parallel_loop3A_222 = arith.addf %parallel_loop3A_216, %parallel_loop3A_221 : vector<16xf32>
      %parallel_loop3A_223 = arith.index_cast %parallel_loop3A_95 : i32 to index
      %parallel_loop3A_224 = arith.constant 64 : index
      %parallel_loop3A_225 = tpu.vector_load %arg7[%parallel_loop3A_223, %parallel_loop3A_224] {strides = array<i32>} : memref<64x128xf32, #tpu.memory_space<vmem>>, vector<16xf32>,
      tpu.vector_store %arg7[%parallel_loop3A_223, %parallel_loop3A_224], %parallel_loop3A_222 {strides = array<i32>} : memref<64x128xf32, #tpu.memory_space<vmem>>, vector<16xf32>,
      %parallel_loop3A_226 = arith.index_cast %parallel_loop3A_95 : i32 to index
      %parallel_loop3A_227 = arith.constant 80 : index
      %parallel_loop3A_228 = tpu.vector_load %arg7[%parallel_loop3A_226, %parallel_loop3A_227] {strides = array<i32>} : memref<64x128xf32, #tpu.memory_space<vmem>>, vector<16xf32>,
      %parallel_loop3A_229 = arith.constant 9.999990e+00 : f32
      %parallel_loop3A_230 = vector.broadcast %parallel_loop3A_229 : f32 to vector<16xf32>
      %parallel_loop3A_231 = arith.mulf %parallel_loop3A_228, %parallel_loop3A_230 : vector<16xf32>
      %parallel_loop3A_232 = arith.fptosi %parallel_loop3A_231 : vector<16xf32> to vector<16xi32>
      %parallel_loop3A_233 = arith.sitofp %parallel_loop3A_232 : vector<16xi32> to vector<16xf32>
      %parallel_loop3A_234 = arith.subf %parallel_loop3A_231, %parallel_loop3A_233 : vector<16xf32>
      %parallel_loop3A_235 = arith.constant 128 : i32
      %parallel_loop3A_236 = vector.broadcast %parallel_loop3A_235 : i32 to vector<16xi32>
      %parallel_loop3A_237 = arith.muli %parallel_loop3A_232, %parallel_loop3A_236 : vector<16xi32>
      %parallel_loop3A_238 = arith.constant 80 : i32
      %parallel_loop3A_239 = vector.broadcast %parallel_loop3A_238 : i32 to vector<16xi32>
      %parallel_loop3A_240 = arith.addi %iota3A, %parallel_loop3A_239 : vector<16xi32>
      %parallel_loop3A_241 = arith.addi %parallel_loop3A_237, %parallel_loop3A_240 : vector<16xi32>
      %parallel_loop3A_242 = tpu.vector_load_idx %arg6[%parallel_loop3A_241] : memref<1408xf32, #tpu.memory_space<vmem>>[vector<16xi32>], vector<16xf32>,
      %parallel_loop3A_243 = arith.constant 128 : i32
      %parallel_loop3A_244 = tpu.memref_slice %arg6[%parallel_loop3A_243] : memref<1408xf32, #tpu.memory_space<vmem>> -> memref<1280xf32, #tpu.memory_space<vmem>>
      %parallel_loop3A_245 = tpu.vector_load_idx %parallel_loop3A_244[%parallel_loop3A_241] : memref<1280xf32, #tpu.memory_space<vmem>>[vector<16xi32>], vector<16xf32>,
      %parallel_loop3A_246 = arith.subf %parallel_loop3A_245, %parallel_loop3A_242 : vector<16xf32>
      %parallel_loop3A_247 = arith.mulf %parallel_loop3A_234, %parallel_loop3A_246 : vector<16xf32>
      %parallel_loop3A_248 = arith.addf %parallel_loop3A_242, %parallel_loop3A_247 : vector<16xf32>
      %parallel_loop3A_249 = arith.index_cast %parallel_loop3A_95 : i32 to index
      %parallel_loop3A_250 = arith.constant 80 : index
      %parallel_loop3A_251 = tpu.vector_load %arg7[%parallel_loop3A_249, %parallel_loop3A_250] {strides = array<i32>} : memref<64x128xf32, #tpu.memory_space<vmem>>, vector<16xf32>,
      tpu.vector_store %arg7[%parallel_loop3A_249, %parallel_loop3A_250], %parallel_loop3A_248 {strides = array<i32>} : memref<64x128xf32, #tpu.memory_space<vmem>>, vector<16xf32>,
      %parallel_loop3A_252 = arith.index_cast %parallel_loop3A_95 : i32 to index
      %parallel_loop3A_253 = arith.constant 96 : index
      %parallel_loop3A_254 = tpu.vector_load %arg7[%parallel_loop3A_252, %parallel_loop3A_253] {strides = array<i32>} : memref<64x128xf32, #tpu.memory_space<vmem>>, vector<16xf32>,
      %parallel_loop3A_255 = arith.constant 9.999990e+00 : f32
      %parallel_loop3A_256 = vector.broadcast %parallel_loop3A_255 : f32 to vector<16xf32>
      %parallel_loop3A_257 = arith.mulf %parallel_loop3A_254, %parallel_loop3A_256 : vector<16xf32>
      %parallel_loop3A_258 = arith.fptosi %parallel_loop3A_257 : vector<16xf32> to vector<16xi32>
      %parallel_loop3A_259 = arith.sitofp %parallel_loop3A_258 : vector<16xi32> to vector<16xf32>
      %parallel_loop3A_260 = arith.subf %parallel_loop3A_257, %parallel_loop3A_259 : vector<16xf32>
      %parallel_loop3A_261 = arith.constant 128 : i32
      %parallel_loop3A_262 = vector.broadcast %parallel_loop3A_261 : i32 to vector<16xi32>
      %parallel_loop3A_263 = arith.muli %parallel_loop3A_258, %parallel_loop3A_262 : vector<16xi32>
      %parallel_loop3A_264 = arith.constant 96 : i32
      %parallel_loop3A_265 = vector.broadcast %parallel_loop3A_264 : i32 to vector<16xi32>
      %parallel_loop3A_266 = arith.addi %iota3A, %parallel_loop3A_265 : vector<16xi32>
      %parallel_loop3A_267 = arith.addi %parallel_loop3A_263, %parallel_loop3A_266 : vector<16xi32>
      %parallel_loop3A_268 = tpu.vector_load_idx %arg6[%parallel_loop3A_267] : memref<1408xf32, #tpu.memory_space<vmem>>[vector<16xi32>], vector<16xf32>,
      %parallel_loop3A_269 = arith.constant 128 : i32
      %parallel_loop3A_270 = tpu.memref_slice %arg6[%parallel_loop3A_269] : memref<1408xf32, #tpu.memory_space<vmem>> -> memref<1280xf32, #tpu.memory_space<vmem>>
      %parallel_loop3A_271 = tpu.vector_load_idx %parallel_loop3A_270[%parallel_loop3A_267] : memref<1280xf32, #tpu.memory_space<vmem>>[vector<16xi32>], vector<16xf32>,
      %parallel_loop3A_272 = arith.subf %parallel_loop3A_271, %parallel_loop3A_268 : vector<16xf32>
      %parallel_loop3A_273 = arith.mulf %parallel_loop3A_260, %parallel_loop3A_272 : vector<16xf32>
      %parallel_loop3A_274 = arith.addf %parallel_loop3A_268, %parallel_loop3A_273 : vector<16xf32>
      %parallel_loop3A_275 = arith.index_cast %parallel_loop3A_95 : i32 to index
      %parallel_loop3A_276 = arith.constant 96 : index
      %parallel_loop3A_277 = tpu.vector_load %arg7[%parallel_loop3A_275, %parallel_loop3A_276] {strides = array<i32>} : memref<64x128xf32, #tpu.memory_space<vmem>>, vector<16xf32>,
      tpu.vector_store %arg7[%parallel_loop3A_275, %parallel_loop3A_276], %parallel_loop3A_274 {strides = array<i32>} : memref<64x128xf32, #tpu.memory_space<vmem>>, vector<16xf32>,
      %parallel_loop3A_278 = arith.index_cast %parallel_loop3A_95 : i32 to index
      %parallel_loop3A_279 = arith.constant 112 : index
      %parallel_loop3A_280 = tpu.vector_load %arg7[%parallel_loop3A_278, %parallel_loop3A_279] {strides = array<i32>} : memref<64x128xf32, #tpu.memory_space<vmem>>, vector<16xf32>,
      %parallel_loop3A_281 = arith.constant 9.999990e+00 : f32
      %parallel_loop3A_282 = vector.broadcast %parallel_loop3A_281 : f32 to vector<16xf32>
      %parallel_loop3A_283 = arith.mulf %parallel_loop3A_280, %parallel_loop3A_282 : vector<16xf32>
      %parallel_loop3A_284 = arith.fptosi %parallel_loop3A_283 : vector<16xf32> to vector<16xi32>
      %parallel_loop3A_285 = arith.sitofp %parallel_loop3A_284 : vector<16xi32> to vector<16xf32>
      %parallel_loop3A_286 = arith.subf %parallel_loop3A_283, %parallel_loop3A_285 : vector<16xf32>
      %parallel_loop3A_287 = arith.constant 128 : i32
      %parallel_loop3A_288 = vector.broadcast %parallel_loop3A_287 : i32 to vector<16xi32>
      %parallel_loop3A_289 = arith.muli %parallel_loop3A_284, %parallel_loop3A_288 : vector<16xi32>
      %parallel_loop3A_290 = arith.constant 112 : i32
      %parallel_loop3A_291 = vector.broadcast %parallel_loop3A_290 : i32 to vector<16xi32>
      %parallel_loop3A_292 = arith.addi %iota3A, %parallel_loop3A_291 : vector<16xi32>
      %parallel_loop3A_293 = arith.addi %parallel_loop3A_289, %parallel_loop3A_292 : vector<16xi32>
      %parallel_loop3A_294 = tpu.vector_load_idx %arg6[%parallel_loop3A_293] : memref<1408xf32, #tpu.memory_space<vmem>>[vector<16xi32>], vector<16xf32>,
      %parallel_loop3A_295 = arith.constant 128 : i32
      %parallel_loop3A_296 = tpu.memref_slice %arg6[%parallel_loop3A_295] : memref<1408xf32, #tpu.memory_space<vmem>> -> memref<1280xf32, #tpu.memory_space<vmem>>
      %parallel_loop3A_297 = tpu.vector_load_idx %parallel_loop3A_296[%parallel_loop3A_293] : memref<1280xf32, #tpu.memory_space<vmem>>[vector<16xi32>], vector<16xf32>,
      %parallel_loop3A_298 = arith.subf %parallel_loop3A_297, %parallel_loop3A_294 : vector<16xf32>
      %parallel_loop3A_299 = arith.mulf %parallel_loop3A_286, %parallel_loop3A_298 : vector<16xf32>
      %parallel_loop3A_300 = arith.addf %parallel_loop3A_294, %parallel_loop3A_299 : vector<16xf32>
      %parallel_loop3A_301 = arith.index_cast %parallel_loop3A_95 : i32 to index
      %parallel_loop3A_302 = arith.constant 112 : index
      %parallel_loop3A_303 = tpu.vector_load %arg7[%parallel_loop3A_301, %parallel_loop3A_302] {strides = array<i32>} : memref<64x128xf32, #tpu.memory_space<vmem>>, vector<16xf32>,
      tpu.vector_store %arg7[%parallel_loop3A_301, %parallel_loop3A_302], %parallel_loop3A_300 {strides = array<i32>} : memref<64x128xf32, #tpu.memory_space<vmem>>, vector<16xf32>,
    } {sc.loop_unroll_factor = 4 : i64, sc.parallel_access}
    %add3A_28 = arith.constant 0 : i32
    %add3A_29 = arith.addi %mul3A_2, %add3A_28 : i32
    %dma_start3A_30 = arith.constant 0 : i32
    %dma_start3A_31 = tpu.memref_slice %arg4[%add3A_29, %dma_start3A_30] : memref<16384x128xf32, #tpu.memory_space<hbm>> -> memref<64x128xf32, #tpu.memory_space<hbm>>
    %dma_start3A_32 = arith.constant 0 : i32
    %dma_start3A_33 = tpu.memref_slice %arg4[%add3A_29, %dma_start3A_32] : memref<16384x128xf32, #tpu.memory_space<hbm>> -> memref<64x128xf32, #tpu.memory_space<hbm>>
    tpu.enqueue_dma source(%arg7 : memref<64x128xf32, #tpu.memory_space<vmem>>) target(%dma_start3A_33 : memref<64x128xf32, #tpu.memory_space<hbm>>) target_semaphore(%arg15 : memref<!tpu.dma_semaphore, #tpu.memory_space<semaphore_mem>>)
    %dma_wait3A_34 = arith.constant 0 : i32
    %dma_wait3A_35 = tpu.memref_slice %arg2[%add3A_9, %dma_wait3A_34] : memref<16384x128xf32, #tpu.memory_space<hbm>> -> memref<192x128xf32, #tpu.memory_space<hbm>>
    %dma_wait3A_36 = arith.constant 0 : i32
    %dma_wait3A_37 = tpu.memref_slice %arg2[%add3A_9, %dma_wait3A_36] : memref<16384x128xf32, #tpu.memory_space<hbm>> -> memref<192x128xf32, #tpu.memory_space<hbm>>
    tpu.wait_dma2 semaphore(%arg12 : memref<!tpu.dma_semaphore, #tpu.memory_space<semaphore_mem>>) src(%dma_wait3A_37 : memref<192x128xf32, #tpu.memory_space<hbm>>) dst(%arg8 : memref<192x128xf32, #tpu.memory_space<vmem>>)
    %add3A_38 = arith.constant 448 : i32
    %add3A_39 = arith.addi %mul3A_2, %add3A_38 : i32
    %dma_start3A_40 = arith.constant 0 : i32
    %dma_start3A_41 = tpu.memref_slice %arg2[%add3A_39, %dma_start3A_40] : memref<16384x128xf32, #tpu.memory_space<hbm>> -> memref<64x128xf32, #tpu.memory_space<hbm>>
    %dma_start3A_42 = arith.constant 0 : i32
    %dma_start3A_43 = tpu.memref_slice %arg2[%add3A_39, %dma_start3A_42] : memref<16384x128xf32, #tpu.memory_space<hbm>> -> memref<64x128xf32, #tpu.memory_space<hbm>>
    tpu.enqueue_dma source(%dma_start3A_43 : memref<64x128xf32, #tpu.memory_space<hbm>>) target(%arg10 : memref<64x128xf32, #tpu.memory_space<vmem>>) target_semaphore(%arg14 : memref<!tpu.dma_semaphore, #tpu.memory_space<semaphore_mem>>)
    %parallel_loop3A_44 = arith.constant 0 : i32
    %parallel_loop3A_45 = arith.constant 192 : i32
    %parallel_loop3A_46 = arith.constant 1 : i32
    scf.for %parallel_loop3A_95 = %parallel_loop3A_44 to %parallel_loop3A_45 step %parallel_loop3A_46  : i32 {
      %parallel_loop3A_96 = arith.index_cast %parallel_loop3A_95 : i32 to index
      %parallel_loop3A_97 = arith.constant 0 : index
      %parallel_loop3A_98 = tpu.vector_load %arg8[%parallel_loop3A_96, %parallel_loop3A_97] {strides = array<i32>} : memref<192x128xf32, #tpu.memory_space<vmem>>, vector<16xf32>,
      %parallel_loop3A_99 = arith.constant 9.999990e+00 : f32
      %parallel_loop3A_100 = vector.broadcast %parallel_loop3A_99 : f32 to vector<16xf32>
      %parallel_loop3A_101 = arith.mulf %parallel_loop3A_98, %parallel_loop3A_100 : vector<16xf32>
      %parallel_loop3A_102 = arith.fptosi %parallel_loop3A_101 : vector<16xf32> to vector<16xi32>
      %parallel_loop3A_103 = arith.sitofp %parallel_loop3A_102 : vector<16xi32> to vector<16xf32>
      %parallel_loop3A_104 = arith.subf %parallel_loop3A_101, %parallel_loop3A_103 : vector<16xf32>
      %parallel_loop3A_105 = arith.constant 128 : i32
      %parallel_loop3A_106 = vector.broadcast %parallel_loop3A_105 : i32 to vector<16xi32>
      %parallel_loop3A_107 = arith.muli %parallel_loop3A_102, %parallel_loop3A_106 : vector<16xi32>
      %parallel_loop3A_108 = arith.constant 0 : i32
      %parallel_loop3A_109 = vector.broadcast %parallel_loop3A_108 : i32 to vector<16xi32>
      %parallel_loop3A_110 = arith.addi %iota3A, %parallel_loop3A_109 : vector<16xi32>
      %parallel_loop3A_111 = arith.addi %parallel_loop3A_107, %parallel_loop3A_110 : vector<16xi32>
      %parallel_loop3A_112 = tpu.vector_load_idx %arg6[%parallel_loop3A_111] : memref<1408xf32, #tpu.memory_space<vmem>>[vector<16xi32>], vector<16xf32>,
      %parallel_loop3A_113 = arith.constant 128 : i32
      %parallel_loop3A_114 = tpu.memref_slice %arg6[%parallel_loop3A_113] : memref<1408xf32, #tpu.memory_space<vmem>> -> memref<1280xf32, #tpu.memory_space<vmem>>
      %parallel_loop3A_115 = tpu.vector_load_idx %parallel_loop3A_114[%parallel_loop3A_111] : memref<1280xf32, #tpu.memory_space<vmem>>[vector<16xi32>], vector<16xf32>,
      %parallel_loop3A_116 = arith.subf %parallel_loop3A_115, %parallel_loop3A_112 : vector<16xf32>
      %parallel_loop3A_117 = arith.mulf %parallel_loop3A_104, %parallel_loop3A_116 : vector<16xf32>
      %parallel_loop3A_118 = arith.addf %parallel_loop3A_112, %parallel_loop3A_117 : vector<16xf32>
      %parallel_loop3A_119 = arith.index_cast %parallel_loop3A_95 : i32 to index
      %parallel_loop3A_120 = arith.constant 0 : index
      %parallel_loop3A_121 = tpu.vector_load %arg8[%parallel_loop3A_119, %parallel_loop3A_120] {strides = array<i32>} : memref<192x128xf32, #tpu.memory_space<vmem>>, vector<16xf32>,
      tpu.vector_store %arg8[%parallel_loop3A_119, %parallel_loop3A_120], %parallel_loop3A_118 {strides = array<i32>} : memref<192x128xf32, #tpu.memory_space<vmem>>, vector<16xf32>,
      %parallel_loop3A_122 = arith.index_cast %parallel_loop3A_95 : i32 to index
      %parallel_loop3A_123 = arith.constant 16 : index
      %parallel_loop3A_124 = tpu.vector_load %arg8[%parallel_loop3A_122, %parallel_loop3A_123] {strides = array<i32>} : memref<192x128xf32, #tpu.memory_space<vmem>>, vector<16xf32>,
      %parallel_loop3A_125 = arith.constant 9.999990e+00 : f32
      %parallel_loop3A_126 = vector.broadcast %parallel_loop3A_125 : f32 to vector<16xf32>
      %parallel_loop3A_127 = arith.mulf %parallel_loop3A_124, %parallel_loop3A_126 : vector<16xf32>
      %parallel_loop3A_128 = arith.fptosi %parallel_loop3A_127 : vector<16xf32> to vector<16xi32>
      %parallel_loop3A_129 = arith.sitofp %parallel_loop3A_128 : vector<16xi32> to vector<16xf32>
      %parallel_loop3A_130 = arith.subf %parallel_loop3A_127, %parallel_loop3A_129 : vector<16xf32>
      %parallel_loop3A_131 = arith.constant 128 : i32
      %parallel_loop3A_132 = vector.broadcast %parallel_loop3A_131 : i32 to vector<16xi32>
      %parallel_loop3A_133 = arith.muli %parallel_loop3A_128, %parallel_loop3A_132 : vector<16xi32>
      %parallel_loop3A_134 = arith.constant 16 : i32
      %parallel_loop3A_135 = vector.broadcast %parallel_loop3A_134 : i32 to vector<16xi32>
      %parallel_loop3A_136 = arith.addi %iota3A, %parallel_loop3A_135 : vector<16xi32>
      %parallel_loop3A_137 = arith.addi %parallel_loop3A_133, %parallel_loop3A_136 : vector<16xi32>
      %parallel_loop3A_138 = tpu.vector_load_idx %arg6[%parallel_loop3A_137] : memref<1408xf32, #tpu.memory_space<vmem>>[vector<16xi32>], vector<16xf32>,
      %parallel_loop3A_139 = arith.constant 128 : i32
      %parallel_loop3A_140 = tpu.memref_slice %arg6[%parallel_loop3A_139] : memref<1408xf32, #tpu.memory_space<vmem>> -> memref<1280xf32, #tpu.memory_space<vmem>>
      %parallel_loop3A_141 = tpu.vector_load_idx %parallel_loop3A_140[%parallel_loop3A_137] : memref<1280xf32, #tpu.memory_space<vmem>>[vector<16xi32>], vector<16xf32>,
      %parallel_loop3A_142 = arith.subf %parallel_loop3A_141, %parallel_loop3A_138 : vector<16xf32>
      %parallel_loop3A_143 = arith.mulf %parallel_loop3A_130, %parallel_loop3A_142 : vector<16xf32>
      %parallel_loop3A_144 = arith.addf %parallel_loop3A_138, %parallel_loop3A_143 : vector<16xf32>
      %parallel_loop3A_145 = arith.index_cast %parallel_loop3A_95 : i32 to index
      %parallel_loop3A_146 = arith.constant 16 : index
      %parallel_loop3A_147 = tpu.vector_load %arg8[%parallel_loop3A_145, %parallel_loop3A_146] {strides = array<i32>} : memref<192x128xf32, #tpu.memory_space<vmem>>, vector<16xf32>,
      tpu.vector_store %arg8[%parallel_loop3A_145, %parallel_loop3A_146], %parallel_loop3A_144 {strides = array<i32>} : memref<192x128xf32, #tpu.memory_space<vmem>>, vector<16xf32>,
      %parallel_loop3A_148 = arith.index_cast %parallel_loop3A_95 : i32 to index
      %parallel_loop3A_149 = arith.constant 32 : index
      %parallel_loop3A_150 = tpu.vector_load %arg8[%parallel_loop3A_148, %parallel_loop3A_149] {strides = array<i32>} : memref<192x128xf32, #tpu.memory_space<vmem>>, vector<16xf32>,
      %parallel_loop3A_151 = arith.constant 9.999990e+00 : f32
      %parallel_loop3A_152 = vector.broadcast %parallel_loop3A_151 : f32 to vector<16xf32>
      %parallel_loop3A_153 = arith.mulf %parallel_loop3A_150, %parallel_loop3A_152 : vector<16xf32>
      %parallel_loop3A_154 = arith.fptosi %parallel_loop3A_153 : vector<16xf32> to vector<16xi32>
      %parallel_loop3A_155 = arith.sitofp %parallel_loop3A_154 : vector<16xi32> to vector<16xf32>
      %parallel_loop3A_156 = arith.subf %parallel_loop3A_153, %parallel_loop3A_155 : vector<16xf32>
      %parallel_loop3A_157 = arith.constant 128 : i32
      %parallel_loop3A_158 = vector.broadcast %parallel_loop3A_157 : i32 to vector<16xi32>
      %parallel_loop3A_159 = arith.muli %parallel_loop3A_154, %parallel_loop3A_158 : vector<16xi32>
      %parallel_loop3A_160 = arith.constant 32 : i32
      %parallel_loop3A_161 = vector.broadcast %parallel_loop3A_160 : i32 to vector<16xi32>
      %parallel_loop3A_162 = arith.addi %iota3A, %parallel_loop3A_161 : vector<16xi32>
      %parallel_loop3A_163 = arith.addi %parallel_loop3A_159, %parallel_loop3A_162 : vector<16xi32>
      %parallel_loop3A_164 = tpu.vector_load_idx %arg6[%parallel_loop3A_163] : memref<1408xf32, #tpu.memory_space<vmem>>[vector<16xi32>], vector<16xf32>,
      %parallel_loop3A_165 = arith.constant 128 : i32
      %parallel_loop3A_166 = tpu.memref_slice %arg6[%parallel_loop3A_165] : memref<1408xf32, #tpu.memory_space<vmem>> -> memref<1280xf32, #tpu.memory_space<vmem>>
      %parallel_loop3A_167 = tpu.vector_load_idx %parallel_loop3A_166[%parallel_loop3A_163] : memref<1280xf32, #tpu.memory_space<vmem>>[vector<16xi32>], vector<16xf32>,
      %parallel_loop3A_168 = arith.subf %parallel_loop3A_167, %parallel_loop3A_164 : vector<16xf32>
      %parallel_loop3A_169 = arith.mulf %parallel_loop3A_156, %parallel_loop3A_168 : vector<16xf32>
      %parallel_loop3A_170 = arith.addf %parallel_loop3A_164, %parallel_loop3A_169 : vector<16xf32>
      %parallel_loop3A_171 = arith.index_cast %parallel_loop3A_95 : i32 to index
      %parallel_loop3A_172 = arith.constant 32 : index
      %parallel_loop3A_173 = tpu.vector_load %arg8[%parallel_loop3A_171, %parallel_loop3A_172] {strides = array<i32>} : memref<192x128xf32, #tpu.memory_space<vmem>>, vector<16xf32>,
      tpu.vector_store %arg8[%parallel_loop3A_171, %parallel_loop3A_172], %parallel_loop3A_170 {strides = array<i32>} : memref<192x128xf32, #tpu.memory_space<vmem>>, vector<16xf32>,
      %parallel_loop3A_174 = arith.index_cast %parallel_loop3A_95 : i32 to index
      %parallel_loop3A_175 = arith.constant 48 : index
      %parallel_loop3A_176 = tpu.vector_load %arg8[%parallel_loop3A_174, %parallel_loop3A_175] {strides = array<i32>} : memref<192x128xf32, #tpu.memory_space<vmem>>, vector<16xf32>,
      %parallel_loop3A_177 = arith.constant 9.999990e+00 : f32
      %parallel_loop3A_178 = vector.broadcast %parallel_loop3A_177 : f32 to vector<16xf32>
      %parallel_loop3A_179 = arith.mulf %parallel_loop3A_176, %parallel_loop3A_178 : vector<16xf32>
      %parallel_loop3A_180 = arith.fptosi %parallel_loop3A_179 : vector<16xf32> to vector<16xi32>
      %parallel_loop3A_181 = arith.sitofp %parallel_loop3A_180 : vector<16xi32> to vector<16xf32>
      %parallel_loop3A_182 = arith.subf %parallel_loop3A_179, %parallel_loop3A_181 : vector<16xf32>
      %parallel_loop3A_183 = arith.constant 128 : i32
      %parallel_loop3A_184 = vector.broadcast %parallel_loop3A_183 : i32 to vector<16xi32>
      %parallel_loop3A_185 = arith.muli %parallel_loop3A_180, %parallel_loop3A_184 : vector<16xi32>
      %parallel_loop3A_186 = arith.constant 48 : i32
      %parallel_loop3A_187 = vector.broadcast %parallel_loop3A_186 : i32 to vector<16xi32>
      %parallel_loop3A_188 = arith.addi %iota3A, %parallel_loop3A_187 : vector<16xi32>
      %parallel_loop3A_189 = arith.addi %parallel_loop3A_185, %parallel_loop3A_188 : vector<16xi32>
      %parallel_loop3A_190 = tpu.vector_load_idx %arg6[%parallel_loop3A_189] : memref<1408xf32, #tpu.memory_space<vmem>>[vector<16xi32>], vector<16xf32>,
      %parallel_loop3A_191 = arith.constant 128 : i32
      %parallel_loop3A_192 = tpu.memref_slice %arg6[%parallel_loop3A_191] : memref<1408xf32, #tpu.memory_space<vmem>> -> memref<1280xf32, #tpu.memory_space<vmem>>
      %parallel_loop3A_193 = tpu.vector_load_idx %parallel_loop3A_192[%parallel_loop3A_189] : memref<1280xf32, #tpu.memory_space<vmem>>[vector<16xi32>], vector<16xf32>,
      %parallel_loop3A_194 = arith.subf %parallel_loop3A_193, %parallel_loop3A_190 : vector<16xf32>
      %parallel_loop3A_195 = arith.mulf %parallel_loop3A_182, %parallel_loop3A_194 : vector<16xf32>
      %parallel_loop3A_196 = arith.addf %parallel_loop3A_190, %parallel_loop3A_195 : vector<16xf32>
      %parallel_loop3A_197 = arith.index_cast %parallel_loop3A_95 : i32 to index
      %parallel_loop3A_198 = arith.constant 48 : index
      %parallel_loop3A_199 = tpu.vector_load %arg8[%parallel_loop3A_197, %parallel_loop3A_198] {strides = array<i32>} : memref<192x128xf32, #tpu.memory_space<vmem>>, vector<16xf32>,
      tpu.vector_store %arg8[%parallel_loop3A_197, %parallel_loop3A_198], %parallel_loop3A_196 {strides = array<i32>} : memref<192x128xf32, #tpu.memory_space<vmem>>, vector<16xf32>,
      %parallel_loop3A_200 = arith.index_cast %parallel_loop3A_95 : i32 to index
      %parallel_loop3A_201 = arith.constant 64 : index
      %parallel_loop3A_202 = tpu.vector_load %arg8[%parallel_loop3A_200, %parallel_loop3A_201] {strides = array<i32>} : memref<192x128xf32, #tpu.memory_space<vmem>>, vector<16xf32>,
      %parallel_loop3A_203 = arith.constant 9.999990e+00 : f32
      %parallel_loop3A_204 = vector.broadcast %parallel_loop3A_203 : f32 to vector<16xf32>
      %parallel_loop3A_205 = arith.mulf %parallel_loop3A_202, %parallel_loop3A_204 : vector<16xf32>
      %parallel_loop3A_206 = arith.fptosi %parallel_loop3A_205 : vector<16xf32> to vector<16xi32>
      %parallel_loop3A_207 = arith.sitofp %parallel_loop3A_206 : vector<16xi32> to vector<16xf32>
      %parallel_loop3A_208 = arith.subf %parallel_loop3A_205, %parallel_loop3A_207 : vector<16xf32>
      %parallel_loop3A_209 = arith.constant 128 : i32
      %parallel_loop3A_210 = vector.broadcast %parallel_loop3A_209 : i32 to vector<16xi32>
      %parallel_loop3A_211 = arith.muli %parallel_loop3A_206, %parallel_loop3A_210 : vector<16xi32>
      %parallel_loop3A_212 = arith.constant 64 : i32
      %parallel_loop3A_213 = vector.broadcast %parallel_loop3A_212 : i32 to vector<16xi32>
      %parallel_loop3A_214 = arith.addi %iota3A, %parallel_loop3A_213 : vector<16xi32>
      %parallel_loop3A_215 = arith.addi %parallel_loop3A_211, %parallel_loop3A_214 : vector<16xi32>
      %parallel_loop3A_216 = tpu.vector_load_idx %arg6[%parallel_loop3A_215] : memref<1408xf32, #tpu.memory_space<vmem>>[vector<16xi32>], vector<16xf32>,
      %parallel_loop3A_217 = arith.constant 128 : i32
      %parallel_loop3A_218 = tpu.memref_slice %arg6[%parallel_loop3A_217] : memref<1408xf32, #tpu.memory_space<vmem>> -> memref<1280xf32, #tpu.memory_space<vmem>>
      %parallel_loop3A_219 = tpu.vector_load_idx %parallel_loop3A_218[%parallel_loop3A_215] : memref<1280xf32, #tpu.memory_space<vmem>>[vector<16xi32>], vector<16xf32>,
      %parallel_loop3A_220 = arith.subf %parallel_loop3A_219, %parallel_loop3A_216 : vector<16xf32>
      %parallel_loop3A_221 = arith.mulf %parallel_loop3A_208, %parallel_loop3A_220 : vector<16xf32>
      %parallel_loop3A_222 = arith.addf %parallel_loop3A_216, %parallel_loop3A_221 : vector<16xf32>
      %parallel_loop3A_223 = arith.index_cast %parallel_loop3A_95 : i32 to index
      %parallel_loop3A_224 = arith.constant 64 : index
      %parallel_loop3A_225 = tpu.vector_load %arg8[%parallel_loop3A_223, %parallel_loop3A_224] {strides = array<i32>} : memref<192x128xf32, #tpu.memory_space<vmem>>, vector<16xf32>,
      tpu.vector_store %arg8[%parallel_loop3A_223, %parallel_loop3A_224], %parallel_loop3A_222 {strides = array<i32>} : memref<192x128xf32, #tpu.memory_space<vmem>>, vector<16xf32>,
      %parallel_loop3A_226 = arith.index_cast %parallel_loop3A_95 : i32 to index
      %parallel_loop3A_227 = arith.constant 80 : index
      %parallel_loop3A_228 = tpu.vector_load %arg8[%parallel_loop3A_226, %parallel_loop3A_227] {strides = array<i32>} : memref<192x128xf32, #tpu.memory_space<vmem>>, vector<16xf32>,
      %parallel_loop3A_229 = arith.constant 9.999990e+00 : f32
      %parallel_loop3A_230 = vector.broadcast %parallel_loop3A_229 : f32 to vector<16xf32>
      %parallel_loop3A_231 = arith.mulf %parallel_loop3A_228, %parallel_loop3A_230 : vector<16xf32>
      %parallel_loop3A_232 = arith.fptosi %parallel_loop3A_231 : vector<16xf32> to vector<16xi32>
      %parallel_loop3A_233 = arith.sitofp %parallel_loop3A_232 : vector<16xi32> to vector<16xf32>
      %parallel_loop3A_234 = arith.subf %parallel_loop3A_231, %parallel_loop3A_233 : vector<16xf32>
      %parallel_loop3A_235 = arith.constant 128 : i32
      %parallel_loop3A_236 = vector.broadcast %parallel_loop3A_235 : i32 to vector<16xi32>
      %parallel_loop3A_237 = arith.muli %parallel_loop3A_232, %parallel_loop3A_236 : vector<16xi32>
      %parallel_loop3A_238 = arith.constant 80 : i32
      %parallel_loop3A_239 = vector.broadcast %parallel_loop3A_238 : i32 to vector<16xi32>
      %parallel_loop3A_240 = arith.addi %iota3A, %parallel_loop3A_239 : vector<16xi32>
      %parallel_loop3A_241 = arith.addi %parallel_loop3A_237, %parallel_loop3A_240 : vector<16xi32>
      %parallel_loop3A_242 = tpu.vector_load_idx %arg6[%parallel_loop3A_241] : memref<1408xf32, #tpu.memory_space<vmem>>[vector<16xi32>], vector<16xf32>,
      %parallel_loop3A_243 = arith.constant 128 : i32
      %parallel_loop3A_244 = tpu.memref_slice %arg6[%parallel_loop3A_243] : memref<1408xf32, #tpu.memory_space<vmem>> -> memref<1280xf32, #tpu.memory_space<vmem>>
      %parallel_loop3A_245 = tpu.vector_load_idx %parallel_loop3A_244[%parallel_loop3A_241] : memref<1280xf32, #tpu.memory_space<vmem>>[vector<16xi32>], vector<16xf32>,
      %parallel_loop3A_246 = arith.subf %parallel_loop3A_245, %parallel_loop3A_242 : vector<16xf32>
      %parallel_loop3A_247 = arith.mulf %parallel_loop3A_234, %parallel_loop3A_246 : vector<16xf32>
      %parallel_loop3A_248 = arith.addf %parallel_loop3A_242, %parallel_loop3A_247 : vector<16xf32>
      %parallel_loop3A_249 = arith.index_cast %parallel_loop3A_95 : i32 to index
      %parallel_loop3A_250 = arith.constant 80 : index
      %parallel_loop3A_251 = tpu.vector_load %arg8[%parallel_loop3A_249, %parallel_loop3A_250] {strides = array<i32>} : memref<192x128xf32, #tpu.memory_space<vmem>>, vector<16xf32>,
      tpu.vector_store %arg8[%parallel_loop3A_249, %parallel_loop3A_250], %parallel_loop3A_248 {strides = array<i32>} : memref<192x128xf32, #tpu.memory_space<vmem>>, vector<16xf32>,
      %parallel_loop3A_252 = arith.index_cast %parallel_loop3A_95 : i32 to index
      %parallel_loop3A_253 = arith.constant 96 : index
      %parallel_loop3A_254 = tpu.vector_load %arg8[%parallel_loop3A_252, %parallel_loop3A_253] {strides = array<i32>} : memref<192x128xf32, #tpu.memory_space<vmem>>, vector<16xf32>,
      %parallel_loop3A_255 = arith.constant 9.999990e+00 : f32
      %parallel_loop3A_256 = vector.broadcast %parallel_loop3A_255 : f32 to vector<16xf32>
      %parallel_loop3A_257 = arith.mulf %parallel_loop3A_254, %parallel_loop3A_256 : vector<16xf32>
      %parallel_loop3A_258 = arith.fptosi %parallel_loop3A_257 : vector<16xf32> to vector<16xi32>
      %parallel_loop3A_259 = arith.sitofp %parallel_loop3A_258 : vector<16xi32> to vector<16xf32>
      %parallel_loop3A_260 = arith.subf %parallel_loop3A_257, %parallel_loop3A_259 : vector<16xf32>
      %parallel_loop3A_261 = arith.constant 128 : i32
      %parallel_loop3A_262 = vector.broadcast %parallel_loop3A_261 : i32 to vector<16xi32>
      %parallel_loop3A_263 = arith.muli %parallel_loop3A_258, %parallel_loop3A_262 : vector<16xi32>
      %parallel_loop3A_264 = arith.constant 96 : i32
      %parallel_loop3A_265 = vector.broadcast %parallel_loop3A_264 : i32 to vector<16xi32>
      %parallel_loop3A_266 = arith.addi %iota3A, %parallel_loop3A_265 : vector<16xi32>
      %parallel_loop3A_267 = arith.addi %parallel_loop3A_263, %parallel_loop3A_266 : vector<16xi32>
      %parallel_loop3A_268 = tpu.vector_load_idx %arg6[%parallel_loop3A_267] : memref<1408xf32, #tpu.memory_space<vmem>>[vector<16xi32>], vector<16xf32>,
      %parallel_loop3A_269 = arith.constant 128 : i32
      %parallel_loop3A_270 = tpu.memref_slice %arg6[%parallel_loop3A_269] : memref<1408xf32, #tpu.memory_space<vmem>> -> memref<1280xf32, #tpu.memory_space<vmem>>
      %parallel_loop3A_271 = tpu.vector_load_idx %parallel_loop3A_270[%parallel_loop3A_267] : memref<1280xf32, #tpu.memory_space<vmem>>[vector<16xi32>], vector<16xf32>,
      %parallel_loop3A_272 = arith.subf %parallel_loop3A_271, %parallel_loop3A_268 : vector<16xf32>
      %parallel_loop3A_273 = arith.mulf %parallel_loop3A_260, %parallel_loop3A_272 : vector<16xf32>
      %parallel_loop3A_274 = arith.addf %parallel_loop3A_268, %parallel_loop3A_273 : vector<16xf32>
      %parallel_loop3A_275 = arith.index_cast %parallel_loop3A_95 : i32 to index
      %parallel_loop3A_276 = arith.constant 96 : index
      %parallel_loop3A_277 = tpu.vector_load %arg8[%parallel_loop3A_275, %parallel_loop3A_276] {strides = array<i32>} : memref<192x128xf32, #tpu.memory_space<vmem>>, vector<16xf32>,
      tpu.vector_store %arg8[%parallel_loop3A_275, %parallel_loop3A_276], %parallel_loop3A_274 {strides = array<i32>} : memref<192x128xf32, #tpu.memory_space<vmem>>, vector<16xf32>,
      %parallel_loop3A_278 = arith.index_cast %parallel_loop3A_95 : i32 to index
      %parallel_loop3A_279 = arith.constant 112 : index
      %parallel_loop3A_280 = tpu.vector_load %arg8[%parallel_loop3A_278, %parallel_loop3A_279] {strides = array<i32>} : memref<192x128xf32, #tpu.memory_space<vmem>>, vector<16xf32>,
      %parallel_loop3A_281 = arith.constant 9.999990e+00 : f32
      %parallel_loop3A_282 = vector.broadcast %parallel_loop3A_281 : f32 to vector<16xf32>
      %parallel_loop3A_283 = arith.mulf %parallel_loop3A_280, %parallel_loop3A_282 : vector<16xf32>
      %parallel_loop3A_284 = arith.fptosi %parallel_loop3A_283 : vector<16xf32> to vector<16xi32>
      %parallel_loop3A_285 = arith.sitofp %parallel_loop3A_284 : vector<16xi32> to vector<16xf32>
      %parallel_loop3A_286 = arith.subf %parallel_loop3A_283, %parallel_loop3A_285 : vector<16xf32>
      %parallel_loop3A_287 = arith.constant 128 : i32
      %parallel_loop3A_288 = vector.broadcast %parallel_loop3A_287 : i32 to vector<16xi32>
      %parallel_loop3A_289 = arith.muli %parallel_loop3A_284, %parallel_loop3A_288 : vector<16xi32>
      %parallel_loop3A_290 = arith.constant 112 : i32
      %parallel_loop3A_291 = vector.broadcast %parallel_loop3A_290 : i32 to vector<16xi32>
      %parallel_loop3A_292 = arith.addi %iota3A, %parallel_loop3A_291 : vector<16xi32>
      %parallel_loop3A_293 = arith.addi %parallel_loop3A_289, %parallel_loop3A_292 : vector<16xi32>
      %parallel_loop3A_294 = tpu.vector_load_idx %arg6[%parallel_loop3A_293] : memref<1408xf32, #tpu.memory_space<vmem>>[vector<16xi32>], vector<16xf32>,
      %parallel_loop3A_295 = arith.constant 128 : i32
      %parallel_loop3A_296 = tpu.memref_slice %arg6[%parallel_loop3A_295] : memref<1408xf32, #tpu.memory_space<vmem>> -> memref<1280xf32, #tpu.memory_space<vmem>>
      %parallel_loop3A_297 = tpu.vector_load_idx %parallel_loop3A_296[%parallel_loop3A_293] : memref<1280xf32, #tpu.memory_space<vmem>>[vector<16xi32>], vector<16xf32>,
      %parallel_loop3A_298 = arith.subf %parallel_loop3A_297, %parallel_loop3A_294 : vector<16xf32>
      %parallel_loop3A_299 = arith.mulf %parallel_loop3A_286, %parallel_loop3A_298 : vector<16xf32>
      %parallel_loop3A_300 = arith.addf %parallel_loop3A_294, %parallel_loop3A_299 : vector<16xf32>
      %parallel_loop3A_301 = arith.index_cast %parallel_loop3A_95 : i32 to index
      %parallel_loop3A_302 = arith.constant 112 : index
      %parallel_loop3A_303 = tpu.vector_load %arg8[%parallel_loop3A_301, %parallel_loop3A_302] {strides = array<i32>} : memref<192x128xf32, #tpu.memory_space<vmem>>, vector<16xf32>,
      tpu.vector_store %arg8[%parallel_loop3A_301, %parallel_loop3A_302], %parallel_loop3A_300 {strides = array<i32>} : memref<192x128xf32, #tpu.memory_space<vmem>>, vector<16xf32>,
    } {sc.loop_unroll_factor = 4 : i64, sc.parallel_access}
    %add3A_47 = arith.constant 64 : i32
    %add3A_48 = arith.addi %mul3A_2, %add3A_47 : i32
    %dma_start3A_49 = arith.constant 0 : i32
    %dma_start3A_50 = tpu.memref_slice %arg4[%add3A_48, %dma_start3A_49] : memref<16384x128xf32, #tpu.memory_space<hbm>> -> memref<192x128xf32, #tpu.memory_space<hbm>>
    %dma_start3A_51 = arith.constant 0 : i32
    %dma_start3A_52 = tpu.memref_slice %arg4[%add3A_48, %dma_start3A_51] : memref<16384x128xf32, #tpu.memory_space<hbm>> -> memref<192x128xf32, #tpu.memory_space<hbm>>
    tpu.enqueue_dma source(%arg8 : memref<192x128xf32, #tpu.memory_space<vmem>>) target(%dma_start3A_52 : memref<192x128xf32, #tpu.memory_space<hbm>>) target_semaphore(%arg16 : memref<!tpu.dma_semaphore, #tpu.memory_space<semaphore_mem>>)
    %dma_wait3A_53 = arith.constant 0 : i32
    %dma_wait3A_54 = tpu.memref_slice %arg2[%add3A_20, %dma_wait3A_53] : memref<16384x128xf32, #tpu.memory_space<hbm>> -> memref<192x128xf32, #tpu.memory_space<hbm>>
    %dma_wait3A_55 = arith.constant 0 : i32
    %dma_wait3A_56 = tpu.memref_slice %arg2[%add3A_20, %dma_wait3A_55] : memref<16384x128xf32, #tpu.memory_space<hbm>> -> memref<192x128xf32, #tpu.memory_space<hbm>>
    tpu.wait_dma2 semaphore(%arg13 : memref<!tpu.dma_semaphore, #tpu.memory_space<semaphore_mem>>) src(%dma_wait3A_56 : memref<192x128xf32, #tpu.memory_space<hbm>>) dst(%arg9 : memref<192x128xf32, #tpu.memory_space<vmem>>)
    %parallel_loop3A_57 = arith.constant 0 : i32
    %parallel_loop3A_58 = arith.constant 192 : i32
    %parallel_loop3A_59 = arith.constant 1 : i32
    scf.for %parallel_loop3A_95 = %parallel_loop3A_57 to %parallel_loop3A_58 step %parallel_loop3A_59  : i32 {
      %parallel_loop3A_96 = arith.index_cast %parallel_loop3A_95 : i32 to index
      %parallel_loop3A_97 = arith.constant 0 : index
      %parallel_loop3A_98 = tpu.vector_load %arg9[%parallel_loop3A_96, %parallel_loop3A_97] {strides = array<i32>} : memref<192x128xf32, #tpu.memory_space<vmem>>, vector<16xf32>,
      %parallel_loop3A_99 = arith.constant 9.999990e+00 : f32
      %parallel_loop3A_100 = vector.broadcast %parallel_loop3A_99 : f32 to vector<16xf32>
      %parallel_loop3A_101 = arith.mulf %parallel_loop3A_98, %parallel_loop3A_100 : vector<16xf32>
      %parallel_loop3A_102 = arith.fptosi %parallel_loop3A_101 : vector<16xf32> to vector<16xi32>
      %parallel_loop3A_103 = arith.sitofp %parallel_loop3A_102 : vector<16xi32> to vector<16xf32>
      %parallel_loop3A_104 = arith.subf %parallel_loop3A_101, %parallel_loop3A_103 : vector<16xf32>
      %parallel_loop3A_105 = arith.constant 128 : i32
      %parallel_loop3A_106 = vector.broadcast %parallel_loop3A_105 : i32 to vector<16xi32>
      %parallel_loop3A_107 = arith.muli %parallel_loop3A_102, %parallel_loop3A_106 : vector<16xi32>
      %parallel_loop3A_108 = arith.constant 0 : i32
      %parallel_loop3A_109 = vector.broadcast %parallel_loop3A_108 : i32 to vector<16xi32>
      %parallel_loop3A_110 = arith.addi %iota3A, %parallel_loop3A_109 : vector<16xi32>
      %parallel_loop3A_111 = arith.addi %parallel_loop3A_107, %parallel_loop3A_110 : vector<16xi32>
      %parallel_loop3A_112 = tpu.vector_load_idx %arg6[%parallel_loop3A_111] : memref<1408xf32, #tpu.memory_space<vmem>>[vector<16xi32>], vector<16xf32>,
      %parallel_loop3A_113 = arith.constant 128 : i32
      %parallel_loop3A_114 = tpu.memref_slice %arg6[%parallel_loop3A_113] : memref<1408xf32, #tpu.memory_space<vmem>> -> memref<1280xf32, #tpu.memory_space<vmem>>
      %parallel_loop3A_115 = tpu.vector_load_idx %parallel_loop3A_114[%parallel_loop3A_111] : memref<1280xf32, #tpu.memory_space<vmem>>[vector<16xi32>], vector<16xf32>,
      %parallel_loop3A_116 = arith.subf %parallel_loop3A_115, %parallel_loop3A_112 : vector<16xf32>
      %parallel_loop3A_117 = arith.mulf %parallel_loop3A_104, %parallel_loop3A_116 : vector<16xf32>
      %parallel_loop3A_118 = arith.addf %parallel_loop3A_112, %parallel_loop3A_117 : vector<16xf32>
      %parallel_loop3A_119 = arith.index_cast %parallel_loop3A_95 : i32 to index
      %parallel_loop3A_120 = arith.constant 0 : index
      %parallel_loop3A_121 = tpu.vector_load %arg9[%parallel_loop3A_119, %parallel_loop3A_120] {strides = array<i32>} : memref<192x128xf32, #tpu.memory_space<vmem>>, vector<16xf32>,
      tpu.vector_store %arg9[%parallel_loop3A_119, %parallel_loop3A_120], %parallel_loop3A_118 {strides = array<i32>} : memref<192x128xf32, #tpu.memory_space<vmem>>, vector<16xf32>,
      %parallel_loop3A_122 = arith.index_cast %parallel_loop3A_95 : i32 to index
      %parallel_loop3A_123 = arith.constant 16 : index
      %parallel_loop3A_124 = tpu.vector_load %arg9[%parallel_loop3A_122, %parallel_loop3A_123] {strides = array<i32>} : memref<192x128xf32, #tpu.memory_space<vmem>>, vector<16xf32>,
      %parallel_loop3A_125 = arith.constant 9.999990e+00 : f32
      %parallel_loop3A_126 = vector.broadcast %parallel_loop3A_125 : f32 to vector<16xf32>
      %parallel_loop3A_127 = arith.mulf %parallel_loop3A_124, %parallel_loop3A_126 : vector<16xf32>
      %parallel_loop3A_128 = arith.fptosi %parallel_loop3A_127 : vector<16xf32> to vector<16xi32>
      %parallel_loop3A_129 = arith.sitofp %parallel_loop3A_128 : vector<16xi32> to vector<16xf32>
      %parallel_loop3A_130 = arith.subf %parallel_loop3A_127, %parallel_loop3A_129 : vector<16xf32>
      %parallel_loop3A_131 = arith.constant 128 : i32
      %parallel_loop3A_132 = vector.broadcast %parallel_loop3A_131 : i32 to vector<16xi32>
      %parallel_loop3A_133 = arith.muli %parallel_loop3A_128, %parallel_loop3A_132 : vector<16xi32>
      %parallel_loop3A_134 = arith.constant 16 : i32
      %parallel_loop3A_135 = vector.broadcast %parallel_loop3A_134 : i32 to vector<16xi32>
      %parallel_loop3A_136 = arith.addi %iota3A, %parallel_loop3A_135 : vector<16xi32>
      %parallel_loop3A_137 = arith.addi %parallel_loop3A_133, %parallel_loop3A_136 : vector<16xi32>
      %parallel_loop3A_138 = tpu.vector_load_idx %arg6[%parallel_loop3A_137] : memref<1408xf32, #tpu.memory_space<vmem>>[vector<16xi32>], vector<16xf32>,
      %parallel_loop3A_139 = arith.constant 128 : i32
      %parallel_loop3A_140 = tpu.memref_slice %arg6[%parallel_loop3A_139] : memref<1408xf32, #tpu.memory_space<vmem>> -> memref<1280xf32, #tpu.memory_space<vmem>>
      %parallel_loop3A_141 = tpu.vector_load_idx %parallel_loop3A_140[%parallel_loop3A_137] : memref<1280xf32, #tpu.memory_space<vmem>>[vector<16xi32>], vector<16xf32>,
      %parallel_loop3A_142 = arith.subf %parallel_loop3A_141, %parallel_loop3A_138 : vector<16xf32>
      %parallel_loop3A_143 = arith.mulf %parallel_loop3A_130, %parallel_loop3A_142 : vector<16xf32>
      %parallel_loop3A_144 = arith.addf %parallel_loop3A_138, %parallel_loop3A_143 : vector<16xf32>
      %parallel_loop3A_145 = arith.index_cast %parallel_loop3A_95 : i32 to index
      %parallel_loop3A_146 = arith.constant 16 : index
      %parallel_loop3A_147 = tpu.vector_load %arg9[%parallel_loop3A_145, %parallel_loop3A_146] {strides = array<i32>} : memref<192x128xf32, #tpu.memory_space<vmem>>, vector<16xf32>,
      tpu.vector_store %arg9[%parallel_loop3A_145, %parallel_loop3A_146], %parallel_loop3A_144 {strides = array<i32>} : memref<192x128xf32, #tpu.memory_space<vmem>>, vector<16xf32>,
      %parallel_loop3A_148 = arith.index_cast %parallel_loop3A_95 : i32 to index
      %parallel_loop3A_149 = arith.constant 32 : index
      %parallel_loop3A_150 = tpu.vector_load %arg9[%parallel_loop3A_148, %parallel_loop3A_149] {strides = array<i32>} : memref<192x128xf32, #tpu.memory_space<vmem>>, vector<16xf32>,
      %parallel_loop3A_151 = arith.constant 9.999990e+00 : f32
      %parallel_loop3A_152 = vector.broadcast %parallel_loop3A_151 : f32 to vector<16xf32>
      %parallel_loop3A_153 = arith.mulf %parallel_loop3A_150, %parallel_loop3A_152 : vector<16xf32>
      %parallel_loop3A_154 = arith.fptosi %parallel_loop3A_153 : vector<16xf32> to vector<16xi32>
      %parallel_loop3A_155 = arith.sitofp %parallel_loop3A_154 : vector<16xi32> to vector<16xf32>
      %parallel_loop3A_156 = arith.subf %parallel_loop3A_153, %parallel_loop3A_155 : vector<16xf32>
      %parallel_loop3A_157 = arith.constant 128 : i32
      %parallel_loop3A_158 = vector.broadcast %parallel_loop3A_157 : i32 to vector<16xi32>
      %parallel_loop3A_159 = arith.muli %parallel_loop3A_154, %parallel_loop3A_158 : vector<16xi32>
      %parallel_loop3A_160 = arith.constant 32 : i32
      %parallel_loop3A_161 = vector.broadcast %parallel_loop3A_160 : i32 to vector<16xi32>
      %parallel_loop3A_162 = arith.addi %iota3A, %parallel_loop3A_161 : vector<16xi32>
      %parallel_loop3A_163 = arith.addi %parallel_loop3A_159, %parallel_loop3A_162 : vector<16xi32>
      %parallel_loop3A_164 = tpu.vector_load_idx %arg6[%parallel_loop3A_163] : memref<1408xf32, #tpu.memory_space<vmem>>[vector<16xi32>], vector<16xf32>,
      %parallel_loop3A_165 = arith.constant 128 : i32
      %parallel_loop3A_166 = tpu.memref_slice %arg6[%parallel_loop3A_165] : memref<1408xf32, #tpu.memory_space<vmem>> -> memref<1280xf32, #tpu.memory_space<vmem>>
      %parallel_loop3A_167 = tpu.vector_load_idx %parallel_loop3A_166[%parallel_loop3A_163] : memref<1280xf32, #tpu.memory_space<vmem>>[vector<16xi32>], vector<16xf32>,
      %parallel_loop3A_168 = arith.subf %parallel_loop3A_167, %parallel_loop3A_164 : vector<16xf32>
      %parallel_loop3A_169 = arith.mulf %parallel_loop3A_156, %parallel_loop3A_168 : vector<16xf32>
      %parallel_loop3A_170 = arith.addf %parallel_loop3A_164, %parallel_loop3A_169 : vector<16xf32>
      %parallel_loop3A_171 = arith.index_cast %parallel_loop3A_95 : i32 to index
      %parallel_loop3A_172 = arith.constant 32 : index
      %parallel_loop3A_173 = tpu.vector_load %arg9[%parallel_loop3A_171, %parallel_loop3A_172] {strides = array<i32>} : memref<192x128xf32, #tpu.memory_space<vmem>>, vector<16xf32>,
      tpu.vector_store %arg9[%parallel_loop3A_171, %parallel_loop3A_172], %parallel_loop3A_170 {strides = array<i32>} : memref<192x128xf32, #tpu.memory_space<vmem>>, vector<16xf32>,
      %parallel_loop3A_174 = arith.index_cast %parallel_loop3A_95 : i32 to index
      %parallel_loop3A_175 = arith.constant 48 : index
      %parallel_loop3A_176 = tpu.vector_load %arg9[%parallel_loop3A_174, %parallel_loop3A_175] {strides = array<i32>} : memref<192x128xf32, #tpu.memory_space<vmem>>, vector<16xf32>,
      %parallel_loop3A_177 = arith.constant 9.999990e+00 : f32
      %parallel_loop3A_178 = vector.broadcast %parallel_loop3A_177 : f32 to vector<16xf32>
      %parallel_loop3A_179 = arith.mulf %parallel_loop3A_176, %parallel_loop3A_178 : vector<16xf32>
      %parallel_loop3A_180 = arith.fptosi %parallel_loop3A_179 : vector<16xf32> to vector<16xi32>
      %parallel_loop3A_181 = arith.sitofp %parallel_loop3A_180 : vector<16xi32> to vector<16xf32>
      %parallel_loop3A_182 = arith.subf %parallel_loop3A_179, %parallel_loop3A_181 : vector<16xf32>
      %parallel_loop3A_183 = arith.constant 128 : i32
      %parallel_loop3A_184 = vector.broadcast %parallel_loop3A_183 : i32 to vector<16xi32>
      %parallel_loop3A_185 = arith.muli %parallel_loop3A_180, %parallel_loop3A_184 : vector<16xi32>
      %parallel_loop3A_186 = arith.constant 48 : i32
      %parallel_loop3A_187 = vector.broadcast %parallel_loop3A_186 : i32 to vector<16xi32>
      %parallel_loop3A_188 = arith.addi %iota3A, %parallel_loop3A_187 : vector<16xi32>
      %parallel_loop3A_189 = arith.addi %parallel_loop3A_185, %parallel_loop3A_188 : vector<16xi32>
      %parallel_loop3A_190 = tpu.vector_load_idx %arg6[%parallel_loop3A_189] : memref<1408xf32, #tpu.memory_space<vmem>>[vector<16xi32>], vector<16xf32>,
      %parallel_loop3A_191 = arith.constant 128 : i32
      %parallel_loop3A_192 = tpu.memref_slice %arg6[%parallel_loop3A_191] : memref<1408xf32, #tpu.memory_space<vmem>> -> memref<1280xf32, #tpu.memory_space<vmem>>
      %parallel_loop3A_193 = tpu.vector_load_idx %parallel_loop3A_192[%parallel_loop3A_189] : memref<1280xf32, #tpu.memory_space<vmem>>[vector<16xi32>], vector<16xf32>,
      %parallel_loop3A_194 = arith.subf %parallel_loop3A_193, %parallel_loop3A_190 : vector<16xf32>
      %parallel_loop3A_195 = arith.mulf %parallel_loop3A_182, %parallel_loop3A_194 : vector<16xf32>
      %parallel_loop3A_196 = arith.addf %parallel_loop3A_190, %parallel_loop3A_195 : vector<16xf32>
      %parallel_loop3A_197 = arith.index_cast %parallel_loop3A_95 : i32 to index
      %parallel_loop3A_198 = arith.constant 48 : index
      %parallel_loop3A_199 = tpu.vector_load %arg9[%parallel_loop3A_197, %parallel_loop3A_198] {strides = array<i32>} : memref<192x128xf32, #tpu.memory_space<vmem>>, vector<16xf32>,
      tpu.vector_store %arg9[%parallel_loop3A_197, %parallel_loop3A_198], %parallel_loop3A_196 {strides = array<i32>} : memref<192x128xf32, #tpu.memory_space<vmem>>, vector<16xf32>,
      %parallel_loop3A_200 = arith.index_cast %parallel_loop3A_95 : i32 to index
      %parallel_loop3A_201 = arith.constant 64 : index
      %parallel_loop3A_202 = tpu.vector_load %arg9[%parallel_loop3A_200, %parallel_loop3A_201] {strides = array<i32>} : memref<192x128xf32, #tpu.memory_space<vmem>>, vector<16xf32>,
      %parallel_loop3A_203 = arith.constant 9.999990e+00 : f32
      %parallel_loop3A_204 = vector.broadcast %parallel_loop3A_203 : f32 to vector<16xf32>
      %parallel_loop3A_205 = arith.mulf %parallel_loop3A_202, %parallel_loop3A_204 : vector<16xf32>
      %parallel_loop3A_206 = arith.fptosi %parallel_loop3A_205 : vector<16xf32> to vector<16xi32>
      %parallel_loop3A_207 = arith.sitofp %parallel_loop3A_206 : vector<16xi32> to vector<16xf32>
      %parallel_loop3A_208 = arith.subf %parallel_loop3A_205, %parallel_loop3A_207 : vector<16xf32>
      %parallel_loop3A_209 = arith.constant 128 : i32
      %parallel_loop3A_210 = vector.broadcast %parallel_loop3A_209 : i32 to vector<16xi32>
      %parallel_loop3A_211 = arith.muli %parallel_loop3A_206, %parallel_loop3A_210 : vector<16xi32>
      %parallel_loop3A_212 = arith.constant 64 : i32
      %parallel_loop3A_213 = vector.broadcast %parallel_loop3A_212 : i32 to vector<16xi32>
      %parallel_loop3A_214 = arith.addi %iota3A, %parallel_loop3A_213 : vector<16xi32>
      %parallel_loop3A_215 = arith.addi %parallel_loop3A_211, %parallel_loop3A_214 : vector<16xi32>
      %parallel_loop3A_216 = tpu.vector_load_idx %arg6[%parallel_loop3A_215] : memref<1408xf32, #tpu.memory_space<vmem>>[vector<16xi32>], vector<16xf32>,
      %parallel_loop3A_217 = arith.constant 128 : i32
      %parallel_loop3A_218 = tpu.memref_slice %arg6[%parallel_loop3A_217] : memref<1408xf32, #tpu.memory_space<vmem>> -> memref<1280xf32, #tpu.memory_space<vmem>>
      %parallel_loop3A_219 = tpu.vector_load_idx %parallel_loop3A_218[%parallel_loop3A_215] : memref<1280xf32, #tpu.memory_space<vmem>>[vector<16xi32>], vector<16xf32>,
      %parallel_loop3A_220 = arith.subf %parallel_loop3A_219, %parallel_loop3A_216 : vector<16xf32>
      %parallel_loop3A_221 = arith.mulf %parallel_loop3A_208, %parallel_loop3A_220 : vector<16xf32>
      %parallel_loop3A_222 = arith.addf %parallel_loop3A_216, %parallel_loop3A_221 : vector<16xf32>
      %parallel_loop3A_223 = arith.index_cast %parallel_loop3A_95 : i32 to index
      %parallel_loop3A_224 = arith.constant 64 : index
      %parallel_loop3A_225 = tpu.vector_load %arg9[%parallel_loop3A_223, %parallel_loop3A_224] {strides = array<i32>} : memref<192x128xf32, #tpu.memory_space<vmem>>, vector<16xf32>,
      tpu.vector_store %arg9[%parallel_loop3A_223, %parallel_loop3A_224], %parallel_loop3A_222 {strides = array<i32>} : memref<192x128xf32, #tpu.memory_space<vmem>>, vector<16xf32>,
      %parallel_loop3A_226 = arith.index_cast %parallel_loop3A_95 : i32 to index
      %parallel_loop3A_227 = arith.constant 80 : index
      %parallel_loop3A_228 = tpu.vector_load %arg9[%parallel_loop3A_226, %parallel_loop3A_227] {strides = array<i32>} : memref<192x128xf32, #tpu.memory_space<vmem>>, vector<16xf32>,
      %parallel_loop3A_229 = arith.constant 9.999990e+00 : f32
      %parallel_loop3A_230 = vector.broadcast %parallel_loop3A_229 : f32 to vector<16xf32>
      %parallel_loop3A_231 = arith.mulf %parallel_loop3A_228, %parallel_loop3A_230 : vector<16xf32>
      %parallel_loop3A_232 = arith.fptosi %parallel_loop3A_231 : vector<16xf32> to vector<16xi32>
      %parallel_loop3A_233 = arith.sitofp %parallel_loop3A_232 : vector<16xi32> to vector<16xf32>
      %parallel_loop3A_234 = arith.subf %parallel_loop3A_231, %parallel_loop3A_233 : vector<16xf32>
      %parallel_loop3A_235 = arith.constant 128 : i32
      %parallel_loop3A_236 = vector.broadcast %parallel_loop3A_235 : i32 to vector<16xi32>
      %parallel_loop3A_237 = arith.muli %parallel_loop3A_232, %parallel_loop3A_236 : vector<16xi32>
      %parallel_loop3A_238 = arith.constant 80 : i32
      %parallel_loop3A_239 = vector.broadcast %parallel_loop3A_238 : i32 to vector<16xi32>
      %parallel_loop3A_240 = arith.addi %iota3A, %parallel_loop3A_239 : vector<16xi32>
      %parallel_loop3A_241 = arith.addi %parallel_loop3A_237, %parallel_loop3A_240 : vector<16xi32>
      %parallel_loop3A_242 = tpu.vector_load_idx %arg6[%parallel_loop3A_241] : memref<1408xf32, #tpu.memory_space<vmem>>[vector<16xi32>], vector<16xf32>,
      %parallel_loop3A_243 = arith.constant 128 : i32
      %parallel_loop3A_244 = tpu.memref_slice %arg6[%parallel_loop3A_243] : memref<1408xf32, #tpu.memory_space<vmem>> -> memref<1280xf32, #tpu.memory_space<vmem>>
      %parallel_loop3A_245 = tpu.vector_load_idx %parallel_loop3A_244[%parallel_loop3A_241] : memref<1280xf32, #tpu.memory_space<vmem>>[vector<16xi32>], vector<16xf32>,
      %parallel_loop3A_246 = arith.subf %parallel_loop3A_245, %parallel_loop3A_242 : vector<16xf32>
      %parallel_loop3A_247 = arith.mulf %parallel_loop3A_234, %parallel_loop3A_246 : vector<16xf32>
      %parallel_loop3A_248 = arith.addf %parallel_loop3A_242, %parallel_loop3A_247 : vector<16xf32>
      %parallel_loop3A_249 = arith.index_cast %parallel_loop3A_95 : i32 to index
      %parallel_loop3A_250 = arith.constant 80 : index
      %parallel_loop3A_251 = tpu.vector_load %arg9[%parallel_loop3A_249, %parallel_loop3A_250] {strides = array<i32>} : memref<192x128xf32, #tpu.memory_space<vmem>>, vector<16xf32>,
      tpu.vector_store %arg9[%parallel_loop3A_249, %parallel_loop3A_250], %parallel_loop3A_248 {strides = array<i32>} : memref<192x128xf32, #tpu.memory_space<vmem>>, vector<16xf32>,
      %parallel_loop3A_252 = arith.index_cast %parallel_loop3A_95 : i32 to index
      %parallel_loop3A_253 = arith.constant 96 : index
      %parallel_loop3A_254 = tpu.vector_load %arg9[%parallel_loop3A_252, %parallel_loop3A_253] {strides = array<i32>} : memref<192x128xf32, #tpu.memory_space<vmem>>, vector<16xf32>,
      %parallel_loop3A_255 = arith.constant 9.999990e+00 : f32
      %parallel_loop3A_256 = vector.broadcast %parallel_loop3A_255 : f32 to vector<16xf32>
      %parallel_loop3A_257 = arith.mulf %parallel_loop3A_254, %parallel_loop3A_256 : vector<16xf32>
      %parallel_loop3A_258 = arith.fptosi %parallel_loop3A_257 : vector<16xf32> to vector<16xi32>
      %parallel_loop3A_259 = arith.sitofp %parallel_loop3A_258 : vector<16xi32> to vector<16xf32>
      %parallel_loop3A_260 = arith.subf %parallel_loop3A_257, %parallel_loop3A_259 : vector<16xf32>
      %parallel_loop3A_261 = arith.constant 128 : i32
      %parallel_loop3A_262 = vector.broadcast %parallel_loop3A_261 : i32 to vector<16xi32>
      %parallel_loop3A_263 = arith.muli %parallel_loop3A_258, %parallel_loop3A_262 : vector<16xi32>
      %parallel_loop3A_264 = arith.constant 96 : i32
      %parallel_loop3A_265 = vector.broadcast %parallel_loop3A_264 : i32 to vector<16xi32>
      %parallel_loop3A_266 = arith.addi %iota3A, %parallel_loop3A_265 : vector<16xi32>
      %parallel_loop3A_267 = arith.addi %parallel_loop3A_263, %parallel_loop3A_266 : vector<16xi32>
      %parallel_loop3A_268 = tpu.vector_load_idx %arg6[%parallel_loop3A_267] : memref<1408xf32, #tpu.memory_space<vmem>>[vector<16xi32>], vector<16xf32>,
      %parallel_loop3A_269 = arith.constant 128 : i32
      %parallel_loop3A_270 = tpu.memref_slice %arg6[%parallel_loop3A_269] : memref<1408xf32, #tpu.memory_space<vmem>> -> memref<1280xf32, #tpu.memory_space<vmem>>
      %parallel_loop3A_271 = tpu.vector_load_idx %parallel_loop3A_270[%parallel_loop3A_267] : memref<1280xf32, #tpu.memory_space<vmem>>[vector<16xi32>], vector<16xf32>,
      %parallel_loop3A_272 = arith.subf %parallel_loop3A_271, %parallel_loop3A_268 : vector<16xf32>
      %parallel_loop3A_273 = arith.mulf %parallel_loop3A_260, %parallel_loop3A_272 : vector<16xf32>
      %parallel_loop3A_274 = arith.addf %parallel_loop3A_268, %parallel_loop3A_273 : vector<16xf32>
      %parallel_loop3A_275 = arith.index_cast %parallel_loop3A_95 : i32 to index
      %parallel_loop3A_276 = arith.constant 96 : index
      %parallel_loop3A_277 = tpu.vector_load %arg9[%parallel_loop3A_275, %parallel_loop3A_276] {strides = array<i32>} : memref<192x128xf32, #tpu.memory_space<vmem>>, vector<16xf32>,
      tpu.vector_store %arg9[%parallel_loop3A_275, %parallel_loop3A_276], %parallel_loop3A_274 {strides = array<i32>} : memref<192x128xf32, #tpu.memory_space<vmem>>, vector<16xf32>,
      %parallel_loop3A_278 = arith.index_cast %parallel_loop3A_95 : i32 to index
      %parallel_loop3A_279 = arith.constant 112 : index
      %parallel_loop3A_280 = tpu.vector_load %arg9[%parallel_loop3A_278, %parallel_loop3A_279] {strides = array<i32>} : memref<192x128xf32, #tpu.memory_space<vmem>>, vector<16xf32>,
      %parallel_loop3A_281 = arith.constant 9.999990e+00 : f32
      %parallel_loop3A_282 = vector.broadcast %parallel_loop3A_281 : f32 to vector<16xf32>
      %parallel_loop3A_283 = arith.mulf %parallel_loop3A_280, %parallel_loop3A_282 : vector<16xf32>
      %parallel_loop3A_284 = arith.fptosi %parallel_loop3A_283 : vector<16xf32> to vector<16xi32>
      %parallel_loop3A_285 = arith.sitofp %parallel_loop3A_284 : vector<16xi32> to vector<16xf32>
      %parallel_loop3A_286 = arith.subf %parallel_loop3A_283, %parallel_loop3A_285 : vector<16xf32>
      %parallel_loop3A_287 = arith.constant 128 : i32
      %parallel_loop3A_288 = vector.broadcast %parallel_loop3A_287 : i32 to vector<16xi32>
      %parallel_loop3A_289 = arith.muli %parallel_loop3A_284, %parallel_loop3A_288 : vector<16xi32>
      %parallel_loop3A_290 = arith.constant 112 : i32
      %parallel_loop3A_291 = vector.broadcast %parallel_loop3A_290 : i32 to vector<16xi32>
      %parallel_loop3A_292 = arith.addi %iota3A, %parallel_loop3A_291 : vector<16xi32>
      %parallel_loop3A_293 = arith.addi %parallel_loop3A_289, %parallel_loop3A_292 : vector<16xi32>
      %parallel_loop3A_294 = tpu.vector_load_idx %arg6[%parallel_loop3A_293] : memref<1408xf32, #tpu.memory_space<vmem>>[vector<16xi32>], vector<16xf32>,
      %parallel_loop3A_295 = arith.constant 128 : i32
      %parallel_loop3A_296 = tpu.memref_slice %arg6[%parallel_loop3A_295] : memref<1408xf32, #tpu.memory_space<vmem>> -> memref<1280xf32, #tpu.memory_space<vmem>>
      %parallel_loop3A_297 = tpu.vector_load_idx %parallel_loop3A_296[%parallel_loop3A_293] : memref<1280xf32, #tpu.memory_space<vmem>>[vector<16xi32>], vector<16xf32>,
      %parallel_loop3A_298 = arith.subf %parallel_loop3A_297, %parallel_loop3A_294 : vector<16xf32>
      %parallel_loop3A_299 = arith.mulf %parallel_loop3A_286, %parallel_loop3A_298 : vector<16xf32>
      %parallel_loop3A_300 = arith.addf %parallel_loop3A_294, %parallel_loop3A_299 : vector<16xf32>
      %parallel_loop3A_301 = arith.index_cast %parallel_loop3A_95 : i32 to index
      %parallel_loop3A_302 = arith.constant 112 : index
      %parallel_loop3A_303 = tpu.vector_load %arg9[%parallel_loop3A_301, %parallel_loop3A_302] {strides = array<i32>} : memref<192x128xf32, #tpu.memory_space<vmem>>, vector<16xf32>,
      tpu.vector_store %arg9[%parallel_loop3A_301, %parallel_loop3A_302], %parallel_loop3A_300 {strides = array<i32>} : memref<192x128xf32, #tpu.memory_space<vmem>>, vector<16xf32>,
    } {sc.loop_unroll_factor = 4 : i64, sc.parallel_access}
    %add3A_60 = arith.constant 256 : i32
    %add3A_61 = arith.addi %mul3A_2, %add3A_60 : i32
    %dma_start3A_62 = arith.constant 0 : i32
    %dma_start3A_63 = tpu.memref_slice %arg4[%add3A_61, %dma_start3A_62] : memref<16384x128xf32, #tpu.memory_space<hbm>> -> memref<192x128xf32, #tpu.memory_space<hbm>>
    %dma_start3A_64 = arith.constant 0 : i32
    %dma_start3A_65 = tpu.memref_slice %arg4[%add3A_61, %dma_start3A_64] : memref<16384x128xf32, #tpu.memory_space<hbm>> -> memref<192x128xf32, #tpu.memory_space<hbm>>
    tpu.enqueue_dma source(%arg9 : memref<192x128xf32, #tpu.memory_space<vmem>>) target(%dma_start3A_65 : memref<192x128xf32, #tpu.memory_space<hbm>>) target_semaphore(%arg17 : memref<!tpu.dma_semaphore, #tpu.memory_space<semaphore_mem>>)
    %dma_wait3A_66 = arith.constant 0 : i32
    %dma_wait3A_67 = tpu.memref_slice %arg2[%add3A_39, %dma_wait3A_66] : memref<16384x128xf32, #tpu.memory_space<hbm>> -> memref<64x128xf32, #tpu.memory_space<hbm>>
    %dma_wait3A_68 = arith.constant 0 : i32
    %dma_wait3A_69 = tpu.memref_slice %arg2[%add3A_39, %dma_wait3A_68] : memref<16384x128xf32, #tpu.memory_space<hbm>> -> memref<64x128xf32, #tpu.memory_space<hbm>>
    tpu.wait_dma2 semaphore(%arg14 : memref<!tpu.dma_semaphore, #tpu.memory_space<semaphore_mem>>) src(%dma_wait3A_69 : memref<64x128xf32, #tpu.memory_space<hbm>>) dst(%arg10 : memref<64x128xf32, #tpu.memory_space<vmem>>)
    %parallel_loop3A_70 = arith.constant 0 : i32
    %parallel_loop3A_71 = arith.constant 64 : i32
    %parallel_loop3A_72 = arith.constant 1 : i32
    scf.for %parallel_loop3A_95 = %parallel_loop3A_70 to %parallel_loop3A_71 step %parallel_loop3A_72  : i32 {
      %parallel_loop3A_96 = arith.index_cast %parallel_loop3A_95 : i32 to index
      %parallel_loop3A_97 = arith.constant 0 : index
      %parallel_loop3A_98 = tpu.vector_load %arg10[%parallel_loop3A_96, %parallel_loop3A_97] {strides = array<i32>} : memref<64x128xf32, #tpu.memory_space<vmem>>, vector<16xf32>,
      %parallel_loop3A_99 = arith.constant 9.999990e+00 : f32
      %parallel_loop3A_100 = vector.broadcast %parallel_loop3A_99 : f32 to vector<16xf32>
      %parallel_loop3A_101 = arith.mulf %parallel_loop3A_98, %parallel_loop3A_100 : vector<16xf32>
      %parallel_loop3A_102 = arith.fptosi %parallel_loop3A_101 : vector<16xf32> to vector<16xi32>
      %parallel_loop3A_103 = arith.sitofp %parallel_loop3A_102 : vector<16xi32> to vector<16xf32>
      %parallel_loop3A_104 = arith.subf %parallel_loop3A_101, %parallel_loop3A_103 : vector<16xf32>
      %parallel_loop3A_105 = arith.constant 128 : i32
      %parallel_loop3A_106 = vector.broadcast %parallel_loop3A_105 : i32 to vector<16xi32>
      %parallel_loop3A_107 = arith.muli %parallel_loop3A_102, %parallel_loop3A_106 : vector<16xi32>
      %parallel_loop3A_108 = arith.constant 0 : i32
      %parallel_loop3A_109 = vector.broadcast %parallel_loop3A_108 : i32 to vector<16xi32>
      %parallel_loop3A_110 = arith.addi %iota3A, %parallel_loop3A_109 : vector<16xi32>
      %parallel_loop3A_111 = arith.addi %parallel_loop3A_107, %parallel_loop3A_110 : vector<16xi32>
      %parallel_loop3A_112 = tpu.vector_load_idx %arg6[%parallel_loop3A_111] : memref<1408xf32, #tpu.memory_space<vmem>>[vector<16xi32>], vector<16xf32>,
      %parallel_loop3A_113 = arith.constant 128 : i32
      %parallel_loop3A_114 = tpu.memref_slice %arg6[%parallel_loop3A_113] : memref<1408xf32, #tpu.memory_space<vmem>> -> memref<1280xf32, #tpu.memory_space<vmem>>
      %parallel_loop3A_115 = tpu.vector_load_idx %parallel_loop3A_114[%parallel_loop3A_111] : memref<1280xf32, #tpu.memory_space<vmem>>[vector<16xi32>], vector<16xf32>,
      %parallel_loop3A_116 = arith.subf %parallel_loop3A_115, %parallel_loop3A_112 : vector<16xf32>
      %parallel_loop3A_117 = arith.mulf %parallel_loop3A_104, %parallel_loop3A_116 : vector<16xf32>
      %parallel_loop3A_118 = arith.addf %parallel_loop3A_112, %parallel_loop3A_117 : vector<16xf32>
      %parallel_loop3A_119 = arith.index_cast %parallel_loop3A_95 : i32 to index
      %parallel_loop3A_120 = arith.constant 0 : index
      %parallel_loop3A_121 = tpu.vector_load %arg10[%parallel_loop3A_119, %parallel_loop3A_120] {strides = array<i32>} : memref<64x128xf32, #tpu.memory_space<vmem>>, vector<16xf32>,
      tpu.vector_store %arg10[%parallel_loop3A_119, %parallel_loop3A_120], %parallel_loop3A_118 {strides = array<i32>} : memref<64x128xf32, #tpu.memory_space<vmem>>, vector<16xf32>,
      %parallel_loop3A_122 = arith.index_cast %parallel_loop3A_95 : i32 to index
      %parallel_loop3A_123 = arith.constant 16 : index
      %parallel_loop3A_124 = tpu.vector_load %arg10[%parallel_loop3A_122, %parallel_loop3A_123] {strides = array<i32>} : memref<64x128xf32, #tpu.memory_space<vmem>>, vector<16xf32>,
      %parallel_loop3A_125 = arith.constant 9.999990e+00 : f32
      %parallel_loop3A_126 = vector.broadcast %parallel_loop3A_125 : f32 to vector<16xf32>
      %parallel_loop3A_127 = arith.mulf %parallel_loop3A_124, %parallel_loop3A_126 : vector<16xf32>
      %parallel_loop3A_128 = arith.fptosi %parallel_loop3A_127 : vector<16xf32> to vector<16xi32>
      %parallel_loop3A_129 = arith.sitofp %parallel_loop3A_128 : vector<16xi32> to vector<16xf32>
      %parallel_loop3A_130 = arith.subf %parallel_loop3A_127, %parallel_loop3A_129 : vector<16xf32>
      %parallel_loop3A_131 = arith.constant 128 : i32
      %parallel_loop3A_132 = vector.broadcast %parallel_loop3A_131 : i32 to vector<16xi32>
      %parallel_loop3A_133 = arith.muli %parallel_loop3A_128, %parallel_loop3A_132 : vector<16xi32>
      %parallel_loop3A_134 = arith.constant 16 : i32
      %parallel_loop3A_135 = vector.broadcast %parallel_loop3A_134 : i32 to vector<16xi32>
      %parallel_loop3A_136 = arith.addi %iota3A, %parallel_loop3A_135 : vector<16xi32>
      %parallel_loop3A_137 = arith.addi %parallel_loop3A_133, %parallel_loop3A_136 : vector<16xi32>
      %parallel_loop3A_138 = tpu.vector_load_idx %arg6[%parallel_loop3A_137] : memref<1408xf32, #tpu.memory_space<vmem>>[vector<16xi32>], vector<16xf32>,
      %parallel_loop3A_139 = arith.constant 128 : i32
      %parallel_loop3A_140 = tpu.memref_slice %arg6[%parallel_loop3A_139] : memref<1408xf32, #tpu.memory_space<vmem>> -> memref<1280xf32, #tpu.memory_space<vmem>>
      %parallel_loop3A_141 = tpu.vector_load_idx %parallel_loop3A_140[%parallel_loop3A_137] : memref<1280xf32, #tpu.memory_space<vmem>>[vector<16xi32>], vector<16xf32>,
      %parallel_loop3A_142 = arith.subf %parallel_loop3A_141, %parallel_loop3A_138 : vector<16xf32>
      %parallel_loop3A_143 = arith.mulf %parallel_loop3A_130, %parallel_loop3A_142 : vector<16xf32>
      %parallel_loop3A_144 = arith.addf %parallel_loop3A_138, %parallel_loop3A_143 : vector<16xf32>
      %parallel_loop3A_145 = arith.index_cast %parallel_loop3A_95 : i32 to index
      %parallel_loop3A_146 = arith.constant 16 : index
      %parallel_loop3A_147 = tpu.vector_load %arg10[%parallel_loop3A_145, %parallel_loop3A_146] {strides = array<i32>} : memref<64x128xf32, #tpu.memory_space<vmem>>, vector<16xf32>,
      tpu.vector_store %arg10[%parallel_loop3A_145, %parallel_loop3A_146], %parallel_loop3A_144 {strides = array<i32>} : memref<64x128xf32, #tpu.memory_space<vmem>>, vector<16xf32>,
      %parallel_loop3A_148 = arith.index_cast %parallel_loop3A_95 : i32 to index
      %parallel_loop3A_149 = arith.constant 32 : index
      %parallel_loop3A_150 = tpu.vector_load %arg10[%parallel_loop3A_148, %parallel_loop3A_149] {strides = array<i32>} : memref<64x128xf32, #tpu.memory_space<vmem>>, vector<16xf32>,
      %parallel_loop3A_151 = arith.constant 9.999990e+00 : f32
      %parallel_loop3A_152 = vector.broadcast %parallel_loop3A_151 : f32 to vector<16xf32>
      %parallel_loop3A_153 = arith.mulf %parallel_loop3A_150, %parallel_loop3A_152 : vector<16xf32>
      %parallel_loop3A_154 = arith.fptosi %parallel_loop3A_153 : vector<16xf32> to vector<16xi32>
      %parallel_loop3A_155 = arith.sitofp %parallel_loop3A_154 : vector<16xi32> to vector<16xf32>
      %parallel_loop3A_156 = arith.subf %parallel_loop3A_153, %parallel_loop3A_155 : vector<16xf32>
      %parallel_loop3A_157 = arith.constant 128 : i32
      %parallel_loop3A_158 = vector.broadcast %parallel_loop3A_157 : i32 to vector<16xi32>
      %parallel_loop3A_159 = arith.muli %parallel_loop3A_154, %parallel_loop3A_158 : vector<16xi32>
      %parallel_loop3A_160 = arith.constant 32 : i32
      %parallel_loop3A_161 = vector.broadcast %parallel_loop3A_160 : i32 to vector<16xi32>
      %parallel_loop3A_162 = arith.addi %iota3A, %parallel_loop3A_161 : vector<16xi32>
      %parallel_loop3A_163 = arith.addi %parallel_loop3A_159, %parallel_loop3A_162 : vector<16xi32>
      %parallel_loop3A_164 = tpu.vector_load_idx %arg6[%parallel_loop3A_163] : memref<1408xf32, #tpu.memory_space<vmem>>[vector<16xi32>], vector<16xf32>,
      %parallel_loop3A_165 = arith.constant 128 : i32
      %parallel_loop3A_166 = tpu.memref_slice %arg6[%parallel_loop3A_165] : memref<1408xf32, #tpu.memory_space<vmem>> -> memref<1280xf32, #tpu.memory_space<vmem>>
      %parallel_loop3A_167 = tpu.vector_load_idx %parallel_loop3A_166[%parallel_loop3A_163] : memref<1280xf32, #tpu.memory_space<vmem>>[vector<16xi32>], vector<16xf32>,
      %parallel_loop3A_168 = arith.subf %parallel_loop3A_167, %parallel_loop3A_164 : vector<16xf32>
      %parallel_loop3A_169 = arith.mulf %parallel_loop3A_156, %parallel_loop3A_168 : vector<16xf32>
      %parallel_loop3A_170 = arith.addf %parallel_loop3A_164, %parallel_loop3A_169 : vector<16xf32>
      %parallel_loop3A_171 = arith.index_cast %parallel_loop3A_95 : i32 to index
      %parallel_loop3A_172 = arith.constant 32 : index
      %parallel_loop3A_173 = tpu.vector_load %arg10[%parallel_loop3A_171, %parallel_loop3A_172] {strides = array<i32>} : memref<64x128xf32, #tpu.memory_space<vmem>>, vector<16xf32>,
      tpu.vector_store %arg10[%parallel_loop3A_171, %parallel_loop3A_172], %parallel_loop3A_170 {strides = array<i32>} : memref<64x128xf32, #tpu.memory_space<vmem>>, vector<16xf32>,
      %parallel_loop3A_174 = arith.index_cast %parallel_loop3A_95 : i32 to index
      %parallel_loop3A_175 = arith.constant 48 : index
      %parallel_loop3A_176 = tpu.vector_load %arg10[%parallel_loop3A_174, %parallel_loop3A_175] {strides = array<i32>} : memref<64x128xf32, #tpu.memory_space<vmem>>, vector<16xf32>,
      %parallel_loop3A_177 = arith.constant 9.999990e+00 : f32
      %parallel_loop3A_178 = vector.broadcast %parallel_loop3A_177 : f32 to vector<16xf32>
      %parallel_loop3A_179 = arith.mulf %parallel_loop3A_176, %parallel_loop3A_178 : vector<16xf32>
      %parallel_loop3A_180 = arith.fptosi %parallel_loop3A_179 : vector<16xf32> to vector<16xi32>
      %parallel_loop3A_181 = arith.sitofp %parallel_loop3A_180 : vector<16xi32> to vector<16xf32>
      %parallel_loop3A_182 = arith.subf %parallel_loop3A_179, %parallel_loop3A_181 : vector<16xf32>
      %parallel_loop3A_183 = arith.constant 128 : i32
      %parallel_loop3A_184 = vector.broadcast %parallel_loop3A_183 : i32 to vector<16xi32>
      %parallel_loop3A_185 = arith.muli %parallel_loop3A_180, %parallel_loop3A_184 : vector<16xi32>
      %parallel_loop3A_186 = arith.constant 48 : i32
      %parallel_loop3A_187 = vector.broadcast %parallel_loop3A_186 : i32 to vector<16xi32>
      %parallel_loop3A_188 = arith.addi %iota3A, %parallel_loop3A_187 : vector<16xi32>
      %parallel_loop3A_189 = arith.addi %parallel_loop3A_185, %parallel_loop3A_188 : vector<16xi32>
      %parallel_loop3A_190 = tpu.vector_load_idx %arg6[%parallel_loop3A_189] : memref<1408xf32, #tpu.memory_space<vmem>>[vector<16xi32>], vector<16xf32>,
      %parallel_loop3A_191 = arith.constant 128 : i32
      %parallel_loop3A_192 = tpu.memref_slice %arg6[%parallel_loop3A_191] : memref<1408xf32, #tpu.memory_space<vmem>> -> memref<1280xf32, #tpu.memory_space<vmem>>
      %parallel_loop3A_193 = tpu.vector_load_idx %parallel_loop3A_192[%parallel_loop3A_189] : memref<1280xf32, #tpu.memory_space<vmem>>[vector<16xi32>], vector<16xf32>,
      %parallel_loop3A_194 = arith.subf %parallel_loop3A_193, %parallel_loop3A_190 : vector<16xf32>
      %parallel_loop3A_195 = arith.mulf %parallel_loop3A_182, %parallel_loop3A_194 : vector<16xf32>
      %parallel_loop3A_196 = arith.addf %parallel_loop3A_190, %parallel_loop3A_195 : vector<16xf32>
      %parallel_loop3A_197 = arith.index_cast %parallel_loop3A_95 : i32 to index
      %parallel_loop3A_198 = arith.constant 48 : index
      %parallel_loop3A_199 = tpu.vector_load %arg10[%parallel_loop3A_197, %parallel_loop3A_198] {strides = array<i32>} : memref<64x128xf32, #tpu.memory_space<vmem>>, vector<16xf32>,
      tpu.vector_store %arg10[%parallel_loop3A_197, %parallel_loop3A_198], %parallel_loop3A_196 {strides = array<i32>} : memref<64x128xf32, #tpu.memory_space<vmem>>, vector<16xf32>,
      %parallel_loop3A_200 = arith.index_cast %parallel_loop3A_95 : i32 to index
      %parallel_loop3A_201 = arith.constant 64 : index
      %parallel_loop3A_202 = tpu.vector_load %arg10[%parallel_loop3A_200, %parallel_loop3A_201] {strides = array<i32>} : memref<64x128xf32, #tpu.memory_space<vmem>>, vector<16xf32>,
      %parallel_loop3A_203 = arith.constant 9.999990e+00 : f32
      %parallel_loop3A_204 = vector.broadcast %parallel_loop3A_203 : f32 to vector<16xf32>
      %parallel_loop3A_205 = arith.mulf %parallel_loop3A_202, %parallel_loop3A_204 : vector<16xf32>
      %parallel_loop3A_206 = arith.fptosi %parallel_loop3A_205 : vector<16xf32> to vector<16xi32>
      %parallel_loop3A_207 = arith.sitofp %parallel_loop3A_206 : vector<16xi32> to vector<16xf32>
      %parallel_loop3A_208 = arith.subf %parallel_loop3A_205, %parallel_loop3A_207 : vector<16xf32>
      %parallel_loop3A_209 = arith.constant 128 : i32
      %parallel_loop3A_210 = vector.broadcast %parallel_loop3A_209 : i32 to vector<16xi32>
      %parallel_loop3A_211 = arith.muli %parallel_loop3A_206, %parallel_loop3A_210 : vector<16xi32>
      %parallel_loop3A_212 = arith.constant 64 : i32
      %parallel_loop3A_213 = vector.broadcast %parallel_loop3A_212 : i32 to vector<16xi32>
      %parallel_loop3A_214 = arith.addi %iota3A, %parallel_loop3A_213 : vector<16xi32>
      %parallel_loop3A_215 = arith.addi %parallel_loop3A_211, %parallel_loop3A_214 : vector<16xi32>
      %parallel_loop3A_216 = tpu.vector_load_idx %arg6[%parallel_loop3A_215] : memref<1408xf32, #tpu.memory_space<vmem>>[vector<16xi32>], vector<16xf32>,
      %parallel_loop3A_217 = arith.constant 128 : i32
      %parallel_loop3A_218 = tpu.memref_slice %arg6[%parallel_loop3A_217] : memref<1408xf32, #tpu.memory_space<vmem>> -> memref<1280xf32, #tpu.memory_space<vmem>>
      %parallel_loop3A_219 = tpu.vector_load_idx %parallel_loop3A_218[%parallel_loop3A_215] : memref<1280xf32, #tpu.memory_space<vmem>>[vector<16xi32>], vector<16xf32>,
      %parallel_loop3A_220 = arith.subf %parallel_loop3A_219, %parallel_loop3A_216 : vector<16xf32>
      %parallel_loop3A_221 = arith.mulf %parallel_loop3A_208, %parallel_loop3A_220 : vector<16xf32>
      %parallel_loop3A_222 = arith.addf %parallel_loop3A_216, %parallel_loop3A_221 : vector<16xf32>
      %parallel_loop3A_223 = arith.index_cast %parallel_loop3A_95 : i32 to index
      %parallel_loop3A_224 = arith.constant 64 : index
      %parallel_loop3A_225 = tpu.vector_load %arg10[%parallel_loop3A_223, %parallel_loop3A_224] {strides = array<i32>} : memref<64x128xf32, #tpu.memory_space<vmem>>, vector<16xf32>,
      tpu.vector_store %arg10[%parallel_loop3A_223, %parallel_loop3A_224], %parallel_loop3A_222 {strides = array<i32>} : memref<64x128xf32, #tpu.memory_space<vmem>>, vector<16xf32>,
      %parallel_loop3A_226 = arith.index_cast %parallel_loop3A_95 : i32 to index
      %parallel_loop3A_227 = arith.constant 80 : index
      %parallel_loop3A_228 = tpu.vector_load %arg10[%parallel_loop3A_226, %parallel_loop3A_227] {strides = array<i32>} : memref<64x128xf32, #tpu.memory_space<vmem>>, vector<16xf32>,
      %parallel_loop3A_229 = arith.constant 9.999990e+00 : f32
      %parallel_loop3A_230 = vector.broadcast %parallel_loop3A_229 : f32 to vector<16xf32>
      %parallel_loop3A_231 = arith.mulf %parallel_loop3A_228, %parallel_loop3A_230 : vector<16xf32>
      %parallel_loop3A_232 = arith.fptosi %parallel_loop3A_231 : vector<16xf32> to vector<16xi32>
      %parallel_loop3A_233 = arith.sitofp %parallel_loop3A_232 : vector<16xi32> to vector<16xf32>
      %parallel_loop3A_234 = arith.subf %parallel_loop3A_231, %parallel_loop3A_233 : vector<16xf32>
      %parallel_loop3A_235 = arith.constant 128 : i32
      %parallel_loop3A_236 = vector.broadcast %parallel_loop3A_235 : i32 to vector<16xi32>
      %parallel_loop3A_237 = arith.muli %parallel_loop3A_232, %parallel_loop3A_236 : vector<16xi32>
      %parallel_loop3A_238 = arith.constant 80 : i32
      %parallel_loop3A_239 = vector.broadcast %parallel_loop3A_238 : i32 to vector<16xi32>
      %parallel_loop3A_240 = arith.addi %iota3A, %parallel_loop3A_239 : vector<16xi32>
      %parallel_loop3A_241 = arith.addi %parallel_loop3A_237, %parallel_loop3A_240 : vector<16xi32>
      %parallel_loop3A_242 = tpu.vector_load_idx %arg6[%parallel_loop3A_241] : memref<1408xf32, #tpu.memory_space<vmem>>[vector<16xi32>], vector<16xf32>,
      %parallel_loop3A_243 = arith.constant 128 : i32
      %parallel_loop3A_244 = tpu.memref_slice %arg6[%parallel_loop3A_243] : memref<1408xf32, #tpu.memory_space<vmem>> -> memref<1280xf32, #tpu.memory_space<vmem>>
      %parallel_loop3A_245 = tpu.vector_load_idx %parallel_loop3A_244[%parallel_loop3A_241] : memref<1280xf32, #tpu.memory_space<vmem>>[vector<16xi32>], vector<16xf32>,
      %parallel_loop3A_246 = arith.subf %parallel_loop3A_245, %parallel_loop3A_242 : vector<16xf32>
      %parallel_loop3A_247 = arith.mulf %parallel_loop3A_234, %parallel_loop3A_246 : vector<16xf32>
      %parallel_loop3A_248 = arith.addf %parallel_loop3A_242, %parallel_loop3A_247 : vector<16xf32>
      %parallel_loop3A_249 = arith.index_cast %parallel_loop3A_95 : i32 to index
      %parallel_loop3A_250 = arith.constant 80 : index
      %parallel_loop3A_251 = tpu.vector_load %arg10[%parallel_loop3A_249, %parallel_loop3A_250] {strides = array<i32>} : memref<64x128xf32, #tpu.memory_space<vmem>>, vector<16xf32>,
      tpu.vector_store %arg10[%parallel_loop3A_249, %parallel_loop3A_250], %parallel_loop3A_248 {strides = array<i32>} : memref<64x128xf32, #tpu.memory_space<vmem>>, vector<16xf32>,
      %parallel_loop3A_252 = arith.index_cast %parallel_loop3A_95 : i32 to index
      %parallel_loop3A_253 = arith.constant 96 : index
      %parallel_loop3A_254 = tpu.vector_load %arg10[%parallel_loop3A_252, %parallel_loop3A_253] {strides = array<i32>} : memref<64x128xf32, #tpu.memory_space<vmem>>, vector<16xf32>,
      %parallel_loop3A_255 = arith.constant 9.999990e+00 : f32
      %parallel_loop3A_256 = vector.broadcast %parallel_loop3A_255 : f32 to vector<16xf32>
      %parallel_loop3A_257 = arith.mulf %parallel_loop3A_254, %parallel_loop3A_256 : vector<16xf32>
      %parallel_loop3A_258 = arith.fptosi %parallel_loop3A_257 : vector<16xf32> to vector<16xi32>
      %parallel_loop3A_259 = arith.sitofp %parallel_loop3A_258 : vector<16xi32> to vector<16xf32>
      %parallel_loop3A_260 = arith.subf %parallel_loop3A_257, %parallel_loop3A_259 : vector<16xf32>
      %parallel_loop3A_261 = arith.constant 128 : i32
      %parallel_loop3A_262 = vector.broadcast %parallel_loop3A_261 : i32 to vector<16xi32>
      %parallel_loop3A_263 = arith.muli %parallel_loop3A_258, %parallel_loop3A_262 : vector<16xi32>
      %parallel_loop3A_264 = arith.constant 96 : i32
      %parallel_loop3A_265 = vector.broadcast %parallel_loop3A_264 : i32 to vector<16xi32>
      %parallel_loop3A_266 = arith.addi %iota3A, %parallel_loop3A_265 : vector<16xi32>
      %parallel_loop3A_267 = arith.addi %parallel_loop3A_263, %parallel_loop3A_266 : vector<16xi32>
      %parallel_loop3A_268 = tpu.vector_load_idx %arg6[%parallel_loop3A_267] : memref<1408xf32, #tpu.memory_space<vmem>>[vector<16xi32>], vector<16xf32>,
      %parallel_loop3A_269 = arith.constant 128 : i32
      %parallel_loop3A_270 = tpu.memref_slice %arg6[%parallel_loop3A_269] : memref<1408xf32, #tpu.memory_space<vmem>> -> memref<1280xf32, #tpu.memory_space<vmem>>
      %parallel_loop3A_271 = tpu.vector_load_idx %parallel_loop3A_270[%parallel_loop3A_267] : memref<1280xf32, #tpu.memory_space<vmem>>[vector<16xi32>], vector<16xf32>,
      %parallel_loop3A_272 = arith.subf %parallel_loop3A_271, %parallel_loop3A_268 : vector<16xf32>
      %parallel_loop3A_273 = arith.mulf %parallel_loop3A_260, %parallel_loop3A_272 : vector<16xf32>
      %parallel_loop3A_274 = arith.addf %parallel_loop3A_268, %parallel_loop3A_273 : vector<16xf32>
      %parallel_loop3A_275 = arith.index_cast %parallel_loop3A_95 : i32 to index
      %parallel_loop3A_276 = arith.constant 96 : index
      %parallel_loop3A_277 = tpu.vector_load %arg10[%parallel_loop3A_275, %parallel_loop3A_276] {strides = array<i32>} : memref<64x128xf32, #tpu.memory_space<vmem>>, vector<16xf32>,
      tpu.vector_store %arg10[%parallel_loop3A_275, %parallel_loop3A_276], %parallel_loop3A_274 {strides = array<i32>} : memref<64x128xf32, #tpu.memory_space<vmem>>, vector<16xf32>,
      %parallel_loop3A_278 = arith.index_cast %parallel_loop3A_95 : i32 to index
      %parallel_loop3A_279 = arith.constant 112 : index
      %parallel_loop3A_280 = tpu.vector_load %arg10[%parallel_loop3A_278, %parallel_loop3A_279] {strides = array<i32>} : memref<64x128xf32, #tpu.memory_space<vmem>>, vector<16xf32>,
      %parallel_loop3A_281 = arith.constant 9.999990e+00 : f32
      %parallel_loop3A_282 = vector.broadcast %parallel_loop3A_281 : f32 to vector<16xf32>
      %parallel_loop3A_283 = arith.mulf %parallel_loop3A_280, %parallel_loop3A_282 : vector<16xf32>
      %parallel_loop3A_284 = arith.fptosi %parallel_loop3A_283 : vector<16xf32> to vector<16xi32>
      %parallel_loop3A_285 = arith.sitofp %parallel_loop3A_284 : vector<16xi32> to vector<16xf32>
      %parallel_loop3A_286 = arith.subf %parallel_loop3A_283, %parallel_loop3A_285 : vector<16xf32>
      %parallel_loop3A_287 = arith.constant 128 : i32
      %parallel_loop3A_288 = vector.broadcast %parallel_loop3A_287 : i32 to vector<16xi32>
      %parallel_loop3A_289 = arith.muli %parallel_loop3A_284, %parallel_loop3A_288 : vector<16xi32>
      %parallel_loop3A_290 = arith.constant 112 : i32
      %parallel_loop3A_291 = vector.broadcast %parallel_loop3A_290 : i32 to vector<16xi32>
      %parallel_loop3A_292 = arith.addi %iota3A, %parallel_loop3A_291 : vector<16xi32>
      %parallel_loop3A_293 = arith.addi %parallel_loop3A_289, %parallel_loop3A_292 : vector<16xi32>
      %parallel_loop3A_294 = tpu.vector_load_idx %arg6[%parallel_loop3A_293] : memref<1408xf32, #tpu.memory_space<vmem>>[vector<16xi32>], vector<16xf32>,
      %parallel_loop3A_295 = arith.constant 128 : i32
      %parallel_loop3A_296 = tpu.memref_slice %arg6[%parallel_loop3A_295] : memref<1408xf32, #tpu.memory_space<vmem>> -> memref<1280xf32, #tpu.memory_space<vmem>>
      %parallel_loop3A_297 = tpu.vector_load_idx %parallel_loop3A_296[%parallel_loop3A_293] : memref<1280xf32, #tpu.memory_space<vmem>>[vector<16xi32>], vector<16xf32>,
      %parallel_loop3A_298 = arith.subf %parallel_loop3A_297, %parallel_loop3A_294 : vector<16xf32>
      %parallel_loop3A_299 = arith.mulf %parallel_loop3A_286, %parallel_loop3A_298 : vector<16xf32>
      %parallel_loop3A_300 = arith.addf %parallel_loop3A_294, %parallel_loop3A_299 : vector<16xf32>
      %parallel_loop3A_301 = arith.index_cast %parallel_loop3A_95 : i32 to index
      %parallel_loop3A_302 = arith.constant 112 : index
      %parallel_loop3A_303 = tpu.vector_load %arg10[%parallel_loop3A_301, %parallel_loop3A_302] {strides = array<i32>} : memref<64x128xf32, #tpu.memory_space<vmem>>, vector<16xf32>,
      tpu.vector_store %arg10[%parallel_loop3A_301, %parallel_loop3A_302], %parallel_loop3A_300 {strides = array<i32>} : memref<64x128xf32, #tpu.memory_space<vmem>>, vector<16xf32>,
    } {sc.loop_unroll_factor = 4 : i64, sc.parallel_access}
    %add3A_73 = arith.constant 448 : i32
    %add3A_74 = arith.addi %mul3A_2, %add3A_73 : i32
    %dma_start3A_75 = arith.constant 0 : i32
    %dma_start3A_76 = tpu.memref_slice %arg4[%add3A_74, %dma_start3A_75] : memref<16384x128xf32, #tpu.memory_space<hbm>> -> memref<64x128xf32, #tpu.memory_space<hbm>>
    %dma_start3A_77 = arith.constant 0 : i32
    %dma_start3A_78 = tpu.memref_slice %arg4[%add3A_74, %dma_start3A_77] : memref<16384x128xf32, #tpu.memory_space<hbm>> -> memref<64x128xf32, #tpu.memory_space<hbm>>
    tpu.enqueue_dma source(%arg10 : memref<64x128xf32, #tpu.memory_space<vmem>>) target(%dma_start3A_78 : memref<64x128xf32, #tpu.memory_space<hbm>>) target_semaphore(%arg18 : memref<!tpu.dma_semaphore, #tpu.memory_space<semaphore_mem>>)
    %dma_wait3A_79 = arith.constant 0 : i32
    %dma_wait3A_80 = tpu.memref_slice %arg4[%add3A_29, %dma_wait3A_79] : memref<16384x128xf32, #tpu.memory_space<hbm>> -> memref<64x128xf32, #tpu.memory_space<hbm>>
    %dma_wait3A_81 = arith.constant 0 : i32
    %dma_wait3A_82 = tpu.memref_slice %arg4[%add3A_29, %dma_wait3A_81] : memref<16384x128xf32, #tpu.memory_space<hbm>> -> memref<64x128xf32, #tpu.memory_space<hbm>>
    tpu.wait_dma2 semaphore(%arg15 : memref<!tpu.dma_semaphore, #tpu.memory_space<semaphore_mem>>) src(%arg7 : memref<64x128xf32, #tpu.memory_space<vmem>>) dst(%dma_wait3A_82 : memref<64x128xf32, #tpu.memory_space<hbm>>)
    %dma_wait3A_83 = arith.constant 0 : i32
    %dma_wait3A_84 = tpu.memref_slice %arg4[%add3A_48, %dma_wait3A_83] : memref<16384x128xf32, #tpu.memory_space<hbm>> -> memref<192x128xf32, #tpu.memory_space<hbm>>
    %dma_wait3A_85 = arith.constant 0 : i32
    %dma_wait3A_86 = tpu.memref_slice %arg4[%add3A_48, %dma_wait3A_85] : memref<16384x128xf32, #tpu.memory_space<hbm>> -> memref<192x128xf32, #tpu.memory_space<hbm>>
    tpu.wait_dma2 semaphore(%arg16 : memref<!tpu.dma_semaphore, #tpu.memory_space<semaphore_mem>>) src(%arg8 : memref<192x128xf32, #tpu.memory_space<vmem>>) dst(%dma_wait3A_86 : memref<192x128xf32, #tpu.memory_space<hbm>>)
    %dma_wait3A_87 = arith.constant 0 : i32
    %dma_wait3A_88 = tpu.memref_slice %arg4[%add3A_61, %dma_wait3A_87] : memref<16384x128xf32, #tpu.memory_space<hbm>> -> memref<192x128xf32, #tpu.memory_space<hbm>>
    %dma_wait3A_89 = arith.constant 0 : i32
    %dma_wait3A_90 = tpu.memref_slice %arg4[%add3A_61, %dma_wait3A_89] : memref<16384x128xf32, #tpu.memory_space<hbm>> -> memref<192x128xf32, #tpu.memory_space<hbm>>
    tpu.wait_dma2 semaphore(%arg17 : memref<!tpu.dma_semaphore, #tpu.memory_space<semaphore_mem>>) src(%arg9 : memref<192x128xf32, #tpu.memory_space<vmem>>) dst(%dma_wait3A_90 : memref<192x128xf32, #tpu.memory_space<hbm>>)
    %dma_wait3A_91 = arith.constant 0 : i32
    %dma_wait3A_92 = tpu.memref_slice %arg4[%add3A_74, %dma_wait3A_91] : memref<16384x128xf32, #tpu.memory_space<hbm>> -> memref<64x128xf32, #tpu.memory_space<hbm>>
    %dma_wait3A_93 = arith.constant 0 : i32
    %dma_wait3A_94 = tpu.memref_slice %arg4[%add3A_74, %dma_wait3A_93] : memref<16384x128xf32, #tpu.memory_space<hbm>> -> memref<64x128xf32, #tpu.memory_space<hbm>>
    tpu.wait_dma2 semaphore(%arg18 : memref<!tpu.dma_semaphore, #tpu.memory_space<semaphore_mem>>) src(%arg10 : memref<64x128xf32, #tpu.memory_space<vmem>>) dst(%dma_wait3A_94 : memref<64x128xf32, #tpu.memory_space<hbm>>)
    return
  }
}

</mosaic_0001>

<sc_bundles>
// kernel: kernel.3.cloned.1.call-start
scs
__scs_entry_jumppad:
0x0: {  	(pc) =	sbr.rel $0x88, $3  }
0x1: {  	(tag) =	ssettag $0x0;
	lr =	simm.s32 $0x1  }
0x2: {  	[smem:$0x3F9F] =	sst lr;
	_ =	strace $0xD0000000  }
0x3: {  	_ = 	snop  }
0x4: {  	_ = 	snop  }
0x5: {  	_ = 	snop  }
0x6: {  	_ = 	snop  }
0x7: {  	_ = 	snop  }
__scs_overlays_trampoline_lowered:
0x8: {  	[smem:$0x3FAE] =	sst s0  }
0x9: {  	[smem:$0x3FAF] =	sst s1  }
0xa: {  	[smem:$0x3FB0] =	sst s2  }
0xb: {  	[smem:$0x3FB1] =	sst s3  }
0xc: {  	[smem:$0x3FB2] =	sst s4  }
0xd: {  	[smem:$0x3FB3] =	sst s5  }
0xe: {  	[smem:$0x3FB4] =	sst s6  }
0xf: {  	[smem:$0x3FB5] =	sst s7  }
0x10: {  	[smem:$0x3FB6] =	sst s8  }
0x11: {  	[smem:$0x3FB7] =	sst s9;
	s0 =	simm.s32 @!p0 $0x0  }
0x12: {  	s1 =	sld [smem:$0x3F9D];
	s0 =	simm.s32 @p0 $0x1  }
0x13: {  	[smem:$0x3FB8] =	sst s0;
	s0 =	simm.s32 @!p1 $0x0  }
0x14: {  	s2 =	sld [smem:$0x3F9C];
	s0 =	simm.s32 @p1 $0x1  }
0x15: {  	[smem:$0x3FB9] =	sst s0;
	s0 =	simm.s32 @!p2 $0x0  }
0x16: {  	s3 =	sld [smem:$0x3FDB];
	s0 =	simm.s32 @p2 $0x1  }
0x17: {  	s4 =	simm.s32 $0x1BF5;
	[smem:$0x3FBB] =	sst s0  }
0x18: {  	s0 =	sld [smem:$0x3F9E];
	_ =	swait.ge [sflag:s4], $0x0  }
0x19: {  	s7 =	sld [smem:$0x3F9F]  }
0x1a: {  	s8 =	sadd.s32 $0xFFFFE003, lr  }
0x1b: {  	s9 =	sadd.s32 $0xFFFFFEF7, lr;
	s5 =	simm.s32 $0xFFFFFFFF;
	p2 =	slt.u32 s8, $0xFFFFF086  }
0x1c: {  	p1 =	slt.u32 s9, $0xF7A;
	s5 =	simm.s32 @!p2 $0x0  }
0x1d: {  	s5 =	simm.s32 @p1 $0x1;
	p0 =	seq.s32 s7, s2  }
0x1e: {  	s7 =	smul.u32 @!p0 $0xF7A, s2;
	p2 =	seq.s32 @!p0 s5, $0x0  }
0x1f: {  	s9 =	smul.u32 $0xF7A, s1;
	s8 =	simm.s32 @!p0 $0x1BF5;
	p2 =	por !p2, p0  }
0x20: {  	[sflag:s8] =	ssyncset.s32 @!p0 $0xFFFFF086;
	s6 =	sadd.s32 @!p0 s3, s7;
	s7 =	simm.s32 @!p0 $0x108  }
0x21: {  	s3 =	sadd.s32 s3, s9;
	s6 =	sadd.s32 @!p0 $0x88, s6;
	s7 =	simm.s32 @p2 $0x1082  }
0x22: {  	[simem:s7], [sflag:s8] =	dma.local @!p0 [hbm:s6], $0xF7A  }
0x23: {  	s9 =	sor.u32 $0xD0000000, s2;
	s6 =	simm.s32 $0x108;
	_ =	swait.ge @!p0 [sflag:s8], $0x0  }
0x24: {  	s3 =	sadd.s32 $0x88, s3;
	s6 =	simm.s32 @!p1 $0x1082;
	[sflag:s4] =	ssyncset.s32 $0xFFFFF086  }
0x25: {  	[simem:s6], [sflag:s4] =	dma.local [hbm:s3], $0xF7A  }
0x26: {  	[smem:$0x3F9F] =	sst s1;
	(tag) =	ssettag s2;
	_ =	strace s9  }
0x27: {  	s1 =	sld [smem:$0x3FAF]  }
0x28: {  	s2 =	sld [smem:$0x3FB0]  }
0x29: {  	s4 =	sld [smem:$0x3FB2]  }
0x2a: {  	p0 =	seq.s32 s5, $0x0;
	s5 =	sld [smem:$0x3FB3]  }
0x2b: {  	s6 =	sld [smem:$0x3FB4]  }
0x2c: {  	s7 =	sld [smem:$0x3FB5]  }
0x2d: {  	s3 =	simm.s32 $0x108;
	s8 =	sld [smem:$0x3FB6]  }
0x2e: {  	s3 =	simm.s32 @!p0 $0x1082;
	s9 =	sld [smem:$0x3FB7]  }
0x2f: {  	lr =	sadd.s32 s0, s3;
	s0 =	sld [smem:$0x3FAE]  }
0x30: {  	s3 =	sld [smem:$0x3FB1]  }
0x31: {  	[smem:$0x3FBA] =	sst s10  }
0x32: {  	s10 =	sld [smem:$0x3FB8];
	_ =	sdelay $0x3  }
0x33: {  	p0 =	seq.s32 s10, $0x1;
	s10 =	sld [smem:$0x3FBA];
	_ =	sdelay $0x3  }
0x34: {  	[smem:$0x3FBA] =	sst s10  }
0x35: {  	s10 =	sld [smem:$0x3FB9];
	_ =	sdelay $0x3  }
0x36: {  	p1 =	seq.s32 s10, $0x1;
	s10 =	sld [smem:$0x3FBA];
	_ =	sdelay $0x3  }
0x37: {  	[smem:$0x3FBA] =	sst s10  }
0x38: {  	s10 =	sld [smem:$0x3FBB]  }
0x39: {  	_ = 	snop;
	(pc) =	sbr.ind lr, $3  }
0x3a: {  	_ = 	snop  }
0x3b: {  	_ = 	snop  }
0x3c: {  	p2 =	seq.s32 s10, $0x1;
	s10 =	sld [smem:$0x3FBA]  }
0x3d: {  	_ =	shalt  }
0x3e: {  	_ =	shalt  }
0x3f: {  	_ =	shalt  }
0x40: {  	_ =	shalt  }
0x41: {  	_ =	shalt  }
0x42: {  	_ =	shalt  }
0x43: {  	_ =	shalt  }
0x44: {  	_ =	shalt  }
0x45: {  	_ =	shalt  }
0x46: {  	_ =	shalt  }
0x47: {  	_ =	shalt  }
0x48: {  	_ =	shalt  }
0x49: {  	_ =	shalt  }
0x4a: {  	_ =	shalt  }
0x4b: {  	_ =	shalt  }
0x4c: {  	_ =	shalt  }
0x4d: {  	_ =	shalt  }
0x4e: {  	_ =	shalt  }
0x4f: {  	_ =	shalt  }
0x50: {  	_ =	shalt  }
0x51: {  	_ =	shalt  }
0x52: {  	_ =	shalt  }
0x53: {  	_ =	shalt  }
0x54: {  	_ =	shalt  }
0x55: {  	_ =	shalt  }
0x56: {  	_ =	shalt  }
0x57: {  	_ =	shalt  }
0x58: {  	_ =	shalt  }
0x59: {  	_ =	shalt  }
0x5a: {  	_ =	shalt  }
0x5b: {  	_ =	shalt  }
0x5c: {  	_ =	shalt  }
0x5d: {  	_ =	shalt  }
0x5e: {  	_ =	shalt  }
0x5f: {  	_ =	shalt  }
0x60: {  	_ =	shalt  }
0x61: {  	_ =	shalt  }
0x62: {  	_ =	shalt  }
0x63: {  	_ =	shalt  }
0x64: {  	_ =	shalt  }
0x65: {  	_ =	shalt  }
0x66: {  	_ =	shalt  }
0x67: {  	_ =	shalt  }
0x68: {  	_ =	shalt  }
0x69: {  	_ =	shalt  }
0x6a: {  	_ =	shalt  }
0x6b: {  	_ =	shalt  }
0x6c: {  	_ =	shalt  }
0x6d: {  	_ =	shalt  }
0x6e: {  	_ =	shalt  }
0x6f: {  	_ =	shalt  }
0x70: {  	_ =	shalt  }
0x71: {  	_ =	shalt  }
0x72: {  	_ =	shalt  }
0x73: {  	_ =	shalt  }
0x74: {  	_ =	shalt  }
0x75: {  	_ =	shalt  }
0x76: {  	_ =	shalt  }
0x77: {  	_ =	shalt  }
0x78: {  	_ =	shalt  }
0x79: {  	_ =	shalt  }
0x7a: {  	_ =	shalt  }
0x7b: {  	_ =	shalt  }
0x7c: {  	_ =	shalt  }
0x7d: {  	_ =	shalt  }
0x7e: {  	_ =	shalt  }
0x7f: {  	_ =	shalt  }
0x80: {  	_ =	shalt  }
0x81: {  	_ =	shalt  }
0x82: {  	_ =	shalt  }
0x83: {  	_ =	shalt  }
0x84: {  	_ =	shalt  }
0x85: {  	_ =	shalt  }
0x86: {  	_ =	shalt  }
0x87: {  	_ =	shalt  }
.Lfunc_end0:
.L_simem_size_0:
called_computation_lowered:
.L_overlay_start_0:
0x88: {  	s2 =	sld [smem:$0x3FD9]  }
0x89: {  	s3 =	sld [smem:$0x3FFE];
	_ =	sdelay $0x1  }
0x8a: {  	s1 =	srdreg.scid  }
0x8b: {  	s0 =	sand.u32 $0x1, s1  }
0x8c: {  	s18 =	sshll.u32 s0, $0xA;
	s2 =	sadd.s32 s3, s2  }
0x8d: {  	s2 =	sadd.s32 s2, s18  }
0x8e: {  	[smem:$0x3FC6] =	sst s2  }
0x8f: {  	_ = 	snop  }
0x90: {  	s2 =	sld [smem:$0x3FC9]  }
0x91: {  	s19 =	sld [smem:$0x3FC8]  }
0x92: {  	s4 =	sld [smem:$0x3FD0];
	(tm) =	ssettm $0x1  }
0x93: {  	s5 =	sld [smem:$0x3FFB];
	_ =	sdelay $0x3  }
0x94: {  	_ =	strace s5  }
0x95: {  	s5 =	sld [smem:$0x3FFC];
	_ =	sdelay $0x3  }
0x96: {  	_ =	strace s5  }
0x97: {  	s5 =	sld [smem:$0x3FFD];
	_ =	sdelay $0x3  }
0x98: {  	_ =	strace s5  }
0x99: {  	_ =	strace $0x8FFFFFFF  }
0x9a: {  	s20 =	sld [smem:$0x3FDB];
	_ =	sdelay $0x1  }
0x9b: {  	s6 =	simm.s32 $_scs_section_size  }
0x9c: {  	s7 =	simm.s32 $_size__tile_overlayer_lowered;
	s8 =	simm.s32 $_tile_overlayer_lowered  }
0x9d: {  	s23 =	simm.s32 $0x1BFF;
	s22 =	sshll.u32 s8, $0x1;
	s5 =	sadd.s32 s6, s20  }
0x9e: {  	s9 =	simm.s32 $0x0;
	s21 =	sshll.u32 s7, $0x1;
	s7 =	sadd.s32 s22, s5  }
0x9f: {  	[timem:s9], [sflag:s23] =	dma.local [hbm:s7], s21  }
0xa0: {  	_ =	swait.ge [sflag:s23], s21  }
0xa1: {  	s6 =	ssub.s32 $0x0, s21;
	[sflag:s23] =	ssyncset.done $0x0  }
0xa2: {  	[sflag:s23] =	ssyncadd.s32 s6;
	_ =	sdelay $0x1  }
0xa3: {  	s24 =	simm.s32 $0x1B8B  }
0xa4: {  	_ =	swait.ge [sflag:s24], $0x1  }
0xa5: {  	[sflag:s24] =	ssyncset.done $0x0  }
0xa6: {  	s25 =	simm.s32 $0x1B8E;
	[sflag:s24] =	ssyncadd.s32 $0xFFFFFFFF  }
0xa7: {  	s26 =	simm.s32 $execute0_lowered;
	[smem:$0x3FD2] =	sst s25  }
0xa8: {  	s6 =	sshll.u32 s26, $0x1;
	_ =	strace $0x80000046;
	[dreg:$0x1] =	wrdreg $0xFFFFFFFF  }
0xa9: {  	s28 =	simm.s32 $_size_execute0_lowered;
	s5 =	sadd.s32 s5, s6;
	[dreg:$0x0] =	wrdreg $0x0  }
0xaa: {  	s6 =	sshll.u32 s28, $0x1;
	[dreg:$0x2] =	wrdreg s5  }
0xab: {  	[dreg:$0x3] =	wrdreg s6  }
0xac: {  	[dreg:$0x4] =	wrdreg $0xC0  }
0xad: {  	_ =	task [dreg:s9], $0x5FFFF  }
0xae: {  	[dreg:$0x1] =	wrdreg $0xFFFFFFFF  }
0xaf: {  	[dreg:$0x0] =	wrdreg $0x60  }
0xb0: {  	[dreg:$0x2] =	wrdreg s2  }
0xb1: {  	[dreg:$0x3] =	wrdreg s19  }
0xb2: {  	[dreg:$0x4] =	wrdreg s4  }
0xb3: {  	[dreg:$0x5] =	wrdreg $0x9  }
0xb4: {  	_ =	task.clear_ibuf [dreg:s9], $0x6FFFF;
	_ =	strace $0x90000046  }
0xb5: {  	s29 =	simm.s32 $0x9;
	_ =	strace $0x80000048  }
0xb6: {  	_ =	swait.ge [sflag:s29], $0x1  }
0xb7: {  	[sflag:s29] =	ssyncadd.s32 $0xFFFFFFFF  }
0xb8: {  	_ =	strace $0x90000048  }
0xb9: {  	_ =	sfence  }
0xba: {  	s30 =	sld [smem:$0x0];
	_ =	sdelay $0x2  }
0xbb: {  	s31 =	sshll.u32 s1, $0xD;
	s1 =	sshrl.u32 s1, $0x2  }
0xbc: {  	s3 =	sand.u32 $0x4000, s31;
	s1 =	sadd.s32 s1, s30  }
0xbd: {  	s0 =	sor.u32 s3, s0;
	s1 =	sshll.u32 s1, $0x11  }
0xbe: {  	s0 =	sor.u32 s1, s0  }
0xbf: {  	s0 =	sadd.s32 $0x8F2B, s0  }
0xc0: {  	[sflag:s0] =	ssyncadd.remote.s32 $0x1  }
0xc1: {  	_ =	sfence.sel $0xFFFF  }
0xc2: {  	[dreg:$0x0] =	wrdreg $0xFFFFFFFF;
	(pc) =	sbr.abs _section_cstart, $3  }
0xc3: {  	[dreg:$0x1] =	wrdreg $0xFFFFFFFF  }
0xc4: {  	_ =	task.clear_ibuf [dreg:s9], $0x2FFFF;
	_ =	strace $0x9FFFFFFF  }
0xc5: {  	(tm) =	ssettm $0x7FFFFFFF  }
tec
execute0_lowered:
.L_overlay_start_1:
0x0: {  	(tag) =	ssettag $0x1  }
0x1: {  	s0 =	rddreg [dreg:$0x0]  }
0x2: {  	s1 =	rddreg [dreg:$0x2];
	s2 =	srdreg.scid  }
0x3: {  	s3 =	simm.s32 $0x0;
	s5 =	stileid.u32;
	s14 =	simm.s32 $0x2A80  }
0x4: {  	s15 =	simm.s32 $0x9;
	s16 =	simm.s32 $0x1;
	s17 =	simm.s32 $0x8A80  }
0x5: {  	s18 =	simm.s32 $0x500;
	s19 =	simm.s32 $0x580;
	s20 =	simm.s32 $0x2  }
0x6: {  	s21 =	simm.s32 $0xEA80;
	s22 =	simm.s32 $0x3;
	s23 =	simm.s32 $0x4  }
0x7: {  	s24 =	simm.s32 $0x5;
	s25 =	simm.s32 $0x6;
	s26 =	simm.s32 $0x7  }
0x8: {  	s28 =	simm.s32 $0x8;
	s29 =	simm.s32 $0x0;
	s2 =	sand.u32 $0x1, s2  }
0x9: {  	s5 =	sshll.u32 s5, $0xE;
	s4 =	ssub.s32 $0x2, s2;
	s2 =	sshll.u32 s2, $0xD  }
0xa: {  	[smem:$0x7FF] =	sst s3;
	s6 =	sshrl.u32 s4, $0x1;
	s2 =	sor.u32 s2, s5  }
0xb: {  	_ =	strace $0x80000047;
	s12 =	ssub.s32 s4, s6;
	s9 =	sor.u32 $0x400, s2  }
0xc: {  	v0 =	vlaneseq.u32;
	s4 =	sadd.s32 s0, s2;
	s10 =	sor.u32 $0x1000, s2;
	s7 =	sadd.s32 s1, s2  }
0xd: {  	v1 =	vimm.f32 $0.0e+00;
	v2 =	vor.u32 $0x10, v0;
	s2 =	sor.u32 $0x1C00, s2;
	s5 =	sadd.s32 s0, s9;
	s6 =	sadd.s32 s0, s10  }
0xe: {  	v3 =	vor.u32 $0x20, v0;
	v4 =	vor.u32 $0x30, v0;
	v5 =	vor.u32 $0x40, v0;
	s8 =	sadd.s32 s0, s2;
	s9 =	sadd.s32 s1, s9;
	s10 =	sadd.s32 s1, s10  }
0xf: {  	v6 =	vor.u32 $0x50, v0;
	v7 =	vor.u32 $0x60, v0;
	v8 =	vor.u32 $0x70, v0;
	s11 =	sadd.s32 s1, s2;
	s12 =	smax.u32 s12, $0x1;
	s1 =	simm.s32 $0xA80  }
.LBB2_1:
0x10: {  	[tilespmem:s1], [sflag:$0x1] =	stream.linear.gather [hbm4b:s4+s3], $0x2000, $0x38;
	[tilespmem:$0x10A80] =	vst v63  }
0x11: {  	_ = 	snop  }
0x12: {  	[tilespmem:s14], [sflag:$0x2] =	stream.linear.gather [hbm4b:s5+s3], $0x6000, $0x38;
	[tilespmem:$0x10A80] =	vst v63  }
0x13: {  	s0 =	rddreg [dreg:$0x1]  }
0x14: {  	[tilespmem:s3], [sflag:$0x9] =	stream.linear.gather [hbm4b:s0+s3], $0x500, $0x38;
	[tilespmem:$0x10A80] =	vst v63  }
0x15: {  	_ =	swait.ge [sflag:s15], $0x500  }
0x16: {  	[sflag:s15] =	ssyncset.done $0x0  }
0x17: {  	s2 =	simm.s32 $0xFFFFFF80;
	[sflag:s15] =	ssyncadd.s32 $0xFFFFFB00  }
0x18: {  	v9 =	vld [tilespmem:s2+$0x80]  }
0x19: {  	v10 =	vld [tilespmem:s2+$0x180]  }
0x1a: {  	v11 =	vld [tilespmem:s2+$0x100];
	_ =	sdelay $0x1  }
0x1b: {  	v12 =	vld [tilespmem:s2+$0x200]  }
0x1c: {  	v13 =	vld [tilespmem:s2+$0x500];
	v9 =	vmul.f32 $1.442695020e+00, v9  }
0x1d: {  	v14 =	vld [tilespmem:s2+$0x300];
	v10 =	vmul.f32 $1.442695020e+00, v10  }
0x1e: {  	v15 =	vld [tilespmem:s2+$0x480];
	v11 =	vmul.f32 $1.442695020e+00, v11;
	(erf) = vpow2.f32 v9  }
0x1f: {  	v9 =	vld [tilespmem:s2+$0x280];
	(erf) = vpow2.f32 v10  }
0x20: {  	v10 =	vmul.f32 $1.442695020e+00, v12;
	(erf) = vpow2.f32 v11  }
0x21: {  	v11 =	vmul.f32 $1.442695020e+00, v13  }
0x22: {  	v12 =	vmul.f32 $1.442695020e+00, v14;
	(erf) = vpow2.f32 v10;
	v10 =	vld [tilespmem:s2+$0x380]  }
0x23: {  	v13 =	vmul.f32 $1.442695020e+00, v15;
	(erf) = vpow2.f32 v11;
	v11 =	vld [tilespmem:s2+$0x400]  }
0x24: {  	v9 =	vmul.f32 $1.442695020e+00, v9;
	(erf) = vpow2.f32 v12  }
0x25: {  	s0 =	simm.s32 $0xFFFFFF90;
	(erf) = vpow2.f32 v13  }
0x26: {  	v13 =	vld [tilespmem:s0+$0x180];
	(erf) = vpow2.f32 v9  }
0x27: {  	v9 =	vld [tilespmem:s0+$0x80];
	v12 =	vpop (erf)  }
0x28: {  	v10 =	vmul.f32 $1.442695020e+00, v10;
	v11 =	vmul.f32 $1.442695020e+00, v11;
	v16 =	vadd.f32 $0.0e+00, v12;
	v12 =	vpop (erf)  }
0x29: {  	v14 =	vld [tilespmem:s0+$0x100];
	v15 =	vpop (erf)  }
0x2a: {  	(erf) = vpow2.f32 v10;
	v10 =	vld [tilespmem:s0+$0x200];
	v18 =	vadd.f32 v15, v16  }
0x2b: {  	v17 =	vld [tilespmem:s0+$0x500];
	v13 =	vmul.f32 $1.442695020e+00, v13;
	v15 =	vpop (erf)  }
0x2c: {  	v21 =	vld [tilespmem:s0+$0x480];
	(erf) = vpow2.f32 v11;
	v9 =	vmul.f32 $1.442695020e+00, v9;
	v11 =	vpop (erf);
	v19 =	vadd.f32 v12, v18  }
0x2d: {  	v12 =	vld [tilespmem:s0+$0x300];
	v20 =	vpop (erf)  }
0x2e: {  	v14 =	vmul.f32 $1.442695020e+00, v14;
	(erf) = vpow2.f32 v9;
	v9 =	vld [tilespmem:s0+$0x280];
	v26 =	vadd.f32 v15, v19;
	v15 =	vpop (erf)  }
0x2f: {  	(erf) = vpow2.f32 v13;
	v10 =	vmul.f32 $1.442695020e+00, v10;
	v13 =	vpop (erf)  }
0x30: {  	(erf) = vpow2.f32 v14;
	v27 =	vadd.f32 v13, v26;
	v13 =	vmul.f32 $1.442695020e+00, v17  }
0x31: {  	v14 =	vmul.f32 $1.442695020e+00, v21  }
0x32: {  	(erf) = vpow2.f32 v10;
	v12 =	vmul.f32 $1.442695020e+00, v12  }
0x33: {  	v10 =	vld [tilespmem:s0+$0x380];
	v9 =	vmul.f32 $1.442695020e+00, v9;
	v28 =	vadd.f32 v20, v27;
	(erf) = vpow2.f32 v13  }
0x34: {  	s30 =	simm.s32 $0xFFFFFFA0;
	v17 =	vld [tilespmem:s0+$0x400];
	(erf) = vpow2.f32 v12;
	v13 =	vpop (erf)  }
0x35: {  	(erf) = vpow2.f32 v14;
	v30 =	vadd.f32 v13, v28;
	v13 =	vld [tilespmem:s30+$0x80]  }
0x36: {  	v14 =	vld [tilespmem:s30+$0x180];
	v12 =	vpop (erf);
	(erf) = vpow2.f32 v9  }
0x37: {  	v9 =	vpop (erf);
	v35 =	vadd.f32 v12, v30  }
0x38: {  	v9 =	vadd.f32 $0.0e+00, v9;
	v22 =	vpop (erf)  }
0x39: {  	v21 =	vld [tilespmem:s30+$0x100];
	v20 =	vmul.f32 $1.442695020e+00, v10;
	v10 =	vpop (erf);
	v12 =	vadd.f32 v15, v35  }
0x3a: {  	v15 =	vmul.f32 $1.442695020e+00, v17;
	v10 =	vadd.f32 v10, v9;
	v17 =	vld [tilespmem:s30+$0x200];
	v13 =	vmul.f32 $1.442695020e+00, v13  }
0x3b: {  	v23 =	vld [tilespmem:s30+$0x500];
	(erf) = vpow2.f32 v20;
	v24 =	vpop (erf);
	v14 =	vmul.f32 $1.442695020e+00, v14;
	v11 =	vadd.f32 v11, v12  }
0x3c: {  	(erf) = vpow2.f32 v15;
	v15 =	vld [tilespmem:s30+$0x300];
	v20 =	vadd.f32 v22, v10;
	v29 =	vpop (erf)  }
0x3d: {  	v25 =	vld [tilespmem:s30+$0x480];
	v31 =	vpop (erf);
	(erf) = vrcp.f32 v11  }
0x3e: {  	v22 =	vmul.f32 $1.442695020e+00, v21;
	v21 =	vadd.f32 v24, v20;
	(erf) = vpow2.f32 v13;
	v13 =	vpop (erf)  }
0x3f: {  	v24 =	vld [tilespmem:s30+$0x280];
	v17 =	vmul.f32 $1.442695020e+00, v17;
	(erf) = vpow2.f32 v14;
	v14 =	vpop (erf)  }
0x40: {  	[tilespmem:s2+$0x580] =	vst v1;
	(erf) = vpow2.f32 v22;
	v22 =	vadd.f32 v14, v21;
	v14 =	vmul.f32 $1.442695020e+00, v23  }
0x41: {  	[tilespmem:s0+$0x580] =	vst v1;
	v32 =	vld [tilespmem:s30+$0x400];
	v15 =	vmul.f32 $1.442695020e+00, v15  }
0x42: {  	[tilespmem:s30+$0x580] =	vst v1;
	v23 =	vmul.f32 $1.442695020e+00, v25;
	(erf) = vpow2.f32 v17  }
0x43: {  	v33 =	vld [tilespmem:s30+$0x380];
	[tilespmem:s2+$0x800] =	vst v27;
	(erf) = vpow2.f32 v14  }
0x44: {  	s31 =	simm.s32 $0xFFFFFFB0;
	[tilespmem:s2+$0x880] =	vst v28;
	v17 =	vadd.f32 v31, v22;
	v24 =	vmul.f32 $1.442695020e+00, v24;
	(erf) = vpow2.f32 v15;
	v14 =	vpop (erf)  }
0x45: {  	[tilespmem:s2+$0x900] =	vst v30;
	v25 =	vld [tilespmem:s31+$0x400];
	(erf) = vpow2.f32 v23;
	v15 =	vpop (erf)  }
0x46: {  	[tilespmem:s2+$0x980] =	vst v35;
	v31 =	vmul.f32 $1.442695020e+00, v32;
	v14 =	vadd.f32 v14, v17;
	(erf) = vpow2.f32 v24;
	v23 =	vpop (erf)  }
0x47: {  	v34 =	vld [tilespmem:s31+$0x80];
	[tilespmem:s2+$0xA00] =	vst v12;
	v36 =	vmul.f32 v16, v23;
	v37 =	vmul.f32 v18, v23  }
0x48: {  	v38 =	vld [tilespmem:s31+$0x180];
	[tilespmem:s0+$0x800] =	vst v22;
	v15 =	vadd.f32 v15, v14;
	v18 =	vmul.f32 $1.442695020e+00, v33;
	v19 =	vmul.f32 v19, v23  }
0x49: {  	[tilespmem:s0+$0x880] =	vst v17;
	v24 =	vpop (erf);
	v26 =	vmul.f32 v26, v23;
	v28 =	vmul.f32 v28, v23  }
0x4a: {  	[tilespmem:s0+$0x900] =	vst v14;
	v16 =	vadd.f32 $0.0e+00, v24;
	v57 =	vpop (erf);
	v24 =	vmul.f32 $1.442695020e+00, v25;
	v25 =	vadd.f32 v13, v15  }
0x4b: {  	v39 =	vld [tilespmem:s31+$0x100];
	v40 =	vpop (erf);
	(erf) = vpow2.f32 v18;
	[tilespmem:s2+$0x700] =	vst v19;
	v19 =	vmul.f32 v27, v23  }
0x4c: {  	v59 =	vld [tilespmem:s31+$0x200];
	[tilespmem:s2+$0x600] =	vst v36;
	v13 =	vadd.f32 v40, v16;
	v27 =	vadd.f32 v29, v25;
	v29 =	vmul.f32 $1.442695020e+00, v34  }
0x4d: {  	v56 =	vld [tilespmem:s31+$0x300];
	[tilespmem:s2+$0x780] =	vst v26;
	v41 =	vpop (erf);
	(erf) = vpow2.f32 v31;
	v31 =	vmul.f32 $1.442695020e+00, v38  }
0x4e: {  	v58 =	vld [tilespmem:s31+$0x500];
	[tilespmem:s2+$0x880] =	vst v28;
	v26 =	vpop (erf);
	v18 =	vadd.f32 v57, v13  }
0x4f: {  	v60 =	vld [tilespmem:s31+$0x480];
	v62 =	vmul.f32 v30, v23;
	[tilespmem:s2+$0x680] =	vst v37;
	v61 =	vpop (erf);
	(erf) = vrcp.f32 v27  }
0x50: {  	v28 =	vmul.f32 $1.442695020e+00, v39;
	[tilespmem:s2+$0x800] =	vst v19;
	(erf) = vpow2.f32 v29;
	v19 =	vadd.f32 v41, v18;
	v29 =	vpop (erf)  }
0x51: {  	v63 =	vmul.f32 $1.442695020e+00, v59;
	v33 =	vld [tilespmem:s31+$0x280];
	[tilespmem:s0+$0x980] =	vst v15;
	(erf) = vpow2.f32 v31;
	v31 =	vpop (erf)  }
0x52: {  	v32 =	vmul.f32 $1.442695020e+00, v56;
	[tilespmem:s2+$0x900] =	vst v62;
	(erf) = vpow2.f32 v28;
	v30 =	vadd.f32 v31, v19  }
0x53: {  	v35 =	vmul.f32 v35, v23;
	v36 =	vmul.f32 $1.442695020e+00, v58;
	[tilespmem:s0+$0xA00] =	vst v25  }
0x54: {  	s1 =	simm.s32 $0xFFFFFF00;
	v34 =	vmul.f32 $1.442695020e+00, v60;
	v28 =	vld [tilespmem:s31+$0x380];
	(erf) = vpow2.f32 v63;
	[tilespmem:s30+$0x800] =	vst v30;
	v31 =	vadd.f32 v61, v30  }
.LBB2_2:
0x55: {  	s13 =	sshra.s32 s1, $0x2;
	p0 =	sne.s32 s1, $0xFFFFFFC0;
	s1 =	sadd.s32 $0x40, s1;
	[tilespmem:s31+$0x580] =	vst v1;
	(erf) = vpow2.f32 v36;
	v36 =	vpop (erf);
	v37 =	vmul.f32 v12, v23;
	v12 =	vmov v25  }
0x56: {  	v25 =	vld [tilespmem:s13+$0x400];
	v39 =	vmul.f32 $1.442695020e+00, v33;
	(erf) = vpow2.f32 v32;
	v36 =	vadd.f32 v36, v31;
	[tilespmem:s2+$0x980] =	vst v35;
	v35 =	vmovc v30;
	v30 =	vmovc v17  }
0x57: {  	v32 =	vmul.f32 v11, v23;
	v11 =	vmov v27;
	v38 =	vld [tilespmem:s13+$0x180];
	(erf) = vpow2.f32 v34;
	v17 =	vpop (erf);
	[tilespmem:s2+$0xA00] =	vst v37  }
0x58: {  	v27 =	vld [tilespmem:s13+$0x300];
	(erf) = vpow2.f32 v39;
	[tilespmem:s30+$0x880] =	vst v31;
	v37 =	vadd.f32 v17, v36;
	v23 =	vpop (erf);
	v17 =	vmov v31  }
0x59: {  	v31 =	vld [tilespmem:s13+$0x80];
	v33 =	vpop (erf);
	v34 =	vmul.f32 v9, v23;
	v39 =	vmul.f32 v10, v23;
	[tilespmem:s2+$0xA80] =	vst v32;
	v9 =	vmov v16;
	s2 =	smov.u32 s0;
	s0 =	smov.u32 s30;
	s30 =	smov.u32 s31  }
0x5a: {  	v43 =	vmul.f32 $1.442695020e+00, v28;
	v20 =	vmul.f32 v20, v23;
	s31 =	smov.u32 s13;
	v40 =	vld [tilespmem:s13+$0x100];
	v16 =	vadd.f32 $0.0e+00, v33;
	v33 =	vpop (erf);
	[tilespmem:s0+$0x900] =	vst v36  }
0x5b: {  	v21 =	vmul.f32 v21, v23;
	v28 =	vld [tilespmem:s31+$0x380];
	v41 =	vmul.f32 $1.442695020e+00, v25;
	v32 =	vpop (erf);
	v25 =	vadd.f32 v29, v37;
	[tilespmem:s2+$0x600] =	vst v34  }
0x5c: {  	v10 =	vmovc v13;
	v42 =	vld [tilespmem:s31+$0x500];
	(erf) = vpow2.f32 v43;
	[tilespmem:s2+$0x700] =	vst v20;
	v20 =	vmul.f32 v22, v23;
	v13 =	vadd.f32 v32, v16  }
0x5d: {  	v22 =	vld [tilespmem:s31+$0x200];
	v32 =	vmul.f32 $1.442695020e+00, v27;
	v29 =	vpop (erf);
	v27 =	vadd.f32 v26, v25;
	[tilespmem:s2+$0x780] =	vst v21;
	v21 =	vmul.f32 v30, v23  }
0x5e: {  	v30 =	vmul.f32 $1.442695020e+00, v31;
	v31 =	vld [tilespmem:s31+$0x480];
	v34 =	vadd.f32 v33, v13;
	(erf) = vpow2.f32 v24;
	v26 =	vpop (erf);
	[tilespmem:s2+$0x800] =	vst v20  }
0x5f: {  	v43 =	vmul.f32 $1.442695020e+00, v38;
	v24 =	vmov v41;
	v38 =	vpop (erf);
	(erf) = vrcp.f32 v27;
	[tilespmem:s2+$0x880] =	vst v21  }
.Ltmp0:
0x60: {  	v44 =	vmul.f32 $1.442695020e+00, v40;
	(erf) = vpow2.f32 v30;
	v40 =	vadd.f32 v29, v34;
	v29 =	vpop (erf);
	[tilespmem:s2+$0x680] =	vst v39;
	(pc) =	sbr.rel @p0 .LBB2_2-.Ltmp0, $4  }
0x61: {  	v39 =	vmul.f32 v14, v23;
	v14 =	vmov v36;
	v33 =	vld [tilespmem:s31+$0x280];
	(erf) = vpow2.f32 v43;
	v20 =	vpop (erf);
	[tilespmem:s0+$0x980] =	vst v37  }
0x62: {  	v41 =	vmul.f32 $1.442695020e+00, v22;
	(erf) = vpow2.f32 v44;
	v30 =	vadd.f32 v20, v40;
	[tilespmem:s0+$0xA00] =	vst v25;
	v20 =	vmovc v18;
	v18 =	vmovc v34  }
0x63: {  	v36 =	vmul.f32 $1.442695020e+00, v42;
	v21 =	vmovc v19;
	v19 =	vmovc v40;
	v22 =	vmov v35;
	v34 =	vmul.f32 $1.442695020e+00, v31;
	[tilespmem:s2+$0x900] =	vst v39  }
0x64: {  	v35 =	vmul.f32 v15, v23;
	v15 =	vmovc v37;
	(erf) = vpow2.f32 v41;
	[tilespmem:s30+$0x800] =	vst v30;
	v31 =	vadd.f32 v38, v30  }
0x65: {  	(erf) = vpow2.f32 v36  }
0x66: {  	v40 =	vpop (erf);
	v33 =	vmul.f32 $1.442695020e+00, v33;
	(erf) = vpow2.f32 v32  }
0x67: {  	v12 =	vmul.f32 v12, v23;
	(erf) = vpow2.f32 v34;
	v41 =	vpop (erf)  }
0x68: {  	(erf) = vpow2.f32 v33;
	v42 =	vpop (erf)  }
0x69: {  	[tilespmem:s31+$0x580] =	vst v1;
	v43 =	vpop (erf)  }
0x6a: {  	v28 =	vmul.f32 $1.442695020e+00, v28;
	v36 =	vadd.f32 v40, v31;
	[tilespmem:s2+$0x980] =	vst v35;
	v34 =	vadd.f32 $0.0e+00, v43;
	v44 =	vpop (erf)  }
0x6b: {  	v11 =	vmul.f32 v11, v23;
	[tilespmem:s2+$0xA00] =	vst v12;
	v12 =	vpop (erf)  }
0x6c: {  	[tilespmem:s30+$0x880] =	vst v31;
	v23 =	vadd.f32 v41, v36;
	(erf) = vpow2.f32 v28;
	v12 =	vadd.f32 v12, v34  }
0x6d: {  	[tilespmem:s2+$0xA80] =	vst v11;
	v9 =	vmul.f32 v9, v42;
	v11 =	vmul.f32 v20, v42;
	v20 =	vpop (erf)  }
0x6e: {  	[tilespmem:s30+$0x900] =	vst v36;
	v28 =	vadd.f32 v29, v23;
	(erf) = vpow2.f32 v24;
	v29 =	vadd.f32 v44, v12;
	v24 =	vpop (erf)  }
0x6f: {  	[tilespmem:s0+$0x600] =	vst v9;
	v9 =	vmul.f32 v21, v42;
	v21 =	vpop (erf)  }
0x70: {  	[tilespmem:s0+$0x700] =	vst v11;
	v11 =	vmul.f32 v22, v42;
	v22 =	vadd.f32 v26, v28;
	v20 =	vadd.f32 v20, v29;
	v26 =	vpop (erf)  }
0x71: {  	v10 =	vmul.f32 v10, v42;
	[tilespmem:s0+$0x780] =	vst v9;
	v9 =	vmul.f32 v17, v42;
	v17 =	vpop (erf)  }
0x72: {  	[tilespmem:s0+$0x800] =	vst v11;
	v11 =	vadd.f32 v17, v20  }
0x73: {  	[tilespmem:s0+$0x680] =	vst v10;
	v10 =	vmul.f32 v14, v42;
	(erf) = vrcp.f32 v22  }
0x74: {  	[tilespmem:s0+$0x880] =	vst v9;
	v9 =	vadd.f32 v21, v11  }
0x75: {  	[tilespmem:s0+$0x900] =	vst v10;
	v10 =	vmul.f32 v15, v42;
	v14 =	vpop (erf)  }
0x76: {  	[tilespmem:s30+$0x980] =	vst v23;
	v14 =	vadd.f32 v14, v9  }
0x77: {  	[tilespmem:s0+$0x980] =	vst v10;
	v10 =	vmul.f32 v27, v42;
	v15 =	vpop (erf)  }
0x78: {  	[tilespmem:s30+$0xA00] =	vst v28;
	v17 =	vmul.f32 v25, v42;
	v15 =	vadd.f32 v15, v14  }
0x79: {  	[tilespmem:s0+$0xA80] =	vst v10  }
0x7a: {  	[tilespmem:s0+$0xA00] =	vst v17;
	v17 =	vadd.f32 v26, v15  }
0x7b: {  	[tilespmem:s31+$0x800] =	vst v11  }
0x7c: {  	[tilespmem:s31+$0x880] =	vst v9;
	v21 =	vpop (erf);
	v10 =	vadd.f32 v24, v17  }
0x7d: {  	[tilespmem:s31+$0x900] =	vst v14;
	v16 =	vmul.f32 v16, v21  }
0x7e: {  	v18 =	vmul.f32 v18, v21;
	[tilespmem:s31+$0x980] =	vst v15;
	(erf) = vrcp.f32 v10  }
0x7f: {  	v13 =	vmul.f32 v13, v21;
	[tilespmem:s30+$0x600] =	vst v16  }
0x80: {  	[tilespmem:s30+$0x700] =	vst v18  }
0x81: {  	v16 =	vmul.f32 v19, v21;
	[tilespmem:s30+$0x680] =	vst v13  }
0x82: {  	v18 =	vmul.f32 v30, v21;
	[tilespmem:s31+$0xA00] =	vst v17  }
0x83: {  	[tilespmem:s30+$0x780] =	vst v16;
	v16 =	vmul.f32 v31, v21  }
0x84: {  	v13 =	vmul.f32 v36, v21;
	[tilespmem:s30+$0x800] =	vst v18  }
0x85: {  	[tilespmem:s30+$0x880] =	vst v16;
	v16 =	vmul.f32 v23, v21  }
0x86: {  	[tilespmem:s30+$0x900] =	vst v13;
	v13 =	vmul.f32 v28, v21  }
0x87: {  	[tilespmem:s30+$0x980] =	vst v16;
	v16 =	vmul.f32 v22, v21;
	v18 =	vpop (erf)  }
0x88: {  	[tilespmem:s30+$0xA00] =	vst v13;
	v13 =	vmul.f32 v34, v18  }
0x89: {  	[tilespmem:s30+$0xA80] =	vst v16;
	v16 =	vmul.f32 v29, v18  }
0x8a: {  	v11 =	vmul.f32 v11, v18;
	[tilespmem:s31+$0x600] =	vst v13  }
0x8b: {  	v9 =	vmul.f32 v9, v18;
	[tilespmem:s31+$0x700] =	vst v16  }
0x8c: {  	v12 =	vmul.f32 v12, v18;
	[tilespmem:s31+$0x800] =	vst v11  }
0x8d: {  	v10 =	vmul.f32 v10, v18;
	[tilespmem:s31+$0x880] =	vst v9  }
0x8e: {  	v13 =	vmul.f32 v20, v18;
	[tilespmem:s31+$0x680] =	vst v12  }
0x8f: {  	v9 =	vmul.f32 v14, v18;
	[tilespmem:s31+$0xA80] =	vst v10  }
0x90: {  	v11 =	vmul.f32 v15, v18;
	[tilespmem:s31+$0x780] =	vst v13  }
0x91: {  	[tilespmem:s31+$0x900] =	vst v9;
	v9 =	vmul.f32 v17, v18  }
0x92: {  	[tilespmem:s31+$0x980] =	vst v11  }
0x93: {  	[tilespmem:s31+$0xA00] =	vst v9  }
0x94: {  	_ =	swait.ge [sflag:s16], $0x2000  }
0x95: {  	[sflag:s16] =	ssyncset.done $0x0  }
0x96: {  	s30 =	simm.s32 $0xB80;
	[sflag:s16] =	ssyncadd.s32 $0xFFFFE000  }
0x97: {  	[tilespmem:s17], [sflag:$0x3] =	stream.linear.gather [hbm4b:s6+s3], $0x6000, $0x38;
	[tilespmem:$0x10A80] =	vst v63  }
0x98: {  	v9 =	vld [tilespmem:s30+$0x80];
	_ =	sdelay $0x1  }
0x99: {  	v10 =	vld [tilespmem:s30+$0xFFFFFF80];
	_ =	sdelay $0x1  }
0x9a: {  	v11 =	vld [tilespmem:s30+$0x0]  }
0x9b: {  	v12 =	vld [tilespmem:s30+$0xFFFFFF00];
	v9 =	vmul.f32 $9.999990460e+00, v9  }
0x9c: {  	v14 =	vld [tilespmem:s30+$0xFFFFFF10]  }
0x9d: {  	v15 =	vld [tilespmem:s30+$0xFFFFFF90];
	v10 =	vmul.f32 $9.999990460e+00, v10;
	v13 =	vtrunc.f32 v9  }
0x9e: {  	v27 =	vld [tilespmem:s30+$0x90];
	v17 =	vcvt.f32.s32 v13  }
0x9f: {  	v16 =	vld [tilespmem:s30+$0x10];
	v13 =	vtrunc.f32 v10  }
0xa0: {  	v18 =	vld [tilespmem:s30+$0xFFFFFF20];
	v12 =	vmul.f32 $9.999990460e+00, v12;
	v19 =	vcvt.f32.s32 v13;
	v13 =	vshll.u32 v17, $0x7  }
0xa1: {  	v21 =	vld [tilespmem:s30+$0xFFFFFFA0];
	v11 =	vmul.f32 $9.999990460e+00, v11;
	v23 =	vor.u32 v0, v13  }
0xa2: {  	v22 =	vld [tilespmem:s30+$0x20];
	v14 =	vmul.f32 $9.999990460e+00, v14;
	v13 =	vtrunc.f32 v12;
	v25 =	vshll.u32 v19, $0x7  }
0xa3: {  	v27 =	vmul.f32 $9.999990460e+00, v27;
	v26 =	vcvt.f32.s32 v13;
	v25 =	vor.u32 v0, v25  }
0xa4: {  	v24 =	vld [tilespmem:s30+$0xFFFFFF30];
	v46 =	vmul.f32 $9.999990460e+00, v15;
	v20 =	vtrunc.f32 v11  }
0xa5: {  	v28 =	vld [tilespmem:s30+$0xFFFFFFB0];
	v47 =	vmul.f32 $9.999990460e+00, v18;
	v20 =	vcvt.f32.s32 v20;
	v29 =	vshll.u32 v26, $0x7  }
0xa6: {  	v16 =	vmul.f32 $9.999990460e+00, v16;
	v21 =	vmul.f32 $9.999990460e+00, v21;
	v29 =	vor.u32 v0, v29;
	v31 =	vld.idx.msk [tilespmem:v23+s18+$0x0], $0xffff  }
0xa7: {  	v22 =	vmul.f32 $9.999990460e+00, v22;
	v18 =	vtrunc.f32 v27;
	v13 =	vshll.u32 v20, $0x7;
	v23 =	vld.idx.msk [tilespmem:v23+s19+$0x0], $0xffff  }
0xa8: {  	v49 =	vcvt.f32.s32 v18;
	v30 =	vor.u32 v0, v13;
	v26 =	vcvt.s32.f32 v26;
	v45 =	vld.idx.msk [tilespmem:v25+s18+$0x0], $0xffff  }
0xa9: {  	v18 =	vtrunc.f32 v46;
	v17 =	vcvt.s32.f32 v17;
	v15 =	vld.idx.msk [tilespmem:v25+s19+$0x0], $0xffff  }
0xaa: {  	v19 =	vcvt.s32.f32 v19;
	v13 =	vld [tilespmem:s30+$0x30];
	v26 =	vsub.f32 v12, v26;
	v12 =	vtrunc.f32 v14  }
0xab: {  	v20 =	vcvt.s32.f32 v20;
	v12 =	vcvt.f32.s32 v12;
	v48 =	vld.idx.msk [tilespmem:v29+s18+$0x0], $0xffff  }
0xac: {  	v9 =	vsub.f32 v9, v17;
	v10 =	vsub.f32 v10, v19;
	v19 =	vshll.u32 v49, $0x7;
	v29 =	vld.idx.msk [tilespmem:v29+s19+$0x0], $0xffff  }
0xad: {  	v11 =	vsub.f32 v11, v20;
	v25 =	vld.idx.msk [tilespmem:v30+s18+$0x0], $0xffff;
	v37 =	vshll.u32 v12, $0x7;
	v17 =	vsub.f32 v23, v31  }
0xae: {  	v40 =	vcvt.s32.f32 v12;
	v23 =	vld.idx.msk [tilespmem:v30+s19+$0x0], $0xffff;
	v30 =	vcvt.f32.s32 v18;
	v15 =	vsub.f32 v15, v45  }
0xaf: {  	v20 =	vld [tilespmem:s30+$0xFFFFFF40];
	v18 =	vtrunc.f32 v16;
	v9 =	vmul.f32 v9, v17;
	v17 =	vor.u32 v2, v19  }
0xb0: {  	v12 =	vld [tilespmem:s30+$0xFFFFFFD0];
	v38 =	vcvt.f32.s32 v18;
	v39 =	vshll.u32 v30, $0x7;
	v10 =	vmul.f32 v10, v15  }
0xb1: {  	v39 =	vor.u32 v2, v39;
	v9 =	vadd.f32 v9, v31;
	v31 =	vld [tilespmem:s30+$0xA0];
	v29 =	vsub.f32 v29, v48  }
0xb2: {  	v24 =	vmul.f32 $9.999990460e+00, v24;
	v37 =	vor.u32 v2, v37;
	v18 =	vld [tilespmem:s30+$0x40];
	v15 =	vshll.u32 v38, $0x7  }
0xb3: {  	v19 =	vld [tilespmem:s30+$0xFFFFFFC0];
	v10 =	vadd.f32 v10, v45;
	v23 =	vsub.f32 v23, v25;
	[tilespmem:s30+$0x80] =	vst v9;
	v26 =	vmul.f32 v26, v29  }
0xb4: {  	v54 =	vtrunc.f32 v21;
	v30 =	vcvt.s32.f32 v30;
	v9 =	vor.u32 v2, v15;
	v50 =	vld.idx.msk [tilespmem:v17+s18+$0x0], $0xffff  }
0xb5: {  	v33 =	vcvt.f32.s32 v54;
	v29 =	vld.idx.msk [tilespmem:v17+s19+$0x0], $0xffff;
	[tilespmem:s30+$0xFFFFFF80] =	vst v10;
	v11 =	vmul.f32 v11, v23;
	v23 =	vadd.f32 v26, v48  }
0xb6: {  	v51 =	vcvt.s32.f32 v49;
	v10 =	vsub.f32 v46, v30;
	v26 =	vld.idx.msk [tilespmem:v39+s18+$0x0], $0xffff;
	v30 =	vmul.f32 $9.999990460e+00, v31  }
0xb7: {  	v28 =	vmul.f32 $9.999990460e+00, v28;
	v59 =	vshll.u32 v33, $0x7;
	v31 =	vld.idx.msk [tilespmem:v39+s19+$0x0], $0xffff;
	v11 =	vadd.f32 v11, v25;
	[tilespmem:s30+$0xFFFFFF00] =	vst v23  }
0xb8: {  	v27 =	vsub.f32 v27, v51;
	v44 =	vmul.f32 $9.999990460e+00, v13;
	v52 =	vtrunc.f32 v30;
	v53 =	vld.idx.msk [tilespmem:v37+s18+$0x0], $0xffff  }
0xb9: {  	v20 =	vmul.f32 $9.999990460e+00, v20;
	v14 =	vsub.f32 v14, v40;
	[tilespmem:s30+$0x0] =	vst v11;
	v55 =	vld.idx.msk [tilespmem:v37+s19+$0x0], $0xffff;
	v23 =	vcvt.f32.s32 v52  }
0xba: {  	v40 =	vor.u32 v3, v59;
	v12 =	vmul.f32 $9.999990460e+00, v12;
	v29 =	vsub.f32 v29, v50;
	v56 =	vld.idx.msk [tilespmem:v9+s18+$0x0], $0xffff  }
0xbb: {  	v18 =	vmul.f32 $9.999990460e+00, v18;
	v25 =	vtrunc.f32 v47;
	v9 =	vld.idx.msk [tilespmem:v9+s19+$0x0], $0xffff;
	v11 =	vshll.u32 v23, $0x7  }
0xbc: {  	v25 =	vcvt.f32.s32 v25;
	v27 =	vmul.f32 v27, v29;
	v29 =	vor.u32 v3, v11  }
0xbd: {  	v17 =	vcvt.s32.f32 v38;
	v19 =	vmul.f32 $9.999990460e+00, v19;
	v31 =	vsub.f32 v31, v26  }
0xbe: {  	v60 =	vld [tilespmem:s30+$0xB0];
	v57 =	vshll.u32 v25, $0x7;
	v11 =	vtrunc.f32 v22;
	v27 =	vadd.f32 v27, v50  }
0xbf: {  	v58 =	vcvt.f32.s32 v11;
	v31 =	vmul.f32 v10, v31;
	v36 =	vsub.f32 v55, v53  }
0xc0: {  	v16 =	vsub.f32 v16, v17;
	v38 =	vor.u32 v3, v57;
	v62 =	vsub.f32 v9, v56;
	[tilespmem:s30+$0x90] =	vst v27  }
0xc1: {  	v41 =	vshll.u32 v58, $0x7;
	v26 =	vadd.f32 v31, v26;
	v14 =	vmul.f32 v14, v36;
	v61 =	vld.idx.msk [tilespmem:v29+s18+$0x0], $0xffff  }
0xc2: {  	v25 =	vcvt.s32.f32 v25;
	v31 =	vcvt.s32.f32 v33;
	v27 =	vor.u32 v3, v41;
	v29 =	vld.idx.msk [tilespmem:v29+s19+$0x0], $0xffff  }
0xc3: {  	v15 =	vld [tilespmem:s30+$0xFFFFFF50];
	v42 =	vmul.f32 v16, v62;
	[tilespmem:s30+$0xFFFFFF90] =	vst v26;
	v26 =	vmul.f32 $9.999990460e+00, v60;
	v14 =	vadd.f32 v14, v53  }
0xc4: {  	v57 =	vtrunc.f32 v20;
	v25 =	vsub.f32 v47, v25;
	v23 =	vcvt.s32.f32 v23;
	v63 =	vld.idx.msk [tilespmem:v40+s18+$0x0], $0xffff  }
0xc5: {  	v21 =	vsub.f32 v21, v31;
	v31 =	vld.idx.msk [tilespmem:v40+s19+$0x0], $0xffff;
	v13 =	vadd.f32 v42, v56;
	v43 =	vtrunc.f32 v26;
	[tilespmem:s30+$0xFFFFFF10] =	vst v14  }
0xc6: {  	v23 =	vsub.f32 v30, v23;
	v30 =	vtrunc.f32 v28;
	v45 =	vcvt.f32.s32 v43;
	v46 =	vld.idx.msk [tilespmem:v38+s18+$0x0], $0xffff  }
0xc7: {  	v30 =	vcvt.f32.s32 v30;
	v39 =	vcvt.s32.f32 v58;
	v47 =	vld.idx.msk [tilespmem:v38+s19+$0x0], $0xffff;
	[tilespmem:s30+$0x10] =	vst v13;
	v29 =	vsub.f32 v29, v61  }
0xc8: {  	v14 =	vtrunc.f32 v24;
	v13 =	vtrunc.f32 v44;
	v49 =	vld.idx.msk [tilespmem:v27+s18+$0x0], $0xffff;
	v48 =	vshll.u32 v45, $0x7  }
0xc9: {  	v14 =	vcvt.f32.s32 v14;
	v27 =	vld.idx.msk [tilespmem:v27+s19+$0x0], $0xffff;
	v23 =	vmul.f32 v23, v29;
	v29 =	vor.u32 v4, v48  }
0xca: {  	v51 =	vld [tilespmem:s30+$0xC0];
	v52 =	vshll.u32 v30, $0x7;
	v50 =	vcvt.f32.s32 v13;
	v13 =	vsub.f32 v31, v63  }
0xcb: {  	v54 =	vor.u32 v4, v52;
	v31 =	vshll.u32 v14, $0x7;
	v23 =	vadd.f32 v23, v61  }
0xcc: {  	v17 =	vld [tilespmem:s30+$0x50];
	v13 =	vmul.f32 v21, v13;
	v21 =	vor.u32 v4, v31;
	v31 =	vsub.f32 v47, v46  }
0xcd: {  	v15 =	vmul.f32 $9.999990460e+00, v15;
	v34 =	vcvt.f32.s32 v57;
	v11 =	vld [tilespmem:s30+$0xFFFFFF60];
	v22 =	vsub.f32 v22, v39;
	[tilespmem:s30+$0xA0] =	vst v23  }
0xce: {  	v27 =	vsub.f32 v27, v49;
	v32 =	vadd.f32 v13, v63;
	v25 =	vmul.f32 v25, v31;
	v55 =	vld.idx.msk [tilespmem:v29+s18+$0x0], $0xffff  }
0xcf: {  	v33 =	vmul.f32 $9.999990460e+00, v51;
	v30 =	vcvt.s32.f32 v30;
	v53 =	vshll.u32 v50, $0x7;
	v29 =	vld.idx.msk [tilespmem:v29+s19+$0x0], $0xffff  }
0xd0: {  	v10 =	vld [tilespmem:s30+$0xFFFFFFE0];
	v23 =	vor.u32 v4, v53;
	v22 =	vmul.f32 v22, v27;
	[tilespmem:s30+$0xFFFFFFA0] =	vst v32;
	v25 =	vadd.f32 v25, v46  }
0xd1: {  	v17 =	vmul.f32 $9.999990460e+00, v17;
	v60 =	vshll.u32 v34, $0x7;
	v27 =	vsub.f32 v28, v30;
	v28 =	vld.idx.msk [tilespmem:v54+s18+$0x0], $0xffff  }
0xd2: {  	v56 =	vtrunc.f32 v33;
	v30 =	vcvt.s32.f32 v45;
	v22 =	vadd.f32 v22, v49;
	[tilespmem:s30+$0xFFFFFF20] =	vst v25;
	v25 =	vld.idx.msk [tilespmem:v54+s19+$0x0], $0xffff  }
0xd3: {  	v41 =	vtrunc.f32 v12;
	v36 =	vor.u32 v5, v60;
	v32 =	vcvt.f32.s32 v56;
	v58 =	vld.idx.msk [tilespmem:v21+s18+$0x0], $0xffff  }
0xd4: {  	v34 =	vcvt.s32.f32 v34;
	v26 =	vsub.f32 v26, v30;
	v21 =	vld.idx.msk [tilespmem:v21+s19+$0x0], $0xffff;
	[tilespmem:s30+$0x20] =	vst v22;
	v29 =	vsub.f32 v29, v55  }
0xd5: {  	v11 =	vmul.f32 $9.999990460e+00, v11;
	v31 =	vcvt.s32.f32 v50;
	v22 =	vshll.u32 v32, $0x7;
	v59 =	vld.idx.msk [tilespmem:v23+s18+$0x0], $0xffff  }
0xd6: {  	v30 =	vtrunc.f32 v19;
	v22 =	vor.u32 v5, v22;
	v23 =	vld.idx.msk [tilespmem:v23+s19+$0x0], $0xffff;
	v26 =	vmul.f32 v26, v29  }
0xd7: {  	v9 =	vld [tilespmem:s30+$0xFFFFFF70];
	v14 =	vcvt.s32.f32 v14;
	v30 =	vcvt.f32.s32 v30;
	v29 =	vsub.f32 v44, v31  }
0xd8: {  	v61 =	vld [tilespmem:s30+$0xD0];
	v31 =	vtrunc.f32 v18;
	v25 =	vsub.f32 v25, v28;
	v26 =	vadd.f32 v26, v55  }
0xd9: {  	s31 =	simm.s32 $0xD80;
	v16 =	vld [tilespmem:s30+$0x60];
	v24 =	vsub.f32 v24, v14;
	v62 =	vshll.u32 v30, $0x7;
	v31 =	vcvt.f32.s32 v31  }
0xda: {  	v39 =	vld [tilespmem:s31+$0x20];
	v21 =	vsub.f32 v21, v58;
	v25 =	vmul.f32 v27, v25;
	v27 =	vor.u32 v5, v62;
	[tilespmem:s30+$0xB0] =	vst v26  }
0xdb: {  	v10 =	vmul.f32 $9.999990460e+00, v10;
	v20 =	vsub.f32 v20, v34;
	v23 =	vsub.f32 v23, v59;
	v63 =	vld.idx.msk [tilespmem:v22+s18+$0x0], $0xffff  }
0xdc: {  	v21 =	vmul.f32 v24, v21;
	v26 =	vshll.u32 v31, $0x7;
	v24 =	vadd.f32 v25, v28;
	v22 =	vld.idx.msk [tilespmem:v22+s19+$0x0], $0xffff  }
0xdd: {  	v38 =	vld [tilespmem:s31+$0xFFFFFFA0];
	v30 =	vcvt.s32.f32 v30;
	v25 =	vor.u32 v5, v26;
	v26 =	vmul.f32 $9.999990460e+00, v61  }
0xde: {  	v9 =	vmul.f32 $9.999990460e+00, v9;
	v53 =	vld [tilespmem:s31+$0xFFFFFF00];
	v23 =	vmul.f32 v29, v23;
	v21 =	vadd.f32 v21, v58;
	[tilespmem:s30+$0xFFFFFFB0] =	vst v24  }
0xdf: {  	v19 =	vsub.f32 v19, v30;
	v29 =	vcvt.s32.f32 v32;
	v24 =	vld.idx.msk [tilespmem:v27+s18+$0x0], $0xffff;
	v30 =	vtrunc.f32 v26  }
0xe0: {  	v43 =	vtrunc.f32 v17;
	v23 =	vadd.f32 v23, v59;
	[tilespmem:s30+$0xFFFFFF30] =	vst v21;
	v21 =	vld.idx.msk [tilespmem:v27+s19+$0x0], $0xffff;
	v27 =	vcvt.f32.s32 v30  }
0xe1: {  	v16 =	vmul.f32 $9.999990460e+00, v16;
	v29 =	vsub.f32 v33, v29;
	v30 =	vld.idx.msk [tilespmem:v36+s18+$0x0], $0xffff;
	v22 =	vsub.f32 v22, v63  }
0xe2: {  	v39 =	vmul.f32 $9.999990460e+00, v39;
	v28 =	vcvt.s32.f32 v31;
	v40 =	vld.idx.msk [tilespmem:v36+s19+$0x0], $0xffff;
	[tilespmem:s30+$0x30] =	vst v23;
	v23 =	vshll.u32 v27, $0x7  }
0xe3: {  	v31 =	vtrunc.f32 v15;
	v42 =	vld.idx.msk [tilespmem:v25+s18+$0x0], $0xffff;
	v23 =	vor.u32 v6, v23;
	v22 =	vmul.f32 v29, v22  }
0xe4: {  	v18 =	vsub.f32 v18, v28;
	v28 =	vcvt.f32.s32 v31;
	v25 =	vld.idx.msk [tilespmem:v25+s19+$0x0], $0xffff;
	v29 =	vcvt.f32.s32 v41  }
0xe5: {  	v38 =	vmul.f32 $9.999990460e+00, v38;
	v31 =	vld [tilespmem:s30+$0xE0];
	v21 =	vsub.f32 v21, v24;
	v22 =	vadd.f32 v22, v63  }
0xe6: {  	v34 =	vmul.f32 $9.999990460e+00, v53;
	v44 =	vshll.u32 v28, $0x7;
	v45 =	vshll.u32 v29, $0x7  }
0xe7: {  	v32 =	vsub.f32 v40, v30;
	v19 =	vmul.f32 v19, v21;
	v21 =	vor.u32 v6, v45;
	[tilespmem:s30+$0xC0] =	vst v22  }
0xe8: {  	v58 =	vtrunc.f32 v34;
	v46 =	vor.u32 v6, v44;
	v22 =	vcvt.f32.s32 v43;
	v47 =	vld.idx.msk [tilespmem:v23+s18+$0x0], $0xffff  }
0xe9: {  	v20 =	vmul.f32 v20, v32;
	v19 =	vadd.f32 v19, v24;
	v24 =	vsub.f32 v25, v42;
	v23 =	vld.idx.msk [tilespmem:v23+s19+$0x0], $0xffff  }
0xea: {  	v28 =	vcvt.s32.f32 v28;
	v31 =	vmul.f32 $9.999990460e+00, v31;
	v25 =	vshll.u32 v22, $0x7  }
0xeb: {  	v45 =	vld [tilespmem:s31+$0x90];
	v20 =	vadd.f32 v20, v30;
	[tilespmem:s30+$0xFFFFFFC0] =	vst v19;
	v18 =	vmul.f32 v18, v24;
	v25 =	vor.u32 v6, v25  }
0xec: {  	v15 =	vsub.f32 v15, v28;
	v24 =	vcvt.s32.f32 v27;
	v27 =	vtrunc.f32 v31;
	v19 =	vld.idx.msk [tilespmem:v21+s18+$0x0], $0xffff  }
0xed: {  	v28 =	vtrunc.f32 v11;
	[tilespmem:s30+$0xFFFFFF40] =	vst v20;
	v20 =	vld.idx.msk [tilespmem:v21+s19+$0x0], $0xffff;
	v18 =	vadd.f32 v18, v42;
	v21 =	vcvt.f32.s32 v27  }
0xee: {  	v28 =	vcvt.f32.s32 v28;
	v27 =	vld.idx.msk [tilespmem:v46+s18+$0x0], $0xffff;
	v24 =	vsub.f32 v26, v24;
	v23 =	vsub.f32 v23, v47  }
0xef: {  	v41 =	vcvt.f32.s32 v58;
	v29 =	vcvt.s32.f32 v29;
	v26 =	vld.idx.msk [tilespmem:v46+s19+$0x0], $0xffff;
	[tilespmem:s30+$0x40] =	vst v18;
	v18 =	vshll.u32 v21, $0x7  }
0xf0: {  	v18 =	vor.u32 v7, v18;
	v30 =	vld.idx.msk [tilespmem:v25+s18+$0x0], $0xffff;
	v23 =	vmul.f32 v24, v23;
	v24 =	vtrunc.f32 v10  }
0xf1: {  	v12 =	vsub.f32 v12, v29;
	v22 =	vcvt.s32.f32 v22;
	v25 =	vld.idx.msk [tilespmem:v25+s19+$0x0], $0xffff;
	v24 =	vcvt.f32.s32 v24  }
0xf2: {  	v48 =	vshll.u32 v28, $0x7;
	v29 =	vld [tilespmem:s30+$0xF0];
	v20 =	vsub.f32 v20, v19;
	v23 =	vadd.f32 v23, v47  }
0xf3: {  	v17 =	vsub.f32 v17, v22;
	v22 =	vtrunc.f32 v16;
	v49 =	vshll.u32 v24, $0x7  }
0xf4: {  	v12 =	vmul.f32 v12, v20;
	[tilespmem:s30+$0xD0] =	vst v23;
	v23 =	vsub.f32 v26, v27;
	v20 =	vor.u32 v7, v49  }
0xf5: {  	v32 =	vor.u32 v7, v48;
	v45 =	vmul.f32 $9.999990460e+00, v45;
	v22 =	vcvt.f32.s32 v22;
	v26 =	vld.idx.msk [tilespmem:v18+s18+$0x0], $0xffff  }
0xf6: {  	v25 =	vsub.f32 v25, v30;
	v18 =	vld.idx.msk [tilespmem:v18+s19+$0x0], $0xffff;
	v12 =	vadd.f32 v12, v19;
	v15 =	vmul.f32 v15, v23  }
0xf7: {  	v14 =	vld [tilespmem:s30+$0x70];
	v50 =	vshll.u32 v22, $0x7;
	v24 =	vcvt.s32.f32 v24;
	v23 =	vmul.f32 $9.999990460e+00, v29  }
0xf8: {  	v13 =	vld [tilespmem:s30+$0xFFFFFFF0];
	v19 =	vor.u32 v7, v50;
	v17 =	vmul.f32 v17, v25;
	[tilespmem:s30+$0xFFFFFFD0] =	vst v12;
	v15 =	vadd.f32 v15, v27  }
0xf9: {  	v12 =	vcvt.s32.f32 v21;
	v21 =	vtrunc.f32 v23;
	v25 =	vld.idx.msk [tilespmem:v20+s18+$0x0], $0xffff  }
0xfa: {  	v10 =	vsub.f32 v10, v24;
	v17 =	vadd.f32 v17, v30;
	v21 =	vcvt.f32.s32 v21;
	[tilespmem:s30+$0xFFFFFF50] =	vst v15;
	v15 =	vld.idx.msk [tilespmem:v20+s19+$0x0], $0xffff  }
0xfb: {  	v50 =	vtrunc.f32 v39;
	v12 =	vsub.f32 v31, v12;
	v18 =	vsub.f32 v18, v26;
	v27 =	vld.idx.msk [tilespmem:v32+s18+$0x0], $0xffff  }
0xfc: {  	v30 =	vmul.f32 $9.999990460e+00, v14;
	v20 =	vcvt.s32.f32 v28;
	v28 =	vshll.u32 v21, $0x7;
	v29 =	vld.idx.msk [tilespmem:v32+s19+$0x0], $0xffff;
	[tilespmem:s30+$0x50] =	vst v17  }
0xfd: {  	v12 =	vmul.f32 v12, v18;
	v17 =	vor.u32 v8, v28;
	v18 =	vcvt.s32.f32 v22;
	v28 =	vld.idx.msk [tilespmem:v19+s18+$0x0], $0xffff  }
0xfe: {  	v22 =	vmul.f32 $9.999990460e+00, v13;
	v13 =	vtrunc.f32 v9;
	v11 =	vsub.f32 v11, v20;
	v20 =	vld [tilespmem:s31+$0x80]  }
0xff: {  	v24 =	vtrunc.f32 v30;
	v19 =	vld.idx.msk [tilespmem:v19+s19+$0x0], $0xffff;
	v13 =	vcvt.f32.s32 v13;
	v12 =	vadd.f32 v12, v26  }
0x100: {  	v21 =	vcvt.s32.f32 v21;
	v14 =	vtrunc.f32 v22;
	v16 =	vsub.f32 v16, v18  }
0x101: {  	v26 =	vcvt.f32.s32 v14;
	v14 =	vshll.u32 v13, $0x7;
	[tilespmem:s30+$0xE0] =	vst v12;
	v12 =	vcvt.f32.s32 v24  }
0x102: {  	v31 =	vld [tilespmem:s31+$0xFFFFFF80];
	v24 =	vsub.f32 v15, v25;
	v15 =	vor.u32 v8, v14;
	v29 =	vsub.f32 v29, v27  }
0x103: {  	v51 =	vld.idx.msk [tilespmem:v17+s18+$0x0], $0xffff;
	v18 =	vshll.u32 v26, $0x7;
	v20 =	vmul.f32 $9.999990460e+00, v20;
	v26 =	vcvt.s32.f32 v26  }
0x104: {  	v52 =	vld.idx.msk [tilespmem:v17+s19+$0x0], $0xffff;
	v55 =	vsub.f32 v19, v28;
	v17 =	vshll.u32 v12, $0x7;
	v10 =	vmul.f32 v10, v24  }
0x105: {  	v14 =	vor.u32 v8, v18;
	v18 =	vcvt.s32.f32 v13;
	v11 =	vmul.f32 v11, v29  }
0x106: {  	v24 =	vld [tilespmem:s31+$0x0];
	v44 =	vcvt.s32.f32 v12;
	v54 =	vtrunc.f32 v20;
	v13 =	vadd.f32 v10, v25  }
0x107: {  	v25 =	vmul.f32 $9.999990460e+00, v31;
	v10 =	vsub.f32 v9, v18;
	v35 =	vcvt.f32.s32 v54  }
0x108: {  	v9 =	vsub.f32 v22, v26;
	v22 =	vld [tilespmem:s31+$0xFFFFFF20];
	v12 =	vadd.f32 v11, v27;
	v11 =	vshll.u32 v41, $0x7  }
0x109: {  	v56 =	vld [tilespmem:s31+$0x10];
	v16 =	vmul.f32 v16, v55;
	v59 =	vor.u32 v0, v11;
	v18 =	vtrunc.f32 v25  }
0x10a: {  	v55 =	vld [tilespmem:s31+$0xA0];
	v41 =	vcvt.s32.f32 v41;
	v19 =	vshll.u32 v35, $0x7;
	v18 =	vcvt.f32.s32 v18  }
0x10b: {  	v23 =	vsub.f32 v23, v21;
	v31 =	vld [tilespmem:s31+$0xFFFFFF90];
	v26 =	vmul.f32 $9.999990460e+00, v24;
	v57 =	vor.u32 v0, v19  }
0x10c: {  	v29 =	vld [tilespmem:s31+$0xFFFFFF10];
	v33 =	vsub.f32 v52, v51;
	v34 =	vsub.f32 v34, v41;
	v42 =	vshll.u32 v18, $0x7  }
0x10d: {  	v24 =	vtrunc.f32 v26;
	v41 =	vmul.f32 $9.999990460e+00, v22;
	v22 =	vld [tilespmem:s31+$0xFFFFFFD0];
	v42 =	vor.u32 v0, v42  }
0x10e: {  	v11 =	vsub.f32 v30, v44;
	v23 =	vmul.f32 v23, v33;
	v43 =	vcvt.f32.s32 v24;
	v62 =	vld.idx.msk [tilespmem:v59+s18+$0x0], $0xffff  }
0x10f: {  	v36 =	vmul.f32 $9.999990460e+00, v55;
	v30 =	vcvt.s32.f32 v18;
	v18 =	vadd.f32 v16, v28;
	v33 =	vld.idx.msk [tilespmem:v59+s19+$0x0], $0xffff  }
0x110: {  	v31 =	vmul.f32 $9.999990460e+00, v31;
	v28 =	vcvt.s32.f32 v35;
	v24 =	vshll.u32 v43, $0x7;
	v60 =	vld.idx.msk [tilespmem:v57+s18+$0x0], $0xffff  }
0x111: {  	v35 =	vmul.f32 $9.999990460e+00, v56;
	v16 =	vadd.f32 v23, v51;
	v40 =	vld.idx.msk [tilespmem:v57+s19+$0x0], $0xffff;
	v27 =	vor.u32 v0, v24  }
0x112: {  	v23 =	vmul.f32 $9.999990460e+00, v29;
	v25 =	vsub.f32 v25, v30;
	v30 =	vtrunc.f32 v45;
	v61 =	vld.idx.msk [tilespmem:v42+s18+$0x0], $0xffff  }
0x113: {  	v43 =	vcvt.s32.f32 v43;
	v63 =	vcvt.f32.s32 v30;
	v29 =	vld.idx.msk [tilespmem:v42+s19+$0x0], $0xffff  }
0x114: {  	v20 =	vsub.f32 v20, v28;
	v30 =	vtrunc.f32 v31;
	v52 =	vtrunc.f32 v23  }
0x115: {  	v46 =	vcvt.f32.s32 v30;
	v26 =	vsub.f32 v26, v43;
	v30 =	vshll.u32 v63, $0x7  }
0x116: {  	v43 =	vcvt.f32.s32 v52;
	v22 =	vmul.f32 $9.999990460e+00, v22;
	v40 =	vsub.f32 v40, v60;
	v32 =	vld.idx.msk [tilespmem:v27+s18+$0x0], $0xffff  }
0x117: {  	v53 =	vor.u32 v2, v30;
	v30 =	vtrunc.f32 v35;
	v48 =	vshll.u32 v46, $0x7;
	v27 =	vld.idx.msk [tilespmem:v27+s19+$0x0], $0xffff  }
0x118: {  	v33 =	vsub.f32 v33, v62;
	v20 =	vmul.f32 v20, v40;
	v47 =	vsub.f32 v29, v61  }
0x119: {  	v28 =	vld [tilespmem:s31+$0xFFFFFF40];
	v56 =	vcvt.f32.s32 v30;
	v49 =	vshll.u32 v43, $0x7;
	v43 =	vcvt.s32.f32 v43  }
0x11a: {  	v21 =	vld [tilespmem:s31+$0xFFFFFFB0];
	v54 =	vor.u32 v2, v48;
	v20 =	vadd.f32 v20, v60;
	v25 =	vmul.f32 v25, v47  }
0x11b: {  	v30 =	vld [tilespmem:s31+$0x40];
	v33 =	vmul.f32 v34, v33;
	v57 =	vshll.u32 v56, $0x7;
	v43 =	vsub.f32 v23, v43  }
0x11c: {  	v23 =	vld [tilespmem:s31+$0xFFFFFFE0];
	[tilespmem:s31+$0x80] =	vst v20;
	v20 =	vor.u32 v2, v49;
	v27 =	vsub.f32 v27, v32;
	v25 =	vadd.f32 v25, v61  }
0x11d: {  	v46 =	vcvt.s32.f32 v46;
	v42 =	vcvt.s32.f32 v63;
	v58 =	vor.u32 v2, v57;
	v49 =	vld.idx.msk [tilespmem:v53+s18+$0x0], $0xffff  }
0x11e: {  	v28 =	vmul.f32 $9.999990460e+00, v28;
	v33 =	vadd.f32 v33, v62;
	v26 =	vmul.f32 v26, v27;
	[tilespmem:s31+$0xFFFFFF80] =	vst v25;
	v25 =	vld.idx.msk [tilespmem:v53+s19+$0x0], $0xffff  }
0x11f: {  	v59 =	vcvt.s32.f32 v56;
	v62 =	vtrunc.f32 v38;
	v44 =	vld.idx.msk [tilespmem:v54+s18+$0x0], $0xffff  }
0x120: {  	v31 =	vsub.f32 v31, v46;
	v46 =	vcvt.f32.s32 v62;
	[tilespmem:s31+$0xFFFFFF00] =	vst v33;
	v60 =	vld.idx.msk [tilespmem:v54+s19+$0x0], $0xffff;
	v32 =	vadd.f32 v26, v32  }
0x121: {  	v42 =	vsub.f32 v45, v42;
	v35 =	vsub.f32 v35, v59;
	v30 =	vmul.f32 $9.999990460e+00, v30;
	v63 =	vld.idx.msk [tilespmem:v20+s18+$0x0], $0xffff  }
0x122: {  	v51 =	vshll.u32 v46, $0x7;
	v46 =	vcvt.s32.f32 v46;
	v61 =	vtrunc.f32 v36;
	v54 =	vld.idx.msk [tilespmem:v20+s19+$0x0], $0xffff;
	[tilespmem:s31+$0x0] =	vst v32  }
0x123: {  	v47 =	vmul.f32 $9.999990460e+00, v21;
	v57 =	vor.u32 v3, v51;
	v33 =	vcvt.f32.s32 v61;
	v55 =	vld.idx.msk [tilespmem:v58+s18+$0x0], $0xffff  }
0x124: {  	v23 =	vmul.f32 $9.999990460e+00, v23;
	v53 =	vtrunc.f32 v41;
	v34 =	vld.idx.msk [tilespmem:v58+s19+$0x0], $0xffff;
	v25 =	vsub.f32 v25, v49  }
0x125: {  	v19 =	vld [tilespmem:s31+$0xFFFFFF30];
	v45 =	vcvt.f32.s32 v53;
	v52 =	vcvt.s32.f32 v33;
	v20 =	vshll.u32 v33, $0x7  }
0x126: {  	v24 =	vld [tilespmem:s31+$0x30];
	v56 =	vor.u32 v3, v20;
	v37 =	vsub.f32 v60, v44;
	v25 =	vmul.f32 v42, v25  }
0x127: {  	v59 =	vld [tilespmem:s31+$0xB0];
	v58 =	vcvt.f32.s32 v50;
	v60 =	vshll.u32 v45, $0x7;
	v32 =	vsub.f32 v54, v63  }
0x128: {  	v29 =	vld [tilespmem:s31+$0xFFFFFFC0];
	v45 =	vcvt.s32.f32 v45;
	v31 =	vmul.f32 v31, v37;
	v25 =	vadd.f32 v25, v49  }
0x129: {  	v27 =	vld [tilespmem:s31+$0xFFFFFF50];
	v40 =	vcvt.s32.f32 v58;
	v32 =	vmul.f32 v43, v32;
	v34 =	vsub.f32 v34, v55  }
0x12a: {  	v26 =	vld [tilespmem:s31+$0x50];
	v61 =	vor.u32 v3, v60;
	v43 =	vmul.f32 $9.999990460e+00, v19;
	v31 =	vadd.f32 v31, v44;
	[tilespmem:s31+$0x90] =	vst v25  }
0x12b: {  	v25 =	vshll.u32 v58, $0x7;
	v32 =	vadd.f32 v32, v63;
	v21 =	vmul.f32 v35, v34;
	v50 =	vld.idx.msk [tilespmem:v56+s18+$0x0], $0xffff  }
0x12c: {  	v35 =	vsub.f32 v41, v45;
	v41 =	vmul.f32 $9.999990460e+00, v59;
	[tilespmem:s31+$0xFFFFFF90] =	vst v31;
	v31 =	vld.idx.msk [tilespmem:v56+s19+$0x0], $0xffff;
	v62 =	vor.u32 v3, v25  }
0x12d: {  	v17 =	vor.u32 v8, v17;
	v54 =	vtrunc.f32 v47;
	v37 =	vmul.f32 $9.999990460e+00, v24;
	v51 =	vld.idx.msk [tilespmem:v57+s18+$0x0], $0xffff  }
0x12e: {  	v24 =	vtrunc.f32 v43;
	v63 =	vld.idx.msk [tilespmem:v57+s19+$0x0], $0xffff;
	[tilespmem:s31+$0xFFFFFF10] =	vst v32;
	v21 =	vadd.f32 v21, v55;
	v55 =	vtrunc.f32 v41  }
0x12f: {  	v53 =	vsub.f32 v38, v46;
	v56 =	vcvt.f32.s32 v54;
	v45 =	vld.idx.msk [tilespmem:v61+s18+$0x0], $0xffff;
	v46 =	vcvt.f32.s32 v55  }
0x130: {  	v32 =	vsub.f32 v36, v52;
	v36 =	vcvt.f32.s32 v24;
	v44 =	vld.idx.msk [tilespmem:v61+s19+$0x0], $0xffff;
	[tilespmem:s31+$0x10] =	vst v21;
	v21 =	vtrunc.f32 v37  }
0x131: {  	v58 =	vcvt.f32.s32 v21;
	v21 =	vshll.u32 v46, $0x7;
	v48 =	vld.idx.msk [tilespmem:v62+s18+$0x0], $0xffff;
	v24 =	vsub.f32 v31, v50  }
0x132: {  	v29 =	vmul.f32 $9.999990460e+00, v29;
	v27 =	vmul.f32 $9.999990460e+00, v27;
	v57 =	vld.idx.msk [tilespmem:v62+s19+$0x0], $0xffff;
	v59 =	vor.u32 v4, v21  }
0x133: {  	v20 =	vld [tilespmem:s31+$0xFFFFFF60];
	v62 =	vshll.u32 v56, $0x7;
	v31 =	vsub.f32 v63, v51;
	v24 =	vmul.f32 v32, v24  }
0x134: {  	v60 =	vsub.f32 v39, v40;
	v61 =	vshll.u32 v36, $0x7;
	v40 =	vor.u32 v4, v62  }
0x135: {  	[tilespmem:s30+$0xFFFFFFE0] =	vst v13;
	v55 =	vld [tilespmem:s31+$0xC0];
	v44 =	vsub.f32 v44, v45;
	v31 =	vmul.f32 v53, v31;
	v63 =	vadd.f32 v24, v50  }
0x136: {  	v13 =	vld.idx.msk [tilespmem:v14+s18+$0x0], $0xffff;
	v26 =	vmul.f32 $9.999990460e+00, v26;
	v39 =	vor.u32 v4, v61;
	v54 =	vshll.u32 v58, $0x7  }
0x137: {  	v35 =	vmul.f32 v35, v44;
	v31 =	vadd.f32 v31, v51;
	v38 =	vsub.f32 v57, v48;
	[tilespmem:s31+$0xA0] =	vst v63  }
0x138: {  	v20 =	vmul.f32 $9.999990460e+00, v20;
	v34 =	vcvt.s32.f32 v56;
	v56 =	vor.u32 v4, v54;
	v44 =	vld.idx.msk [tilespmem:v59+s18+$0x0], $0xffff  }
0x139: {  	v36 =	vcvt.s32.f32 v36;
	v32 =	vld.idx.msk [tilespmem:v59+s19+$0x0], $0xffff;
	v33 =	vmul.f32 v60, v38;
	[tilespmem:s31+$0xFFFFFFA0] =	vst v31;
	v31 =	vadd.f32 v35, v45  }
0x13a: {  	v34 =	vsub.f32 v47, v34;
	v42 =	vcvt.s32.f32 v58;
	v35 =	vmul.f32 $9.999990460e+00, v55;
	v38 =	vld.idx.msk [tilespmem:v40+s18+$0x0], $0xffff  }
0x13b: {  	v61 =	vtrunc.f32 v30;
	v58 =	vcvt.s32.f32 v46;
	[tilespmem:s31+$0xFFFFFF20] =	vst v31;
	v31 =	vld.idx.msk [tilespmem:v40+s19+$0x0], $0xffff;
	v33 =	vadd.f32 v33, v48  }
0x13c: {  	v37 =	vsub.f32 v37, v42;
	v60 =	vtrunc.f32 v29;
	v59 =	vtrunc.f32 v35;
	v42 =	vld.idx.msk [tilespmem:v39+s18+$0x0], $0xffff  }
0x13d: {  	v36 =	vsub.f32 v43, v36;
	v46 =	vcvt.f32.s32 v60;
	v45 =	vcvt.f32.s32 v59;
	v39 =	vld.idx.msk [tilespmem:v39+s19+$0x0], $0xffff;
	[tilespmem:s31+$0x20] =	vst v33  }
0x13e: {  	v57 =	vtrunc.f32 v28;
	v40 =	vsub.f32 v41, v58;
	v32 =	vsub.f32 v32, v44;
	v41 =	vld.idx.msk [tilespmem:v56+s18+$0x0], $0xffff  }
0x13f: {  	[tilespmem:s30+$0x60] =	vst v18;
	v43 =	vcvt.f32.s32 v57;
	v55 =	vshll.u32 v46, $0x7;
	v47 =	vld.idx.msk [tilespmem:v56+s19+$0x0], $0xffff;
	v62 =	vshll.u32 v45, $0x7  }
0x140: {  	v54 =	vld.idx.msk [tilespmem:v14+s19+$0x0], $0xffff;
	v63 =	vor.u32 v5, v62;
	v32 =	vmul.f32 v40, v32;
	v31 =	vsub.f32 v31, v38  }
0x141: {  	v14 =	vld.idx.msk [tilespmem:v17+s18+$0x0], $0xffff;
	v53 =	vshll.u32 v43, $0x7;
	v33 =	vcvt.f32.s32 v61;
	v59 =	vor.u32 v5, v55  }
0x142: {  	v58 =	vld [tilespmem:s31+$0xD0];
	v57 =	vsub.f32 v39, v42;
	v18 =	vadd.f32 v32, v44;
	v31 =	vmul.f32 v34, v31  }
0x143: {  	v50 =	vld.idx.msk [tilespmem:v17+s19+$0x0], $0xffff;
	v43 =	vcvt.s32.f32 v43;
	v48 =	vor.u32 v5, v53;
	v56 =	vshll.u32 v33, $0x7  }
0x144: {  	v62 =	vsub.f32 v47, v41;
	[tilespmem:s31+$0xB0] =	vst v18;
	v18 =	vmul.f32 v36, v57;
	v31 =	vadd.f32 v31, v38  }
0x145: {  	v60 =	vcvt.s32.f32 v46;
	v28 =	vsub.f32 v28, v43;
	v61 =	vor.u32 v5, v56;
	v36 =	vld.idx.msk [tilespmem:v63+s18+$0x0], $0xffff  }
0x146: {  	v51 =	vtrunc.f32 v27;
	v63 =	vld.idx.msk [tilespmem:v63+s19+$0x0], $0xffff;
	v32 =	vmul.f32 v37, v62;
	v17 =	vadd.f32 v18, v42;
	[tilespmem:s31+$0xFFFFFFB0] =	vst v31  }
0x147: {  	v29 =	vsub.f32 v29, v60;
	v52 =	vcvt.s32.f32 v45;
	v31 =	vmul.f32 $9.999990460e+00, v58;
	v34 =	vld.idx.msk [tilespmem:v59+s18+$0x0], $0xffff  }
0x148: {  	v33 =	vcvt.s32.f32 v33;
	v56 =	vtrunc.f32 v26;
	v39 =	vld.idx.msk [tilespmem:v59+s19+$0x0], $0xffff;
	v18 =	vadd.f32 v32, v41;
	[tilespmem:s31+$0xFFFFFF30] =	vst v17  }
0x149: {  	v53 =	vtrunc.f32 v31;
	v17 =	vsub.f32 v54, v13;
	v54 =	vtrunc.f32 v22;
	v41 =	vld.idx.msk [tilespmem:v48+s18+$0x0], $0xffff  }
0x14a: {  	v30 =	vsub.f32 v30, v33;
	v40 =	vcvt.f32.s32 v53;
	v55 =	vld.idx.msk [tilespmem:v48+s19+$0x0], $0xffff;
	[tilespmem:s31+$0x30] =	vst v18;
	v59 =	vcvt.f32.s32 v54  }
0x14b: {  	v33 =	vcvt.f32.s32 v51;
	v32 =	vsub.f32 v35, v52;
	v57 =	vsub.f32 v63, v36;
	v58 =	vld.idx.msk [tilespmem:v61+s18+$0x0], $0xffff  }
0x14c: {  	v44 =	vcvt.f32.s32 v56;
	v60 =	vld.idx.msk [tilespmem:v61+s19+$0x0], $0xffff;
	v61 =	vshll.u32 v40, $0x7;
	v48 =	vshll.u32 v59, $0x7  }
0x14d: {  	v25 =	vld [tilespmem:s31+$0x60];
	v32 =	vmul.f32 v32, v57;
	v62 =	vor.u32 v6, v61;
	v39 =	vsub.f32 v39, v34  }
0x14e: {  	v18 =	vsub.f32 v50, v14;
	v63 =	vshll.u32 v33, $0x7;
	v50 =	vor.u32 v6, v48  }
0x14f: {  	v51 =	vld [tilespmem:s31+$0xE0];
	v32 =	vadd.f32 v32, v36;
	v49 =	vsub.f32 v55, v41;
	v29 =	vmul.f32 v29, v39  }
0x150: {  	v56 =	vcvt.s32.f32 v44;
	v52 =	vshll.u32 v44, $0x7;
	v45 =	vor.u32 v6, v63  }
0x151: {  	v53 =	vsub.f32 v60, v58;
	[tilespmem:s31+$0xC0] =	vst v32;
	v28 =	vmul.f32 v28, v49;
	v29 =	vadd.f32 v29, v34  }
0x152: {  	v37 =	vmul.f32 $9.999990460e+00, v25;
	v54 =	vor.u32 v6, v52;
	v33 =	vcvt.s32.f32 v33;
	v55 =	vld.idx.msk [tilespmem:v62+s18+$0x0], $0xffff  }
0x153: {  	v38 =	vcvt.s32.f32 v59;
	v35 =	vld.idx.msk [tilespmem:v62+s19+$0x0], $0xffff;
	v28 =	vadd.f32 v28, v41;
	[tilespmem:s31+$0xFFFFFFC0] =	vst v29;
	v29 =	vmul.f32 v30, v53  }
0x154: {  	v25 =	vcvt.s32.f32 v40;
	v27 =	vsub.f32 v27, v33;
	v32 =	vmul.f32 $9.999990460e+00, v51;
	v30 =	vld.idx.msk [tilespmem:v50+s18+$0x0], $0xffff  }
0x155: {  	v57 =	vtrunc.f32 v20;
	v61 =	vsub.f32 v26, v56;
	[tilespmem:s31+$0xFFFFFF40] =	vst v28;
	v28 =	vld.idx.msk [tilespmem:v50+s19+$0x0], $0xffff;
	v29 =	vadd.f32 v29, v58  }
0x156: {  	v22 =	vsub.f32 v22, v38;
	v60 =	vtrunc.f32 v23;
	v59 =	vtrunc.f32 v32;
	v58 =	vld.idx.msk [tilespmem:v45+s18+$0x0], $0xffff  }
0x157: {  	v25 =	vsub.f32 v31, v25;
	v48 =	vcvt.f32.s32 v60;
	v26 =	vld.idx.msk [tilespmem:v45+s19+$0x0], $0xffff;
	[tilespmem:s31+$0x40] =	vst v29;
	v29 =	vcvt.f32.s32 v59  }
0x158: {  	v33 =	vcvt.f32.s32 v57;
	v62 =	vtrunc.f32 v37;
	v31 =	vsub.f32 v35, v55;
	v63 =	vld.idx.msk [tilespmem:v54+s18+$0x0], $0xffff  }
0x159: {  	v39 =	vcvt.f32.s32 v62;
	v51 =	vshll.u32 v48, $0x7;
	v34 =	vld.idx.msk [tilespmem:v54+s19+$0x0], $0xffff;
	v49 =	vshll.u32 v29, $0x7  }
0x15a: {  	v19 =	vld [tilespmem:s31+$0xFFFFFF70];
	v43 =	vor.u32 v7, v51;
	v25 =	vmul.f32 v25, v31;
	v31 =	vor.u32 v7, v49  }
0x15b: {  	v21 =	vld [tilespmem:s31+$0xFFFFFFF0];
	v50 =	vshll.u32 v33, $0x7;
	v52 =	vshll.u32 v39, $0x7;
	v28 =	vsub.f32 v28, v30  }
0x15c: {  	v53 =	vld [tilespmem:s31+$0xF0];
	v40 =	vor.u32 v7, v50;
	v44 =	vor.u32 v7, v52;
	v25 =	vadd.f32 v25, v55  }
0x15d: {  	[tilespmem:s30+$0xFFFFFF60] =	vst v12;
	v24 =	vld [tilespmem:s31+$0x70];
	v54 =	vcvt.s32.f32 v48;
	v26 =	vsub.f32 v26, v58;
	v22 =	vmul.f32 v22, v28  }
0x15e: {  	v12 =	vld.idx.msk [tilespmem:v15+s18+$0x0], $0xffff;
	v29 =	vcvt.s32.f32 v29;
	v28 =	vcvt.s32.f32 v33;
	[tilespmem:s31+$0xD0] =	vst v25;
	v34 =	vsub.f32 v34, v63  }
0x15f: {  	v27 =	vmul.f32 v27, v26;
	v25 =	vmul.f32 $9.999990460e+00, v19;
	v22 =	vadd.f32 v22, v30;
	v55 =	vld.idx.msk [tilespmem:v31+s18+$0x0], $0xffff  }
0x160: {  	v29 =	vsub.f32 v32, v29;
	v30 =	vcvt.s32.f32 v39;
	v31 =	vld.idx.msk [tilespmem:v31+s19+$0x0], $0xffff;
	v19 =	vmul.f32 v61, v34  }
0x161: {  	v15 =	vld.idx.msk [tilespmem:v15+s19+$0x0], $0xffff;
	v56 =	vadd.f32 v27, v58;
	[tilespmem:s31+$0xFFFFFFD0] =	vst v22;
	v22 =	vmul.f32 $9.999990460e+00, v21;
	v21 =	vmul.f32 $9.999990460e+00, v53  }
0x162: {  	v26 =	vsub.f32 v20, v28;
	v20 =	vsub.f32 v23, v54;
	v23 =	vmul.f32 $9.999990460e+00, v24;
	v28 =	vld.idx.msk [tilespmem:v43+s18+$0x0], $0xffff  }
0x163: {  	v57 =	vtrunc.f32 v25;
	v58 =	vld.idx.msk [tilespmem:v43+s19+$0x0], $0xffff;
	v19 =	vadd.f32 v19, v63;
	[tilespmem:s31+$0xFFFFFF50] =	vst v56;
	v24 =	vtrunc.f32 v21  }
0x164: {  	v27 =	vsub.f32 v37, v30;
	v33 =	vcvt.f32.s32 v57;
	v30 =	vld.idx.msk [tilespmem:v40+s18+$0x0], $0xffff;
	v24 =	vcvt.f32.s32 v24  }
0x165: {  	v60 =	vtrunc.f32 v23;
	v59 =	vtrunc.f32 v22;
	v35 =	vld.idx.msk [tilespmem:v40+s19+$0x0], $0xffff;
	[tilespmem:s31+$0x50] =	vst v19;
	v61 =	vsub.f32 v31, v55  }
0x166: {  	v32 =	vcvt.f32.s32 v59;
	v19 =	vshll.u32 v33, $0x7;
	v36 =	vld.idx.msk [tilespmem:v44+s19+$0x0], $0xffff;
	v62 =	vshll.u32 v24, $0x7  }
0x167: {  	v31 =	vcvt.f32.s32 v60;
	v63 =	vmul.f32 v29, v61;
	v34 =	vor.u32 v8, v62;
	v29 =	vld.idx.msk [tilespmem:v44+s18+$0x0], $0xffff  }
0x168: {  	v15 =	vsub.f32 v15, v12;
	v19 =	vor.u32 v8, v19;
	v37 =	vsub.f32 v58, v28  }
0x169: {  	s2 =	simm.s32 $0xF80;
	s0 =	simm.s32 $0x4;
	[tilespmem:s30+$0xF0] =	vst v16;
	v38 =	vshll.u32 v32, $0x7;
	v16 =	vshll.u32 v31, $0x7;
	v39 =	vadd.f32 v63, v55  }
.LBB2_4:
0x16a: {  	v40 =	vld [tilespmem:s2+$0x80];
	v35 =	vsub.f32 v35, v30;
	v37 =	vmul.f32 v20, v37;
	v20 =	vor.u32 v8, v38  }
0x16b: {  	v33 =	vcvt.s32.f32 v33;
	v32 =	vcvt.s32.f32 v32;
	v16 =	vor.u32 v8, v16;
	v38 =	vld [tilespmem:s2+$0xFFFFFF80];
	[tilespmem:s31+$0xE0] =	vst v39  }
0x16c: {  	v26 =	vmul.f32 v26, v35;
	v28 =	vadd.f32 v37, v28;
	v35 =	vsub.f32 v36, v29;
	v36 =	vld.idx.msk [tilespmem:v34+s18+$0x0], $0xffff  }
0x16d: {  	v31 =	vcvt.s32.f32 v31;
	v25 =	vsub.f32 v25, v33;
	v22 =	vsub.f32 v22, v32;
	v32 =	vld.idx.msk [tilespmem:v34+s19+$0x0], $0xffff  }
0x16e: {  	v15 =	vmul.f32 v10, v15;
	v33 =	vld [tilespmem:s2+$0x0];
	v26 =	vadd.f32 v26, v30;
	[tilespmem:s31+$0xFFFFFFE0] =	vst v28;
	v27 =	vmul.f32 v27, v35  }
0x16f: {  	v17 =	vmul.f32 v9, v17;
	v23 =	vsub.f32 v23, v31;
	v10 =	vmovc v25;
	v9 =	vmovc v22;
	v28 =	vld [tilespmem:s2+$0xFFFFFF00];
	v30 =	vmul.f32 $9.999990460e+00, v40  }
0x170: {  	v18 =	vmul.f32 v11, v18;
	v25 =	vld [tilespmem:s2+$0xFFFFFF10];
	v31 =	vmul.f32 $9.999990460e+00, v38;
	[tilespmem:s31+$0xFFFFFF60] =	vst v26;
	v22 =	vadd.f32 v27, v29  }
0x171: {  	v24 =	vcvt.s32.f32 v24;
	v12 =	vadd.f32 v15, v12;
	v11 =	vmovc v23;
	v26 =	vld [tilespmem:s2+$0xFFFFFF90];
	v27 =	vtrunc.f32 v30  }
0x172: {  	s0 =	sadd.s32 $0x4, s0;
	v13 =	vadd.f32 v17, v13;
	v15 =	vtrunc.f32 v31;
	v29 =	vld [tilespmem:s2+$0x10];
	v27 =	vcvt.f32.s32 v27;
	[tilespmem:s31+$0x60] =	vst v22  }
0x173: {  	p0 =	slt.u32 s0, $0x3C;
	v21 =	vsub.f32 v21, v24;
	v22 =	vsub.f32 v32, v36;
	v17 =	vld [tilespmem:s2+$0xFFFFFF20];
	v23 =	vmul.f32 $9.999990460e+00, v33;
	[tilespmem:s30+$0xFFFFFF70] =	vst v12  }
0x174: {  	v15 =	vcvt.f32.s32 v15;
	v24 =	vmul.f32 $9.999990460e+00, v28;
	v32 =	vld [tilespmem:s2+$0xFFFFFFA0];
	v12 =	vshll.u32 v27, $0x7;
	[tilespmem:s30+$0xFFFFFFF0] =	vst v13  }
0x175: {  	v21 =	vmul.f32 v21, v22;
	v28 =	vtrunc.f32 v23;
	v33 =	vld [tilespmem:s2+$0x20];
	v34 =	vor.u32 v0, v12  }
0x176: {  	v22 =	vshll.u32 v15, $0x7;
	v12 =	vtrunc.f32 v24;
	v13 =	vld [tilespmem:s2+$0xFFFFFF30];
	v28 =	vcvt.f32.s32 v28  }
0x177: {  	v37 =	vor.u32 v0, v22;
	v21 =	vadd.f32 v21, v36;
	v35 =	vcvt.f32.s32 v12;
	v12 =	vld [tilespmem:s2+$0xFFFFFFB0]  }
0x178: {  	v15 =	vcvt.s32.f32 v15;
	v36 =	vcvt.s32.f32 v28;
	v22 =	vshll.u32 v28, $0x7;
	v28 =	vld [tilespmem:s2+$0x90]  }
0x179: {  	v38 =	vcvt.s32.f32 v35;
	v35 =	vshll.u32 v35, $0x7;
	v39 =	vor.u32 v0, v22;
	v22 =	vld [tilespmem:s2+$0x30];
	[tilespmem:s31+$0xF0] =	vst v21  }
0x17a: {  	v31 =	vsub.f32 v31, v15;
	v21 =	vor.u32 v0, v35;
	v35 =	vsub.f32 v23, v36;
	v36 =	vld.idx.msk [tilespmem:v34+s18+$0x0], $0xffff  }
0x17b: {  	v25 =	vmul.f32 $9.999990460e+00, v25;
	v26 =	vmul.f32 $9.999990460e+00, v26;
	v24 =	vsub.f32 v24, v38;
	v15 =	vld.idx.msk [tilespmem:v34+s19+$0x0], $0xffff  }
0x17c: {  	v14 =	vadd.f32 v18, v14;
	v29 =	vmul.f32 $9.999990460e+00, v29;
	v23 =	vmul.f32 $9.999990460e+00, v17;
	v34 =	vld.idx.msk [tilespmem:v37+s18+$0x0], $0xffff  }
0x17d: {  	v17 =	vtrunc.f32 v25;
	v18 =	vld.idx.msk [tilespmem:v37+s19+$0x0], $0xffff;
	v37 =	vmul.f32 $9.999990460e+00, v28  }
0x17e: {  	v40 =	vtrunc.f32 v29;
	v28 =	vtrunc.f32 v26;
	v38 =	vld.idx.msk [tilespmem:v39+s18+$0x0], $0xffff;
	[tilespmem:s30+$0x70] =	vst v14;
	s30 =	smov.u32 s31;
	s31 =	smov.u32 s2  }
0x17f: {  	v14 =	vcvt.s32.f32 v27;
	v41 =	vld.idx.msk [tilespmem:v21+s18+$0x0], $0xffff;
	v27 =	vtrunc.f32 v37  }
0x180: {  	v42 =	vcvt.f32.s32 v17;
	v21 =	vld.idx.msk [tilespmem:v21+s19+$0x0], $0xffff;
	v43 =	vcvt.f32.s32 v27  }
0x181: {  	v27 =	vcvt.f32.s32 v28;
	v14 =	vsub.f32 v30, v14;
	v17 =	vsub.f32 v15, v36;
	v39 =	vld.idx.msk [tilespmem:v39+s19+$0x0], $0xffff  }
0x182: {  	v40 =	vcvt.f32.s32 v40;
	v30 =	vshll.u32 v42, $0x7;
	v28 =	vld [tilespmem:s2+$0xFFFFFF40];
	v44 =	vshll.u32 v43, $0x7  }
0x183: {  	v18 =	vsub.f32 v18, v34;
	v45 =	vmul.f32 v14, v17;
	v15 =	vld [tilespmem:s2+$0xFFFFFFC0];
	v44 =	vor.u32 v2, v44  }
0x184: {  	v47 =	vshll.u32 v40, $0x7;
	v30 =	vor.u32 v2, v30;
	v46 =	vshll.u32 v27, $0x7;
	v14 =	vld [tilespmem:s2+$0x40]  }
0x185: {  	v18 =	vmul.f32 v31, v18;
	v31 =	vor.u32 v2, v46;
	v36 =	vadd.f32 v45, v36;
	v17 =	vld [tilespmem:s2+$0xFFFFFF50]  }
0x186: {  	v42 =	vcvt.s32.f32 v42;
	v45 =	vor.u32 v2, v47;
	v21 =	vsub.f32 v21, v41;
	v46 =	vld [tilespmem:s2+$0xA0]  }
0x187: {  	v27 =	vcvt.s32.f32 v27;
	v34 =	vadd.f32 v18, v34;
	v39 =	vsub.f32 v39, v38;
	v18 =	vld [tilespmem:s2+$0xFFFFFFD0];
	[tilespmem:s2+$0x80] =	vst v36  }
0x188: {  	v21 =	vmul.f32 v24, v21;
	v36 =	vsub.f32 v25, v42;
	v24 =	vcvt.s32.f32 v40;
	v40 =	vld.idx.msk [tilespmem:v44+s18+$0x0], $0xffff  }
0x189: {  	v32 =	vmul.f32 $9.999990460e+00, v32;
	v25 =	vmul.f32 v35, v39;
	[tilespmem:s2+$0xFFFFFF80] =	vst v34;
	v34 =	vsub.f32 v26, v27;
	v26 =	vld.idx.msk [tilespmem:v44+s19+$0x0], $0xffff  }
0x18a: {  	v33 =	vmul.f32 $9.999990460e+00, v33;
	v21 =	vadd.f32 v21, v41;
	v29 =	vsub.f32 v29, v24;
	v35 =	vld.idx.msk [tilespmem:v31+s18+$0x0], $0xffff  }
0x18b: {  	v24 =	vtrunc.f32 v23;
	v25 =	vadd.f32 v25, v38;
	v31 =	vld.idx.msk [tilespmem:v31+s19+$0x0], $0xffff;
	v38 =	vmul.f32 $9.999990460e+00, v46  }
0x18c: {  	v39 =	vtrunc.f32 v33;
	[tilespmem:s2+$0xFFFFFF00] =	vst v21;
	v21 =	vtrunc.f32 v32;
	v27 =	vld [tilespmem:s2+$0x50]  }
0x18d: {  	v41 =	vld.idx.msk [tilespmem:v30+s18+$0x0], $0xffff;
	[tilespmem:s2+$0x0] =	vst v25;
	v25 =	vcvt.s32.f32 v43;
	v42 =	vtrunc.f32 v38  }
0x18e: {  	v43 =	vcvt.f32.s32 v24;
	v30 =	vld.idx.msk [tilespmem:v30+s19+$0x0], $0xffff;
	v42 =	vcvt.f32.s32 v42  }
0x18f: {  	v44 =	vcvt.f32.s32 v21;
	v24 =	vsub.f32 v26, v40;
	v46 =	vld.idx.msk [tilespmem:v45+s18+$0x0], $0xffff;
	v21 =	vsub.f32 v37, v25  }
0x190: {  	v39 =	vcvt.f32.s32 v39;
	v26 =	vshll.u32 v43, $0x7;
	v37 =	vld.idx.msk [tilespmem:v45+s19+$0x0], $0xffff;
	v45 =	vshll.u32 v42, $0x7  }
0x191: {  	v31 =	vsub.f32 v31, v35;
	v25 =	vld [tilespmem:s2+$0xFFFFFF60];
	v21 =	vmul.f32 v21, v24;
	v45 =	vor.u32 v3, v45  }
0x192: {  	v48 =	vshll.u32 v39, $0x7;
	v47 =	vor.u32 v3, v26;
	v24 =	vshll.u32 v44, $0x7;
	v26 =	vld [tilespmem:s2+$0xFFFFFFE0]  }
0x193: {  	v31 =	vmul.f32 v34, v31;
	v34 =	vor.u32 v3, v24;
	v24 =	vld [tilespmem:s2+$0x60];
	v40 =	vadd.f32 v21, v40  }
0x194: {  	v48 =	vor.u32 v3, v48;
	v43 =	vcvt.s32.f32 v43;
	v30 =	vsub.f32 v30, v41;
	v49 =	vld [tilespmem:s2+$0xB0]  }
0x195: {  	v39 =	vcvt.s32.f32 v39;
	v31 =	vadd.f32 v31, v35;
	v35 =	vcvt.s32.f32 v44;
	v21 =	vld [tilespmem:s2+$0xFFFFFF70];
	[tilespmem:s2+$0x90] =	vst v40  }
0x196: {  	v30 =	vmul.f32 v36, v30;
	v36 =	vsub.f32 v23, v43;
	v23 =	vsub.f32 v37, v46;
	v37 =	vld.idx.msk [tilespmem:v45+s18+$0x0], $0xffff  }
0x197: {  	v40 =	vmul.f32 $9.999990460e+00, v13;
	v13 =	vsub.f32 v32, v35;
	[tilespmem:s2+$0xFFFFFF90] =	vst v31;
	v31 =	vsub.f32 v33, v39;
	v32 =	vld.idx.msk [tilespmem:v45+s19+$0x0], $0xffff  }
0x198: {  	v35 =	vmul.f32 $9.999990460e+00, v12;
	v30 =	vadd.f32 v30, v41;
	v12 =	vmul.f32 v29, v23;
	v33 =	vld.idx.msk [tilespmem:v34+s18+$0x0], $0xffff  }
0x199: {  	v29 =	vmul.f32 $9.999990460e+00, v22;
	v23 =	vld.idx.msk [tilespmem:v34+s19+$0x0], $0xffff;
	v34 =	vmul.f32 $9.999990460e+00, v49  }
0x19a: {  	v39 =	vtrunc.f32 v35;
	v12 =	vadd.f32 v12, v46;
	[tilespmem:s2+$0xFFFFFF10] =	vst v30;
	v30 =	vtrunc.f32 v40;
	v22 =	vld [tilespmem:s2+$0xFFFFFFF0]  }
0x19b: {  	v42 =	vcvt.s32.f32 v42;
	v41 =	vld.idx.msk [tilespmem:v47+s18+$0x0], $0xffff;
	v43 =	vtrunc.f32 v34  }
0x19c: {  	v44 =	vld.idx.msk [tilespmem:v47+s19+$0x0], $0xffff;
	[tilespmem:s2+$0x10] =	vst v12;
	v12 =	vtrunc.f32 v29;
	v43 =	vcvt.f32.s32 v43  }
0x19d: {  	v38 =	vsub.f32 v38, v42;
	v30 =	vcvt.f32.s32 v30;
	v32 =	vsub.f32 v32, v37;
	v45 =	vld.idx.msk [tilespmem:v48+s18+$0x0], $0xffff  }
0x19e: {  	v39 =	vcvt.f32.s32 v39;
	v46 =	vcvt.f32.s32 v12;
	v42 =	vld.idx.msk [tilespmem:v48+s19+$0x0], $0xffff;
	v12 =	vshll.u32 v43, $0x7  }
0x19f: {  	v47 =	vsub.f32 v23, v33;
	v32 =	vmul.f32 v38, v32;
	v23 =	vld [tilespmem:s2+$0x70];
	v38 =	vor.u32 v4, v12  }
0x1a0: {  	v49 =	vshll.u32 v39, $0x7;
	v48 =	vshll.u32 v30, $0x7;
	v50 =	vshll.u32 v46, $0x7;
	v12 =	vld.idx.msk [tilespmem:v19+s18+$0x0], $0xffff  }
0x1a1: {  	v48 =	vor.u32 v4, v48;
	v13 =	vmul.f32 v13, v47;
	v32 =	vadd.f32 v32, v37;
	v19 =	vld.idx.msk [tilespmem:v19+s19+$0x0], $0xffff  }
0x1a2: {  	v47 =	vor.u32 v4, v50;
	v37 =	vsub.f32 v44, v41;
	v44 =	vor.u32 v4, v49;
	v49 =	vld [tilespmem:s2+$0xC0]  }
0x1a3: {  	v39 =	vcvt.s32.f32 v39;
	v30 =	vcvt.s32.f32 v30;
	v33 =	vadd.f32 v13, v33;
	[tilespmem:s2+$0xA0] =	vst v32;
	v13 =	vld.idx.msk [tilespmem:v20+s18+$0x0], $0xffff  }
0x1a4: {  	v32 =	vmul.f32 v36, v37;
	v36 =	vsub.f32 v42, v45;
	v37 =	vcvt.s32.f32 v46;
	v42 =	vld.idx.msk [tilespmem:v38+s18+$0x0], $0xffff  }
0x1a5: {  	v28 =	vmul.f32 $9.999990460e+00, v28;
	v30 =	vsub.f32 v40, v30;
	[tilespmem:s2+$0xFFFFFFA0] =	vst v33;
	v33 =	vsub.f32 v35, v39;
	v35 =	vld.idx.msk [tilespmem:v38+s19+$0x0], $0xffff  }
0x1a6: {  	v32 =	vadd.f32 v32, v41;
	v31 =	vmul.f32 v31, v36;
	v29 =	vsub.f32 v29, v37;
	v20 =	vld.idx.msk [tilespmem:v20+s19+$0x0], $0xffff  }
0x1a7: {  	v37 =	vmul.f32 $9.999990460e+00, v15;
	v15 =	vsub.f32 v19, v12;
	v36 =	vld.idx.msk [tilespmem:v44+s18+$0x0], $0xffff;
	v38 =	vmul.f32 $9.999990460e+00, v49  }
0x1a8: {  	v39 =	vmul.f32 $9.999990460e+00, v14;
	v19 =	vtrunc.f32 v28;
	v31 =	vadd.f32 v31, v45;
	[tilespmem:s2+$0xFFFFFF20] =	vst v32;
	v32 =	vld.idx.msk [tilespmem:v44+s19+$0x0], $0xffff  }
0x1a9: {  	v14 =	vcvt.s32.f32 v43;
	v40 =	vld.idx.msk [tilespmem:v48+s18+$0x0], $0xffff;
	v41 =	vtrunc.f32 v38  }
0x1aa: {  	v44 =	vtrunc.f32 v37;
	v43 =	vld.idx.msk [tilespmem:v48+s19+$0x0], $0xffff;
	[tilespmem:s2+$0x20] =	vst v31;
	v31 =	vcvt.f32.s32 v41  }
0x1ab: {  	v45 =	vtrunc.f32 v39;
	v14 =	vsub.f32 v34, v14;
	v34 =	vsub.f32 v35, v42;
	v41 =	vld.idx.msk [tilespmem:v47+s18+$0x0], $0xffff  }
0x1ac: {  	v19 =	vcvt.f32.s32 v19;
	v35 =	vcvt.f32.s32 v44;
	v44 =	vld.idx.msk [tilespmem:v47+s19+$0x0], $0xffff;
	v46 =	vshll.u32 v31, $0x7  }
0x1ad: {  	v45 =	vcvt.f32.s32 v45;
	v34 =	vmul.f32 v14, v34;
	v46 =	vor.u32 v5, v46;
	v14 =	vld.idx.msk [tilespmem:v16+s18+$0x0], $0xffff  }
0x1ae: {  	v47 =	vshll.u32 v19, $0x7;
	v48 =	vshll.u32 v35, $0x7;
	v32 =	vsub.f32 v32, v36;
	v16 =	vld.idx.msk [tilespmem:v16+s19+$0x0], $0xffff  }
0x1af: {  	v49 =	vshll.u32 v45, $0x7;
	v47 =	vor.u32 v5, v47;
	v34 =	vadd.f32 v34, v42  }
0x1b0: {  	v42 =	vsub.f32 v43, v40;
	v32 =	vmul.f32 v33, v32;
	v33 =	vor.u32 v5, v48;
	v43 =	vld [tilespmem:s2+$0xD0]  }
0x1b1: {  	v19 =	vcvt.s32.f32 v19;
	v35 =	vcvt.s32.f32 v35;
	v48 =	vor.u32 v5, v49;
	[tilespmem:s2+$0xB0] =	vst v34  }
0x1b2: {  	v30 =	vmul.f32 v30, v42;
	v32 =	vadd.f32 v32, v36;
	v34 =	vsub.f32 v44, v41;
	v36 =	vld.idx.msk [tilespmem:v46+s18+$0x0], $0xffff  }
0x1b3: {  	v19 =	vsub.f32 v28, v19;
	v28 =	vsub.f32 v37, v35;
	v35 =	vcvt.s32.f32 v45;
	v37 =	vld.idx.msk [tilespmem:v46+s19+$0x0], $0xffff  }
0x1b4: {  	v30 =	vadd.f32 v30, v40;
	v40 =	vmul.f32 $9.999990460e+00, v17;
	v17 =	vmul.f32 v29, v34;
	[tilespmem:s2+$0xFFFFFFB0] =	vst v32  }
0x1b5: {  	v34 =	vsub.f32 v39, v35;
	v32 =	vmul.f32 $9.999990460e+00, v18;
	v29 =	vld.idx.msk [tilespmem:v33+s18+$0x0], $0xffff;
	v35 =	vmul.f32 $9.999990460e+00, v43  }
0x1b6: {  	v27 =	vmul.f32 $9.999990460e+00, v27;
	v18 =	vadd.f32 v17, v41;
	[tilespmem:s2+$0xFFFFFF30] =	vst v30;
	v30 =	vtrunc.f32 v40;
	v33 =	vld.idx.msk [tilespmem:v33+s19+$0x0], $0xffff  }
0x1b7: {  	v31 =	vcvt.s32.f32 v31;
	v17 =	vsub.f32 v20, v13;
	v39 =	vld.idx.msk [tilespmem:v47+s18+$0x0], $0xffff;
	v41 =	vtrunc.f32 v35  }
0x1b8: {  	v42 =	vtrunc.f32 v32;
	v20 =	vld.idx.msk [tilespmem:v47+s19+$0x0], $0xffff;
	[tilespmem:s2+$0x30] =	vst v18;
	v41 =	vcvt.f32.s32 v41;
	v18 =	vsub.f32 v16, v14  }
0x1b9: {  	v31 =	vsub.f32 v38, v31;
	v43 =	vtrunc.f32 v27;
	v37 =	vsub.f32 v37, v36;
	v16 =	vld.idx.msk [tilespmem:v48+s18+$0x0], $0xffff  }
0x1ba: {  	v30 =	vcvt.f32.s32 v30;
	v38 =	vcvt.f32.s32 v42;
	v42 =	vld.idx.msk [tilespmem:v48+s19+$0x0], $0xffff;
	v44 =	vshll.u32 v41, $0x7  }
0x1bb: {  	v43 =	vcvt.f32.s32 v43;
	v31 =	vmul.f32 v31, v37;
	v37 =	vor.u32 v6, v44  }
0x1bc: {  	v45 =	vshll.u32 v38, $0x7;
	v44 =	vshll.u32 v30, $0x7;
	v33 =	vsub.f32 v33, v29  }
0x1bd: {  	v46 =	vshll.u32 v43, $0x7;
	v44 =	vor.u32 v6, v44;
	v31 =	vadd.f32 v31, v36  }
0x1be: {  	v20 =	vsub.f32 v20, v39;
	v28 =	vmul.f32 v28, v33;
	v33 =	vor.u32 v6, v45;
	v36 =	vld [tilespmem:s2+$0xE0]  }
0x1bf: {  	v38 =	vcvt.s32.f32 v38;
	v30 =	vcvt.s32.f32 v30;
	v45 =	vor.u32 v6, v46;
	[tilespmem:s2+$0xC0] =	vst v31  }
0x1c0: {  	v19 =	vmul.f32 v19, v20;
	v20 =	vadd.f32 v28, v29;
	v28 =	vsub.f32 v42, v16;
	v29 =	vld.idx.msk [tilespmem:v37+s18+$0x0], $0xffff  }
0x1c1: {  	v30 =	vsub.f32 v40, v30;
	v31 =	vsub.f32 v32, v38;
	v32 =	vcvt.s32.f32 v43;
	v37 =	vld.idx.msk [tilespmem:v37+s19+$0x0], $0xffff  }
0x1c2: {  	v25 =	vmul.f32 $9.999990460e+00, v25;
	v19 =	vadd.f32 v19, v39;
	[tilespmem:s2+$0xFFFFFFC0] =	vst v20;
	v20 =	vmul.f32 v34, v28  }
0x1c3: {  	v27 =	vsub.f32 v27, v32;
	v34 =	vmul.f32 $9.999990460e+00, v26;
	v28 =	vld.idx.msk [tilespmem:v33+s18+$0x0], $0xffff;
	v32 =	vmul.f32 $9.999990460e+00, v36  }
0x1c4: {  	v24 =	vmul.f32 $9.999990460e+00, v24;
	[tilespmem:s2+$0xFFFFFF40] =	vst v19;
	v19 =	vtrunc.f32 v25;
	v26 =	vld.idx.msk [tilespmem:v33+s19+$0x0], $0xffff;
	v16 =	vadd.f32 v20, v16  }
0x1c5: {  	v20 =	vcvt.s32.f32 v41;
	v33 =	vld.idx.msk [tilespmem:v44+s18+$0x0], $0xffff;
	v36 =	vtrunc.f32 v32  }
0x1c6: {  	v39 =	vtrunc.f32 v34;
	v38 =	vld.idx.msk [tilespmem:v44+s19+$0x0], $0xffff;
	[tilespmem:s2+$0x40] =	vst v16;
	v16 =	vcvt.f32.s32 v36  }
0x1c7: {  	v40 =	vtrunc.f32 v24;
	v20 =	vsub.f32 v35, v20;
	v35 =	vsub.f32 v37, v29;
	v36 =	vld.idx.msk [tilespmem:v45+s18+$0x0], $0xffff  }
0x1c8: {  	v19 =	vcvt.f32.s32 v19;
	v37 =	vcvt.f32.s32 v39;
	v39 =	vld.idx.msk [tilespmem:v45+s19+$0x0], $0xffff;
	v41 =	vshll.u32 v16, $0x7  }
0x1c9: {  	v40 =	vcvt.f32.s32 v40;
	v20 =	vmul.f32 v20, v35;
	v35 =	vor.u32 v7, v41  }
0x1ca: {  	v42 =	vshll.u32 v37, $0x7;
	v41 =	vshll.u32 v19, $0x7;
	v26 =	vsub.f32 v26, v28  }
0x1cb: {  	v43 =	vshll.u32 v40, $0x7;
	v41 =	vor.u32 v7, v41;
	v20 =	vadd.f32 v20, v29  }
0x1cc: {  	v29 =	vsub.f32 v38, v33;
	v26 =	vmul.f32 v31, v26;
	v31 =	vor.u32 v7, v42;
	v38 =	vld [tilespmem:s2+$0xF0]  }
0x1cd: {  	v37 =	vcvt.s32.f32 v37;
	v19 =	vcvt.s32.f32 v19;
	v42 =	vor.u32 v7, v43;
	[tilespmem:s2+$0xD0] =	vst v20  }
0x1ce: {  	v29 =	vmul.f32 v30, v29;
	v28 =	vadd.f32 v26, v28;
	v30 =	vsub.f32 v39, v36;
	v39 =	vld.idx.msk [tilespmem:v35+s18+$0x0], $0xffff  }
0x1cf: {  	v26 =	vsub.f32 v25, v19;
	v20 =	vsub.f32 v34, v37;
	v19 =	vcvt.s32.f32 v40;
	v34 =	vld.idx.msk [tilespmem:v35+s19+$0x0], $0xffff  }
0x1d0: {  	v25 =	vmul.f32 $9.999990460e+00, v21;
	v29 =	vadd.f32 v29, v33;
	v30 =	vmul.f32 v27, v30;
	[tilespmem:s2+$0xFFFFFFD0] =	vst v28  }
0x1d1: {  	v22 =	vmul.f32 $9.999990460e+00, v22;
	v27 =	vsub.f32 v24, v19;
	v28 =	vld.idx.msk [tilespmem:v31+s18+$0x0], $0xffff;
	v21 =	vmul.f32 $9.999990460e+00, v38  }
0x1d2: {  	v23 =	vmul.f32 $9.999990460e+00, v23;
	v19 =	vtrunc.f32 v25;
	v24 =	vadd.f32 v30, v36;
	[tilespmem:s2+$0xFFFFFF50] =	vst v29;
	v37 =	vld.idx.msk [tilespmem:v31+s19+$0x0], $0xffff  }
0x1d3: {  	v16 =	vcvt.s32.f32 v16;
	v30 =	vld.idx.msk [tilespmem:v41+s18+$0x0], $0xffff;
	v29 =	vtrunc.f32 v21  }
0x1d4: {  	v31 =	vtrunc.f32 v22;
	v35 =	vld.idx.msk [tilespmem:v41+s19+$0x0], $0xffff;
	[tilespmem:s2+$0x50] =	vst v24;
	v24 =	vcvt.f32.s32 v29  }
.Ltmp1:
0x1d5: {  	v16 =	vsub.f32 v32, v16;
	v38 =	vtrunc.f32 v23;
	v34 =	vsub.f32 v34, v39;
	v29 =	vld.idx.msk [tilespmem:v42+s18+$0x0], $0xffff;
	(pc) =	sbr.rel @p0 .LBB2_4-.Ltmp1, $4  }
0x1d6: {  	v33 =	vcvt.f32.s32 v19;
	v32 =	vcvt.f32.s32 v31;
	v36 =	vld.idx.msk [tilespmem:v42+s19+$0x0], $0xffff;
	v19 =	vshll.u32 v24, $0x7  }
0x1d7: {  	v31 =	vcvt.f32.s32 v38;
	v40 =	vmul.f32 v16, v34;
	v34 =	vor.u32 v8, v19  }
0x1d8: {  	v38 =	vshll.u32 v32, $0x7;
	v16 =	vshll.u32 v33, $0x7;
	v37 =	vsub.f32 v37, v28  }
0x1d9: {  	s2 =	sadd.s32 $0x200, s2;
	v19 =	vor.u32 v8, v16;
	v16 =	vshll.u32 v31, $0x7;
	v39 =	vadd.f32 v40, v39  }
0x1da: {  	v35 =	vsub.f32 v35, v30  }
0x1db: {  	v20 =	vmul.f32 v20, v37;
	v60 =	vor.u32 v8, v38  }
0x1dc: {  	v36 =	vsub.f32 v36, v29;
	v26 =	vmul.f32 v26, v35  }
0x1dd: {  	[tilespmem:s31+$0xE0] =	vst v39;
	v20 =	vadd.f32 v20, v28  }
0x1de: {  	v28 =	vld.idx.msk [tilespmem:v34+s19+$0x0], $0xffff;
	v27 =	vmul.f32 v27, v36;
	v26 =	vadd.f32 v26, v30  }
0x1df: {  	v16 =	vor.u32 v8, v16;
	v30 =	vld.idx.msk [tilespmem:v34+s18+$0x0], $0xffff;
	[tilespmem:s31+$0xFFFFFFE0] =	vst v20  }
0x1e0: {  	v20 =	vadd.f32 v27, v29;
	v27 =	vld.idx.msk [tilespmem:v60+s18+$0x0], $0xffff;
	[tilespmem:s31+$0xFFFFFF60] =	vst v26  }
0x1e1: {  	v26 =	vld.idx.msk [tilespmem:v19+s18+$0x0], $0xffff  }
0x1e2: {  	v19 =	vld.idx.msk [tilespmem:v19+s19+$0x0], $0xffff  }
0x1e3: {  	v24 =	vcvt.s32.f32 v24;
	[tilespmem:s31+$0x60] =	vst v20;
	v20 =	vld.idx.msk [tilespmem:v60+s19+$0x0], $0xffff  }
0x1e4: {  	v32 =	vcvt.s32.f32 v32;
	v61 =	vld.idx.msk [tilespmem:v16+s18+$0x0], $0xffff  }
0x1e5: {  	v10 =	vmul.f32 v10, v15;
	v15 =	vsub.f32 v21, v24;
	v29 =	vcvt.s32.f32 v33;
	v16 =	vld.idx.msk [tilespmem:v16+s19+$0x0], $0xffff  }
0x1e6: {  	v9 =	vmul.f32 v9, v17;
	v22 =	vsub.f32 v22, v32;
	v21 =	vsub.f32 v28, v30  }
0x1e7: {  	v10 =	vadd.f32 v10, v12;
	v25 =	vsub.f32 v25, v29;
	v29 =	vcvt.s32.f32 v31  }
0x1e8: {  	v9 =	vadd.f32 v9, v13;
	v12 =	vmul.f32 v15, v21;
	v15 =	vsub.f32 v19, v26  }
0x1e9: {  	v11 =	vmul.f32 v11, v18;
	v23 =	vsub.f32 v23, v29;
	v13 =	vsub.f32 v20, v27  }
0x1ea: {  	[tilespmem:s30+$0xFFFFFF70] =	vst v10;
	v10 =	vadd.f32 v12, v30;
	v12 =	vsub.f32 v16, v61;
	v15 =	vmul.f32 v25, v15  }
0x1eb: {  	[tilespmem:s30+$0xFFFFFFF0] =	vst v9;
	v9 =	vadd.f32 v11, v14;
	v11 =	vmul.f32 v22, v13  }
0x1ec: {  	[tilespmem:s31+$0xF0] =	vst v10;
	v10 =	vmul.f32 v23, v12;
	v12 =	vadd.f32 v15, v26  }
0x1ed: {  	[tilespmem:s30+$0x70] =	vst v9;
	v9 =	vadd.f32 v11, v27  }
0x1ee: {  	v10 =	vadd.f32 v10, v61;
	[tilespmem:s31+$0xFFFFFF70] =	vst v12  }
0x1ef: {  	[tilespmem:s31+$0xFFFFFFF0] =	vst v9  }
0x1f0: {  	s1 =	simm.s32 $0xA80;
	[tilespmem:s31+$0x70] =	vst v10  }
0x1f1: {  	[hbm4b:s7+s3] =	stream.linear.scatter [tilespmem:s1], [sflag:$0x5], $0x2000, $0x38;
	[tilespmem:$0x10A80] =	vst v63  }
0x1f2: {  	_ =	swait.ge [sflag:s20], $0x6000  }
0x1f3: {  	[sflag:s20] =	ssyncset.done $0x0  }
0x1f4: {  	s30 =	simm.s32 $0x2B80;
	[sflag:s20] =	ssyncadd.s32 $0xFFFFA000  }
0x1f5: {  	[tilespmem:s21], [sflag:$0x4] =	stream.linear.gather [hbm4b:s8+s3], $0x2000, $0x38;
	[tilespmem:$0x10A80] =	vst v63  }
0x1f6: {  	v9 =	vld [tilespmem:s30+$0x80];
	_ =	sdelay $0x1  }
0x1f7: {  	v10 =	vld [tilespmem:s30+$0xFFFFFF80];
	_ =	sdelay $0x1  }
0x1f8: {  	v11 =	vld [tilespmem:s30+$0x0]  }
0x1f9: {  	v12 =	vld [tilespmem:s30+$0xFFFFFF00];
	v9 =	vmul.f32 $9.999990460e+00, v9  }
0x1fa: {  	v14 =	vld [tilespmem:s30+$0xFFFFFF10]  }
0x1fb: {  	v15 =	vld [tilespmem:s30+$0xFFFFFF90];
	v10 =	vmul.f32 $9.999990460e+00, v10;
	v13 =	vtrunc.f32 v9  }
0x1fc: {  	v27 =	vld [tilespmem:s30+$0x90];
	v17 =	vcvt.f32.s32 v13  }
0x1fd: {  	v16 =	vld [tilespmem:s30+$0x10];
	v13 =	vtrunc.f32 v10  }
0x1fe: {  	v18 =	vld [tilespmem:s30+$0xFFFFFF20];
	v12 =	vmul.f32 $9.999990460e+00, v12;
	v19 =	vcvt.f32.s32 v13;
	v13 =	vshll.u32 v17, $0x7  }
0x1ff: {  	v21 =	vld [tilespmem:s30+$0xFFFFFFA0];
	v11 =	vmul.f32 $9.999990460e+00, v11;
	v23 =	vor.u32 v0, v13  }
0x200: {  	v22 =	vld [tilespmem:s30+$0x20];
	v14 =	vmul.f32 $9.999990460e+00, v14;
	v13 =	vtrunc.f32 v12;
	v25 =	vshll.u32 v19, $0x7  }
0x201: {  	v27 =	vmul.f32 $9.999990460e+00, v27;
	v26 =	vcvt.f32.s32 v13;
	v25 =	vor.u32 v0, v25  }
0x202: {  	v63 =	vmul.f32 $9.999990460e+00, v15;
	v20 =	vtrunc.f32 v11  }
0x203: {  	v24 =	vld [tilespmem:s30+$0xFFFFFF30];
	v44 =	vmul.f32 $9.999990460e+00, v18;
	v20 =	vcvt.f32.s32 v20;
	v29 =	vshll.u32 v26, $0x7  }
0x204: {  	v16 =	vmul.f32 $9.999990460e+00, v16;
	v21 =	vmul.f32 $9.999990460e+00, v21;
	v29 =	vor.u32 v0, v29;
	v31 =	vld.idx.msk [tilespmem:v23+s18+$0x0], $0xffff  }
0x205: {  	v22 =	vmul.f32 $9.999990460e+00, v22;
	v18 =	vtrunc.f32 v27;
	v13 =	vshll.u32 v20, $0x7;
	v23 =	vld.idx.msk [tilespmem:v23+s19+$0x0], $0xffff  }
0x206: {  	v46 =	vcvt.f32.s32 v18;
	v30 =	vor.u32 v0, v13;
	v26 =	vcvt.s32.f32 v26;
	v62 =	vld.idx.msk [tilespmem:v25+s18+$0x0], $0xffff  }
0x207: {  	v18 =	vtrunc.f32 v63;
	v17 =	vcvt.s32.f32 v17;
	v15 =	vld.idx.msk [tilespmem:v25+s19+$0x0], $0xffff  }
0x208: {  	v28 =	vld [tilespmem:s30+$0xFFFFFFB0];
	v19 =	vcvt.s32.f32 v19;
	v26 =	vsub.f32 v12, v26;
	v12 =	vtrunc.f32 v14  }
0x209: {  	v20 =	vcvt.s32.f32 v20;
	v12 =	vcvt.f32.s32 v12;
	v45 =	vld.idx.msk [tilespmem:v29+s18+$0x0], $0xffff  }
0x20a: {  	v9 =	vsub.f32 v9, v17;
	v10 =	vsub.f32 v10, v19;
	v19 =	vshll.u32 v46, $0x7;
	v29 =	vld.idx.msk [tilespmem:v29+s19+$0x0], $0xffff  }
0x20b: {  	v11 =	vsub.f32 v11, v20;
	v25 =	vld.idx.msk [tilespmem:v30+s18+$0x0], $0xffff;
	v47 =	vshll.u32 v12, $0x7;
	v17 =	vsub.f32 v23, v31  }
0x20c: {  	v40 =	vcvt.s32.f32 v12;
	v23 =	vld.idx.msk [tilespmem:v30+s19+$0x0], $0xffff;
	v30 =	vcvt.f32.s32 v18;
	v15 =	vsub.f32 v15, v62  }
0x20d: {  	v20 =	vld [tilespmem:s30+$0xFFFFFF40];
	v18 =	vtrunc.f32 v16;
	v9 =	vmul.f32 v9, v17;
	v17 =	vor.u32 v2, v19  }
0x20e: {  	v12 =	vld [tilespmem:s30+$0xFFFFFFD0];
	v48 =	vcvt.f32.s32 v18;
	v49 =	vshll.u32 v30, $0x7;
	v10 =	vmul.f32 v10, v15  }
0x20f: {  	v39 =	vor.u32 v2, v49;
	v9 =	vadd.f32 v9, v31;
	v31 =	vld [tilespmem:s30+$0xA0];
	v29 =	vsub.f32 v29, v45  }
0x210: {  	v24 =	vmul.f32 $9.999990460e+00, v24;
	v37 =	vor.u32 v2, v47;
	v18 =	vld [tilespmem:s30+$0x40];
	v15 =	vshll.u32 v48, $0x7  }
0x211: {  	v19 =	vld [tilespmem:s30+$0xFFFFFFC0];
	v10 =	vadd.f32 v10, v62;
	v23 =	vsub.f32 v23, v25;
	[tilespmem:s30+$0x80] =	vst v9;
	v26 =	vmul.f32 v26, v29  }
0x212: {  	v54 =	vtrunc.f32 v21;
	v30 =	vcvt.s32.f32 v30;
	v9 =	vor.u32 v2, v15;
	v50 =	vld.idx.msk [tilespmem:v17+s18+$0x0], $0xffff  }
0x213: {  	v33 =	vcvt.f32.s32 v54;
	v29 =	vld.idx.msk [tilespmem:v17+s19+$0x0], $0xffff;
	[tilespmem:s30+$0xFFFFFF80] =	vst v10;
	v11 =	vmul.f32 v11, v23;
	v23 =	vadd.f32 v26, v45  }
0x214: {  	v51 =	vcvt.s32.f32 v46;
	v10 =	vsub.f32 v63, v30;
	v26 =	vld.idx.msk [tilespmem:v39+s18+$0x0], $0xffff;
	v30 =	vmul.f32 $9.999990460e+00, v31  }
0x215: {  	v28 =	vmul.f32 $9.999990460e+00, v28;
	v59 =	vshll.u32 v33, $0x7;
	v31 =	vld.idx.msk [tilespmem:v39+s19+$0x0], $0xffff;
	v11 =	vadd.f32 v11, v25;
	[tilespmem:s30+$0xFFFFFF00] =	vst v23  }
0x216: {  	v27 =	vsub.f32 v27, v51;
	v20 =	vmul.f32 $9.999990460e+00, v20;
	v52 =	vtrunc.f32 v30;
	v53 =	vld.idx.msk [tilespmem:v37+s18+$0x0], $0xffff  }
0x217: {  	v14 =	vsub.f32 v14, v40;
	v40 =	vor.u32 v3, v59;
	[tilespmem:s30+$0x0] =	vst v11;
	v55 =	vld.idx.msk [tilespmem:v37+s19+$0x0], $0xffff;
	v23 =	vcvt.f32.s32 v52  }
0x218: {  	v12 =	vmul.f32 $9.999990460e+00, v12;
	v18 =	vmul.f32 $9.999990460e+00, v18;
	v29 =	vsub.f32 v29, v50;
	v56 =	vld.idx.msk [tilespmem:v9+s18+$0x0], $0xffff  }
0x219: {  	v17 =	vcvt.s32.f32 v48;
	v25 =	vtrunc.f32 v44;
	v9 =	vld.idx.msk [tilespmem:v9+s19+$0x0], $0xffff;
	v11 =	vshll.u32 v23, $0x7  }
0x21a: {  	v25 =	vcvt.f32.s32 v25;
	v27 =	vmul.f32 v27, v29;
	v29 =	vor.u32 v3, v11  }
0x21b: {  	v19 =	vmul.f32 $9.999990460e+00, v19;
	v16 =	vsub.f32 v16, v17;
	v31 =	vsub.f32 v31, v26  }
0x21c: {  	v60 =	vld [tilespmem:s30+$0xB0];
	v57 =	vshll.u32 v25, $0x7;
	v11 =	vtrunc.f32 v22;
	v27 =	vadd.f32 v27, v50  }
0x21d: {  	v13 =	vld [tilespmem:s30+$0x30];
	v58 =	vcvt.f32.s32 v11;
	v31 =	vmul.f32 v10, v31;
	v36 =	vsub.f32 v55, v53  }
0x21e: {  	v25 =	vcvt.s32.f32 v25;
	v38 =	vor.u32 v3, v57;
	v62 =	vsub.f32 v9, v56;
	[tilespmem:s30+$0x90] =	vst v27  }
0x21f: {  	v41 =	vshll.u32 v58, $0x7;
	v26 =	vadd.f32 v31, v26;
	v14 =	vmul.f32 v14, v36;
	v61 =	vld.idx.msk [tilespmem:v29+s18+$0x0], $0xffff  }
0x220: {  	v57 =	vtrunc.f32 v20;
	v31 =	vcvt.s32.f32 v33;
	v27 =	vor.u32 v3, v41;
	v29 =	vld.idx.msk [tilespmem:v29+s19+$0x0], $0xffff  }
0x221: {  	v15 =	vld [tilespmem:s30+$0xFFFFFF50];
	v42 =	vmul.f32 v16, v62;
	[tilespmem:s30+$0xFFFFFF90] =	vst v26;
	v26 =	vmul.f32 $9.999990460e+00, v60;
	v14 =	vadd.f32 v14, v53  }
0x222: {  	v25 =	vsub.f32 v44, v25;
	v23 =	vcvt.s32.f32 v23;
	v44 =	vmul.f32 $9.999990460e+00, v13;
	v63 =	vld.idx.msk [tilespmem:v40+s18+$0x0], $0xffff  }
0x223: {  	v21 =	vsub.f32 v21, v31;
	v31 =	vld.idx.msk [tilespmem:v40+s19+$0x0], $0xffff;
	v13 =	vadd.f32 v42, v56;
	v43 =	vtrunc.f32 v26;
	[tilespmem:s30+$0xFFFFFF10] =	vst v14  }
0x224: {  	v23 =	vsub.f32 v30, v23;
	v30 =	vtrunc.f32 v28;
	v45 =	vcvt.f32.s32 v43;
	v46 =	vld.idx.msk [tilespmem:v38+s18+$0x0], $0xffff  }
0x225: {  	v30 =	vcvt.f32.s32 v30;
	v39 =	vcvt.s32.f32 v58;
	v47 =	vld.idx.msk [tilespmem:v38+s19+$0x0], $0xffff;
	[tilespmem:s30+$0x10] =	vst v13;
	v29 =	vsub.f32 v29, v61  }
0x226: {  	v14 =	vtrunc.f32 v24;
	v13 =	vtrunc.f32 v44;
	v49 =	vld.idx.msk [tilespmem:v27+s18+$0x0], $0xffff;
	v48 =	vshll.u32 v45, $0x7  }
0x227: {  	v14 =	vcvt.f32.s32 v14;
	v27 =	vld.idx.msk [tilespmem:v27+s19+$0x0], $0xffff;
	v23 =	vmul.f32 v23, v29;
	v29 =	vor.u32 v4, v48  }
0x228: {  	v51 =	vld [tilespmem:s30+$0xC0];
	v52 =	vshll.u32 v30, $0x7;
	v50 =	vcvt.f32.s32 v13;
	v13 =	vsub.f32 v31, v63  }
0x229: {  	v54 =	vor.u32 v4, v52;
	v31 =	vshll.u32 v14, $0x7;
	v23 =	vadd.f32 v23, v61  }
0x22a: {  	v17 =	vld [tilespmem:s30+$0x50];
	v13 =	vmul.f32 v21, v13;
	v21 =	vor.u32 v4, v31;
	v31 =	vsub.f32 v47, v46  }
0x22b: {  	v15 =	vmul.f32 $9.999990460e+00, v15;
	v34 =	vcvt.f32.s32 v57;
	v11 =	vld [tilespmem:s30+$0xFFFFFF60];
	v22 =	vsub.f32 v22, v39;
	[tilespmem:s30+$0xA0] =	vst v23  }
0x22c: {  	v27 =	vsub.f32 v27, v49;
	v32 =	vadd.f32 v13, v63;
	v25 =	vmul.f32 v25, v31;
	v55 =	vld.idx.msk [tilespmem:v29+s18+$0x0], $0xffff  }
0x22d: {  	v33 =	vmul.f32 $9.999990460e+00, v51;
	v30 =	vcvt.s32.f32 v30;
	v53 =	vshll.u32 v50, $0x7;
	v29 =	vld.idx.msk [tilespmem:v29+s19+$0x0], $0xffff  }
0x22e: {  	v10 =	vld [tilespmem:s30+$0xFFFFFFE0];
	v23 =	vor.u32 v4, v53;
	v22 =	vmul.f32 v22, v27;
	[tilespmem:s30+$0xFFFFFFA0] =	vst v32;
	v25 =	vadd.f32 v25, v46  }
0x22f: {  	v17 =	vmul.f32 $9.999990460e+00, v17;
	v60 =	vshll.u32 v34, $0x7;
	v27 =	vsub.f32 v28, v30;
	v28 =	vld.idx.msk [tilespmem:v54+s18+$0x0], $0xffff  }
0x230: {  	v56 =	vtrunc.f32 v33;
	v30 =	vcvt.s32.f32 v45;
	v22 =	vadd.f32 v22, v49;
	[tilespmem:s30+$0xFFFFFF20] =	vst v25;
	v25 =	vld.idx.msk [tilespmem:v54+s19+$0x0], $0xffff  }
0x231: {  	v41 =	vtrunc.f32 v12;
	v36 =	vor.u32 v5, v60;
	v32 =	vcvt.f32.s32 v56;
	v58 =	vld.idx.msk [tilespmem:v21+s18+$0x0], $0xffff  }
0x232: {  	v34 =	vcvt.s32.f32 v34;
	v26 =	vsub.f32 v26, v30;
	v21 =	vld.idx.msk [tilespmem:v21+s19+$0x0], $0xffff;
	[tilespmem:s30+$0x20] =	vst v22;
	v29 =	vsub.f32 v29, v55  }
0x233: {  	v11 =	vmul.f32 $9.999990460e+00, v11;
	v31 =	vcvt.s32.f32 v50;
	v22 =	vshll.u32 v32, $0x7;
	v59 =	vld.idx.msk [tilespmem:v23+s18+$0x0], $0xffff  }
0x234: {  	v30 =	vtrunc.f32 v19;
	v22 =	vor.u32 v5, v22;
	v23 =	vld.idx.msk [tilespmem:v23+s19+$0x0], $0xffff;
	v26 =	vmul.f32 v26, v29  }
0x235: {  	v9 =	vld [tilespmem:s30+$0xFFFFFF70];
	v14 =	vcvt.s32.f32 v14;
	v30 =	vcvt.f32.s32 v30;
	v29 =	vsub.f32 v44, v31  }
0x236: {  	v61 =	vld [tilespmem:s30+$0xD0];
	v31 =	vtrunc.f32 v18;
	v25 =	vsub.f32 v25, v28;
	v26 =	vadd.f32 v26, v55  }
0x237: {  	s31 =	simm.s32 $0x2D80;
	v16 =	vld [tilespmem:s30+$0x60];
	v24 =	vsub.f32 v24, v14;
	v62 =	vshll.u32 v30, $0x7;
	v31 =	vcvt.f32.s32 v31  }
0x238: {  	v39 =	vld [tilespmem:s31+$0x20];
	v21 =	vsub.f32 v21, v58;
	v25 =	vmul.f32 v27, v25;
	v27 =	vor.u32 v5, v62;
	[tilespmem:s30+$0xB0] =	vst v26  }
0x239: {  	v10 =	vmul.f32 $9.999990460e+00, v10;
	v20 =	vsub.f32 v20, v34;
	v23 =	vsub.f32 v23, v59;
	v63 =	vld.idx.msk [tilespmem:v22+s18+$0x0], $0xffff  }
0x23a: {  	v21 =	vmul.f32 v24, v21;
	v26 =	vshll.u32 v31, $0x7;
	v24 =	vadd.f32 v25, v28;
	v22 =	vld.idx.msk [tilespmem:v22+s19+$0x0], $0xffff  }
0x23b: {  	v38 =	vld [tilespmem:s31+$0xFFFFFFA0];
	v30 =	vcvt.s32.f32 v30;
	v25 =	vor.u32 v5, v26;
	v26 =	vmul.f32 $9.999990460e+00, v61  }
0x23c: {  	v9 =	vmul.f32 $9.999990460e+00, v9;
	v53 =	vld [tilespmem:s31+$0xFFFFFF00];
	v23 =	vmul.f32 v29, v23;
	v21 =	vadd.f32 v21, v58;
	[tilespmem:s30+$0xFFFFFFB0] =	vst v24  }
0x23d: {  	v19 =	vsub.f32 v19, v30;
	v29 =	vcvt.s32.f32 v32;
	v24 =	vld.idx.msk [tilespmem:v27+s18+$0x0], $0xffff;
	v30 =	vtrunc.f32 v26  }
0x23e: {  	v43 =	vtrunc.f32 v17;
	v23 =	vadd.f32 v23, v59;
	[tilespmem:s30+$0xFFFFFF30] =	vst v21;
	v21 =	vld.idx.msk [tilespmem:v27+s19+$0x0], $0xffff;
	v27 =	vcvt.f32.s32 v30  }
0x23f: {  	v16 =	vmul.f32 $9.999990460e+00, v16;
	v29 =	vsub.f32 v33, v29;
	v30 =	vld.idx.msk [tilespmem:v36+s18+$0x0], $0xffff;
	v22 =	vsub.f32 v22, v63  }
0x240: {  	v39 =	vmul.f32 $9.999990460e+00, v39;
	v28 =	vcvt.s32.f32 v31;
	v40 =	vld.idx.msk [tilespmem:v36+s19+$0x0], $0xffff;
	[tilespmem:s30+$0x30] =	vst v23;
	v23 =	vshll.u32 v27, $0x7  }
0x241: {  	v31 =	vtrunc.f32 v15;
	v42 =	vld.idx.msk [tilespmem:v25+s18+$0x0], $0xffff;
	v23 =	vor.u32 v6, v23;
	v22 =	vmul.f32 v29, v22  }
0x242: {  	v18 =	vsub.f32 v18, v28;
	v28 =	vcvt.f32.s32 v31;
	v25 =	vld.idx.msk [tilespmem:v25+s19+$0x0], $0xffff;
	v29 =	vcvt.f32.s32 v41  }
0x243: {  	v38 =	vmul.f32 $9.999990460e+00, v38;
	v31 =	vld [tilespmem:s30+$0xE0];
	v21 =	vsub.f32 v21, v24;
	v22 =	vadd.f32 v22, v63  }
0x244: {  	v34 =	vmul.f32 $9.999990460e+00, v53;
	v44 =	vshll.u32 v28, $0x7;
	v45 =	vshll.u32 v29, $0x7  }
0x245: {  	v32 =	vsub.f32 v40, v30;
	v19 =	vmul.f32 v19, v21;
	v21 =	vor.u32 v6, v45;
	[tilespmem:s30+$0xC0] =	vst v22  }
0x246: {  	v58 =	vtrunc.f32 v34;
	v46 =	vor.u32 v6, v44;
	v22 =	vcvt.f32.s32 v43;
	v47 =	vld.idx.msk [tilespmem:v23+s18+$0x0], $0xffff  }
0x247: {  	v20 =	vmul.f32 v20, v32;
	v19 =	vadd.f32 v19, v24;
	v24 =	vsub.f32 v25, v42;
	v23 =	vld.idx.msk [tilespmem:v23+s19+$0x0], $0xffff  }
0x248: {  	v28 =	vcvt.s32.f32 v28;
	v31 =	vmul.f32 $9.999990460e+00, v31;
	v25 =	vshll.u32 v22, $0x7  }
0x249: {  	v45 =	vld [tilespmem:s31+$0x90];
	v20 =	vadd.f32 v20, v30;
	[tilespmem:s30+$0xFFFFFFC0] =	vst v19;
	v18 =	vmul.f32 v18, v24;
	v25 =	vor.u32 v6, v25  }
0x24a: {  	v15 =	vsub.f32 v15, v28;
	v24 =	vcvt.s32.f32 v27;
	v27 =	vtrunc.f32 v31;
	v19 =	vld.idx.msk [tilespmem:v21+s18+$0x0], $0xffff  }
0x24b: {  	v28 =	vtrunc.f32 v11;
	[tilespmem:s30+$0xFFFFFF40] =	vst v20;
	v20 =	vld.idx.msk [tilespmem:v21+s19+$0x0], $0xffff;
	v18 =	vadd.f32 v18, v42;
	v21 =	vcvt.f32.s32 v27  }
0x24c: {  	v28 =	vcvt.f32.s32 v28;
	v27 =	vld.idx.msk [tilespmem:v46+s18+$0x0], $0xffff;
	v24 =	vsub.f32 v26, v24;
	v23 =	vsub.f32 v23, v47  }
0x24d: {  	v41 =	vcvt.f32.s32 v58;
	v29 =	vcvt.s32.f32 v29;
	v26 =	vld.idx.msk [tilespmem:v46+s19+$0x0], $0xffff;
	[tilespmem:s30+$0x40] =	vst v18;
	v18 =	vshll.u32 v21, $0x7  }
0x24e: {  	v18 =	vor.u32 v7, v18;
	v30 =	vld.idx.msk [tilespmem:v25+s18+$0x0], $0xffff;
	v23 =	vmul.f32 v24, v23;
	v24 =	vtrunc.f32 v10  }
0x24f: {  	v12 =	vsub.f32 v12, v29;
	v22 =	vcvt.s32.f32 v22;
	v25 =	vld.idx.msk [tilespmem:v25+s19+$0x0], $0xffff;
	v24 =	vcvt.f32.s32 v24  }
0x250: {  	v48 =	vshll.u32 v28, $0x7;
	v29 =	vld [tilespmem:s30+$0xF0];
	v20 =	vsub.f32 v20, v19;
	v23 =	vadd.f32 v23, v47  }
0x251: {  	v17 =	vsub.f32 v17, v22;
	v22 =	vtrunc.f32 v16;
	v49 =	vshll.u32 v24, $0x7  }
0x252: {  	v12 =	vmul.f32 v12, v20;
	[tilespmem:s30+$0xD0] =	vst v23;
	v23 =	vsub.f32 v26, v27;
	v20 =	vor.u32 v7, v49  }
0x253: {  	v32 =	vor.u32 v7, v48;
	v45 =	vmul.f32 $9.999990460e+00, v45;
	v22 =	vcvt.f32.s32 v22;
	v26 =	vld.idx.msk [tilespmem:v18+s18+$0x0], $0xffff  }
0x254: {  	v25 =	vsub.f32 v25, v30;
	v18 =	vld.idx.msk [tilespmem:v18+s19+$0x0], $0xffff;
	v12 =	vadd.f32 v12, v19;
	v15 =	vmul.f32 v15, v23  }
0x255: {  	v14 =	vld [tilespmem:s30+$0x70];
	v50 =	vshll.u32 v22, $0x7;
	v24 =	vcvt.s32.f32 v24;
	v23 =	vmul.f32 $9.999990460e+00, v29  }
0x256: {  	v13 =	vld [tilespmem:s30+$0xFFFFFFF0];
	v19 =	vor.u32 v7, v50;
	v17 =	vmul.f32 v17, v25;
	[tilespmem:s30+$0xFFFFFFD0] =	vst v12;
	v15 =	vadd.f32 v15, v27  }
0x257: {  	v12 =	vcvt.s32.f32 v21;
	v21 =	vtrunc.f32 v23;
	v25 =	vld.idx.msk [tilespmem:v20+s18+$0x0], $0xffff  }
0x258: {  	v10 =	vsub.f32 v10, v24;
	v17 =	vadd.f32 v17, v30;
	v21 =	vcvt.f32.s32 v21;
	[tilespmem:s30+$0xFFFFFF50] =	vst v15;
	v15 =	vld.idx.msk [tilespmem:v20+s19+$0x0], $0xffff  }
0x259: {  	v50 =	vtrunc.f32 v39;
	v12 =	vsub.f32 v31, v12;
	v18 =	vsub.f32 v18, v26;
	v27 =	vld.idx.msk [tilespmem:v32+s18+$0x0], $0xffff  }
0x25a: {  	v30 =	vmul.f32 $9.999990460e+00, v14;
	v20 =	vcvt.s32.f32 v28;
	v28 =	vshll.u32 v21, $0x7;
	v29 =	vld.idx.msk [tilespmem:v32+s19+$0x0], $0xffff;
	[tilespmem:s30+$0x50] =	vst v17  }
0x25b: {  	v12 =	vmul.f32 v12, v18;
	v17 =	vor.u32 v8, v28;
	v18 =	vcvt.s32.f32 v22;
	v28 =	vld.idx.msk [tilespmem:v19+s18+$0x0], $0xffff  }
0x25c: {  	v22 =	vmul.f32 $9.999990460e+00, v13;
	v13 =	vtrunc.f32 v9;
	v11 =	vsub.f32 v11, v20;
	v20 =	vld [tilespmem:s31+$0x80]  }
0x25d: {  	v24 =	vtrunc.f32 v30;
	v19 =	vld.idx.msk [tilespmem:v19+s19+$0x0], $0xffff;
	v13 =	vcvt.f32.s32 v13;
	v12 =	vadd.f32 v12, v26  }
0x25e: {  	v21 =	vcvt.s32.f32 v21;
	v14 =	vtrunc.f32 v22;
	v16 =	vsub.f32 v16, v18  }
0x25f: {  	v26 =	vcvt.f32.s32 v14;
	v14 =	vshll.u32 v13, $0x7;
	[tilespmem:s30+$0xE0] =	vst v12;
	v12 =	vcvt.f32.s32 v24  }
0x260: {  	v31 =	vld [tilespmem:s31+$0xFFFFFF80];
	v24 =	vsub.f32 v15, v25;
	v15 =	vor.u32 v8, v14;
	v29 =	vsub.f32 v29, v27  }
0x261: {  	v51 =	vld.idx.msk [tilespmem:v17+s18+$0x0], $0xffff;
	v18 =	vshll.u32 v26, $0x7;
	v20 =	vmul.f32 $9.999990460e+00, v20;
	v26 =	vcvt.s32.f32 v26  }
0x262: {  	v52 =	vld.idx.msk [tilespmem:v17+s19+$0x0], $0xffff;
	v55 =	vsub.f32 v19, v28;
	v17 =	vshll.u32 v12, $0x7;
	v10 =	vmul.f32 v10, v24  }
0x263: {  	v14 =	vor.u32 v8, v18;
	v18 =	vcvt.s32.f32 v13;
	v11 =	vmul.f32 v11, v29  }
0x264: {  	v24 =	vld [tilespmem:s31+$0x0];
	v44 =	vcvt.s32.f32 v12;
	v54 =	vtrunc.f32 v20;
	v13 =	vadd.f32 v10, v25  }
0x265: {  	v25 =	vmul.f32 $9.999990460e+00, v31;
	v10 =	vsub.f32 v9, v18;
	v35 =	vcvt.f32.s32 v54  }
0x266: {  	v9 =	vsub.f32 v22, v26;
	v22 =	vld [tilespmem:s31+$0xFFFFFF20];
	v12 =	vadd.f32 v11, v27;
	v11 =	vshll.u32 v41, $0x7  }
0x267: {  	v56 =	vld [tilespmem:s31+$0x10];
	v16 =	vmul.f32 v16, v55;
	v59 =	vor.u32 v0, v11;
	v18 =	vtrunc.f32 v25  }
0x268: {  	v55 =	vld [tilespmem:s31+$0xA0];
	v41 =	vcvt.s32.f32 v41;
	v19 =	vshll.u32 v35, $0x7;
	v18 =	vcvt.f32.s32 v18  }
0x269: {  	v23 =	vsub.f32 v23, v21;
	v31 =	vld [tilespmem:s31+$0xFFFFFF90];
	v26 =	vmul.f32 $9.999990460e+00, v24;
	v57 =	vor.u32 v0, v19  }
0x26a: {  	v29 =	vld [tilespmem:s31+$0xFFFFFF10];
	v33 =	vsub.f32 v52, v51;
	v34 =	vsub.f32 v34, v41;
	v42 =	vshll.u32 v18, $0x7  }
0x26b: {  	v24 =	vtrunc.f32 v26;
	v41 =	vmul.f32 $9.999990460e+00, v22;
	v22 =	vld [tilespmem:s31+$0xFFFFFFD0];
	v42 =	vor.u32 v0, v42  }
0x26c: {  	v11 =	vsub.f32 v30, v44;
	v23 =	vmul.f32 v23, v33;
	v43 =	vcvt.f32.s32 v24;
	v62 =	vld.idx.msk [tilespmem:v59+s18+$0x0], $0xffff  }
0x26d: {  	v36 =	vmul.f32 $9.999990460e+00, v55;
	v30 =	vcvt.s32.f32 v18;
	v18 =	vadd.f32 v16, v28;
	v33 =	vld.idx.msk [tilespmem:v59+s19+$0x0], $0xffff  }
0x26e: {  	v31 =	vmul.f32 $9.999990460e+00, v31;
	v28 =	vcvt.s32.f32 v35;
	v24 =	vshll.u32 v43, $0x7;
	v60 =	vld.idx.msk [tilespmem:v57+s18+$0x0], $0xffff  }
0x26f: {  	v35 =	vmul.f32 $9.999990460e+00, v56;
	v16 =	vadd.f32 v23, v51;
	v40 =	vld.idx.msk [tilespmem:v57+s19+$0x0], $0xffff;
	v27 =	vor.u32 v0, v24  }
0x270: {  	v23 =	vmul.f32 $9.999990460e+00, v29;
	v25 =	vsub.f32 v25, v30;
	v30 =	vtrunc.f32 v45;
	v61 =	vld.idx.msk [tilespmem:v42+s18+$0x0], $0xffff  }
0x271: {  	v43 =	vcvt.s32.f32 v43;
	v63 =	vcvt.f32.s32 v30;
	v29 =	vld.idx.msk [tilespmem:v42+s19+$0x0], $0xffff  }
0x272: {  	v20 =	vsub.f32 v20, v28;
	v30 =	vtrunc.f32 v31;
	v52 =	vtrunc.f32 v23  }
0x273: {  	v46 =	vcvt.f32.s32 v30;
	v26 =	vsub.f32 v26, v43;
	v30 =	vshll.u32 v63, $0x7  }
0x274: {  	v43 =	vcvt.f32.s32 v52;
	v22 =	vmul.f32 $9.999990460e+00, v22;
	v40 =	vsub.f32 v40, v60;
	v32 =	vld.idx.msk [tilespmem:v27+s18+$0x0], $0xffff  }
0x275: {  	v53 =	vor.u32 v2, v30;
	v30 =	vtrunc.f32 v35;
	v48 =	vshll.u32 v46, $0x7;
	v27 =	vld.idx.msk [tilespmem:v27+s19+$0x0], $0xffff  }
0x276: {  	v33 =	vsub.f32 v33, v62;
	v20 =	vmul.f32 v20, v40;
	v47 =	vsub.f32 v29, v61  }
0x277: {  	v28 =	vld [tilespmem:s31+$0xFFFFFF40];
	v56 =	vcvt.f32.s32 v30;
	v49 =	vshll.u32 v43, $0x7;
	v43 =	vcvt.s32.f32 v43  }
0x278: {  	v21 =	vld [tilespmem:s31+$0xFFFFFFB0];
	v54 =	vor.u32 v2, v48;
	v20 =	vadd.f32 v20, v60;
	v25 =	vmul.f32 v25, v47  }
0x279: {  	v30 =	vld [tilespmem:s31+$0x40];
	v33 =	vmul.f32 v34, v33;
	v57 =	vshll.u32 v56, $0x7;
	v43 =	vsub.f32 v23, v43  }
0x27a: {  	v23 =	vld [tilespmem:s31+$0xFFFFFFE0];
	[tilespmem:s31+$0x80] =	vst v20;
	v20 =	vor.u32 v2, v49;
	v27 =	vsub.f32 v27, v32;
	v25 =	vadd.f32 v25, v61  }
0x27b: {  	v46 =	vcvt.s32.f32 v46;
	v42 =	vcvt.s32.f32 v63;
	v58 =	vor.u32 v2, v57;
	v49 =	vld.idx.msk [tilespmem:v53+s18+$0x0], $0xffff  }
0x27c: {  	v28 =	vmul.f32 $9.999990460e+00, v28;
	v33 =	vadd.f32 v33, v62;
	v26 =	vmul.f32 v26, v27;
	[tilespmem:s31+$0xFFFFFF80] =	vst v25;
	v25 =	vld.idx.msk [tilespmem:v53+s19+$0x0], $0xffff  }
0x27d: {  	v59 =	vcvt.s32.f32 v56;
	v62 =	vtrunc.f32 v38;
	v44 =	vld.idx.msk [tilespmem:v54+s18+$0x0], $0xffff  }
0x27e: {  	v31 =	vsub.f32 v31, v46;
	v46 =	vcvt.f32.s32 v62;
	[tilespmem:s31+$0xFFFFFF00] =	vst v33;
	v60 =	vld.idx.msk [tilespmem:v54+s19+$0x0], $0xffff;
	v32 =	vadd.f32 v26, v32  }
0x27f: {  	v42 =	vsub.f32 v45, v42;
	v35 =	vsub.f32 v35, v59;
	v30 =	vmul.f32 $9.999990460e+00, v30;
	v63 =	vld.idx.msk [tilespmem:v20+s18+$0x0], $0xffff  }
0x280: {  	v51 =	vshll.u32 v46, $0x7;
	v46 =	vcvt.s32.f32 v46;
	v61 =	vtrunc.f32 v36;
	v54 =	vld.idx.msk [tilespmem:v20+s19+$0x0], $0xffff;
	[tilespmem:s31+$0x0] =	vst v32  }
0x281: {  	v47 =	vmul.f32 $9.999990460e+00, v21;
	v57 =	vor.u32 v3, v51;
	v33 =	vcvt.f32.s32 v61;
	v55 =	vld.idx.msk [tilespmem:v58+s18+$0x0], $0xffff  }
0x282: {  	v23 =	vmul.f32 $9.999990460e+00, v23;
	v53 =	vtrunc.f32 v41;
	v34 =	vld.idx.msk [tilespmem:v58+s19+$0x0], $0xffff;
	v25 =	vsub.f32 v25, v49  }
0x283: {  	v19 =	vld [tilespmem:s31+$0xFFFFFF30];
	v45 =	vcvt.f32.s32 v53;
	v52 =	vcvt.s32.f32 v33;
	v20 =	vshll.u32 v33, $0x7  }
0x284: {  	v24 =	vld [tilespmem:s31+$0x30];
	v56 =	vor.u32 v3, v20;
	v37 =	vsub.f32 v60, v44;
	v25 =	vmul.f32 v42, v25  }
0x285: {  	v59 =	vld [tilespmem:s31+$0xB0];
	v58 =	vcvt.f32.s32 v50;
	v60 =	vshll.u32 v45, $0x7;
	v32 =	vsub.f32 v54, v63  }
0x286: {  	v29 =	vld [tilespmem:s31+$0xFFFFFFC0];
	v45 =	vcvt.s32.f32 v45;
	v31 =	vmul.f32 v31, v37;
	v25 =	vadd.f32 v25, v49  }
0x287: {  	v27 =	vld [tilespmem:s31+$0xFFFFFF50];
	v40 =	vcvt.s32.f32 v58;
	v32 =	vmul.f32 v43, v32;
	v34 =	vsub.f32 v34, v55  }
0x288: {  	v26 =	vld [tilespmem:s31+$0x50];
	v61 =	vor.u32 v3, v60;
	v43 =	vmul.f32 $9.999990460e+00, v19;
	v31 =	vadd.f32 v31, v44;
	[tilespmem:s31+$0x90] =	vst v25  }
0x289: {  	v25 =	vshll.u32 v58, $0x7;
	v32 =	vadd.f32 v32, v63;
	v21 =	vmul.f32 v35, v34;
	v50 =	vld.idx.msk [tilespmem:v56+s18+$0x0], $0xffff  }
0x28a: {  	v35 =	vsub.f32 v41, v45;
	v41 =	vmul.f32 $9.999990460e+00, v59;
	[tilespmem:s31+$0xFFFFFF90] =	vst v31;
	v31 =	vld.idx.msk [tilespmem:v56+s19+$0x0], $0xffff;
	v62 =	vor.u32 v3, v25  }
0x28b: {  	v17 =	vor.u32 v8, v17;
	v54 =	vtrunc.f32 v47;
	v37 =	vmul.f32 $9.999990460e+00, v24;
	v51 =	vld.idx.msk [tilespmem:v57+s18+$0x0], $0xffff  }
0x28c: {  	v24 =	vtrunc.f32 v43;
	v63 =	vld.idx.msk [tilespmem:v57+s19+$0x0], $0xffff;
	[tilespmem:s31+$0xFFFFFF10] =	vst v32;
	v21 =	vadd.f32 v21, v55;
	v55 =	vtrunc.f32 v41  }
0x28d: {  	v53 =	vsub.f32 v38, v46;
	v56 =	vcvt.f32.s32 v54;
	v45 =	vld.idx.msk [tilespmem:v61+s18+$0x0], $0xffff;
	v46 =	vcvt.f32.s32 v55  }
0x28e: {  	v32 =	vsub.f32 v36, v52;
	v36 =	vcvt.f32.s32 v24;
	v44 =	vld.idx.msk [tilespmem:v61+s19+$0x0], $0xffff;
	[tilespmem:s31+$0x10] =	vst v21;
	v21 =	vtrunc.f32 v37  }
0x28f: {  	v58 =	vcvt.f32.s32 v21;
	v21 =	vshll.u32 v46, $0x7;
	v48 =	vld.idx.msk [tilespmem:v62+s18+$0x0], $0xffff;
	v24 =	vsub.f32 v31, v50  }
0x290: {  	v29 =	vmul.f32 $9.999990460e+00, v29;
	v27 =	vmul.f32 $9.999990460e+00, v27;
	v57 =	vld.idx.msk [tilespmem:v62+s19+$0x0], $0xffff;
	v59 =	vor.u32 v4, v21  }
0x291: {  	v20 =	vld [tilespmem:s31+$0xFFFFFF60];
	v62 =	vshll.u32 v56, $0x7;
	v31 =	vsub.f32 v63, v51;
	v24 =	vmul.f32 v32, v24  }
0x292: {  	v60 =	vsub.f32 v39, v40;
	v61 =	vshll.u32 v36, $0x7;
	v40 =	vor.u32 v4, v62  }
0x293: {  	[tilespmem:s30+$0xFFFFFFE0] =	vst v13;
	v55 =	vld [tilespmem:s31+$0xC0];
	v44 =	vsub.f32 v44, v45;
	v31 =	vmul.f32 v53, v31;
	v63 =	vadd.f32 v24, v50  }
0x294: {  	v13 =	vld.idx.msk [tilespmem:v14+s18+$0x0], $0xffff;
	v26 =	vmul.f32 $9.999990460e+00, v26;
	v39 =	vor.u32 v4, v61;
	v54 =	vshll.u32 v58, $0x7  }
0x295: {  	v35 =	vmul.f32 v35, v44;
	v31 =	vadd.f32 v31, v51;
	v38 =	vsub.f32 v57, v48;
	[tilespmem:s31+$0xA0] =	vst v63  }
0x296: {  	v20 =	vmul.f32 $9.999990460e+00, v20;
	v34 =	vcvt.s32.f32 v56;
	v56 =	vor.u32 v4, v54;
	v44 =	vld.idx.msk [tilespmem:v59+s18+$0x0], $0xffff  }
0x297: {  	v36 =	vcvt.s32.f32 v36;
	v32 =	vld.idx.msk [tilespmem:v59+s19+$0x0], $0xffff;
	v33 =	vmul.f32 v60, v38;
	[tilespmem:s31+$0xFFFFFFA0] =	vst v31;
	v31 =	vadd.f32 v35, v45  }
0x298: {  	v34 =	vsub.f32 v47, v34;
	v42 =	vcvt.s32.f32 v58;
	v35 =	vmul.f32 $9.999990460e+00, v55;
	v38 =	vld.idx.msk [tilespmem:v40+s18+$0x0], $0xffff  }
0x299: {  	v61 =	vtrunc.f32 v30;
	v58 =	vcvt.s32.f32 v46;
	[tilespmem:s31+$0xFFFFFF20] =	vst v31;
	v31 =	vld.idx.msk [tilespmem:v40+s19+$0x0], $0xffff;
	v33 =	vadd.f32 v33, v48  }
0x29a: {  	v37 =	vsub.f32 v37, v42;
	v60 =	vtrunc.f32 v29;
	v59 =	vtrunc.f32 v35;
	v42 =	vld.idx.msk [tilespmem:v39+s18+$0x0], $0xffff  }
0x29b: {  	v36 =	vsub.f32 v43, v36;
	v46 =	vcvt.f32.s32 v60;
	v45 =	vcvt.f32.s32 v59;
	v39 =	vld.idx.msk [tilespmem:v39+s19+$0x0], $0xffff;
	[tilespmem:s31+$0x20] =	vst v33  }
0x29c: {  	v57 =	vtrunc.f32 v28;
	v40 =	vsub.f32 v41, v58;
	v32 =	vsub.f32 v32, v44;
	v41 =	vld.idx.msk [tilespmem:v56+s18+$0x0], $0xffff  }
0x29d: {  	[tilespmem:s30+$0x60] =	vst v18;
	v43 =	vcvt.f32.s32 v57;
	v55 =	vshll.u32 v46, $0x7;
	v47 =	vld.idx.msk [tilespmem:v56+s19+$0x0], $0xffff;
	v62 =	vshll.u32 v45, $0x7  }
0x29e: {  	v54 =	vld.idx.msk [tilespmem:v14+s19+$0x0], $0xffff;
	v63 =	vor.u32 v5, v62;
	v32 =	vmul.f32 v40, v32;
	v31 =	vsub.f32 v31, v38  }
0x29f: {  	v14 =	vld.idx.msk [tilespmem:v17+s18+$0x0], $0xffff;
	v53 =	vshll.u32 v43, $0x7;
	v33 =	vcvt.f32.s32 v61;
	v59 =	vor.u32 v5, v55  }
0x2a0: {  	v58 =	vld [tilespmem:s31+$0xD0];
	v57 =	vsub.f32 v39, v42;
	v18 =	vadd.f32 v32, v44;
	v31 =	vmul.f32 v34, v31  }
0x2a1: {  	v50 =	vld.idx.msk [tilespmem:v17+s19+$0x0], $0xffff;
	v43 =	vcvt.s32.f32 v43;
	v48 =	vor.u32 v5, v53;
	v56 =	vshll.u32 v33, $0x7  }
0x2a2: {  	v62 =	vsub.f32 v47, v41;
	[tilespmem:s31+$0xB0] =	vst v18;
	v18 =	vmul.f32 v36, v57;
	v31 =	vadd.f32 v31, v38  }
0x2a3: {  	v60 =	vcvt.s32.f32 v46;
	v28 =	vsub.f32 v28, v43;
	v61 =	vor.u32 v5, v56;
	v36 =	vld.idx.msk [tilespmem:v63+s18+$0x0], $0xffff  }
0x2a4: {  	v51 =	vtrunc.f32 v27;
	v63 =	vld.idx.msk [tilespmem:v63+s19+$0x0], $0xffff;
	v32 =	vmul.f32 v37, v62;
	v17 =	vadd.f32 v18, v42;
	[tilespmem:s31+$0xFFFFFFB0] =	vst v31  }
0x2a5: {  	v29 =	vsub.f32 v29, v60;
	v52 =	vcvt.s32.f32 v45;
	v31 =	vmul.f32 $9.999990460e+00, v58;
	v34 =	vld.idx.msk [tilespmem:v59+s18+$0x0], $0xffff  }
0x2a6: {  	v33 =	vcvt.s32.f32 v33;
	v56 =	vtrunc.f32 v26;
	v39 =	vld.idx.msk [tilespmem:v59+s19+$0x0], $0xffff;
	v18 =	vadd.f32 v32, v41;
	[tilespmem:s31+$0xFFFFFF30] =	vst v17  }
0x2a7: {  	v53 =	vtrunc.f32 v31;
	v17 =	vsub.f32 v54, v13;
	v54 =	vtrunc.f32 v22;
	v41 =	vld.idx.msk [tilespmem:v48+s18+$0x0], $0xffff  }
0x2a8: {  	v30 =	vsub.f32 v30, v33;
	v40 =	vcvt.f32.s32 v53;
	v55 =	vld.idx.msk [tilespmem:v48+s19+$0x0], $0xffff;
	[tilespmem:s31+$0x30] =	vst v18;
	v59 =	vcvt.f32.s32 v54  }
0x2a9: {  	v33 =	vcvt.f32.s32 v51;
	v32 =	vsub.f32 v35, v52;
	v57 =	vsub.f32 v63, v36;
	v58 =	vld.idx.msk [tilespmem:v61+s18+$0x0], $0xffff  }
0x2aa: {  	v44 =	vcvt.f32.s32 v56;
	v60 =	vld.idx.msk [tilespmem:v61+s19+$0x0], $0xffff;
	v61 =	vshll.u32 v40, $0x7;
	v48 =	vshll.u32 v59, $0x7  }
0x2ab: {  	v25 =	vld [tilespmem:s31+$0x60];
	v32 =	vmul.f32 v32, v57;
	v62 =	vor.u32 v6, v61;
	v39 =	vsub.f32 v39, v34  }
0x2ac: {  	v18 =	vsub.f32 v50, v14;
	v63 =	vshll.u32 v33, $0x7;
	v50 =	vor.u32 v6, v48  }
0x2ad: {  	v51 =	vld [tilespmem:s31+$0xE0];
	v32 =	vadd.f32 v32, v36;
	v49 =	vsub.f32 v55, v41;
	v29 =	vmul.f32 v29, v39  }
0x2ae: {  	v56 =	vcvt.s32.f32 v44;
	v52 =	vshll.u32 v44, $0x7;
	v45 =	vor.u32 v6, v63  }
0x2af: {  	v53 =	vsub.f32 v60, v58;
	[tilespmem:s31+$0xC0] =	vst v32;
	v28 =	vmul.f32 v28, v49;
	v29 =	vadd.f32 v29, v34  }
0x2b0: {  	v37 =	vmul.f32 $9.999990460e+00, v25;
	v54 =	vor.u32 v6, v52;
	v33 =	vcvt.s32.f32 v33;
	v55 =	vld.idx.msk [tilespmem:v62+s18+$0x0], $0xffff  }
0x2b1: {  	v38 =	vcvt.s32.f32 v59;
	v35 =	vld.idx.msk [tilespmem:v62+s19+$0x0], $0xffff;
	v28 =	vadd.f32 v28, v41;
	[tilespmem:s31+$0xFFFFFFC0] =	vst v29;
	v29 =	vmul.f32 v30, v53  }
0x2b2: {  	v25 =	vcvt.s32.f32 v40;
	v27 =	vsub.f32 v27, v33;
	v32 =	vmul.f32 $9.999990460e+00, v51;
	v30 =	vld.idx.msk [tilespmem:v50+s18+$0x0], $0xffff  }
0x2b3: {  	v57 =	vtrunc.f32 v20;
	v61 =	vsub.f32 v26, v56;
	[tilespmem:s31+$0xFFFFFF40] =	vst v28;
	v28 =	vld.idx.msk [tilespmem:v50+s19+$0x0], $0xffff;
	v29 =	vadd.f32 v29, v58  }
0x2b4: {  	v22 =	vsub.f32 v22, v38;
	v60 =	vtrunc.f32 v23;
	v59 =	vtrunc.f32 v32;
	v58 =	vld.idx.msk [tilespmem:v45+s18+$0x0], $0xffff  }
0x2b5: {  	v25 =	vsub.f32 v31, v25;
	v48 =	vcvt.f32.s32 v60;
	v26 =	vld.idx.msk [tilespmem:v45+s19+$0x0], $0xffff;
	[tilespmem:s31+$0x40] =	vst v29;
	v29 =	vcvt.f32.s32 v59  }
0x2b6: {  	v33 =	vcvt.f32.s32 v57;
	v62 =	vtrunc.f32 v37;
	v31 =	vsub.f32 v35, v55;
	v63 =	vld.idx.msk [tilespmem:v54+s18+$0x0], $0xffff  }
0x2b7: {  	v39 =	vcvt.f32.s32 v62;
	v51 =	vshll.u32 v48, $0x7;
	v34 =	vld.idx.msk [tilespmem:v54+s19+$0x0], $0xffff;
	v49 =	vshll.u32 v29, $0x7  }
0x2b8: {  	v19 =	vld [tilespmem:s31+$0xFFFFFF70];
	v43 =	vor.u32 v7, v51;
	v25 =	vmul.f32 v25, v31;
	v31 =	vor.u32 v7, v49  }
0x2b9: {  	v21 =	vld [tilespmem:s31+$0xFFFFFFF0];
	v50 =	vshll.u32 v33, $0x7;
	v52 =	vshll.u32 v39, $0x7;
	v28 =	vsub.f32 v28, v30  }
0x2ba: {  	v53 =	vld [tilespmem:s31+$0xF0];
	v40 =	vor.u32 v7, v50;
	v44 =	vor.u32 v7, v52;
	v25 =	vadd.f32 v25, v55  }
0x2bb: {  	[tilespmem:s30+$0xFFFFFF60] =	vst v12;
	v24 =	vld [tilespmem:s31+$0x70];
	v54 =	vcvt.s32.f32 v48;
	v26 =	vsub.f32 v26, v58;
	v22 =	vmul.f32 v22, v28  }
0x2bc: {  	v12 =	vld.idx.msk [tilespmem:v15+s18+$0x0], $0xffff;
	v29 =	vcvt.s32.f32 v29;
	v28 =	vcvt.s32.f32 v33;
	[tilespmem:s31+$0xD0] =	vst v25;
	v34 =	vsub.f32 v34, v63  }
0x2bd: {  	v27 =	vmul.f32 v27, v26;
	v25 =	vmul.f32 $9.999990460e+00, v19;
	v22 =	vadd.f32 v22, v30;
	v55 =	vld.idx.msk [tilespmem:v31+s18+$0x0], $0xffff  }
0x2be: {  	v29 =	vsub.f32 v32, v29;
	v30 =	vcvt.s32.f32 v39;
	v31 =	vld.idx.msk [tilespmem:v31+s19+$0x0], $0xffff;
	v19 =	vmul.f32 v61, v34  }
0x2bf: {  	v15 =	vld.idx.msk [tilespmem:v15+s19+$0x0], $0xffff;
	v56 =	vadd.f32 v27, v58;
	[tilespmem:s31+$0xFFFFFFD0] =	vst v22;
	v22 =	vmul.f32 $9.999990460e+00, v21;
	v21 =	vmul.f32 $9.999990460e+00, v53  }
0x2c0: {  	v26 =	vsub.f32 v20, v28;
	v20 =	vsub.f32 v23, v54;
	v23 =	vmul.f32 $9.999990460e+00, v24;
	v28 =	vld.idx.msk [tilespmem:v43+s18+$0x0], $0xffff  }
0x2c1: {  	v57 =	vtrunc.f32 v25;
	v58 =	vld.idx.msk [tilespmem:v43+s19+$0x0], $0xffff;
	v19 =	vadd.f32 v19, v63;
	[tilespmem:s31+$0xFFFFFF50] =	vst v56;
	v24 =	vtrunc.f32 v21  }
0x2c2: {  	v27 =	vsub.f32 v37, v30;
	v33 =	vcvt.f32.s32 v57;
	v30 =	vld.idx.msk [tilespmem:v40+s18+$0x0], $0xffff;
	v24 =	vcvt.f32.s32 v24  }
0x2c3: {  	v60 =	vtrunc.f32 v23;
	v59 =	vtrunc.f32 v22;
	v35 =	vld.idx.msk [tilespmem:v40+s19+$0x0], $0xffff;
	[tilespmem:s31+$0x50] =	vst v19;
	v61 =	vsub.f32 v31, v55  }
0x2c4: {  	v32 =	vcvt.f32.s32 v59;
	v19 =	vshll.u32 v33, $0x7;
	v36 =	vld.idx.msk [tilespmem:v44+s19+$0x0], $0xffff;
	v62 =	vshll.u32 v24, $0x7  }
0x2c5: {  	v31 =	vcvt.f32.s32 v60;
	v63 =	vmul.f32 v29, v61;
	v34 =	vor.u32 v8, v62;
	v29 =	vld.idx.msk [tilespmem:v44+s18+$0x0], $0xffff  }
0x2c6: {  	v15 =	vsub.f32 v15, v12;
	v19 =	vor.u32 v8, v19;
	v37 =	vsub.f32 v58, v28  }
0x2c7: {  	s0 =	simm.s32 $0x4;
	s2 =	simm.s32 $0x2F80;
	[tilespmem:s30+$0xF0] =	vst v16;
	v38 =	vshll.u32 v32, $0x7;
	v16 =	vshll.u32 v31, $0x7;
	v39 =	vadd.f32 v63, v55  }
.LBB2_6:
0x2c8: {  	v40 =	vld [tilespmem:s2+$0x80];
	v35 =	vsub.f32 v35, v30;
	v37 =	vmul.f32 v20, v37;
	v20 =	vor.u32 v8, v38  }
0x2c9: {  	v33 =	vcvt.s32.f32 v33;
	v32 =	vcvt.s32.f32 v32;
	v16 =	vor.u32 v8, v16;
	v38 =	vld [tilespmem:s2+$0xFFFFFF80];
	[tilespmem:s31+$0xE0] =	vst v39  }
0x2ca: {  	v26 =	vmul.f32 v26, v35;
	v28 =	vadd.f32 v37, v28;
	v35 =	vsub.f32 v36, v29;
	v36 =	vld.idx.msk [tilespmem:v34+s18+$0x0], $0xffff  }
0x2cb: {  	v31 =	vcvt.s32.f32 v31;
	v25 =	vsub.f32 v25, v33;
	v22 =	vsub.f32 v22, v32;
	v32 =	vld.idx.msk [tilespmem:v34+s19+$0x0], $0xffff  }
0x2cc: {  	v15 =	vmul.f32 v10, v15;
	v33 =	vld [tilespmem:s2+$0x0];
	v26 =	vadd.f32 v26, v30;
	[tilespmem:s31+$0xFFFFFFE0] =	vst v28;
	v27 =	vmul.f32 v27, v35  }
0x2cd: {  	v17 =	vmul.f32 v9, v17;
	v23 =	vsub.f32 v23, v31;
	v10 =	vmovc v25;
	v9 =	vmovc v22;
	v28 =	vld [tilespmem:s2+$0xFFFFFF00];
	v30 =	vmul.f32 $9.999990460e+00, v40  }
0x2ce: {  	v18 =	vmul.f32 v11, v18;
	v25 =	vld [tilespmem:s2+$0xFFFFFF10];
	v31 =	vmul.f32 $9.999990460e+00, v38;
	[tilespmem:s31+$0xFFFFFF60] =	vst v26;
	v22 =	vadd.f32 v27, v29  }
0x2cf: {  	v24 =	vcvt.s32.f32 v24;
	v12 =	vadd.f32 v15, v12;
	v11 =	vmovc v23;
	v26 =	vld [tilespmem:s2+$0xFFFFFF90];
	v27 =	vtrunc.f32 v30  }
0x2d0: {  	s0 =	sadd.s32 $0x4, s0;
	v13 =	vadd.f32 v17, v13;
	v15 =	vtrunc.f32 v31;
	v29 =	vld [tilespmem:s2+$0x10];
	v27 =	vcvt.f32.s32 v27;
	[tilespmem:s31+$0x60] =	vst v22  }
0x2d1: {  	p0 =	slt.u32 s0, $0xBC;
	v21 =	vsub.f32 v21, v24;
	v22 =	vsub.f32 v32, v36;
	v17 =	vld [tilespmem:s2+$0xFFFFFF20];
	v23 =	vmul.f32 $9.999990460e+00, v33;
	[tilespmem:s30+$0xFFFFFF70] =	vst v12  }
0x2d2: {  	v15 =	vcvt.f32.s32 v15;
	v24 =	vmul.f32 $9.999990460e+00, v28;
	v32 =	vld [tilespmem:s2+$0xFFFFFFA0];
	v12 =	vshll.u32 v27, $0x7;
	[tilespmem:s30+$0xFFFFFFF0] =	vst v13  }
0x2d3: {  	v21 =	vmul.f32 v21, v22;
	v28 =	vtrunc.f32 v23;
	v33 =	vld [tilespmem:s2+$0x20];
	v34 =	vor.u32 v0, v12  }
0x2d4: {  	v22 =	vshll.u32 v15, $0x7;
	v12 =	vtrunc.f32 v24;
	v13 =	vld [tilespmem:s2+$0xFFFFFF30];
	v28 =	vcvt.f32.s32 v28  }
0x2d5: {  	v37 =	vor.u32 v0, v22;
	v21 =	vadd.f32 v21, v36;
	v35 =	vcvt.f32.s32 v12;
	v12 =	vld [tilespmem:s2+$0xFFFFFFB0]  }
0x2d6: {  	v15 =	vcvt.s32.f32 v15;
	v36 =	vcvt.s32.f32 v28;
	v22 =	vshll.u32 v28, $0x7;
	v28 =	vld [tilespmem:s2+$0x90]  }
0x2d7: {  	v38 =	vcvt.s32.f32 v35;
	v35 =	vshll.u32 v35, $0x7;
	v39 =	vor.u32 v0, v22;
	v22 =	vld [tilespmem:s2+$0x30];
	[tilespmem:s31+$0xF0] =	vst v21  }
0x2d8: {  	v31 =	vsub.f32 v31, v15;
	v21 =	vor.u32 v0, v35;
	v35 =	vsub.f32 v23, v36;
	v36 =	vld.idx.msk [tilespmem:v34+s18+$0x0], $0xffff  }
0x2d9: {  	v25 =	vmul.f32 $9.999990460e+00, v25;
	v26 =	vmul.f32 $9.999990460e+00, v26;
	v24 =	vsub.f32 v24, v38;
	v15 =	vld.idx.msk [tilespmem:v34+s19+$0x0], $0xffff  }
0x2da: {  	v14 =	vadd.f32 v18, v14;
	v29 =	vmul.f32 $9.999990460e+00, v29;
	v23 =	vmul.f32 $9.999990460e+00, v17;
	v34 =	vld.idx.msk [tilespmem:v37+s18+$0x0], $0xffff  }
0x2db: {  	v17 =	vtrunc.f32 v25;
	v18 =	vld.idx.msk [tilespmem:v37+s19+$0x0], $0xffff;
	v37 =	vmul.f32 $9.999990460e+00, v28  }
0x2dc: {  	v40 =	vtrunc.f32 v29;
	v28 =	vtrunc.f32 v26;
	v38 =	vld.idx.msk [tilespmem:v39+s18+$0x0], $0xffff;
	[tilespmem:s30+$0x70] =	vst v14;
	s30 =	smov.u32 s31;
	s31 =	smov.u32 s2  }
0x2dd: {  	v14 =	vcvt.s32.f32 v27;
	v41 =	vld.idx.msk [tilespmem:v21+s18+$0x0], $0xffff;
	v27 =	vtrunc.f32 v37  }
0x2de: {  	v42 =	vcvt.f32.s32 v17;
	v21 =	vld.idx.msk [tilespmem:v21+s19+$0x0], $0xffff;
	v43 =	vcvt.f32.s32 v27  }
0x2df: {  	v27 =	vcvt.f32.s32 v28;
	v14 =	vsub.f32 v30, v14;
	v17 =	vsub.f32 v15, v36;
	v39 =	vld.idx.msk [tilespmem:v39+s19+$0x0], $0xffff  }
0x2e0: {  	v40 =	vcvt.f32.s32 v40;
	v30 =	vshll.u32 v42, $0x7;
	v28 =	vld [tilespmem:s2+$0xFFFFFF40];
	v44 =	vshll.u32 v43, $0x7  }
0x2e1: {  	v18 =	vsub.f32 v18, v34;
	v45 =	vmul.f32 v14, v17;
	v15 =	vld [tilespmem:s2+$0xFFFFFFC0];
	v44 =	vor.u32 v2, v44  }
0x2e2: {  	v47 =	vshll.u32 v40, $0x7;
	v30 =	vor.u32 v2, v30;
	v46 =	vshll.u32 v27, $0x7;
	v14 =	vld [tilespmem:s2+$0x40]  }
0x2e3: {  	v18 =	vmul.f32 v31, v18;
	v31 =	vor.u32 v2, v46;
	v36 =	vadd.f32 v45, v36;
	v17 =	vld [tilespmem:s2+$0xFFFFFF50]  }
0x2e4: {  	v42 =	vcvt.s32.f32 v42;
	v45 =	vor.u32 v2, v47;
	v21 =	vsub.f32 v21, v41;
	v46 =	vld [tilespmem:s2+$0xA0]  }
0x2e5: {  	v27 =	vcvt.s32.f32 v27;
	v34 =	vadd.f32 v18, v34;
	v39 =	vsub.f32 v39, v38;
	v18 =	vld [tilespmem:s2+$0xFFFFFFD0];
	[tilespmem:s2+$0x80] =	vst v36  }
0x2e6: {  	v21 =	vmul.f32 v24, v21;
	v36 =	vsub.f32 v25, v42;
	v24 =	vcvt.s32.f32 v40;
	v40 =	vld.idx.msk [tilespmem:v44+s18+$0x0], $0xffff  }
0x2e7: {  	v32 =	vmul.f32 $9.999990460e+00, v32;
	v25 =	vmul.f32 v35, v39;
	[tilespmem:s2+$0xFFFFFF80] =	vst v34;
	v34 =	vsub.f32 v26, v27;
	v26 =	vld.idx.msk [tilespmem:v44+s19+$0x0], $0xffff  }
0x2e8: {  	v33 =	vmul.f32 $9.999990460e+00, v33;
	v21 =	vadd.f32 v21, v41;
	v29 =	vsub.f32 v29, v24;
	v35 =	vld.idx.msk [tilespmem:v31+s18+$0x0], $0xffff  }
0x2e9: {  	v24 =	vtrunc.f32 v23;
	v25 =	vadd.f32 v25, v38;
	v31 =	vld.idx.msk [tilespmem:v31+s19+$0x0], $0xffff;
	v38 =	vmul.f32 $9.999990460e+00, v46  }
0x2ea: {  	v39 =	vtrunc.f32 v33;
	[tilespmem:s2+$0xFFFFFF00] =	vst v21;
	v21 =	vtrunc.f32 v32;
	v27 =	vld [tilespmem:s2+$0x50]  }
0x2eb: {  	v41 =	vld.idx.msk [tilespmem:v30+s18+$0x0], $0xffff;
	[tilespmem:s2+$0x0] =	vst v25;
	v25 =	vcvt.s32.f32 v43;
	v42 =	vtrunc.f32 v38  }
0x2ec: {  	v43 =	vcvt.f32.s32 v24;
	v30 =	vld.idx.msk [tilespmem:v30+s19+$0x0], $0xffff;
	v42 =	vcvt.f32.s32 v42  }
0x2ed: {  	v44 =	vcvt.f32.s32 v21;
	v24 =	vsub.f32 v26, v40;
	v46 =	vld.idx.msk [tilespmem:v45+s18+$0x0], $0xffff;
	v21 =	vsub.f32 v37, v25  }
0x2ee: {  	v39 =	vcvt.f32.s32 v39;
	v26 =	vshll.u32 v43, $0x7;
	v37 =	vld.idx.msk [tilespmem:v45+s19+$0x0], $0xffff;
	v45 =	vshll.u32 v42, $0x7  }
0x2ef: {  	v31 =	vsub.f32 v31, v35;
	v25 =	vld [tilespmem:s2+$0xFFFFFF60];
	v21 =	vmul.f32 v21, v24;
	v45 =	vor.u32 v3, v45  }
0x2f0: {  	v48 =	vshll.u32 v39, $0x7;
	v47 =	vor.u32 v3, v26;
	v24 =	vshll.u32 v44, $0x7;
	v26 =	vld [tilespmem:s2+$0xFFFFFFE0]  }
0x2f1: {  	v31 =	vmul.f32 v34, v31;
	v34 =	vor.u32 v3, v24;
	v24 =	vld [tilespmem:s2+$0x60];
	v40 =	vadd.f32 v21, v40  }
0x2f2: {  	v48 =	vor.u32 v3, v48;
	v43 =	vcvt.s32.f32 v43;
	v30 =	vsub.f32 v30, v41;
	v49 =	vld [tilespmem:s2+$0xB0]  }
0x2f3: {  	v39 =	vcvt.s32.f32 v39;
	v31 =	vadd.f32 v31, v35;
	v35 =	vcvt.s32.f32 v44;
	v21 =	vld [tilespmem:s2+$0xFFFFFF70];
	[tilespmem:s2+$0x90] =	vst v40  }
0x2f4: {  	v30 =	vmul.f32 v36, v30;
	v36 =	vsub.f32 v23, v43;
	v23 =	vsub.f32 v37, v46;
	v37 =	vld.idx.msk [tilespmem:v45+s18+$0x0], $0xffff  }
0x2f5: {  	v40 =	vmul.f32 $9.999990460e+00, v13;
	v13 =	vsub.f32 v32, v35;
	[tilespmem:s2+$0xFFFFFF90] =	vst v31;
	v31 =	vsub.f32 v33, v39;
	v32 =	vld.idx.msk [tilespmem:v45+s19+$0x0], $0xffff  }
0x2f6: {  	v35 =	vmul.f32 $9.999990460e+00, v12;
	v30 =	vadd.f32 v30, v41;
	v12 =	vmul.f32 v29, v23;
	v33 =	vld.idx.msk [tilespmem:v34+s18+$0x0], $0xffff  }
0x2f7: {  	v29 =	vmul.f32 $9.999990460e+00, v22;
	v23 =	vld.idx.msk [tilespmem:v34+s19+$0x0], $0xffff;
	v34 =	vmul.f32 $9.999990460e+00, v49  }
0x2f8: {  	v39 =	vtrunc.f32 v35;
	v12 =	vadd.f32 v12, v46;
	[tilespmem:s2+$0xFFFFFF10] =	vst v30;
	v30 =	vtrunc.f32 v40;
	v22 =	vld [tilespmem:s2+$0xFFFFFFF0]  }
0x2f9: {  	v42 =	vcvt.s32.f32 v42;
	v41 =	vld.idx.msk [tilespmem:v47+s18+$0x0], $0xffff;
	v43 =	vtrunc.f32 v34  }
0x2fa: {  	v44 =	vld.idx.msk [tilespmem:v47+s19+$0x0], $0xffff;
	[tilespmem:s2+$0x10] =	vst v12;
	v12 =	vtrunc.f32 v29;
	v43 =	vcvt.f32.s32 v43  }
0x2fb: {  	v38 =	vsub.f32 v38, v42;
	v30 =	vcvt.f32.s32 v30;
	v32 =	vsub.f32 v32, v37;
	v45 =	vld.idx.msk [tilespmem:v48+s18+$0x0], $0xffff  }
0x2fc: {  	v39 =	vcvt.f32.s32 v39;
	v46 =	vcvt.f32.s32 v12;
	v42 =	vld.idx.msk [tilespmem:v48+s19+$0x0], $0xffff;
	v12 =	vshll.u32 v43, $0x7  }
0x2fd: {  	v47 =	vsub.f32 v23, v33;
	v32 =	vmul.f32 v38, v32;
	v23 =	vld [tilespmem:s2+$0x70];
	v38 =	vor.u32 v4, v12  }
0x2fe: {  	v49 =	vshll.u32 v39, $0x7;
	v48 =	vshll.u32 v30, $0x7;
	v50 =	vshll.u32 v46, $0x7;
	v12 =	vld.idx.msk [tilespmem:v19+s18+$0x0], $0xffff  }
0x2ff: {  	v48 =	vor.u32 v4, v48;
	v13 =	vmul.f32 v13, v47;
	v32 =	vadd.f32 v32, v37;
	v19 =	vld.idx.msk [tilespmem:v19+s19+$0x0], $0xffff  }
0x300: {  	v47 =	vor.u32 v4, v50;
	v37 =	vsub.f32 v44, v41;
	v44 =	vor.u32 v4, v49;
	v49 =	vld [tilespmem:s2+$0xC0]  }
0x301: {  	v39 =	vcvt.s32.f32 v39;
	v30 =	vcvt.s32.f32 v30;
	v33 =	vadd.f32 v13, v33;
	[tilespmem:s2+$0xA0] =	vst v32;
	v13 =	vld.idx.msk [tilespmem:v20+s18+$0x0], $0xffff  }
0x302: {  	v32 =	vmul.f32 v36, v37;
	v36 =	vsub.f32 v42, v45;
	v37 =	vcvt.s32.f32 v46;
	v42 =	vld.idx.msk [tilespmem:v38+s18+$0x0], $0xffff  }
0x303: {  	v28 =	vmul.f32 $9.999990460e+00, v28;
	v30 =	vsub.f32 v40, v30;
	[tilespmem:s2+$0xFFFFFFA0] =	vst v33;
	v33 =	vsub.f32 v35, v39;
	v35 =	vld.idx.msk [tilespmem:v38+s19+$0x0], $0xffff  }
0x304: {  	v32 =	vadd.f32 v32, v41;
	v31 =	vmul.f32 v31, v36;
	v29 =	vsub.f32 v29, v37;
	v20 =	vld.idx.msk [tilespmem:v20+s19+$0x0], $0xffff  }
0x305: {  	v37 =	vmul.f32 $9.999990460e+00, v15;
	v15 =	vsub.f32 v19, v12;
	v36 =	vld.idx.msk [tilespmem:v44+s18+$0x0], $0xffff;
	v38 =	vmul.f32 $9.999990460e+00, v49  }
0x306: {  	v39 =	vmul.f32 $9.999990460e+00, v14;
	v19 =	vtrunc.f32 v28;
	v31 =	vadd.f32 v31, v45;
	[tilespmem:s2+$0xFFFFFF20] =	vst v32;
	v32 =	vld.idx.msk [tilespmem:v44+s19+$0x0], $0xffff  }
0x307: {  	v14 =	vcvt.s32.f32 v43;
	v40 =	vld.idx.msk [tilespmem:v48+s18+$0x0], $0xffff;
	v41 =	vtrunc.f32 v38  }
0x308: {  	v44 =	vtrunc.f32 v37;
	v43 =	vld.idx.msk [tilespmem:v48+s19+$0x0], $0xffff;
	[tilespmem:s2+$0x20] =	vst v31;
	v31 =	vcvt.f32.s32 v41  }
0x309: {  	v45 =	vtrunc.f32 v39;
	v14 =	vsub.f32 v34, v14;
	v34 =	vsub.f32 v35, v42;
	v41 =	vld.idx.msk [tilespmem:v47+s18+$0x0], $0xffff  }
0x30a: {  	v19 =	vcvt.f32.s32 v19;
	v35 =	vcvt.f32.s32 v44;
	v44 =	vld.idx.msk [tilespmem:v47+s19+$0x0], $0xffff;
	v46 =	vshll.u32 v31, $0x7  }
0x30b: {  	v45 =	vcvt.f32.s32 v45;
	v34 =	vmul.f32 v14, v34;
	v46 =	vor.u32 v5, v46;
	v14 =	vld.idx.msk [tilespmem:v16+s18+$0x0], $0xffff  }
0x30c: {  	v47 =	vshll.u32 v19, $0x7;
	v48 =	vshll.u32 v35, $0x7;
	v32 =	vsub.f32 v32, v36;
	v16 =	vld.idx.msk [tilespmem:v16+s19+$0x0], $0xffff  }
0x30d: {  	v49 =	vshll.u32 v45, $0x7;
	v47 =	vor.u32 v5, v47;
	v34 =	vadd.f32 v34, v42  }
0x30e: {  	v42 =	vsub.f32 v43, v40;
	v32 =	vmul.f32 v33, v32;
	v33 =	vor.u32 v5, v48;
	v43 =	vld [tilespmem:s2+$0xD0]  }
0x30f: {  	v19 =	vcvt.s32.f32 v19;
	v35 =	vcvt.s32.f32 v35;
	v48 =	vor.u32 v5, v49;
	[tilespmem:s2+$0xB0] =	vst v34  }
0x310: {  	v30 =	vmul.f32 v30, v42;
	v32 =	vadd.f32 v32, v36;
	v34 =	vsub.f32 v44, v41;
	v36 =	vld.idx.msk [tilespmem:v46+s18+$0x0], $0xffff  }
0x311: {  	v19 =	vsub.f32 v28, v19;
	v28 =	vsub.f32 v37, v35;
	v35 =	vcvt.s32.f32 v45;
	v37 =	vld.idx.msk [tilespmem:v46+s19+$0x0], $0xffff  }
0x312: {  	v30 =	vadd.f32 v30, v40;
	v40 =	vmul.f32 $9.999990460e+00, v17;
	v17 =	vmul.f32 v29, v34;
	[tilespmem:s2+$0xFFFFFFB0] =	vst v32  }
0x313: {  	v34 =	vsub.f32 v39, v35;
	v32 =	vmul.f32 $9.999990460e+00, v18;
	v29 =	vld.idx.msk [tilespmem:v33+s18+$0x0], $0xffff;
	v35 =	vmul.f32 $9.999990460e+00, v43  }
0x314: {  	v27 =	vmul.f32 $9.999990460e+00, v27;
	v18 =	vadd.f32 v17, v41;
	[tilespmem:s2+$0xFFFFFF30] =	vst v30;
	v30 =	vtrunc.f32 v40;
	v33 =	vld.idx.msk [tilespmem:v33+s19+$0x0], $0xffff  }
0x315: {  	v31 =	vcvt.s32.f32 v31;
	v17 =	vsub.f32 v20, v13;
	v39 =	vld.idx.msk [tilespmem:v47+s18+$0x0], $0xffff;
	v41 =	vtrunc.f32 v35  }
0x316: {  	v42 =	vtrunc.f32 v32;
	v20 =	vld.idx.msk [tilespmem:v47+s19+$0x0], $0xffff;
	[tilespmem:s2+$0x30] =	vst v18;
	v41 =	vcvt.f32.s32 v41;
	v18 =	vsub.f32 v16, v14  }
0x317: {  	v31 =	vsub.f32 v38, v31;
	v43 =	vtrunc.f32 v27;
	v37 =	vsub.f32 v37, v36;
	v16 =	vld.idx.msk [tilespmem:v48+s18+$0x0], $0xffff  }
0x318: {  	v30 =	vcvt.f32.s32 v30;
	v38 =	vcvt.f32.s32 v42;
	v42 =	vld.idx.msk [tilespmem:v48+s19+$0x0], $0xffff;
	v44 =	vshll.u32 v41, $0x7  }
0x319: {  	v43 =	vcvt.f32.s32 v43;
	v31 =	vmul.f32 v31, v37;
	v37 =	vor.u32 v6, v44  }
0x31a: {  	v45 =	vshll.u32 v38, $0x7;
	v44 =	vshll.u32 v30, $0x7;
	v33 =	vsub.f32 v33, v29  }
0x31b: {  	v46 =	vshll.u32 v43, $0x7;
	v44 =	vor.u32 v6, v44;
	v31 =	vadd.f32 v31, v36  }
0x31c: {  	v20 =	vsub.f32 v20, v39;
	v28 =	vmul.f32 v28, v33;
	v33 =	vor.u32 v6, v45;
	v36 =	vld [tilespmem:s2+$0xE0]  }
0x31d: {  	v38 =	vcvt.s32.f32 v38;
	v30 =	vcvt.s32.f32 v30;
	v45 =	vor.u32 v6, v46;
	[tilespmem:s2+$0xC0] =	vst v31  }
0x31e: {  	v19 =	vmul.f32 v19, v20;
	v20 =	vadd.f32 v28, v29;
	v28 =	vsub.f32 v42, v16;
	v29 =	vld.idx.msk [tilespmem:v37+s18+$0x0], $0xffff  }
0x31f: {  	v30 =	vsub.f32 v40, v30;
	v31 =	vsub.f32 v32, v38;
	v32 =	vcvt.s32.f32 v43;
	v37 =	vld.idx.msk [tilespmem:v37+s19+$0x0], $0xffff  }
0x320: {  	v25 =	vmul.f32 $9.999990460e+00, v25;
	v19 =	vadd.f32 v19, v39;
	[tilespmem:s2+$0xFFFFFFC0] =	vst v20;
	v20 =	vmul.f32 v34, v28  }
0x321: {  	v27 =	vsub.f32 v27, v32;
	v34 =	vmul.f32 $9.999990460e+00, v26;
	v28 =	vld.idx.msk [tilespmem:v33+s18+$0x0], $0xffff;
	v32 =	vmul.f32 $9.999990460e+00, v36  }
0x322: {  	v24 =	vmul.f32 $9.999990460e+00, v24;
	[tilespmem:s2+$0xFFFFFF40] =	vst v19;
	v19 =	vtrunc.f32 v25;
	v26 =	vld.idx.msk [tilespmem:v33+s19+$0x0], $0xffff;
	v16 =	vadd.f32 v20, v16  }
0x323: {  	v20 =	vcvt.s32.f32 v41;
	v33 =	vld.idx.msk [tilespmem:v44+s18+$0x0], $0xffff;
	v36 =	vtrunc.f32 v32  }
0x324: {  	v39 =	vtrunc.f32 v34;
	v38 =	vld.idx.msk [tilespmem:v44+s19+$0x0], $0xffff;
	[tilespmem:s2+$0x40] =	vst v16;
	v16 =	vcvt.f32.s32 v36  }
0x325: {  	v40 =	vtrunc.f32 v24;
	v20 =	vsub.f32 v35, v20;
	v35 =	vsub.f32 v37, v29;
	v36 =	vld.idx.msk [tilespmem:v45+s18+$0x0], $0xffff  }
0x326: {  	v19 =	vcvt.f32.s32 v19;
	v37 =	vcvt.f32.s32 v39;
	v39 =	vld.idx.msk [tilespmem:v45+s19+$0x0], $0xffff;
	v41 =	vshll.u32 v16, $0x7  }
0x327: {  	v40 =	vcvt.f32.s32 v40;
	v20 =	vmul.f32 v20, v35;
	v35 =	vor.u32 v7, v41  }
0x328: {  	v42 =	vshll.u32 v37, $0x7;
	v41 =	vshll.u32 v19, $0x7;
	v26 =	vsub.f32 v26, v28  }
0x329: {  	v43 =	vshll.u32 v40, $0x7;
	v41 =	vor.u32 v7, v41;
	v20 =	vadd.f32 v20, v29  }
0x32a: {  	v29 =	vsub.f32 v38, v33;
	v26 =	vmul.f32 v31, v26;
	v31 =	vor.u32 v7, v42;
	v38 =	vld [tilespmem:s2+$0xF0]  }
0x32b: {  	v37 =	vcvt.s32.f32 v37;
	v19 =	vcvt.s32.f32 v19;
	v42 =	vor.u32 v7, v43;
	[tilespmem:s2+$0xD0] =	vst v20  }
0x32c: {  	v29 =	vmul.f32 v30, v29;
	v28 =	vadd.f32 v26, v28;
	v30 =	vsub.f32 v39, v36;
	v39 =	vld.idx.msk [tilespmem:v35+s18+$0x0], $0xffff  }
0x32d: {  	v26 =	vsub.f32 v25, v19;
	v20 =	vsub.f32 v34, v37;
	v19 =	vcvt.s32.f32 v40;
	v34 =	vld.idx.msk [tilespmem:v35+s19+$0x0], $0xffff  }
0x32e: {  	v25 =	vmul.f32 $9.999990460e+00, v21;
	v29 =	vadd.f32 v29, v33;
	v30 =	vmul.f32 v27, v30;
	[tilespmem:s2+$0xFFFFFFD0] =	vst v28  }
0x32f: {  	v22 =	vmul.f32 $9.999990460e+00, v22;
	v27 =	vsub.f32 v24, v19;
	v28 =	vld.idx.msk [tilespmem:v31+s18+$0x0], $0xffff;
	v21 =	vmul.f32 $9.999990460e+00, v38  }
0x330: {  	v23 =	vmul.f32 $9.999990460e+00, v23;
	v19 =	vtrunc.f32 v25;
	v24 =	vadd.f32 v30, v36;
	[tilespmem:s2+$0xFFFFFF50] =	vst v29;
	v37 =	vld.idx.msk [tilespmem:v31+s19+$0x0], $0xffff  }
0x331: {  	v16 =	vcvt.s32.f32 v16;
	v30 =	vld.idx.msk [tilespmem:v41+s18+$0x0], $0xffff;
	v29 =	vtrunc.f32 v21  }
0x332: {  	v31 =	vtrunc.f32 v22;
	v35 =	vld.idx.msk [tilespmem:v41+s19+$0x0], $0xffff;
	[tilespmem:s2+$0x50] =	vst v24;
	v24 =	vcvt.f32.s32 v29  }
.Ltmp2:
0x333: {  	v16 =	vsub.f32 v32, v16;
	v38 =	vtrunc.f32 v23;
	v34 =	vsub.f32 v34, v39;
	v29 =	vld.idx.msk [tilespmem:v42+s18+$0x0], $0xffff;
	(pc) =	sbr.rel @p0 .LBB2_6-.Ltmp2, $4  }
0x334: {  	v33 =	vcvt.f32.s32 v19;
	v32 =	vcvt.f32.s32 v31;
	v36 =	vld.idx.msk [tilespmem:v42+s19+$0x0], $0xffff;
	v19 =	vshll.u32 v24, $0x7  }
0x335: {  	v31 =	vcvt.f32.s32 v38;
	v40 =	vmul.f32 v16, v34;
	v34 =	vor.u32 v8, v19  }
0x336: {  	v38 =	vshll.u32 v32, $0x7;
	v16 =	vshll.u32 v33, $0x7;
	v37 =	vsub.f32 v37, v28  }
0x337: {  	s2 =	sadd.s32 $0x200, s2;
	v19 =	vor.u32 v8, v16;
	v16 =	vshll.u32 v31, $0x7;
	v39 =	vadd.f32 v40, v39  }
0x338: {  	v35 =	vsub.f32 v35, v30  }
0x339: {  	v20 =	vmul.f32 v20, v37;
	v60 =	vor.u32 v8, v38  }
0x33a: {  	v36 =	vsub.f32 v36, v29;
	v26 =	vmul.f32 v26, v35  }
0x33b: {  	[tilespmem:s31+$0xE0] =	vst v39;
	v20 =	vadd.f32 v20, v28  }
0x33c: {  	v28 =	vld.idx.msk [tilespmem:v34+s19+$0x0], $0xffff;
	v27 =	vmul.f32 v27, v36;
	v26 =	vadd.f32 v26, v30  }
0x33d: {  	v16 =	vor.u32 v8, v16;
	v30 =	vld.idx.msk [tilespmem:v34+s18+$0x0], $0xffff;
	[tilespmem:s31+$0xFFFFFFE0] =	vst v20  }
0x33e: {  	v20 =	vadd.f32 v27, v29;
	v27 =	vld.idx.msk [tilespmem:v60+s18+$0x0], $0xffff;
	[tilespmem:s31+$0xFFFFFF60] =	vst v26  }
0x33f: {  	v26 =	vld.idx.msk [tilespmem:v19+s18+$0x0], $0xffff  }
0x340: {  	v19 =	vld.idx.msk [tilespmem:v19+s19+$0x0], $0xffff  }
0x341: {  	v24 =	vcvt.s32.f32 v24;
	[tilespmem:s31+$0x60] =	vst v20;
	v20 =	vld.idx.msk [tilespmem:v60+s19+$0x0], $0xffff  }
0x342: {  	v32 =	vcvt.s32.f32 v32;
	v61 =	vld.idx.msk [tilespmem:v16+s18+$0x0], $0xffff  }
0x343: {  	v10 =	vmul.f32 v10, v15;
	v15 =	vsub.f32 v21, v24;
	v29 =	vcvt.s32.f32 v33;
	v16 =	vld.idx.msk [tilespmem:v16+s19+$0x0], $0xffff  }
0x344: {  	v9 =	vmul.f32 v9, v17;
	v22 =	vsub.f32 v22, v32;
	v21 =	vsub.f32 v28, v30  }
0x345: {  	v10 =	vadd.f32 v10, v12;
	v25 =	vsub.f32 v25, v29;
	v29 =	vcvt.s32.f32 v31  }
0x346: {  	v9 =	vadd.f32 v9, v13;
	v12 =	vmul.f32 v15, v21;
	v15 =	vsub.f32 v19, v26  }
0x347: {  	v11 =	vmul.f32 v11, v18;
	v23 =	vsub.f32 v23, v29;
	v13 =	vsub.f32 v20, v27  }
0x348: {  	[tilespmem:s30+$0xFFFFFF70] =	vst v10;
	v10 =	vadd.f32 v12, v30;
	v12 =	vsub.f32 v16, v61;
	v15 =	vmul.f32 v25, v15  }
0x349: {  	[tilespmem:s30+$0xFFFFFFF0] =	vst v9;
	v9 =	vadd.f32 v11, v14;
	v11 =	vmul.f32 v22, v13  }
0x34a: {  	[tilespmem:s31+$0xF0] =	vst v10;
	v10 =	vmul.f32 v23, v12;
	v12 =	vadd.f32 v15, v26  }
0x34b: {  	[tilespmem:s30+$0x70] =	vst v9;
	v9 =	vadd.f32 v11, v27  }
0x34c: {  	v10 =	vadd.f32 v10, v61;
	[tilespmem:s31+$0xFFFFFF70] =	vst v12  }
0x34d: {  	[tilespmem:s31+$0xFFFFFFF0] =	vst v9  }
0x34e: {  	[tilespmem:s31+$0x70] =	vst v10  }
0x34f: {  	[hbm4b:s9+s3] =	stream.linear.scatter [tilespmem:s14], [sflag:$0x6], $0x6000, $0x38;
	[tilespmem:$0x10A80] =	vst v63  }
0x350: {  	_ =	swait.ge [sflag:s22], $0x6000  }
0x351: {  	[sflag:s22] =	ssyncset.done $0x0  }
0x352: {  	s30 =	simm.s32 $0x8B80;
	[sflag:s22] =	ssyncadd.s32 $0xFFFFA000  }
0x353: {  	v9 =	vld [tilespmem:s30+$0x80];
	_ =	sdelay $0x1  }
0x354: {  	v10 =	vld [tilespmem:s30+$0xFFFFFF80];
	_ =	sdelay $0x1  }
0x355: {  	v11 =	vld [tilespmem:s30+$0x0]  }
0x356: {  	v12 =	vld [tilespmem:s30+$0xFFFFFF00];
	v9 =	vmul.f32 $9.999990460e+00, v9  }
0x357: {  	v14 =	vld [tilespmem:s30+$0xFFFFFF10]  }
0x358: {  	v15 =	vld [tilespmem:s30+$0xFFFFFF90];
	v10 =	vmul.f32 $9.999990460e+00, v10;
	v13 =	vtrunc.f32 v9  }
0x359: {  	v27 =	vld [tilespmem:s30+$0x90];
	v17 =	vcvt.f32.s32 v13  }
0x35a: {  	v16 =	vld [tilespmem:s30+$0x10];
	v13 =	vtrunc.f32 v10  }
0x35b: {  	v18 =	vld [tilespmem:s30+$0xFFFFFF20];
	v12 =	vmul.f32 $9.999990460e+00, v12;
	v19 =	vcvt.f32.s32 v13;
	v13 =	vshll.u32 v17, $0x7  }
0x35c: {  	v21 =	vld [tilespmem:s30+$0xFFFFFFA0];
	v11 =	vmul.f32 $9.999990460e+00, v11;
	v23 =	vor.u32 v0, v13  }
0x35d: {  	v22 =	vld [tilespmem:s30+$0x20];
	v14 =	vmul.f32 $9.999990460e+00, v14;
	v13 =	vtrunc.f32 v12;
	v25 =	vshll.u32 v19, $0x7  }
0x35e: {  	v27 =	vmul.f32 $9.999990460e+00, v27;
	v26 =	vcvt.f32.s32 v13;
	v25 =	vor.u32 v0, v25  }
0x35f: {  	v63 =	vmul.f32 $9.999990460e+00, v15;
	v20 =	vtrunc.f32 v11  }
0x360: {  	v24 =	vld [tilespmem:s30+$0xFFFFFF30];
	v44 =	vmul.f32 $9.999990460e+00, v18;
	v20 =	vcvt.f32.s32 v20;
	v29 =	vshll.u32 v26, $0x7  }
0x361: {  	v16 =	vmul.f32 $9.999990460e+00, v16;
	v21 =	vmul.f32 $9.999990460e+00, v21;
	v29 =	vor.u32 v0, v29;
	v31 =	vld.idx.msk [tilespmem:v23+s18+$0x0], $0xffff  }
0x362: {  	v22 =	vmul.f32 $9.999990460e+00, v22;
	v18 =	vtrunc.f32 v27;
	v13 =	vshll.u32 v20, $0x7;
	v23 =	vld.idx.msk [tilespmem:v23+s19+$0x0], $0xffff  }
0x363: {  	v46 =	vcvt.f32.s32 v18;
	v30 =	vor.u32 v0, v13;
	v26 =	vcvt.s32.f32 v26;
	v62 =	vld.idx.msk [tilespmem:v25+s18+$0x0], $0xffff  }
0x364: {  	v18 =	vtrunc.f32 v63;
	v17 =	vcvt.s32.f32 v17;
	v15 =	vld.idx.msk [tilespmem:v25+s19+$0x0], $0xffff  }
0x365: {  	v28 =	vld [tilespmem:s30+$0xFFFFFFB0];
	v19 =	vcvt.s32.f32 v19;
	v26 =	vsub.f32 v12, v26;
	v12 =	vtrunc.f32 v14  }
0x366: {  	v20 =	vcvt.s32.f32 v20;
	v12 =	vcvt.f32.s32 v12;
	v45 =	vld.idx.msk [tilespmem:v29+s18+$0x0], $0xffff  }
0x367: {  	v9 =	vsub.f32 v9, v17;
	v10 =	vsub.f32 v10, v19;
	v19 =	vshll.u32 v46, $0x7;
	v29 =	vld.idx.msk [tilespmem:v29+s19+$0x0], $0xffff  }
0x368: {  	v11 =	vsub.f32 v11, v20;
	v25 =	vld.idx.msk [tilespmem:v30+s18+$0x0], $0xffff;
	v47 =	vshll.u32 v12, $0x7;
	v17 =	vsub.f32 v23, v31  }
0x369: {  	v40 =	vcvt.s32.f32 v12;
	v23 =	vld.idx.msk [tilespmem:v30+s19+$0x0], $0xffff;
	v30 =	vcvt.f32.s32 v18;
	v15 =	vsub.f32 v15, v62  }
0x36a: {  	v20 =	vld [tilespmem:s30+$0xFFFFFF40];
	v18 =	vtrunc.f32 v16;
	v9 =	vmul.f32 v9, v17;
	v17 =	vor.u32 v2, v19  }
0x36b: {  	v12 =	vld [tilespmem:s30+$0xFFFFFFD0];
	v48 =	vcvt.f32.s32 v18;
	v49 =	vshll.u32 v30, $0x7;
	v10 =	vmul.f32 v10, v15  }
0x36c: {  	v39 =	vor.u32 v2, v49;
	v9 =	vadd.f32 v9, v31;
	v31 =	vld [tilespmem:s30+$0xA0];
	v29 =	vsub.f32 v29, v45  }
0x36d: {  	v24 =	vmul.f32 $9.999990460e+00, v24;
	v37 =	vor.u32 v2, v47;
	v18 =	vld [tilespmem:s30+$0x40];
	v15 =	vshll.u32 v48, $0x7  }
0x36e: {  	v19 =	vld [tilespmem:s30+$0xFFFFFFC0];
	v10 =	vadd.f32 v10, v62;
	v23 =	vsub.f32 v23, v25;
	[tilespmem:s30+$0x80] =	vst v9;
	v26 =	vmul.f32 v26, v29  }
0x36f: {  	v54 =	vtrunc.f32 v21;
	v30 =	vcvt.s32.f32 v30;
	v9 =	vor.u32 v2, v15;
	v50 =	vld.idx.msk [tilespmem:v17+s18+$0x0], $0xffff  }
0x370: {  	v33 =	vcvt.f32.s32 v54;
	v29 =	vld.idx.msk [tilespmem:v17+s19+$0x0], $0xffff;
	[tilespmem:s30+$0xFFFFFF80] =	vst v10;
	v11 =	vmul.f32 v11, v23;
	v23 =	vadd.f32 v26, v45  }
0x371: {  	v51 =	vcvt.s32.f32 v46;
	v10 =	vsub.f32 v63, v30;
	v26 =	vld.idx.msk [tilespmem:v39+s18+$0x0], $0xffff;
	v30 =	vmul.f32 $9.999990460e+00, v31  }
0x372: {  	v28 =	vmul.f32 $9.999990460e+00, v28;
	v59 =	vshll.u32 v33, $0x7;
	v31 =	vld.idx.msk [tilespmem:v39+s19+$0x0], $0xffff;
	v11 =	vadd.f32 v11, v25;
	[tilespmem:s30+$0xFFFFFF00] =	vst v23  }
0x373: {  	v27 =	vsub.f32 v27, v51;
	v20 =	vmul.f32 $9.999990460e+00, v20;
	v52 =	vtrunc.f32 v30;
	v53 =	vld.idx.msk [tilespmem:v37+s18+$0x0], $0xffff  }
0x374: {  	v14 =	vsub.f32 v14, v40;
	v40 =	vor.u32 v3, v59;
	[tilespmem:s30+$0x0] =	vst v11;
	v55 =	vld.idx.msk [tilespmem:v37+s19+$0x0], $0xffff;
	v23 =	vcvt.f32.s32 v52  }
0x375: {  	v12 =	vmul.f32 $9.999990460e+00, v12;
	v18 =	vmul.f32 $9.999990460e+00, v18;
	v29 =	vsub.f32 v29, v50;
	v56 =	vld.idx.msk [tilespmem:v9+s18+$0x0], $0xffff  }
0x376: {  	v17 =	vcvt.s32.f32 v48;
	v25 =	vtrunc.f32 v44;
	v9 =	vld.idx.msk [tilespmem:v9+s19+$0x0], $0xffff;
	v11 =	vshll.u32 v23, $0x7  }
0x377: {  	v25 =	vcvt.f32.s32 v25;
	v27 =	vmul.f32 v27, v29;
	v29 =	vor.u32 v3, v11  }
0x378: {  	v19 =	vmul.f32 $9.999990460e+00, v19;
	v16 =	vsub.f32 v16, v17;
	v31 =	vsub.f32 v31, v26  }
0x379: {  	v60 =	vld [tilespmem:s30+$0xB0];
	v57 =	vshll.u32 v25, $0x7;
	v11 =	vtrunc.f32 v22;
	v27 =	vadd.f32 v27, v50  }
0x37a: {  	v13 =	vld [tilespmem:s30+$0x30];
	v58 =	vcvt.f32.s32 v11;
	v31 =	vmul.f32 v10, v31;
	v36 =	vsub.f32 v55, v53  }
0x37b: {  	v25 =	vcvt.s32.f32 v25;
	v38 =	vor.u32 v3, v57;
	v62 =	vsub.f32 v9, v56;
	[tilespmem:s30+$0x90] =	vst v27  }
0x37c: {  	v41 =	vshll.u32 v58, $0x7;
	v26 =	vadd.f32 v31, v26;
	v14 =	vmul.f32 v14, v36;
	v61 =	vld.idx.msk [tilespmem:v29+s18+$0x0], $0xffff  }
0x37d: {  	v57 =	vtrunc.f32 v20;
	v31 =	vcvt.s32.f32 v33;
	v27 =	vor.u32 v3, v41;
	v29 =	vld.idx.msk [tilespmem:v29+s19+$0x0], $0xffff  }
0x37e: {  	v15 =	vld [tilespmem:s30+$0xFFFFFF50];
	v42 =	vmul.f32 v16, v62;
	[tilespmem:s30+$0xFFFFFF90] =	vst v26;
	v26 =	vmul.f32 $9.999990460e+00, v60;
	v14 =	vadd.f32 v14, v53  }
0x37f: {  	v25 =	vsub.f32 v44, v25;
	v23 =	vcvt.s32.f32 v23;
	v44 =	vmul.f32 $9.999990460e+00, v13;
	v63 =	vld.idx.msk [tilespmem:v40+s18+$0x0], $0xffff  }
0x380: {  	v21 =	vsub.f32 v21, v31;
	v31 =	vld.idx.msk [tilespmem:v40+s19+$0x0], $0xffff;
	v13 =	vadd.f32 v42, v56;
	v43 =	vtrunc.f32 v26;
	[tilespmem:s30+$0xFFFFFF10] =	vst v14  }
0x381: {  	v23 =	vsub.f32 v30, v23;
	v30 =	vtrunc.f32 v28;
	v45 =	vcvt.f32.s32 v43;
	v46 =	vld.idx.msk [tilespmem:v38+s18+$0x0], $0xffff  }
0x382: {  	v30 =	vcvt.f32.s32 v30;
	v39 =	vcvt.s32.f32 v58;
	v47 =	vld.idx.msk [tilespmem:v38+s19+$0x0], $0xffff;
	[tilespmem:s30+$0x10] =	vst v13;
	v29 =	vsub.f32 v29, v61  }
0x383: {  	v14 =	vtrunc.f32 v24;
	v13 =	vtrunc.f32 v44;
	v49 =	vld.idx.msk [tilespmem:v27+s18+$0x0], $0xffff;
	v48 =	vshll.u32 v45, $0x7  }
0x384: {  	v14 =	vcvt.f32.s32 v14;
	v27 =	vld.idx.msk [tilespmem:v27+s19+$0x0], $0xffff;
	v23 =	vmul.f32 v23, v29;
	v29 =	vor.u32 v4, v48  }
0x385: {  	v51 =	vld [tilespmem:s30+$0xC0];
	v52 =	vshll.u32 v30, $0x7;
	v50 =	vcvt.f32.s32 v13;
	v13 =	vsub.f32 v31, v63  }
0x386: {  	v54 =	vor.u32 v4, v52;
	v31 =	vshll.u32 v14, $0x7;
	v23 =	vadd.f32 v23, v61  }
0x387: {  	v17 =	vld [tilespmem:s30+$0x50];
	v13 =	vmul.f32 v21, v13;
	v21 =	vor.u32 v4, v31;
	v31 =	vsub.f32 v47, v46  }
0x388: {  	v15 =	vmul.f32 $9.999990460e+00, v15;
	v34 =	vcvt.f32.s32 v57;
	v11 =	vld [tilespmem:s30+$0xFFFFFF60];
	v22 =	vsub.f32 v22, v39;
	[tilespmem:s30+$0xA0] =	vst v23  }
0x389: {  	v27 =	vsub.f32 v27, v49;
	v32 =	vadd.f32 v13, v63;
	v25 =	vmul.f32 v25, v31;
	v55 =	vld.idx.msk [tilespmem:v29+s18+$0x0], $0xffff  }
0x38a: {  	v33 =	vmul.f32 $9.999990460e+00, v51;
	v30 =	vcvt.s32.f32 v30;
	v53 =	vshll.u32 v50, $0x7;
	v29 =	vld.idx.msk [tilespmem:v29+s19+$0x0], $0xffff  }
0x38b: {  	v10 =	vld [tilespmem:s30+$0xFFFFFFE0];
	v23 =	vor.u32 v4, v53;
	v22 =	vmul.f32 v22, v27;
	[tilespmem:s30+$0xFFFFFFA0] =	vst v32;
	v25 =	vadd.f32 v25, v46  }
0x38c: {  	v17 =	vmul.f32 $9.999990460e+00, v17;
	v60 =	vshll.u32 v34, $0x7;
	v27 =	vsub.f32 v28, v30;
	v28 =	vld.idx.msk [tilespmem:v54+s18+$0x0], $0xffff  }
0x38d: {  	v56 =	vtrunc.f32 v33;
	v30 =	vcvt.s32.f32 v45;
	v22 =	vadd.f32 v22, v49;
	[tilespmem:s30+$0xFFFFFF20] =	vst v25;
	v25 =	vld.idx.msk [tilespmem:v54+s19+$0x0], $0xffff  }
0x38e: {  	v41 =	vtrunc.f32 v12;
	v36 =	vor.u32 v5, v60;
	v32 =	vcvt.f32.s32 v56;
	v58 =	vld.idx.msk [tilespmem:v21+s18+$0x0], $0xffff  }
0x38f: {  	v34 =	vcvt.s32.f32 v34;
	v26 =	vsub.f32 v26, v30;
	v21 =	vld.idx.msk [tilespmem:v21+s19+$0x0], $0xffff;
	[tilespmem:s30+$0x20] =	vst v22;
	v29 =	vsub.f32 v29, v55  }
0x390: {  	v11 =	vmul.f32 $9.999990460e+00, v11;
	v31 =	vcvt.s32.f32 v50;
	v22 =	vshll.u32 v32, $0x7;
	v59 =	vld.idx.msk [tilespmem:v23+s18+$0x0], $0xffff  }
0x391: {  	v30 =	vtrunc.f32 v19;
	v22 =	vor.u32 v5, v22;
	v23 =	vld.idx.msk [tilespmem:v23+s19+$0x0], $0xffff;
	v26 =	vmul.f32 v26, v29  }
0x392: {  	v9 =	vld [tilespmem:s30+$0xFFFFFF70];
	v14 =	vcvt.s32.f32 v14;
	v30 =	vcvt.f32.s32 v30;
	v29 =	vsub.f32 v44, v31  }
0x393: {  	v61 =	vld [tilespmem:s30+$0xD0];
	v31 =	vtrunc.f32 v18;
	v25 =	vsub.f32 v25, v28;
	v26 =	vadd.f32 v26, v55  }
0x394: {  	s31 =	simm.s32 $0x8D80;
	v16 =	vld [tilespmem:s30+$0x60];
	v24 =	vsub.f32 v24, v14;
	v62 =	vshll.u32 v30, $0x7;
	v31 =	vcvt.f32.s32 v31  }
0x395: {  	v39 =	vld [tilespmem:s31+$0x20];
	v21 =	vsub.f32 v21, v58;
	v25 =	vmul.f32 v27, v25;
	v27 =	vor.u32 v5, v62;
	[tilespmem:s30+$0xB0] =	vst v26  }
0x396: {  	v10 =	vmul.f32 $9.999990460e+00, v10;
	v20 =	vsub.f32 v20, v34;
	v23 =	vsub.f32 v23, v59;
	v63 =	vld.idx.msk [tilespmem:v22+s18+$0x0], $0xffff  }
0x397: {  	v21 =	vmul.f32 v24, v21;
	v26 =	vshll.u32 v31, $0x7;
	v24 =	vadd.f32 v25, v28;
	v22 =	vld.idx.msk [tilespmem:v22+s19+$0x0], $0xffff  }
0x398: {  	v38 =	vld [tilespmem:s31+$0xFFFFFFA0];
	v30 =	vcvt.s32.f32 v30;
	v25 =	vor.u32 v5, v26;
	v26 =	vmul.f32 $9.999990460e+00, v61  }
0x399: {  	v9 =	vmul.f32 $9.999990460e+00, v9;
	v53 =	vld [tilespmem:s31+$0xFFFFFF00];
	v23 =	vmul.f32 v29, v23;
	v21 =	vadd.f32 v21, v58;
	[tilespmem:s30+$0xFFFFFFB0] =	vst v24  }
0x39a: {  	v19 =	vsub.f32 v19, v30;
	v29 =	vcvt.s32.f32 v32;
	v24 =	vld.idx.msk [tilespmem:v27+s18+$0x0], $0xffff;
	v30 =	vtrunc.f32 v26  }
0x39b: {  	v43 =	vtrunc.f32 v17;
	v23 =	vadd.f32 v23, v59;
	[tilespmem:s30+$0xFFFFFF30] =	vst v21;
	v21 =	vld.idx.msk [tilespmem:v27+s19+$0x0], $0xffff;
	v27 =	vcvt.f32.s32 v30  }
0x39c: {  	v16 =	vmul.f32 $9.999990460e+00, v16;
	v29 =	vsub.f32 v33, v29;
	v30 =	vld.idx.msk [tilespmem:v36+s18+$0x0], $0xffff;
	v22 =	vsub.f32 v22, v63  }
0x39d: {  	v39 =	vmul.f32 $9.999990460e+00, v39;
	v28 =	vcvt.s32.f32 v31;
	v40 =	vld.idx.msk [tilespmem:v36+s19+$0x0], $0xffff;
	[tilespmem:s30+$0x30] =	vst v23;
	v23 =	vshll.u32 v27, $0x7  }
0x39e: {  	v31 =	vtrunc.f32 v15;
	v42 =	vld.idx.msk [tilespmem:v25+s18+$0x0], $0xffff;
	v23 =	vor.u32 v6, v23;
	v22 =	vmul.f32 v29, v22  }
0x39f: {  	v18 =	vsub.f32 v18, v28;
	v28 =	vcvt.f32.s32 v31;
	v25 =	vld.idx.msk [tilespmem:v25+s19+$0x0], $0xffff;
	v29 =	vcvt.f32.s32 v41  }
0x3a0: {  	v38 =	vmul.f32 $9.999990460e+00, v38;
	v31 =	vld [tilespmem:s30+$0xE0];
	v21 =	vsub.f32 v21, v24;
	v22 =	vadd.f32 v22, v63  }
0x3a1: {  	v34 =	vmul.f32 $9.999990460e+00, v53;
	v44 =	vshll.u32 v28, $0x7;
	v45 =	vshll.u32 v29, $0x7  }
0x3a2: {  	v32 =	vsub.f32 v40, v30;
	v19 =	vmul.f32 v19, v21;
	v21 =	vor.u32 v6, v45;
	[tilespmem:s30+$0xC0] =	vst v22  }
0x3a3: {  	v58 =	vtrunc.f32 v34;
	v46 =	vor.u32 v6, v44;
	v22 =	vcvt.f32.s32 v43;
	v47 =	vld.idx.msk [tilespmem:v23+s18+$0x0], $0xffff  }
0x3a4: {  	v20 =	vmul.f32 v20, v32;
	v19 =	vadd.f32 v19, v24;
	v24 =	vsub.f32 v25, v42;
	v23 =	vld.idx.msk [tilespmem:v23+s19+$0x0], $0xffff  }
0x3a5: {  	v28 =	vcvt.s32.f32 v28;
	v31 =	vmul.f32 $9.999990460e+00, v31;
	v25 =	vshll.u32 v22, $0x7  }
0x3a6: {  	v45 =	vld [tilespmem:s31+$0x90];
	v20 =	vadd.f32 v20, v30;
	[tilespmem:s30+$0xFFFFFFC0] =	vst v19;
	v18 =	vmul.f32 v18, v24;
	v25 =	vor.u32 v6, v25  }
0x3a7: {  	v15 =	vsub.f32 v15, v28;
	v24 =	vcvt.s32.f32 v27;
	v27 =	vtrunc.f32 v31;
	v19 =	vld.idx.msk [tilespmem:v21+s18+$0x0], $0xffff  }
0x3a8: {  	v28 =	vtrunc.f32 v11;
	[tilespmem:s30+$0xFFFFFF40] =	vst v20;
	v20 =	vld.idx.msk [tilespmem:v21+s19+$0x0], $0xffff;
	v18 =	vadd.f32 v18, v42;
	v21 =	vcvt.f32.s32 v27  }
0x3a9: {  	v28 =	vcvt.f32.s32 v28;
	v27 =	vld.idx.msk [tilespmem:v46+s18+$0x0], $0xffff;
	v24 =	vsub.f32 v26, v24;
	v23 =	vsub.f32 v23, v47  }
0x3aa: {  	v41 =	vcvt.f32.s32 v58;
	v29 =	vcvt.s32.f32 v29;
	v26 =	vld.idx.msk [tilespmem:v46+s19+$0x0], $0xffff;
	[tilespmem:s30+$0x40] =	vst v18;
	v18 =	vshll.u32 v21, $0x7  }
0x3ab: {  	v18 =	vor.u32 v7, v18;
	v30 =	vld.idx.msk [tilespmem:v25+s18+$0x0], $0xffff;
	v23 =	vmul.f32 v24, v23;
	v24 =	vtrunc.f32 v10  }
0x3ac: {  	v12 =	vsub.f32 v12, v29;
	v22 =	vcvt.s32.f32 v22;
	v25 =	vld.idx.msk [tilespmem:v25+s19+$0x0], $0xffff;
	v24 =	vcvt.f32.s32 v24  }
0x3ad: {  	v48 =	vshll.u32 v28, $0x7;
	v29 =	vld [tilespmem:s30+$0xF0];
	v20 =	vsub.f32 v20, v19;
	v23 =	vadd.f32 v23, v47  }
0x3ae: {  	v17 =	vsub.f32 v17, v22;
	v22 =	vtrunc.f32 v16;
	v49 =	vshll.u32 v24, $0x7  }
0x3af: {  	v12 =	vmul.f32 v12, v20;
	[tilespmem:s30+$0xD0] =	vst v23;
	v23 =	vsub.f32 v26, v27;
	v20 =	vor.u32 v7, v49  }
0x3b0: {  	v32 =	vor.u32 v7, v48;
	v45 =	vmul.f32 $9.999990460e+00, v45;
	v22 =	vcvt.f32.s32 v22;
	v26 =	vld.idx.msk [tilespmem:v18+s18+$0x0], $0xffff  }
0x3b1: {  	v25 =	vsub.f32 v25, v30;
	v18 =	vld.idx.msk [tilespmem:v18+s19+$0x0], $0xffff;
	v12 =	vadd.f32 v12, v19;
	v15 =	vmul.f32 v15, v23  }
0x3b2: {  	v14 =	vld [tilespmem:s30+$0x70];
	v50 =	vshll.u32 v22, $0x7;
	v24 =	vcvt.s32.f32 v24;
	v23 =	vmul.f32 $9.999990460e+00, v29  }
0x3b3: {  	v13 =	vld [tilespmem:s30+$0xFFFFFFF0];
	v19 =	vor.u32 v7, v50;
	v17 =	vmul.f32 v17, v25;
	[tilespmem:s30+$0xFFFFFFD0] =	vst v12;
	v15 =	vadd.f32 v15, v27  }
0x3b4: {  	v12 =	vcvt.s32.f32 v21;
	v21 =	vtrunc.f32 v23;
	v25 =	vld.idx.msk [tilespmem:v20+s18+$0x0], $0xffff  }
0x3b5: {  	v10 =	vsub.f32 v10, v24;
	v17 =	vadd.f32 v17, v30;
	v21 =	vcvt.f32.s32 v21;
	[tilespmem:s30+$0xFFFFFF50] =	vst v15;
	v15 =	vld.idx.msk [tilespmem:v20+s19+$0x0], $0xffff  }
0x3b6: {  	v50 =	vtrunc.f32 v39;
	v12 =	vsub.f32 v31, v12;
	v18 =	vsub.f32 v18, v26;
	v27 =	vld.idx.msk [tilespmem:v32+s18+$0x0], $0xffff  }
0x3b7: {  	v30 =	vmul.f32 $9.999990460e+00, v14;
	v20 =	vcvt.s32.f32 v28;
	v28 =	vshll.u32 v21, $0x7;
	v29 =	vld.idx.msk [tilespmem:v32+s19+$0x0], $0xffff;
	[tilespmem:s30+$0x50] =	vst v17  }
0x3b8: {  	v12 =	vmul.f32 v12, v18;
	v17 =	vor.u32 v8, v28;
	v18 =	vcvt.s32.f32 v22;
	v28 =	vld.idx.msk [tilespmem:v19+s18+$0x0], $0xffff  }
0x3b9: {  	v22 =	vmul.f32 $9.999990460e+00, v13;
	v13 =	vtrunc.f32 v9;
	v11 =	vsub.f32 v11, v20;
	v20 =	vld [tilespmem:s31+$0x80]  }
0x3ba: {  	v24 =	vtrunc.f32 v30;
	v19 =	vld.idx.msk [tilespmem:v19+s19+$0x0], $0xffff;
	v13 =	vcvt.f32.s32 v13;
	v12 =	vadd.f32 v12, v26  }
0x3bb: {  	v21 =	vcvt.s32.f32 v21;
	v14 =	vtrunc.f32 v22;
	v16 =	vsub.f32 v16, v18  }
0x3bc: {  	v26 =	vcvt.f32.s32 v14;
	v14 =	vshll.u32 v13, $0x7;
	[tilespmem:s30+$0xE0] =	vst v12;
	v12 =	vcvt.f32.s32 v24  }
0x3bd: {  	v31 =	vld [tilespmem:s31+$0xFFFFFF80];
	v24 =	vsub.f32 v15, v25;
	v15 =	vor.u32 v8, v14;
	v29 =	vsub.f32 v29, v27  }
0x3be: {  	v51 =	vld.idx.msk [tilespmem:v17+s18+$0x0], $0xffff;
	v18 =	vshll.u32 v26, $0x7;
	v20 =	vmul.f32 $9.999990460e+00, v20;
	v26 =	vcvt.s32.f32 v26  }
0x3bf: {  	v52 =	vld.idx.msk [tilespmem:v17+s19+$0x0], $0xffff;
	v55 =	vsub.f32 v19, v28;
	v17 =	vshll.u32 v12, $0x7;
	v10 =	vmul.f32 v10, v24  }
0x3c0: {  	v14 =	vor.u32 v8, v18;
	v18 =	vcvt.s32.f32 v13;
	v11 =	vmul.f32 v11, v29  }
0x3c1: {  	v24 =	vld [tilespmem:s31+$0x0];
	v44 =	vcvt.s32.f32 v12;
	v54 =	vtrunc.f32 v20;
	v13 =	vadd.f32 v10, v25  }
0x3c2: {  	v25 =	vmul.f32 $9.999990460e+00, v31;
	v10 =	vsub.f32 v9, v18;
	v35 =	vcvt.f32.s32 v54  }
0x3c3: {  	v9 =	vsub.f32 v22, v26;
	v22 =	vld [tilespmem:s31+$0xFFFFFF20];
	v12 =	vadd.f32 v11, v27;
	v11 =	vshll.u32 v41, $0x7  }
0x3c4: {  	v56 =	vld [tilespmem:s31+$0x10];
	v16 =	vmul.f32 v16, v55;
	v59 =	vor.u32 v0, v11;
	v18 =	vtrunc.f32 v25  }
0x3c5: {  	v55 =	vld [tilespmem:s31+$0xA0];
	v41 =	vcvt.s32.f32 v41;
	v19 =	vshll.u32 v35, $0x7;
	v18 =	vcvt.f32.s32 v18  }
0x3c6: {  	v23 =	vsub.f32 v23, v21;
	v31 =	vld [tilespmem:s31+$0xFFFFFF90];
	v26 =	vmul.f32 $9.999990460e+00, v24;
	v57 =	vor.u32 v0, v19  }
0x3c7: {  	v29 =	vld [tilespmem:s31+$0xFFFFFF10];
	v33 =	vsub.f32 v52, v51;
	v34 =	vsub.f32 v34, v41;
	v42 =	vshll.u32 v18, $0x7  }
0x3c8: {  	v24 =	vtrunc.f32 v26;
	v41 =	vmul.f32 $9.999990460e+00, v22;
	v22 =	vld [tilespmem:s31+$0xFFFFFFD0];
	v42 =	vor.u32 v0, v42  }
0x3c9: {  	v11 =	vsub.f32 v30, v44;
	v23 =	vmul.f32 v23, v33;
	v43 =	vcvt.f32.s32 v24;
	v62 =	vld.idx.msk [tilespmem:v59+s18+$0x0], $0xffff  }
0x3ca: {  	v36 =	vmul.f32 $9.999990460e+00, v55;
	v30 =	vcvt.s32.f32 v18;
	v18 =	vadd.f32 v16, v28;
	v33 =	vld.idx.msk [tilespmem:v59+s19+$0x0], $0xffff  }
0x3cb: {  	v31 =	vmul.f32 $9.999990460e+00, v31;
	v28 =	vcvt.s32.f32 v35;
	v24 =	vshll.u32 v43, $0x7;
	v60 =	vld.idx.msk [tilespmem:v57+s18+$0x0], $0xffff  }
0x3cc: {  	v35 =	vmul.f32 $9.999990460e+00, v56;
	v16 =	vadd.f32 v23, v51;
	v40 =	vld.idx.msk [tilespmem:v57+s19+$0x0], $0xffff;
	v27 =	vor.u32 v0, v24  }
0x3cd: {  	v23 =	vmul.f32 $9.999990460e+00, v29;
	v25 =	vsub.f32 v25, v30;
	v30 =	vtrunc.f32 v45;
	v61 =	vld.idx.msk [tilespmem:v42+s18+$0x0], $0xffff  }
0x3ce: {  	v43 =	vcvt.s32.f32 v43;
	v63 =	vcvt.f32.s32 v30;
	v29 =	vld.idx.msk [tilespmem:v42+s19+$0x0], $0xffff  }
0x3cf: {  	v20 =	vsub.f32 v20, v28;
	v30 =	vtrunc.f32 v31;
	v52 =	vtrunc.f32 v23  }
0x3d0: {  	v46 =	vcvt.f32.s32 v30;
	v26 =	vsub.f32 v26, v43;
	v30 =	vshll.u32 v63, $0x7  }
0x3d1: {  	v43 =	vcvt.f32.s32 v52;
	v22 =	vmul.f32 $9.999990460e+00, v22;
	v40 =	vsub.f32 v40, v60;
	v32 =	vld.idx.msk [tilespmem:v27+s18+$0x0], $0xffff  }
0x3d2: {  	v53 =	vor.u32 v2, v30;
	v30 =	vtrunc.f32 v35;
	v48 =	vshll.u32 v46, $0x7;
	v27 =	vld.idx.msk [tilespmem:v27+s19+$0x0], $0xffff  }
0x3d3: {  	v33 =	vsub.f32 v33, v62;
	v20 =	vmul.f32 v20, v40;
	v47 =	vsub.f32 v29, v61  }
0x3d4: {  	v28 =	vld [tilespmem:s31+$0xFFFFFF40];
	v56 =	vcvt.f32.s32 v30;
	v49 =	vshll.u32 v43, $0x7;
	v43 =	vcvt.s32.f32 v43  }
0x3d5: {  	v21 =	vld [tilespmem:s31+$0xFFFFFFB0];
	v54 =	vor.u32 v2, v48;
	v20 =	vadd.f32 v20, v60;
	v25 =	vmul.f32 v25, v47  }
0x3d6: {  	v30 =	vld [tilespmem:s31+$0x40];
	v33 =	vmul.f32 v34, v33;
	v57 =	vshll.u32 v56, $0x7;
	v43 =	vsub.f32 v23, v43  }
0x3d7: {  	v23 =	vld [tilespmem:s31+$0xFFFFFFE0];
	[tilespmem:s31+$0x80] =	vst v20;
	v20 =	vor.u32 v2, v49;
	v27 =	vsub.f32 v27, v32;
	v25 =	vadd.f32 v25, v61  }
0x3d8: {  	v46 =	vcvt.s32.f32 v46;
	v42 =	vcvt.s32.f32 v63;
	v58 =	vor.u32 v2, v57;
	v49 =	vld.idx.msk [tilespmem:v53+s18+$0x0], $0xffff  }
0x3d9: {  	v28 =	vmul.f32 $9.999990460e+00, v28;
	v33 =	vadd.f32 v33, v62;
	v26 =	vmul.f32 v26, v27;
	[tilespmem:s31+$0xFFFFFF80] =	vst v25;
	v25 =	vld.idx.msk [tilespmem:v53+s19+$0x0], $0xffff  }
0x3da: {  	v59 =	vcvt.s32.f32 v56;
	v62 =	vtrunc.f32 v38;
	v44 =	vld.idx.msk [tilespmem:v54+s18+$0x0], $0xffff  }
0x3db: {  	v31 =	vsub.f32 v31, v46;
	v46 =	vcvt.f32.s32 v62;
	[tilespmem:s31+$0xFFFFFF00] =	vst v33;
	v60 =	vld.idx.msk [tilespmem:v54+s19+$0x0], $0xffff;
	v32 =	vadd.f32 v26, v32  }
0x3dc: {  	v42 =	vsub.f32 v45, v42;
	v35 =	vsub.f32 v35, v59;
	v30 =	vmul.f32 $9.999990460e+00, v30;
	v63 =	vld.idx.msk [tilespmem:v20+s18+$0x0], $0xffff  }
0x3dd: {  	v51 =	vshll.u32 v46, $0x7;
	v46 =	vcvt.s32.f32 v46;
	v61 =	vtrunc.f32 v36;
	v54 =	vld.idx.msk [tilespmem:v20+s19+$0x0], $0xffff;
	[tilespmem:s31+$0x0] =	vst v32  }
0x3de: {  	v47 =	vmul.f32 $9.999990460e+00, v21;
	v57 =	vor.u32 v3, v51;
	v33 =	vcvt.f32.s32 v61;
	v55 =	vld.idx.msk [tilespmem:v58+s18+$0x0], $0xffff  }
0x3df: {  	v23 =	vmul.f32 $9.999990460e+00, v23;
	v53 =	vtrunc.f32 v41;
	v34 =	vld.idx.msk [tilespmem:v58+s19+$0x0], $0xffff;
	v25 =	vsub.f32 v25, v49  }
0x3e0: {  	v19 =	vld [tilespmem:s31+$0xFFFFFF30];
	v45 =	vcvt.f32.s32 v53;
	v52 =	vcvt.s32.f32 v33;
	v20 =	vshll.u32 v33, $0x7  }
0x3e1: {  	v24 =	vld [tilespmem:s31+$0x30];
	v56 =	vor.u32 v3, v20;
	v37 =	vsub.f32 v60, v44;
	v25 =	vmul.f32 v42, v25  }
0x3e2: {  	v59 =	vld [tilespmem:s31+$0xB0];
	v58 =	vcvt.f32.s32 v50;
	v60 =	vshll.u32 v45, $0x7;
	v32 =	vsub.f32 v54, v63  }
0x3e3: {  	v29 =	vld [tilespmem:s31+$0xFFFFFFC0];
	v45 =	vcvt.s32.f32 v45;
	v31 =	vmul.f32 v31, v37;
	v25 =	vadd.f32 v25, v49  }
0x3e4: {  	v27 =	vld [tilespmem:s31+$0xFFFFFF50];
	v40 =	vcvt.s32.f32 v58;
	v32 =	vmul.f32 v43, v32;
	v34 =	vsub.f32 v34, v55  }
0x3e5: {  	v26 =	vld [tilespmem:s31+$0x50];
	v61 =	vor.u32 v3, v60;
	v43 =	vmul.f32 $9.999990460e+00, v19;
	v31 =	vadd.f32 v31, v44;
	[tilespmem:s31+$0x90] =	vst v25  }
0x3e6: {  	v25 =	vshll.u32 v58, $0x7;
	v32 =	vadd.f32 v32, v63;
	v21 =	vmul.f32 v35, v34;
	v50 =	vld.idx.msk [tilespmem:v56+s18+$0x0], $0xffff  }
0x3e7: {  	v35 =	vsub.f32 v41, v45;
	v41 =	vmul.f32 $9.999990460e+00, v59;
	[tilespmem:s31+$0xFFFFFF90] =	vst v31;
	v31 =	vld.idx.msk [tilespmem:v56+s19+$0x0], $0xffff;
	v62 =	vor.u32 v3, v25  }
0x3e8: {  	v17 =	vor.u32 v8, v17;
	v54 =	vtrunc.f32 v47;
	v37 =	vmul.f32 $9.999990460e+00, v24;
	v51 =	vld.idx.msk [tilespmem:v57+s18+$0x0], $0xffff  }
0x3e9: {  	v24 =	vtrunc.f32 v43;
	v63 =	vld.idx.msk [tilespmem:v57+s19+$0x0], $0xffff;
	[tilespmem:s31+$0xFFFFFF10] =	vst v32;
	v21 =	vadd.f32 v21, v55;
	v55 =	vtrunc.f32 v41  }
0x3ea: {  	v53 =	vsub.f32 v38, v46;
	v56 =	vcvt.f32.s32 v54;
	v45 =	vld.idx.msk [tilespmem:v61+s18+$0x0], $0xffff;
	v46 =	vcvt.f32.s32 v55  }
0x3eb: {  	v32 =	vsub.f32 v36, v52;
	v36 =	vcvt.f32.s32 v24;
	v44 =	vld.idx.msk [tilespmem:v61+s19+$0x0], $0xffff;
	[tilespmem:s31+$0x10] =	vst v21;
	v21 =	vtrunc.f32 v37  }
0x3ec: {  	v58 =	vcvt.f32.s32 v21;
	v21 =	vshll.u32 v46, $0x7;
	v48 =	vld.idx.msk [tilespmem:v62+s18+$0x0], $0xffff;
	v24 =	vsub.f32 v31, v50  }
0x3ed: {  	v29 =	vmul.f32 $9.999990460e+00, v29;
	v27 =	vmul.f32 $9.999990460e+00, v27;
	v57 =	vld.idx.msk [tilespmem:v62+s19+$0x0], $0xffff;
	v59 =	vor.u32 v4, v21  }
0x3ee: {  	v20 =	vld [tilespmem:s31+$0xFFFFFF60];
	v62 =	vshll.u32 v56, $0x7;
	v31 =	vsub.f32 v63, v51;
	v24 =	vmul.f32 v32, v24  }
0x3ef: {  	v60 =	vsub.f32 v39, v40;
	v61 =	vshll.u32 v36, $0x7;
	v40 =	vor.u32 v4, v62  }
0x3f0: {  	[tilespmem:s30+$0xFFFFFFE0] =	vst v13;
	v55 =	vld [tilespmem:s31+$0xC0];
	v44 =	vsub.f32 v44, v45;
	v31 =	vmul.f32 v53, v31;
	v63 =	vadd.f32 v24, v50  }
0x3f1: {  	v13 =	vld.idx.msk [tilespmem:v14+s18+$0x0], $0xffff;
	v26 =	vmul.f32 $9.999990460e+00, v26;
	v39 =	vor.u32 v4, v61;
	v54 =	vshll.u32 v58, $0x7  }
0x3f2: {  	v35 =	vmul.f32 v35, v44;
	v31 =	vadd.f32 v31, v51;
	v38 =	vsub.f32 v57, v48;
	[tilespmem:s31+$0xA0] =	vst v63  }
0x3f3: {  	v20 =	vmul.f32 $9.999990460e+00, v20;
	v34 =	vcvt.s32.f32 v56;
	v56 =	vor.u32 v4, v54;
	v44 =	vld.idx.msk [tilespmem:v59+s18+$0x0], $0xffff  }
0x3f4: {  	v36 =	vcvt.s32.f32 v36;
	v32 =	vld.idx.msk [tilespmem:v59+s19+$0x0], $0xffff;
	v33 =	vmul.f32 v60, v38;
	[tilespmem:s31+$0xFFFFFFA0] =	vst v31;
	v31 =	vadd.f32 v35, v45  }
0x3f5: {  	v34 =	vsub.f32 v47, v34;
	v42 =	vcvt.s32.f32 v58;
	v35 =	vmul.f32 $9.999990460e+00, v55;
	v38 =	vld.idx.msk [tilespmem:v40+s18+$0x0], $0xffff  }
0x3f6: {  	v61 =	vtrunc.f32 v30;
	v58 =	vcvt.s32.f32 v46;
	[tilespmem:s31+$0xFFFFFF20] =	vst v31;
	v31 =	vld.idx.msk [tilespmem:v40+s19+$0x0], $0xffff;
	v33 =	vadd.f32 v33, v48  }
0x3f7: {  	v37 =	vsub.f32 v37, v42;
	v60 =	vtrunc.f32 v29;
	v59 =	vtrunc.f32 v35;
	v42 =	vld.idx.msk [tilespmem:v39+s18+$0x0], $0xffff  }
0x3f8: {  	v36 =	vsub.f32 v43, v36;
	v46 =	vcvt.f32.s32 v60;
	v45 =	vcvt.f32.s32 v59;
	v39 =	vld.idx.msk [tilespmem:v39+s19+$0x0], $0xffff;
	[tilespmem:s31+$0x20] =	vst v33  }
0x3f9: {  	v57 =	vtrunc.f32 v28;
	v40 =	vsub.f32 v41, v58;
	v32 =	vsub.f32 v32, v44;
	v41 =	vld.idx.msk [tilespmem:v56+s18+$0x0], $0xffff  }
0x3fa: {  	[tilespmem:s30+$0x60] =	vst v18;
	v43 =	vcvt.f32.s32 v57;
	v55 =	vshll.u32 v46, $0x7;
	v47 =	vld.idx.msk [tilespmem:v56+s19+$0x0], $0xffff;
	v62 =	vshll.u32 v45, $0x7  }
0x3fb: {  	v54 =	vld.idx.msk [tilespmem:v14+s19+$0x0], $0xffff;
	v63 =	vor.u32 v5, v62;
	v32 =	vmul.f32 v40, v32;
	v31 =	vsub.f32 v31, v38  }
0x3fc: {  	v14 =	vld.idx.msk [tilespmem:v17+s18+$0x0], $0xffff;
	v53 =	vshll.u32 v43, $0x7;
	v33 =	vcvt.f32.s32 v61;
	v59 =	vor.u32 v5, v55  }
0x3fd: {  	v58 =	vld [tilespmem:s31+$0xD0];
	v57 =	vsub.f32 v39, v42;
	v18 =	vadd.f32 v32, v44;
	v31 =	vmul.f32 v34, v31  }
0x3fe: {  	v50 =	vld.idx.msk [tilespmem:v17+s19+$0x0], $0xffff;
	v43 =	vcvt.s32.f32 v43;
	v48 =	vor.u32 v5, v53;
	v56 =	vshll.u32 v33, $0x7  }
0x3ff: {  	v62 =	vsub.f32 v47, v41;
	[tilespmem:s31+$0xB0] =	vst v18;
	v18 =	vmul.f32 v36, v57;
	v31 =	vadd.f32 v31, v38  }
0x400: {  	v60 =	vcvt.s32.f32 v46;
	v28 =	vsub.f32 v28, v43;
	v61 =	vor.u32 v5, v56;
	v36 =	vld.idx.msk [tilespmem:v63+s18+$0x0], $0xffff  }
0x401: {  	v51 =	vtrunc.f32 v27;
	v63 =	vld.idx.msk [tilespmem:v63+s19+$0x0], $0xffff;
	v32 =	vmul.f32 v37, v62;
	v17 =	vadd.f32 v18, v42;
	[tilespmem:s31+$0xFFFFFFB0] =	vst v31  }
0x402: {  	v29 =	vsub.f32 v29, v60;
	v52 =	vcvt.s32.f32 v45;
	v31 =	vmul.f32 $9.999990460e+00, v58;
	v34 =	vld.idx.msk [tilespmem:v59+s18+$0x0], $0xffff  }
0x403: {  	v33 =	vcvt.s32.f32 v33;
	v56 =	vtrunc.f32 v26;
	v39 =	vld.idx.msk [tilespmem:v59+s19+$0x0], $0xffff;
	v18 =	vadd.f32 v32, v41;
	[tilespmem:s31+$0xFFFFFF30] =	vst v17  }
0x404: {  	v53 =	vtrunc.f32 v31;
	v17 =	vsub.f32 v54, v13;
	v54 =	vtrunc.f32 v22;
	v41 =	vld.idx.msk [tilespmem:v48+s18+$0x0], $0xffff  }
0x405: {  	v30 =	vsub.f32 v30, v33;
	v40 =	vcvt.f32.s32 v53;
	v55 =	vld.idx.msk [tilespmem:v48+s19+$0x0], $0xffff;
	[tilespmem:s31+$0x30] =	vst v18;
	v59 =	vcvt.f32.s32 v54  }
0x406: {  	v33 =	vcvt.f32.s32 v51;
	v32 =	vsub.f32 v35, v52;
	v57 =	vsub.f32 v63, v36;
	v58 =	vld.idx.msk [tilespmem:v61+s18+$0x0], $0xffff  }
0x407: {  	v44 =	vcvt.f32.s32 v56;
	v60 =	vld.idx.msk [tilespmem:v61+s19+$0x0], $0xffff;
	v61 =	vshll.u32 v40, $0x7;
	v48 =	vshll.u32 v59, $0x7  }
0x408: {  	v25 =	vld [tilespmem:s31+$0x60];
	v32 =	vmul.f32 v32, v57;
	v62 =	vor.u32 v6, v61;
	v39 =	vsub.f32 v39, v34  }
0x409: {  	v18 =	vsub.f32 v50, v14;
	v63 =	vshll.u32 v33, $0x7;
	v50 =	vor.u32 v6, v48  }
0x40a: {  	v51 =	vld [tilespmem:s31+$0xE0];
	v32 =	vadd.f32 v32, v36;
	v49 =	vsub.f32 v55, v41;
	v29 =	vmul.f32 v29, v39  }
0x40b: {  	v56 =	vcvt.s32.f32 v44;
	v52 =	vshll.u32 v44, $0x7;
	v45 =	vor.u32 v6, v63  }
0x40c: {  	v53 =	vsub.f32 v60, v58;
	[tilespmem:s31+$0xC0] =	vst v32;
	v28 =	vmul.f32 v28, v49;
	v29 =	vadd.f32 v29, v34  }
0x40d: {  	v37 =	vmul.f32 $9.999990460e+00, v25;
	v54 =	vor.u32 v6, v52;
	v33 =	vcvt.s32.f32 v33;
	v55 =	vld.idx.msk [tilespmem:v62+s18+$0x0], $0xffff  }
0x40e: {  	v38 =	vcvt.s32.f32 v59;
	v35 =	vld.idx.msk [tilespmem:v62+s19+$0x0], $0xffff;
	v28 =	vadd.f32 v28, v41;
	[tilespmem:s31+$0xFFFFFFC0] =	vst v29;
	v29 =	vmul.f32 v30, v53  }
0x40f: {  	v25 =	vcvt.s32.f32 v40;
	v27 =	vsub.f32 v27, v33;
	v32 =	vmul.f32 $9.999990460e+00, v51;
	v30 =	vld.idx.msk [tilespmem:v50+s18+$0x0], $0xffff  }
0x410: {  	v57 =	vtrunc.f32 v20;
	v61 =	vsub.f32 v26, v56;
	[tilespmem:s31+$0xFFFFFF40] =	vst v28;
	v28 =	vld.idx.msk [tilespmem:v50+s19+$0x0], $0xffff;
	v29 =	vadd.f32 v29, v58  }
0x411: {  	v22 =	vsub.f32 v22, v38;
	v60 =	vtrunc.f32 v23;
	v59 =	vtrunc.f32 v32;
	v58 =	vld.idx.msk [tilespmem:v45+s18+$0x0], $0xffff  }
0x412: {  	v25 =	vsub.f32 v31, v25;
	v48 =	vcvt.f32.s32 v60;
	v26 =	vld.idx.msk [tilespmem:v45+s19+$0x0], $0xffff;
	[tilespmem:s31+$0x40] =	vst v29;
	v29 =	vcvt.f32.s32 v59  }
0x413: {  	v33 =	vcvt.f32.s32 v57;
	v62 =	vtrunc.f32 v37;
	v31 =	vsub.f32 v35, v55;
	v63 =	vld.idx.msk [tilespmem:v54+s18+$0x0], $0xffff  }
0x414: {  	v39 =	vcvt.f32.s32 v62;
	v51 =	vshll.u32 v48, $0x7;
	v34 =	vld.idx.msk [tilespmem:v54+s19+$0x0], $0xffff;
	v49 =	vshll.u32 v29, $0x7  }
0x415: {  	v19 =	vld [tilespmem:s31+$0xFFFFFF70];
	v43 =	vor.u32 v7, v51;
	v25 =	vmul.f32 v25, v31;
	v31 =	vor.u32 v7, v49  }
0x416: {  	v21 =	vld [tilespmem:s31+$0xFFFFFFF0];
	v50 =	vshll.u32 v33, $0x7;
	v52 =	vshll.u32 v39, $0x7;
	v28 =	vsub.f32 v28, v30  }
0x417: {  	v53 =	vld [tilespmem:s31+$0xF0];
	v40 =	vor.u32 v7, v50;
	v44 =	vor.u32 v7, v52;
	v25 =	vadd.f32 v25, v55  }
0x418: {  	[tilespmem:s30+$0xFFFFFF60] =	vst v12;
	v24 =	vld [tilespmem:s31+$0x70];
	v54 =	vcvt.s32.f32 v48;
	v26 =	vsub.f32 v26, v58;
	v22 =	vmul.f32 v22, v28  }
0x419: {  	v12 =	vld.idx.msk [tilespmem:v15+s18+$0x0], $0xffff;
	v29 =	vcvt.s32.f32 v29;
	v28 =	vcvt.s32.f32 v33;
	[tilespmem:s31+$0xD0] =	vst v25;
	v34 =	vsub.f32 v34, v63  }
0x41a: {  	v27 =	vmul.f32 v27, v26;
	v25 =	vmul.f32 $9.999990460e+00, v19;
	v22 =	vadd.f32 v22, v30;
	v55 =	vld.idx.msk [tilespmem:v31+s18+$0x0], $0xffff  }
0x41b: {  	v29 =	vsub.f32 v32, v29;
	v30 =	vcvt.s32.f32 v39;
	v31 =	vld.idx.msk [tilespmem:v31+s19+$0x0], $0xffff;
	v19 =	vmul.f32 v61, v34  }
0x41c: {  	v15 =	vld.idx.msk [tilespmem:v15+s19+$0x0], $0xffff;
	v56 =	vadd.f32 v27, v58;
	[tilespmem:s31+$0xFFFFFFD0] =	vst v22;
	v22 =	vmul.f32 $9.999990460e+00, v21;
	v21 =	vmul.f32 $9.999990460e+00, v53  }
0x41d: {  	v26 =	vsub.f32 v20, v28;
	v20 =	vsub.f32 v23, v54;
	v23 =	vmul.f32 $9.999990460e+00, v24;
	v28 =	vld.idx.msk [tilespmem:v43+s18+$0x0], $0xffff  }
0x41e: {  	v57 =	vtrunc.f32 v25;
	v58 =	vld.idx.msk [tilespmem:v43+s19+$0x0], $0xffff;
	v19 =	vadd.f32 v19, v63;
	[tilespmem:s31+$0xFFFFFF50] =	vst v56;
	v24 =	vtrunc.f32 v21  }
0x41f: {  	v27 =	vsub.f32 v37, v30;
	v33 =	vcvt.f32.s32 v57;
	v30 =	vld.idx.msk [tilespmem:v40+s18+$0x0], $0xffff;
	v24 =	vcvt.f32.s32 v24  }
0x420: {  	v60 =	vtrunc.f32 v23;
	v59 =	vtrunc.f32 v22;
	v35 =	vld.idx.msk [tilespmem:v40+s19+$0x0], $0xffff;
	[tilespmem:s31+$0x50] =	vst v19;
	v61 =	vsub.f32 v31, v55  }
0x421: {  	v32 =	vcvt.f32.s32 v59;
	v19 =	vshll.u32 v33, $0x7;
	v36 =	vld.idx.msk [tilespmem:v44+s19+$0x0], $0xffff;
	v62 =	vshll.u32 v24, $0x7  }
0x422: {  	v31 =	vcvt.f32.s32 v60;
	v63 =	vmul.f32 v29, v61;
	v34 =	vor.u32 v8, v62;
	v29 =	vld.idx.msk [tilespmem:v44+s18+$0x0], $0xffff  }
0x423: {  	v15 =	vsub.f32 v15, v12;
	v19 =	vor.u32 v8, v19;
	v37 =	vsub.f32 v58, v28  }
0x424: {  	s0 =	simm.s32 $0x4;
	s2 =	simm.s32 $0x8F80;
	[tilespmem:s30+$0xF0] =	vst v16;
	v38 =	vshll.u32 v32, $0x7;
	v16 =	vshll.u32 v31, $0x7;
	v39 =	vadd.f32 v63, v55  }
.LBB2_8:
0x425: {  	v40 =	vld [tilespmem:s2+$0x80];
	v35 =	vsub.f32 v35, v30;
	v37 =	vmul.f32 v20, v37;
	v20 =	vor.u32 v8, v38  }
0x426: {  	v33 =	vcvt.s32.f32 v33;
	v32 =	vcvt.s32.f32 v32;
	v16 =	vor.u32 v8, v16;
	v38 =	vld [tilespmem:s2+$0xFFFFFF80];
	[tilespmem:s31+$0xE0] =	vst v39  }
0x427: {  	v26 =	vmul.f32 v26, v35;
	v28 =	vadd.f32 v37, v28;
	v35 =	vsub.f32 v36, v29;
	v36 =	vld.idx.msk [tilespmem:v34+s18+$0x0], $0xffff  }
0x428: {  	v31 =	vcvt.s32.f32 v31;
	v25 =	vsub.f32 v25, v33;
	v22 =	vsub.f32 v22, v32;
	v32 =	vld.idx.msk [tilespmem:v34+s19+$0x0], $0xffff  }
0x429: {  	v15 =	vmul.f32 v10, v15;
	v33 =	vld [tilespmem:s2+$0x0];
	v26 =	vadd.f32 v26, v30;
	[tilespmem:s31+$0xFFFFFFE0] =	vst v28;
	v27 =	vmul.f32 v27, v35  }
0x42a: {  	v17 =	vmul.f32 v9, v17;
	v23 =	vsub.f32 v23, v31;
	v10 =	vmovc v25;
	v9 =	vmovc v22;
	v28 =	vld [tilespmem:s2+$0xFFFFFF00];
	v30 =	vmul.f32 $9.999990460e+00, v40  }
0x42b: {  	v18 =	vmul.f32 v11, v18;
	v25 =	vld [tilespmem:s2+$0xFFFFFF10];
	v31 =	vmul.f32 $9.999990460e+00, v38;
	[tilespmem:s31+$0xFFFFFF60] =	vst v26;
	v22 =	vadd.f32 v27, v29  }
0x42c: {  	v24 =	vcvt.s32.f32 v24;
	v12 =	vadd.f32 v15, v12;
	v11 =	vmovc v23;
	v26 =	vld [tilespmem:s2+$0xFFFFFF90];
	v27 =	vtrunc.f32 v30  }
0x42d: {  	s0 =	sadd.s32 $0x4, s0;
	v13 =	vadd.f32 v17, v13;
	v15 =	vtrunc.f32 v31;
	v29 =	vld [tilespmem:s2+$0x10];
	v27 =	vcvt.f32.s32 v27;
	[tilespmem:s31+$0x60] =	vst v22  }
0x42e: {  	p0 =	slt.u32 s0, $0xBC;
	v21 =	vsub.f32 v21, v24;
	v22 =	vsub.f32 v32, v36;
	v17 =	vld [tilespmem:s2+$0xFFFFFF20];
	v23 =	vmul.f32 $9.999990460e+00, v33;
	[tilespmem:s30+$0xFFFFFF70] =	vst v12  }
0x42f: {  	v15 =	vcvt.f32.s32 v15;
	v24 =	vmul.f32 $9.999990460e+00, v28;
	v32 =	vld [tilespmem:s2+$0xFFFFFFA0];
	v12 =	vshll.u32 v27, $0x7;
	[tilespmem:s30+$0xFFFFFFF0] =	vst v13  }
0x430: {  	v21 =	vmul.f32 v21, v22;
	v28 =	vtrunc.f32 v23;
	v33 =	vld [tilespmem:s2+$0x20];
	v34 =	vor.u32 v0, v12  }
0x431: {  	v22 =	vshll.u32 v15, $0x7;
	v12 =	vtrunc.f32 v24;
	v13 =	vld [tilespmem:s2+$0xFFFFFF30];
	v28 =	vcvt.f32.s32 v28  }
0x432: {  	v37 =	vor.u32 v0, v22;
	v21 =	vadd.f32 v21, v36;
	v35 =	vcvt.f32.s32 v12;
	v12 =	vld [tilespmem:s2+$0xFFFFFFB0]  }
0x433: {  	v15 =	vcvt.s32.f32 v15;
	v36 =	vcvt.s32.f32 v28;
	v22 =	vshll.u32 v28, $0x7;
	v28 =	vld [tilespmem:s2+$0x90]  }
0x434: {  	v38 =	vcvt.s32.f32 v35;
	v35 =	vshll.u32 v35, $0x7;
	v39 =	vor.u32 v0, v22;
	v22 =	vld [tilespmem:s2+$0x30];
	[tilespmem:s31+$0xF0] =	vst v21  }
0x435: {  	v31 =	vsub.f32 v31, v15;
	v21 =	vor.u32 v0, v35;
	v35 =	vsub.f32 v23, v36;
	v36 =	vld.idx.msk [tilespmem:v34+s18+$0x0], $0xffff  }
0x436: {  	v25 =	vmul.f32 $9.999990460e+00, v25;
	v26 =	vmul.f32 $9.999990460e+00, v26;
	v24 =	vsub.f32 v24, v38;
	v15 =	vld.idx.msk [tilespmem:v34+s19+$0x0], $0xffff  }
0x437: {  	v14 =	vadd.f32 v18, v14;
	v29 =	vmul.f32 $9.999990460e+00, v29;
	v23 =	vmul.f32 $9.999990460e+00, v17;
	v34 =	vld.idx.msk [tilespmem:v37+s18+$0x0], $0xffff  }
0x438: {  	v17 =	vtrunc.f32 v25;
	v18 =	vld.idx.msk [tilespmem:v37+s19+$0x0], $0xffff;
	v37 =	vmul.f32 $9.999990460e+00, v28  }
0x439: {  	v40 =	vtrunc.f32 v29;
	v28 =	vtrunc.f32 v26;
	v38 =	vld.idx.msk [tilespmem:v39+s18+$0x0], $0xffff;
	[tilespmem:s30+$0x70] =	vst v14;
	s30 =	smov.u32 s31;
	s31 =	smov.u32 s2  }
0x43a: {  	v14 =	vcvt.s32.f32 v27;
	v41 =	vld.idx.msk [tilespmem:v21+s18+$0x0], $0xffff;
	v27 =	vtrunc.f32 v37  }
0x43b: {  	v42 =	vcvt.f32.s32 v17;
	v21 =	vld.idx.msk [tilespmem:v21+s19+$0x0], $0xffff;
	v43 =	vcvt.f32.s32 v27  }
0x43c: {  	v27 =	vcvt.f32.s32 v28;
	v14 =	vsub.f32 v30, v14;
	v17 =	vsub.f32 v15, v36;
	v39 =	vld.idx.msk [tilespmem:v39+s19+$0x0], $0xffff  }
0x43d: {  	v40 =	vcvt.f32.s32 v40;
	v30 =	vshll.u32 v42, $0x7;
	v28 =	vld [tilespmem:s2+$0xFFFFFF40];
	v44 =	vshll.u32 v43, $0x7  }
0x43e: {  	v18 =	vsub.f32 v18, v34;
	v45 =	vmul.f32 v14, v17;
	v15 =	vld [tilespmem:s2+$0xFFFFFFC0];
	v44 =	vor.u32 v2, v44  }
0x43f: {  	v47 =	vshll.u32 v40, $0x7;
	v30 =	vor.u32 v2, v30;
	v46 =	vshll.u32 v27, $0x7;
	v14 =	vld [tilespmem:s2+$0x40]  }
0x440: {  	v18 =	vmul.f32 v31, v18;
	v31 =	vor.u32 v2, v46;
	v36 =	vadd.f32 v45, v36;
	v17 =	vld [tilespmem:s2+$0xFFFFFF50]  }
0x441: {  	v42 =	vcvt.s32.f32 v42;
	v45 =	vor.u32 v2, v47;
	v21 =	vsub.f32 v21, v41;
	v46 =	vld [tilespmem:s2+$0xA0]  }
0x442: {  	v27 =	vcvt.s32.f32 v27;
	v34 =	vadd.f32 v18, v34;
	v39 =	vsub.f32 v39, v38;
	v18 =	vld [tilespmem:s2+$0xFFFFFFD0];
	[tilespmem:s2+$0x80] =	vst v36  }
0x443: {  	v21 =	vmul.f32 v24, v21;
	v36 =	vsub.f32 v25, v42;
	v24 =	vcvt.s32.f32 v40;
	v40 =	vld.idx.msk [tilespmem:v44+s18+$0x0], $0xffff  }
0x444: {  	v32 =	vmul.f32 $9.999990460e+00, v32;
	v25 =	vmul.f32 v35, v39;
	[tilespmem:s2+$0xFFFFFF80] =	vst v34;
	v34 =	vsub.f32 v26, v27;
	v26 =	vld.idx.msk [tilespmem:v44+s19+$0x0], $0xffff  }
0x445: {  	v33 =	vmul.f32 $9.999990460e+00, v33;
	v21 =	vadd.f32 v21, v41;
	v29 =	vsub.f32 v29, v24;
	v35 =	vld.idx.msk [tilespmem:v31+s18+$0x0], $0xffff  }
0x446: {  	v24 =	vtrunc.f32 v23;
	v25 =	vadd.f32 v25, v38;
	v31 =	vld.idx.msk [tilespmem:v31+s19+$0x0], $0xffff;
	v38 =	vmul.f32 $9.999990460e+00, v46  }
0x447: {  	v39 =	vtrunc.f32 v33;
	[tilespmem:s2+$0xFFFFFF00] =	vst v21;
	v21 =	vtrunc.f32 v32;
	v27 =	vld [tilespmem:s2+$0x50]  }
0x448: {  	v41 =	vld.idx.msk [tilespmem:v30+s18+$0x0], $0xffff;
	[tilespmem:s2+$0x0] =	vst v25;
	v25 =	vcvt.s32.f32 v43;
	v42 =	vtrunc.f32 v38  }
0x449: {  	v43 =	vcvt.f32.s32 v24;
	v30 =	vld.idx.msk [tilespmem:v30+s19+$0x0], $0xffff;
	v42 =	vcvt.f32.s32 v42  }
0x44a: {  	v44 =	vcvt.f32.s32 v21;
	v24 =	vsub.f32 v26, v40;
	v46 =	vld.idx.msk [tilespmem:v45+s18+$0x0], $0xffff;
	v21 =	vsub.f32 v37, v25  }
0x44b: {  	v39 =	vcvt.f32.s32 v39;
	v26 =	vshll.u32 v43, $0x7;
	v37 =	vld.idx.msk [tilespmem:v45+s19+$0x0], $0xffff;
	v45 =	vshll.u32 v42, $0x7  }
0x44c: {  	v31 =	vsub.f32 v31, v35;
	v25 =	vld [tilespmem:s2+$0xFFFFFF60];
	v21 =	vmul.f32 v21, v24;
	v45 =	vor.u32 v3, v45  }
0x44d: {  	v48 =	vshll.u32 v39, $0x7;
	v47 =	vor.u32 v3, v26;
	v24 =	vshll.u32 v44, $0x7;
	v26 =	vld [tilespmem:s2+$0xFFFFFFE0]  }
0x44e: {  	v31 =	vmul.f32 v34, v31;
	v34 =	vor.u32 v3, v24;
	v24 =	vld [tilespmem:s2+$0x60];
	v40 =	vadd.f32 v21, v40  }
0x44f: {  	v48 =	vor.u32 v3, v48;
	v43 =	vcvt.s32.f32 v43;
	v30 =	vsub.f32 v30, v41;
	v49 =	vld [tilespmem:s2+$0xB0]  }
0x450: {  	v39 =	vcvt.s32.f32 v39;
	v31 =	vadd.f32 v31, v35;
	v35 =	vcvt.s32.f32 v44;
	v21 =	vld [tilespmem:s2+$0xFFFFFF70];
	[tilespmem:s2+$0x90] =	vst v40  }
0x451: {  	v30 =	vmul.f32 v36, v30;
	v36 =	vsub.f32 v23, v43;
	v23 =	vsub.f32 v37, v46;
	v37 =	vld.idx.msk [tilespmem:v45+s18+$0x0], $0xffff  }
0x452: {  	v40 =	vmul.f32 $9.999990460e+00, v13;
	v13 =	vsub.f32 v32, v35;
	[tilespmem:s2+$0xFFFFFF90] =	vst v31;
	v31 =	vsub.f32 v33, v39;
	v32 =	vld.idx.msk [tilespmem:v45+s19+$0x0], $0xffff  }
0x453: {  	v35 =	vmul.f32 $9.999990460e+00, v12;
	v30 =	vadd.f32 v30, v41;
	v12 =	vmul.f32 v29, v23;
	v33 =	vld.idx.msk [tilespmem:v34+s18+$0x0], $0xffff  }
0x454: {  	v29 =	vmul.f32 $9.999990460e+00, v22;
	v23 =	vld.idx.msk [tilespmem:v34+s19+$0x0], $0xffff;
	v34 =	vmul.f32 $9.999990460e+00, v49  }
0x455: {  	v39 =	vtrunc.f32 v35;
	v12 =	vadd.f32 v12, v46;
	[tilespmem:s2+$0xFFFFFF10] =	vst v30;
	v30 =	vtrunc.f32 v40;
	v22 =	vld [tilespmem:s2+$0xFFFFFFF0]  }
0x456: {  	v42 =	vcvt.s32.f32 v42;
	v41 =	vld.idx.msk [tilespmem:v47+s18+$0x0], $0xffff;
	v43 =	vtrunc.f32 v34  }
0x457: {  	v44 =	vld.idx.msk [tilespmem:v47+s19+$0x0], $0xffff;
	[tilespmem:s2+$0x10] =	vst v12;
	v12 =	vtrunc.f32 v29;
	v43 =	vcvt.f32.s32 v43  }
0x458: {  	v38 =	vsub.f32 v38, v42;
	v30 =	vcvt.f32.s32 v30;
	v32 =	vsub.f32 v32, v37;
	v45 =	vld.idx.msk [tilespmem:v48+s18+$0x0], $0xffff  }
0x459: {  	v39 =	vcvt.f32.s32 v39;
	v46 =	vcvt.f32.s32 v12;
	v42 =	vld.idx.msk [tilespmem:v48+s19+$0x0], $0xffff;
	v12 =	vshll.u32 v43, $0x7  }
0x45a: {  	v47 =	vsub.f32 v23, v33;
	v32 =	vmul.f32 v38, v32;
	v23 =	vld [tilespmem:s2+$0x70];
	v38 =	vor.u32 v4, v12  }
0x45b: {  	v49 =	vshll.u32 v39, $0x7;
	v48 =	vshll.u32 v30, $0x7;
	v50 =	vshll.u32 v46, $0x7;
	v12 =	vld.idx.msk [tilespmem:v19+s18+$0x0], $0xffff  }
0x45c: {  	v48 =	vor.u32 v4, v48;
	v13 =	vmul.f32 v13, v47;
	v32 =	vadd.f32 v32, v37;
	v19 =	vld.idx.msk [tilespmem:v19+s19+$0x0], $0xffff  }
0x45d: {  	v47 =	vor.u32 v4, v50;
	v37 =	vsub.f32 v44, v41;
	v44 =	vor.u32 v4, v49;
	v49 =	vld [tilespmem:s2+$0xC0]  }
0x45e: {  	v39 =	vcvt.s32.f32 v39;
	v30 =	vcvt.s32.f32 v30;
	v33 =	vadd.f32 v13, v33;
	[tilespmem:s2+$0xA0] =	vst v32;
	v13 =	vld.idx.msk [tilespmem:v20+s18+$0x0], $0xffff  }
0x45f: {  	v32 =	vmul.f32 v36, v37;
	v36 =	vsub.f32 v42, v45;
	v37 =	vcvt.s32.f32 v46;
	v42 =	vld.idx.msk [tilespmem:v38+s18+$0x0], $0xffff  }
0x460: {  	v28 =	vmul.f32 $9.999990460e+00, v28;
	v30 =	vsub.f32 v40, v30;
	[tilespmem:s2+$0xFFFFFFA0] =	vst v33;
	v33 =	vsub.f32 v35, v39;
	v35 =	vld.idx.msk [tilespmem:v38+s19+$0x0], $0xffff  }
0x461: {  	v32 =	vadd.f32 v32, v41;
	v31 =	vmul.f32 v31, v36;
	v29 =	vsub.f32 v29, v37;
	v20 =	vld.idx.msk [tilespmem:v20+s19+$0x0], $0xffff  }
0x462: {  	v37 =	vmul.f32 $9.999990460e+00, v15;
	v15 =	vsub.f32 v19, v12;
	v36 =	vld.idx.msk [tilespmem:v44+s18+$0x0], $0xffff;
	v38 =	vmul.f32 $9.999990460e+00, v49  }
0x463: {  	v39 =	vmul.f32 $9.999990460e+00, v14;
	v19 =	vtrunc.f32 v28;
	v31 =	vadd.f32 v31, v45;
	[tilespmem:s2+$0xFFFFFF20] =	vst v32;
	v32 =	vld.idx.msk [tilespmem:v44+s19+$0x0], $0xffff  }
0x464: {  	v14 =	vcvt.s32.f32 v43;
	v40 =	vld.idx.msk [tilespmem:v48+s18+$0x0], $0xffff;
	v41 =	vtrunc.f32 v38  }
0x465: {  	v44 =	vtrunc.f32 v37;
	v43 =	vld.idx.msk [tilespmem:v48+s19+$0x0], $0xffff;
	[tilespmem:s2+$0x20] =	vst v31;
	v31 =	vcvt.f32.s32 v41  }
0x466: {  	v45 =	vtrunc.f32 v39;
	v14 =	vsub.f32 v34, v14;
	v34 =	vsub.f32 v35, v42;
	v41 =	vld.idx.msk [tilespmem:v47+s18+$0x0], $0xffff  }
0x467: {  	v19 =	vcvt.f32.s32 v19;
	v35 =	vcvt.f32.s32 v44;
	v44 =	vld.idx.msk [tilespmem:v47+s19+$0x0], $0xffff;
	v46 =	vshll.u32 v31, $0x7  }
0x468: {  	v45 =	vcvt.f32.s32 v45;
	v34 =	vmul.f32 v14, v34;
	v46 =	vor.u32 v5, v46;
	v14 =	vld.idx.msk [tilespmem:v16+s18+$0x0], $0xffff  }
0x469: {  	v47 =	vshll.u32 v19, $0x7;
	v48 =	vshll.u32 v35, $0x7;
	v32 =	vsub.f32 v32, v36;
	v16 =	vld.idx.msk [tilespmem:v16+s19+$0x0], $0xffff  }
0x46a: {  	v49 =	vshll.u32 v45, $0x7;
	v47 =	vor.u32 v5, v47;
	v34 =	vadd.f32 v34, v42  }
0x46b: {  	v42 =	vsub.f32 v43, v40;
	v32 =	vmul.f32 v33, v32;
	v33 =	vor.u32 v5, v48;
	v43 =	vld [tilespmem:s2+$0xD0]  }
0x46c: {  	v19 =	vcvt.s32.f32 v19;
	v35 =	vcvt.s32.f32 v35;
	v48 =	vor.u32 v5, v49;
	[tilespmem:s2+$0xB0] =	vst v34  }
0x46d: {  	v30 =	vmul.f32 v30, v42;
	v32 =	vadd.f32 v32, v36;
	v34 =	vsub.f32 v44, v41;
	v36 =	vld.idx.msk [tilespmem:v46+s18+$0x0], $0xffff  }
0x46e: {  	v19 =	vsub.f32 v28, v19;
	v28 =	vsub.f32 v37, v35;
	v35 =	vcvt.s32.f32 v45;
	v37 =	vld.idx.msk [tilespmem:v46+s19+$0x0], $0xffff  }
0x46f: {  	v30 =	vadd.f32 v30, v40;
	v40 =	vmul.f32 $9.999990460e+00, v17;
	v17 =	vmul.f32 v29, v34;
	[tilespmem:s2+$0xFFFFFFB0] =	vst v32  }
0x470: {  	v34 =	vsub.f32 v39, v35;
	v32 =	vmul.f32 $9.999990460e+00, v18;
	v29 =	vld.idx.msk [tilespmem:v33+s18+$0x0], $0xffff;
	v35 =	vmul.f32 $9.999990460e+00, v43  }
0x471: {  	v27 =	vmul.f32 $9.999990460e+00, v27;
	v18 =	vadd.f32 v17, v41;
	[tilespmem:s2+$0xFFFFFF30] =	vst v30;
	v30 =	vtrunc.f32 v40;
	v33 =	vld.idx.msk [tilespmem:v33+s19+$0x0], $0xffff  }
0x472: {  	v31 =	vcvt.s32.f32 v31;
	v17 =	vsub.f32 v20, v13;
	v39 =	vld.idx.msk [tilespmem:v47+s18+$0x0], $0xffff;
	v41 =	vtrunc.f32 v35  }
0x473: {  	v42 =	vtrunc.f32 v32;
	v20 =	vld.idx.msk [tilespmem:v47+s19+$0x0], $0xffff;
	[tilespmem:s2+$0x30] =	vst v18;
	v41 =	vcvt.f32.s32 v41;
	v18 =	vsub.f32 v16, v14  }
0x474: {  	v31 =	vsub.f32 v38, v31;
	v43 =	vtrunc.f32 v27;
	v37 =	vsub.f32 v37, v36;
	v16 =	vld.idx.msk [tilespmem:v48+s18+$0x0], $0xffff  }
0x475: {  	v30 =	vcvt.f32.s32 v30;
	v38 =	vcvt.f32.s32 v42;
	v42 =	vld.idx.msk [tilespmem:v48+s19+$0x0], $0xffff;
	v44 =	vshll.u32 v41, $0x7  }
0x476: {  	v43 =	vcvt.f32.s32 v43;
	v31 =	vmul.f32 v31, v37;
	v37 =	vor.u32 v6, v44  }
0x477: {  	v45 =	vshll.u32 v38, $0x7;
	v44 =	vshll.u32 v30, $0x7;
	v33 =	vsub.f32 v33, v29  }
0x478: {  	v46 =	vshll.u32 v43, $0x7;
	v44 =	vor.u32 v6, v44;
	v31 =	vadd.f32 v31, v36  }
0x479: {  	v20 =	vsub.f32 v20, v39;
	v28 =	vmul.f32 v28, v33;
	v33 =	vor.u32 v6, v45;
	v36 =	vld [tilespmem:s2+$0xE0]  }
0x47a: {  	v38 =	vcvt.s32.f32 v38;
	v30 =	vcvt.s32.f32 v30;
	v45 =	vor.u32 v6, v46;
	[tilespmem:s2+$0xC0] =	vst v31  }
0x47b: {  	v19 =	vmul.f32 v19, v20;
	v20 =	vadd.f32 v28, v29;
	v28 =	vsub.f32 v42, v16;
	v29 =	vld.idx.msk [tilespmem:v37+s18+$0x0], $0xffff  }
0x47c: {  	v30 =	vsub.f32 v40, v30;
	v31 =	vsub.f32 v32, v38;
	v32 =	vcvt.s32.f32 v43;
	v37 =	vld.idx.msk [tilespmem:v37+s19+$0x0], $0xffff  }
0x47d: {  	v25 =	vmul.f32 $9.999990460e+00, v25;
	v19 =	vadd.f32 v19, v39;
	[tilespmem:s2+$0xFFFFFFC0] =	vst v20;
	v20 =	vmul.f32 v34, v28  }
0x47e: {  	v27 =	vsub.f32 v27, v32;
	v34 =	vmul.f32 $9.999990460e+00, v26;
	v28 =	vld.idx.msk [tilespmem:v33+s18+$0x0], $0xffff;
	v32 =	vmul.f32 $9.999990460e+00, v36  }
0x47f: {  	v24 =	vmul.f32 $9.999990460e+00, v24;
	[tilespmem:s2+$0xFFFFFF40] =	vst v19;
	v19 =	vtrunc.f32 v25;
	v26 =	vld.idx.msk [tilespmem:v33+s19+$0x0], $0xffff;
	v16 =	vadd.f32 v20, v16  }
0x480: {  	v20 =	vcvt.s32.f32 v41;
	v33 =	vld.idx.msk [tilespmem:v44+s18+$0x0], $0xffff;
	v36 =	vtrunc.f32 v32  }
0x481: {  	v39 =	vtrunc.f32 v34;
	v38 =	vld.idx.msk [tilespmem:v44+s19+$0x0], $0xffff;
	[tilespmem:s2+$0x40] =	vst v16;
	v16 =	vcvt.f32.s32 v36  }
0x482: {  	v40 =	vtrunc.f32 v24;
	v20 =	vsub.f32 v35, v20;
	v35 =	vsub.f32 v37, v29;
	v36 =	vld.idx.msk [tilespmem:v45+s18+$0x0], $0xffff  }
0x483: {  	v19 =	vcvt.f32.s32 v19;
	v37 =	vcvt.f32.s32 v39;
	v39 =	vld.idx.msk [tilespmem:v45+s19+$0x0], $0xffff;
	v41 =	vshll.u32 v16, $0x7  }
0x484: {  	v40 =	vcvt.f32.s32 v40;
	v20 =	vmul.f32 v20, v35;
	v35 =	vor.u32 v7, v41  }
0x485: {  	v42 =	vshll.u32 v37, $0x7;
	v41 =	vshll.u32 v19, $0x7;
	v26 =	vsub.f32 v26, v28  }
0x486: {  	v43 =	vshll.u32 v40, $0x7;
	v41 =	vor.u32 v7, v41;
	v20 =	vadd.f32 v20, v29  }
0x487: {  	v29 =	vsub.f32 v38, v33;
	v26 =	vmul.f32 v31, v26;
	v31 =	vor.u32 v7, v42;
	v38 =	vld [tilespmem:s2+$0xF0]  }
0x488: {  	v37 =	vcvt.s32.f32 v37;
	v19 =	vcvt.s32.f32 v19;
	v42 =	vor.u32 v7, v43;
	[tilespmem:s2+$0xD0] =	vst v20  }
0x489: {  	v29 =	vmul.f32 v30, v29;
	v28 =	vadd.f32 v26, v28;
	v30 =	vsub.f32 v39, v36;
	v39 =	vld.idx.msk [tilespmem:v35+s18+$0x0], $0xffff  }
0x48a: {  	v26 =	vsub.f32 v25, v19;
	v20 =	vsub.f32 v34, v37;
	v19 =	vcvt.s32.f32 v40;
	v34 =	vld.idx.msk [tilespmem:v35+s19+$0x0], $0xffff  }
0x48b: {  	v25 =	vmul.f32 $9.999990460e+00, v21;
	v29 =	vadd.f32 v29, v33;
	v30 =	vmul.f32 v27, v30;
	[tilespmem:s2+$0xFFFFFFD0] =	vst v28  }
0x48c: {  	v22 =	vmul.f32 $9.999990460e+00, v22;
	v27 =	vsub.f32 v24, v19;
	v28 =	vld.idx.msk [tilespmem:v31+s18+$0x0], $0xffff;
	v21 =	vmul.f32 $9.999990460e+00, v38  }
0x48d: {  	v23 =	vmul.f32 $9.999990460e+00, v23;
	v19 =	vtrunc.f32 v25;
	v24 =	vadd.f32 v30, v36;
	[tilespmem:s2+$0xFFFFFF50] =	vst v29;
	v37 =	vld.idx.msk [tilespmem:v31+s19+$0x0], $0xffff  }
0x48e: {  	v16 =	vcvt.s32.f32 v16;
	v30 =	vld.idx.msk [tilespmem:v41+s18+$0x0], $0xffff;
	v29 =	vtrunc.f32 v21  }
0x48f: {  	v31 =	vtrunc.f32 v22;
	v35 =	vld.idx.msk [tilespmem:v41+s19+$0x0], $0xffff;
	[tilespmem:s2+$0x50] =	vst v24;
	v24 =	vcvt.f32.s32 v29  }
.Ltmp3:
0x490: {  	v16 =	vsub.f32 v32, v16;
	v38 =	vtrunc.f32 v23;
	v34 =	vsub.f32 v34, v39;
	v29 =	vld.idx.msk [tilespmem:v42+s18+$0x0], $0xffff;
	(pc) =	sbr.rel @p0 .LBB2_8-.Ltmp3, $4  }
0x491: {  	v33 =	vcvt.f32.s32 v19;
	v32 =	vcvt.f32.s32 v31;
	v36 =	vld.idx.msk [tilespmem:v42+s19+$0x0], $0xffff;
	v19 =	vshll.u32 v24, $0x7  }
0x492: {  	v31 =	vcvt.f32.s32 v38;
	v40 =	vmul.f32 v16, v34;
	v34 =	vor.u32 v8, v19  }
0x493: {  	v38 =	vshll.u32 v32, $0x7;
	v16 =	vshll.u32 v33, $0x7;
	v37 =	vsub.f32 v37, v28  }
0x494: {  	s2 =	sadd.s32 $0x200, s2;
	v19 =	vor.u32 v8, v16;
	v16 =	vshll.u32 v31, $0x7;
	v39 =	vadd.f32 v40, v39  }
0x495: {  	v35 =	vsub.f32 v35, v30  }
0x496: {  	v20 =	vmul.f32 v20, v37;
	v60 =	vor.u32 v8, v38  }
0x497: {  	v36 =	vsub.f32 v36, v29;
	v26 =	vmul.f32 v26, v35  }
0x498: {  	[tilespmem:s31+$0xE0] =	vst v39;
	v20 =	vadd.f32 v20, v28  }
0x499: {  	v28 =	vld.idx.msk [tilespmem:v34+s19+$0x0], $0xffff;
	v27 =	vmul.f32 v27, v36;
	v26 =	vadd.f32 v26, v30  }
0x49a: {  	v16 =	vor.u32 v8, v16;
	v30 =	vld.idx.msk [tilespmem:v34+s18+$0x0], $0xffff;
	[tilespmem:s31+$0xFFFFFFE0] =	vst v20  }
0x49b: {  	v20 =	vadd.f32 v27, v29;
	v27 =	vld.idx.msk [tilespmem:v60+s18+$0x0], $0xffff;
	[tilespmem:s31+$0xFFFFFF60] =	vst v26  }
0x49c: {  	v26 =	vld.idx.msk [tilespmem:v19+s18+$0x0], $0xffff  }
0x49d: {  	v19 =	vld.idx.msk [tilespmem:v19+s19+$0x0], $0xffff  }
0x49e: {  	v24 =	vcvt.s32.f32 v24;
	[tilespmem:s31+$0x60] =	vst v20;
	v20 =	vld.idx.msk [tilespmem:v60+s19+$0x0], $0xffff  }
0x49f: {  	v32 =	vcvt.s32.f32 v32;
	v61 =	vld.idx.msk [tilespmem:v16+s18+$0x0], $0xffff  }
0x4a0: {  	v10 =	vmul.f32 v10, v15;
	v15 =	vsub.f32 v21, v24;
	v29 =	vcvt.s32.f32 v33;
	v16 =	vld.idx.msk [tilespmem:v16+s19+$0x0], $0xffff  }
0x4a1: {  	v9 =	vmul.f32 v9, v17;
	v22 =	vsub.f32 v22, v32;
	v21 =	vsub.f32 v28, v30  }
0x4a2: {  	v10 =	vadd.f32 v10, v12;
	v25 =	vsub.f32 v25, v29;
	v29 =	vcvt.s32.f32 v31  }
0x4a3: {  	v9 =	vadd.f32 v9, v13;
	v12 =	vmul.f32 v15, v21;
	v15 =	vsub.f32 v19, v26  }
0x4a4: {  	v11 =	vmul.f32 v11, v18;
	v23 =	vsub.f32 v23, v29;
	v13 =	vsub.f32 v20, v27  }
0x4a5: {  	[tilespmem:s30+$0xFFFFFF70] =	vst v10;
	v10 =	vadd.f32 v12, v30;
	v12 =	vsub.f32 v16, v61;
	v15 =	vmul.f32 v25, v15  }
0x4a6: {  	[tilespmem:s30+$0xFFFFFFF0] =	vst v9;
	v9 =	vadd.f32 v11, v14;
	v11 =	vmul.f32 v22, v13  }
0x4a7: {  	[tilespmem:s31+$0xF0] =	vst v10;
	v10 =	vmul.f32 v23, v12;
	v12 =	vadd.f32 v15, v26  }
0x4a8: {  	[tilespmem:s30+$0x70] =	vst v9;
	v9 =	vadd.f32 v11, v27  }
0x4a9: {  	v10 =	vadd.f32 v10, v61;
	[tilespmem:s31+$0xFFFFFF70] =	vst v12  }
0x4aa: {  	[tilespmem:s31+$0xFFFFFFF0] =	vst v9  }
0x4ab: {  	[tilespmem:s31+$0x70] =	vst v10  }
0x4ac: {  	[hbm4b:s10+s3] =	stream.linear.scatter [tilespmem:s17], [sflag:$0x7], $0x6000, $0x38;
	[tilespmem:$0x10A80] =	vst v63  }
0x4ad: {  	_ =	swait.ge [sflag:s23], $0x2000  }
0x4ae: {  	[sflag:s23] =	ssyncset.done $0x0  }
0x4af: {  	s30 =	simm.s32 $0xEB80;
	[sflag:s23] =	ssyncadd.s32 $0xFFFFE000  }
0x4b0: {  	v9 =	vld [tilespmem:s30+$0x80];
	_ =	sdelay $0x1  }
0x4b1: {  	v10 =	vld [tilespmem:s30+$0xFFFFFF80];
	_ =	sdelay $0x1  }
0x4b2: {  	v11 =	vld [tilespmem:s30+$0x0]  }
0x4b3: {  	v12 =	vld [tilespmem:s30+$0xFFFFFF00];
	v9 =	vmul.f32 $9.999990460e+00, v9  }
0x4b4: {  	v14 =	vld [tilespmem:s30+$0xFFFFFF10]  }
0x4b5: {  	v15 =	vld [tilespmem:s30+$0xFFFFFF90];
	v10 =	vmul.f32 $9.999990460e+00, v10;
	v13 =	vtrunc.f32 v9  }
0x4b6: {  	v27 =	vld [tilespmem:s30+$0x90];
	v17 =	vcvt.f32.s32 v13  }
0x4b7: {  	v16 =	vld [tilespmem:s30+$0x10];
	v13 =	vtrunc.f32 v10  }
0x4b8: {  	v18 =	vld [tilespmem:s30+$0xFFFFFF20];
	v12 =	vmul.f32 $9.999990460e+00, v12;
	v19 =	vcvt.f32.s32 v13;
	v13 =	vshll.u32 v17, $0x7  }
0x4b9: {  	v21 =	vld [tilespmem:s30+$0xFFFFFFA0];
	v11 =	vmul.f32 $9.999990460e+00, v11;
	v23 =	vor.u32 v0, v13  }
0x4ba: {  	v22 =	vld [tilespmem:s30+$0x20];
	v14 =	vmul.f32 $9.999990460e+00, v14;
	v13 =	vtrunc.f32 v12;
	v25 =	vshll.u32 v19, $0x7  }
0x4bb: {  	v27 =	vmul.f32 $9.999990460e+00, v27;
	v26 =	vcvt.f32.s32 v13;
	v25 =	vor.u32 v0, v25  }
0x4bc: {  	v63 =	vmul.f32 $9.999990460e+00, v15;
	v20 =	vtrunc.f32 v11  }
0x4bd: {  	v24 =	vld [tilespmem:s30+$0xFFFFFF30];
	v44 =	vmul.f32 $9.999990460e+00, v18;
	v20 =	vcvt.f32.s32 v20;
	v29 =	vshll.u32 v26, $0x7  }
0x4be: {  	v16 =	vmul.f32 $9.999990460e+00, v16;
	v21 =	vmul.f32 $9.999990460e+00, v21;
	v29 =	vor.u32 v0, v29;
	v31 =	vld.idx.msk [tilespmem:v23+s18+$0x0], $0xffff  }
0x4bf: {  	v22 =	vmul.f32 $9.999990460e+00, v22;
	v18 =	vtrunc.f32 v27;
	v13 =	vshll.u32 v20, $0x7;
	v23 =	vld.idx.msk [tilespmem:v23+s19+$0x0], $0xffff  }
0x4c0: {  	v46 =	vcvt.f32.s32 v18;
	v30 =	vor.u32 v0, v13;
	v26 =	vcvt.s32.f32 v26;
	v62 =	vld.idx.msk [tilespmem:v25+s18+$0x0], $0xffff  }
0x4c1: {  	v18 =	vtrunc.f32 v63;
	v17 =	vcvt.s32.f32 v17;
	v15 =	vld.idx.msk [tilespmem:v25+s19+$0x0], $0xffff  }
0x4c2: {  	v28 =	vld [tilespmem:s30+$0xFFFFFFB0];
	v19 =	vcvt.s32.f32 v19;
	v26 =	vsub.f32 v12, v26;
	v12 =	vtrunc.f32 v14  }
0x4c3: {  	v20 =	vcvt.s32.f32 v20;
	v12 =	vcvt.f32.s32 v12;
	v45 =	vld.idx.msk [tilespmem:v29+s18+$0x0], $0xffff  }
0x4c4: {  	v9 =	vsub.f32 v9, v17;
	v10 =	vsub.f32 v10, v19;
	v19 =	vshll.u32 v46, $0x7;
	v29 =	vld.idx.msk [tilespmem:v29+s19+$0x0], $0xffff  }
0x4c5: {  	v11 =	vsub.f32 v11, v20;
	v25 =	vld.idx.msk [tilespmem:v30+s18+$0x0], $0xffff;
	v47 =	vshll.u32 v12, $0x7;
	v17 =	vsub.f32 v23, v31  }
0x4c6: {  	v40 =	vcvt.s32.f32 v12;
	v23 =	vld.idx.msk [tilespmem:v30+s19+$0x0], $0xffff;
	v30 =	vcvt.f32.s32 v18;
	v15 =	vsub.f32 v15, v62  }
0x4c7: {  	v20 =	vld [tilespmem:s30+$0xFFFFFF40];
	v18 =	vtrunc.f32 v16;
	v9 =	vmul.f32 v9, v17;
	v17 =	vor.u32 v2, v19  }
0x4c8: {  	v12 =	vld [tilespmem:s30+$0xFFFFFFD0];
	v48 =	vcvt.f32.s32 v18;
	v49 =	vshll.u32 v30, $0x7;
	v10 =	vmul.f32 v10, v15  }
0x4c9: {  	v39 =	vor.u32 v2, v49;
	v9 =	vadd.f32 v9, v31;
	v31 =	vld [tilespmem:s30+$0xA0];
	v29 =	vsub.f32 v29, v45  }
0x4ca: {  	v24 =	vmul.f32 $9.999990460e+00, v24;
	v37 =	vor.u32 v2, v47;
	v18 =	vld [tilespmem:s30+$0x40];
	v15 =	vshll.u32 v48, $0x7  }
0x4cb: {  	v19 =	vld [tilespmem:s30+$0xFFFFFFC0];
	v10 =	vadd.f32 v10, v62;
	v23 =	vsub.f32 v23, v25;
	[tilespmem:s30+$0x80] =	vst v9;
	v26 =	vmul.f32 v26, v29  }
0x4cc: {  	v54 =	vtrunc.f32 v21;
	v30 =	vcvt.s32.f32 v30;
	v9 =	vor.u32 v2, v15;
	v50 =	vld.idx.msk [tilespmem:v17+s18+$0x0], $0xffff  }
0x4cd: {  	v33 =	vcvt.f32.s32 v54;
	v29 =	vld.idx.msk [tilespmem:v17+s19+$0x0], $0xffff;
	[tilespmem:s30+$0xFFFFFF80] =	vst v10;
	v11 =	vmul.f32 v11, v23;
	v23 =	vadd.f32 v26, v45  }
0x4ce: {  	v51 =	vcvt.s32.f32 v46;
	v10 =	vsub.f32 v63, v30;
	v26 =	vld.idx.msk [tilespmem:v39+s18+$0x0], $0xffff;
	v30 =	vmul.f32 $9.999990460e+00, v31  }
0x4cf: {  	v28 =	vmul.f32 $9.999990460e+00, v28;
	v59 =	vshll.u32 v33, $0x7;
	v31 =	vld.idx.msk [tilespmem:v39+s19+$0x0], $0xffff;
	v11 =	vadd.f32 v11, v25;
	[tilespmem:s30+$0xFFFFFF00] =	vst v23  }
0x4d0: {  	v27 =	vsub.f32 v27, v51;
	v20 =	vmul.f32 $9.999990460e+00, v20;
	v52 =	vtrunc.f32 v30;
	v53 =	vld.idx.msk [tilespmem:v37+s18+$0x0], $0xffff  }
0x4d1: {  	v14 =	vsub.f32 v14, v40;
	v40 =	vor.u32 v3, v59;
	[tilespmem:s30+$0x0] =	vst v11;
	v55 =	vld.idx.msk [tilespmem:v37+s19+$0x0], $0xffff;
	v23 =	vcvt.f32.s32 v52  }
0x4d2: {  	v12 =	vmul.f32 $9.999990460e+00, v12;
	v18 =	vmul.f32 $9.999990460e+00, v18;
	v29 =	vsub.f32 v29, v50;
	v56 =	vld.idx.msk [tilespmem:v9+s18+$0x0], $0xffff  }
0x4d3: {  	v17 =	vcvt.s32.f32 v48;
	v25 =	vtrunc.f32 v44;
	v9 =	vld.idx.msk [tilespmem:v9+s19+$0x0], $0xffff;
	v11 =	vshll.u32 v23, $0x7  }
0x4d4: {  	v25 =	vcvt.f32.s32 v25;
	v27 =	vmul.f32 v27, v29;
	v29 =	vor.u32 v3, v11  }
0x4d5: {  	v19 =	vmul.f32 $9.999990460e+00, v19;
	v16 =	vsub.f32 v16, v17;
	v31 =	vsub.f32 v31, v26  }
0x4d6: {  	v60 =	vld [tilespmem:s30+$0xB0];
	v57 =	vshll.u32 v25, $0x7;
	v11 =	vtrunc.f32 v22;
	v27 =	vadd.f32 v27, v50  }
0x4d7: {  	v13 =	vld [tilespmem:s30+$0x30];
	v58 =	vcvt.f32.s32 v11;
	v31 =	vmul.f32 v10, v31;
	v36 =	vsub.f32 v55, v53  }
0x4d8: {  	v25 =	vcvt.s32.f32 v25;
	v38 =	vor.u32 v3, v57;
	v62 =	vsub.f32 v9, v56;
	[tilespmem:s30+$0x90] =	vst v27  }
0x4d9: {  	v41 =	vshll.u32 v58, $0x7;
	v26 =	vadd.f32 v31, v26;
	v14 =	vmul.f32 v14, v36;
	v61 =	vld.idx.msk [tilespmem:v29+s18+$0x0], $0xffff  }
0x4da: {  	v57 =	vtrunc.f32 v20;
	v31 =	vcvt.s32.f32 v33;
	v27 =	vor.u32 v3, v41;
	v29 =	vld.idx.msk [tilespmem:v29+s19+$0x0], $0xffff  }
0x4db: {  	v15 =	vld [tilespmem:s30+$0xFFFFFF50];
	v42 =	vmul.f32 v16, v62;
	[tilespmem:s30+$0xFFFFFF90] =	vst v26;
	v26 =	vmul.f32 $9.999990460e+00, v60;
	v14 =	vadd.f32 v14, v53  }
0x4dc: {  	v25 =	vsub.f32 v44, v25;
	v23 =	vcvt.s32.f32 v23;
	v44 =	vmul.f32 $9.999990460e+00, v13;
	v63 =	vld.idx.msk [tilespmem:v40+s18+$0x0], $0xffff  }
0x4dd: {  	v21 =	vsub.f32 v21, v31;
	v31 =	vld.idx.msk [tilespmem:v40+s19+$0x0], $0xffff;
	v13 =	vadd.f32 v42, v56;
	v43 =	vtrunc.f32 v26;
	[tilespmem:s30+$0xFFFFFF10] =	vst v14  }
0x4de: {  	v23 =	vsub.f32 v30, v23;
	v30 =	vtrunc.f32 v28;
	v45 =	vcvt.f32.s32 v43;
	v46 =	vld.idx.msk [tilespmem:v38+s18+$0x0], $0xffff  }
0x4df: {  	v30 =	vcvt.f32.s32 v30;
	v39 =	vcvt.s32.f32 v58;
	v47 =	vld.idx.msk [tilespmem:v38+s19+$0x0], $0xffff;
	[tilespmem:s30+$0x10] =	vst v13;
	v29 =	vsub.f32 v29, v61  }
0x4e0: {  	v14 =	vtrunc.f32 v24;
	v13 =	vtrunc.f32 v44;
	v49 =	vld.idx.msk [tilespmem:v27+s18+$0x0], $0xffff;
	v48 =	vshll.u32 v45, $0x7  }
0x4e1: {  	v14 =	vcvt.f32.s32 v14;
	v27 =	vld.idx.msk [tilespmem:v27+s19+$0x0], $0xffff;
	v23 =	vmul.f32 v23, v29;
	v29 =	vor.u32 v4, v48  }
0x4e2: {  	v51 =	vld [tilespmem:s30+$0xC0];
	v52 =	vshll.u32 v30, $0x7;
	v50 =	vcvt.f32.s32 v13;
	v13 =	vsub.f32 v31, v63  }
0x4e3: {  	v54 =	vor.u32 v4, v52;
	v31 =	vshll.u32 v14, $0x7;
	v23 =	vadd.f32 v23, v61  }
0x4e4: {  	v17 =	vld [tilespmem:s30+$0x50];
	v13 =	vmul.f32 v21, v13;
	v21 =	vor.u32 v4, v31;
	v31 =	vsub.f32 v47, v46  }
0x4e5: {  	v15 =	vmul.f32 $9.999990460e+00, v15;
	v34 =	vcvt.f32.s32 v57;
	v11 =	vld [tilespmem:s30+$0xFFFFFF60];
	v22 =	vsub.f32 v22, v39;
	[tilespmem:s30+$0xA0] =	vst v23  }
0x4e6: {  	v27 =	vsub.f32 v27, v49;
	v32 =	vadd.f32 v13, v63;
	v25 =	vmul.f32 v25, v31;
	v55 =	vld.idx.msk [tilespmem:v29+s18+$0x0], $0xffff  }
0x4e7: {  	v33 =	vmul.f32 $9.999990460e+00, v51;
	v30 =	vcvt.s32.f32 v30;
	v53 =	vshll.u32 v50, $0x7;
	v29 =	vld.idx.msk [tilespmem:v29+s19+$0x0], $0xffff  }
0x4e8: {  	v10 =	vld [tilespmem:s30+$0xFFFFFFE0];
	v23 =	vor.u32 v4, v53;
	v22 =	vmul.f32 v22, v27;
	[tilespmem:s30+$0xFFFFFFA0] =	vst v32;
	v25 =	vadd.f32 v25, v46  }
0x4e9: {  	v17 =	vmul.f32 $9.999990460e+00, v17;
	v60 =	vshll.u32 v34, $0x7;
	v27 =	vsub.f32 v28, v30;
	v28 =	vld.idx.msk [tilespmem:v54+s18+$0x0], $0xffff  }
0x4ea: {  	v56 =	vtrunc.f32 v33;
	v30 =	vcvt.s32.f32 v45;
	v22 =	vadd.f32 v22, v49;
	[tilespmem:s30+$0xFFFFFF20] =	vst v25;
	v25 =	vld.idx.msk [tilespmem:v54+s19+$0x0], $0xffff  }
0x4eb: {  	v41 =	vtrunc.f32 v12;
	v36 =	vor.u32 v5, v60;
	v32 =	vcvt.f32.s32 v56;
	v58 =	vld.idx.msk [tilespmem:v21+s18+$0x0], $0xffff  }
0x4ec: {  	v34 =	vcvt.s32.f32 v34;
	v26 =	vsub.f32 v26, v30;
	v21 =	vld.idx.msk [tilespmem:v21+s19+$0x0], $0xffff;
	[tilespmem:s30+$0x20] =	vst v22;
	v29 =	vsub.f32 v29, v55  }
0x4ed: {  	v11 =	vmul.f32 $9.999990460e+00, v11;
	v31 =	vcvt.s32.f32 v50;
	v22 =	vshll.u32 v32, $0x7;
	v59 =	vld.idx.msk [tilespmem:v23+s18+$0x0], $0xffff  }
0x4ee: {  	v30 =	vtrunc.f32 v19;
	v22 =	vor.u32 v5, v22;
	v23 =	vld.idx.msk [tilespmem:v23+s19+$0x0], $0xffff;
	v26 =	vmul.f32 v26, v29  }
0x4ef: {  	v9 =	vld [tilespmem:s30+$0xFFFFFF70];
	v14 =	vcvt.s32.f32 v14;
	v30 =	vcvt.f32.s32 v30;
	v29 =	vsub.f32 v44, v31  }
0x4f0: {  	v61 =	vld [tilespmem:s30+$0xD0];
	v31 =	vtrunc.f32 v18;
	v25 =	vsub.f32 v25, v28;
	v26 =	vadd.f32 v26, v55  }
0x4f1: {  	s31 =	simm.s32 $0xED80;
	v16 =	vld [tilespmem:s30+$0x60];
	v24 =	vsub.f32 v24, v14;
	v62 =	vshll.u32 v30, $0x7;
	v31 =	vcvt.f32.s32 v31  }
0x4f2: {  	v39 =	vld [tilespmem:s31+$0x20];
	v21 =	vsub.f32 v21, v58;
	v25 =	vmul.f32 v27, v25;
	v27 =	vor.u32 v5, v62;
	[tilespmem:s30+$0xB0] =	vst v26  }
0x4f3: {  	v10 =	vmul.f32 $9.999990460e+00, v10;
	v20 =	vsub.f32 v20, v34;
	v23 =	vsub.f32 v23, v59;
	v63 =	vld.idx.msk [tilespmem:v22+s18+$0x0], $0xffff  }
0x4f4: {  	v21 =	vmul.f32 v24, v21;
	v26 =	vshll.u32 v31, $0x7;
	v24 =	vadd.f32 v25, v28;
	v22 =	vld.idx.msk [tilespmem:v22+s19+$0x0], $0xffff  }
0x4f5: {  	v38 =	vld [tilespmem:s31+$0xFFFFFFA0];
	v30 =	vcvt.s32.f32 v30;
	v25 =	vor.u32 v5, v26;
	v26 =	vmul.f32 $9.999990460e+00, v61  }
0x4f6: {  	v9 =	vmul.f32 $9.999990460e+00, v9;
	v53 =	vld [tilespmem:s31+$0xFFFFFF00];
	v23 =	vmul.f32 v29, v23;
	v21 =	vadd.f32 v21, v58;
	[tilespmem:s30+$0xFFFFFFB0] =	vst v24  }
0x4f7: {  	v19 =	vsub.f32 v19, v30;
	v29 =	vcvt.s32.f32 v32;
	v24 =	vld.idx.msk [tilespmem:v27+s18+$0x0], $0xffff;
	v30 =	vtrunc.f32 v26  }
0x4f8: {  	v43 =	vtrunc.f32 v17;
	v23 =	vadd.f32 v23, v59;
	[tilespmem:s30+$0xFFFFFF30] =	vst v21;
	v21 =	vld.idx.msk [tilespmem:v27+s19+$0x0], $0xffff;
	v27 =	vcvt.f32.s32 v30  }
0x4f9: {  	v16 =	vmul.f32 $9.999990460e+00, v16;
	v29 =	vsub.f32 v33, v29;
	v30 =	vld.idx.msk [tilespmem:v36+s18+$0x0], $0xffff;
	v22 =	vsub.f32 v22, v63  }
0x4fa: {  	v39 =	vmul.f32 $9.999990460e+00, v39;
	v28 =	vcvt.s32.f32 v31;
	v40 =	vld.idx.msk [tilespmem:v36+s19+$0x0], $0xffff;
	[tilespmem:s30+$0x30] =	vst v23;
	v23 =	vshll.u32 v27, $0x7  }
0x4fb: {  	v31 =	vtrunc.f32 v15;
	v42 =	vld.idx.msk [tilespmem:v25+s18+$0x0], $0xffff;
	v23 =	vor.u32 v6, v23;
	v22 =	vmul.f32 v29, v22  }
0x4fc: {  	v18 =	vsub.f32 v18, v28;
	v28 =	vcvt.f32.s32 v31;
	v25 =	vld.idx.msk [tilespmem:v25+s19+$0x0], $0xffff;
	v29 =	vcvt.f32.s32 v41  }
0x4fd: {  	v38 =	vmul.f32 $9.999990460e+00, v38;
	v31 =	vld [tilespmem:s30+$0xE0];
	v21 =	vsub.f32 v21, v24;
	v22 =	vadd.f32 v22, v63  }
0x4fe: {  	v34 =	vmul.f32 $9.999990460e+00, v53;
	v44 =	vshll.u32 v28, $0x7;
	v45 =	vshll.u32 v29, $0x7  }
0x4ff: {  	v32 =	vsub.f32 v40, v30;
	v19 =	vmul.f32 v19, v21;
	v21 =	vor.u32 v6, v45;
	[tilespmem:s30+$0xC0] =	vst v22  }
0x500: {  	v58 =	vtrunc.f32 v34;
	v46 =	vor.u32 v6, v44;
	v22 =	vcvt.f32.s32 v43;
	v47 =	vld.idx.msk [tilespmem:v23+s18+$0x0], $0xffff  }
0x501: {  	v20 =	vmul.f32 v20, v32;
	v19 =	vadd.f32 v19, v24;
	v24 =	vsub.f32 v25, v42;
	v23 =	vld.idx.msk [tilespmem:v23+s19+$0x0], $0xffff  }
0x502: {  	v28 =	vcvt.s32.f32 v28;
	v31 =	vmul.f32 $9.999990460e+00, v31;
	v25 =	vshll.u32 v22, $0x7  }
0x503: {  	v45 =	vld [tilespmem:s31+$0x90];
	v20 =	vadd.f32 v20, v30;
	[tilespmem:s30+$0xFFFFFFC0] =	vst v19;
	v18 =	vmul.f32 v18, v24;
	v25 =	vor.u32 v6, v25  }
0x504: {  	v15 =	vsub.f32 v15, v28;
	v24 =	vcvt.s32.f32 v27;
	v27 =	vtrunc.f32 v31;
	v19 =	vld.idx.msk [tilespmem:v21+s18+$0x0], $0xffff  }
0x505: {  	v28 =	vtrunc.f32 v11;
	[tilespmem:s30+$0xFFFFFF40] =	vst v20;
	v20 =	vld.idx.msk [tilespmem:v21+s19+$0x0], $0xffff;
	v18 =	vadd.f32 v18, v42;
	v21 =	vcvt.f32.s32 v27  }
0x506: {  	v28 =	vcvt.f32.s32 v28;
	v27 =	vld.idx.msk [tilespmem:v46+s18+$0x0], $0xffff;
	v24 =	vsub.f32 v26, v24;
	v23 =	vsub.f32 v23, v47  }
0x507: {  	v41 =	vcvt.f32.s32 v58;
	v29 =	vcvt.s32.f32 v29;
	v26 =	vld.idx.msk [tilespmem:v46+s19+$0x0], $0xffff;
	[tilespmem:s30+$0x40] =	vst v18;
	v18 =	vshll.u32 v21, $0x7  }
0x508: {  	v18 =	vor.u32 v7, v18;
	v30 =	vld.idx.msk [tilespmem:v25+s18+$0x0], $0xffff;
	v23 =	vmul.f32 v24, v23;
	v24 =	vtrunc.f32 v10  }
0x509: {  	v12 =	vsub.f32 v12, v29;
	v22 =	vcvt.s32.f32 v22;
	v25 =	vld.idx.msk [tilespmem:v25+s19+$0x0], $0xffff;
	v24 =	vcvt.f32.s32 v24  }
0x50a: {  	v48 =	vshll.u32 v28, $0x7;
	v29 =	vld [tilespmem:s30+$0xF0];
	v20 =	vsub.f32 v20, v19;
	v23 =	vadd.f32 v23, v47  }
0x50b: {  	v17 =	vsub.f32 v17, v22;
	v22 =	vtrunc.f32 v16;
	v49 =	vshll.u32 v24, $0x7  }
0x50c: {  	v12 =	vmul.f32 v12, v20;
	[tilespmem:s30+$0xD0] =	vst v23;
	v23 =	vsub.f32 v26, v27;
	v20 =	vor.u32 v7, v49  }
0x50d: {  	v32 =	vor.u32 v7, v48;
	v45 =	vmul.f32 $9.999990460e+00, v45;
	v22 =	vcvt.f32.s32 v22;
	v26 =	vld.idx.msk [tilespmem:v18+s18+$0x0], $0xffff  }
0x50e: {  	v25 =	vsub.f32 v25, v30;
	v18 =	vld.idx.msk [tilespmem:v18+s19+$0x0], $0xffff;
	v12 =	vadd.f32 v12, v19;
	v15 =	vmul.f32 v15, v23  }
0x50f: {  	v14 =	vld [tilespmem:s30+$0x70];
	v50 =	vshll.u32 v22, $0x7;
	v24 =	vcvt.s32.f32 v24;
	v23 =	vmul.f32 $9.999990460e+00, v29  }
0x510: {  	v13 =	vld [tilespmem:s30+$0xFFFFFFF0];
	v19 =	vor.u32 v7, v50;
	v17 =	vmul.f32 v17, v25;
	[tilespmem:s30+$0xFFFFFFD0] =	vst v12;
	v15 =	vadd.f32 v15, v27  }
0x511: {  	v12 =	vcvt.s32.f32 v21;
	v21 =	vtrunc.f32 v23;
	v25 =	vld.idx.msk [tilespmem:v20+s18+$0x0], $0xffff  }
0x512: {  	v10 =	vsub.f32 v10, v24;
	v17 =	vadd.f32 v17, v30;
	v21 =	vcvt.f32.s32 v21;
	[tilespmem:s30+$0xFFFFFF50] =	vst v15;
	v15 =	vld.idx.msk [tilespmem:v20+s19+$0x0], $0xffff  }
0x513: {  	v50 =	vtrunc.f32 v39;
	v12 =	vsub.f32 v31, v12;
	v18 =	vsub.f32 v18, v26;
	v27 =	vld.idx.msk [tilespmem:v32+s18+$0x0], $0xffff  }
0x514: {  	v30 =	vmul.f32 $9.999990460e+00, v14;
	v20 =	vcvt.s32.f32 v28;
	v28 =	vshll.u32 v21, $0x7;
	v29 =	vld.idx.msk [tilespmem:v32+s19+$0x0], $0xffff;
	[tilespmem:s30+$0x50] =	vst v17  }
0x515: {  	v12 =	vmul.f32 v12, v18;
	v17 =	vor.u32 v8, v28;
	v18 =	vcvt.s32.f32 v22;
	v28 =	vld.idx.msk [tilespmem:v19+s18+$0x0], $0xffff  }
0x516: {  	v22 =	vmul.f32 $9.999990460e+00, v13;
	v13 =	vtrunc.f32 v9;
	v11 =	vsub.f32 v11, v20;
	v20 =	vld [tilespmem:s31+$0x80]  }
0x517: {  	v24 =	vtrunc.f32 v30;
	v19 =	vld.idx.msk [tilespmem:v19+s19+$0x0], $0xffff;
	v13 =	vcvt.f32.s32 v13;
	v12 =	vadd.f32 v12, v26  }
0x518: {  	v21 =	vcvt.s32.f32 v21;
	v14 =	vtrunc.f32 v22;
	v16 =	vsub.f32 v16, v18  }
0x519: {  	v26 =	vcvt.f32.s32 v14;
	v14 =	vshll.u32 v13, $0x7;
	[tilespmem:s30+$0xE0] =	vst v12;
	v12 =	vcvt.f32.s32 v24  }
0x51a: {  	v31 =	vld [tilespmem:s31+$0xFFFFFF80];
	v24 =	vsub.f32 v15, v25;
	v15 =	vor.u32 v8, v14;
	v29 =	vsub.f32 v29, v27  }
0x51b: {  	v51 =	vld.idx.msk [tilespmem:v17+s18+$0x0], $0xffff;
	v18 =	vshll.u32 v26, $0x7;
	v20 =	vmul.f32 $9.999990460e+00, v20;
	v26 =	vcvt.s32.f32 v26  }
0x51c: {  	v52 =	vld.idx.msk [tilespmem:v17+s19+$0x0], $0xffff;
	v55 =	vsub.f32 v19, v28;
	v17 =	vshll.u32 v12, $0x7;
	v10 =	vmul.f32 v10, v24  }
0x51d: {  	v14 =	vor.u32 v8, v18;
	v18 =	vcvt.s32.f32 v13;
	v11 =	vmul.f32 v11, v29  }
0x51e: {  	v24 =	vld [tilespmem:s31+$0x0];
	v44 =	vcvt.s32.f32 v12;
	v54 =	vtrunc.f32 v20;
	v13 =	vadd.f32 v10, v25  }
0x51f: {  	v25 =	vmul.f32 $9.999990460e+00, v31;
	v10 =	vsub.f32 v9, v18;
	v35 =	vcvt.f32.s32 v54  }
0x520: {  	v9 =	vsub.f32 v22, v26;
	v22 =	vld [tilespmem:s31+$0xFFFFFF20];
	v12 =	vadd.f32 v11, v27;
	v11 =	vshll.u32 v41, $0x7  }
0x521: {  	v56 =	vld [tilespmem:s31+$0x10];
	v16 =	vmul.f32 v16, v55;
	v59 =	vor.u32 v0, v11;
	v18 =	vtrunc.f32 v25  }
0x522: {  	v55 =	vld [tilespmem:s31+$0xA0];
	v41 =	vcvt.s32.f32 v41;
	v19 =	vshll.u32 v35, $0x7;
	v18 =	vcvt.f32.s32 v18  }
0x523: {  	v23 =	vsub.f32 v23, v21;
	v31 =	vld [tilespmem:s31+$0xFFFFFF90];
	v26 =	vmul.f32 $9.999990460e+00, v24;
	v57 =	vor.u32 v0, v19  }
0x524: {  	v29 =	vld [tilespmem:s31+$0xFFFFFF10];
	v33 =	vsub.f32 v52, v51;
	v34 =	vsub.f32 v34, v41;
	v42 =	vshll.u32 v18, $0x7  }
0x525: {  	v24 =	vtrunc.f32 v26;
	v41 =	vmul.f32 $9.999990460e+00, v22;
	v22 =	vld [tilespmem:s31+$0xFFFFFFD0];
	v42 =	vor.u32 v0, v42  }
0x526: {  	v11 =	vsub.f32 v30, v44;
	v23 =	vmul.f32 v23, v33;
	v43 =	vcvt.f32.s32 v24;
	v62 =	vld.idx.msk [tilespmem:v59+s18+$0x0], $0xffff  }
0x527: {  	v36 =	vmul.f32 $9.999990460e+00, v55;
	v30 =	vcvt.s32.f32 v18;
	v18 =	vadd.f32 v16, v28;
	v33 =	vld.idx.msk [tilespmem:v59+s19+$0x0], $0xffff  }
0x528: {  	v31 =	vmul.f32 $9.999990460e+00, v31;
	v28 =	vcvt.s32.f32 v35;
	v24 =	vshll.u32 v43, $0x7;
	v60 =	vld.idx.msk [tilespmem:v57+s18+$0x0], $0xffff  }
0x529: {  	v35 =	vmul.f32 $9.999990460e+00, v56;
	v16 =	vadd.f32 v23, v51;
	v40 =	vld.idx.msk [tilespmem:v57+s19+$0x0], $0xffff;
	v27 =	vor.u32 v0, v24  }
0x52a: {  	v23 =	vmul.f32 $9.999990460e+00, v29;
	v25 =	vsub.f32 v25, v30;
	v30 =	vtrunc.f32 v45;
	v61 =	vld.idx.msk [tilespmem:v42+s18+$0x0], $0xffff  }
0x52b: {  	v43 =	vcvt.s32.f32 v43;
	v63 =	vcvt.f32.s32 v30;
	v29 =	vld.idx.msk [tilespmem:v42+s19+$0x0], $0xffff  }
0x52c: {  	v20 =	vsub.f32 v20, v28;
	v30 =	vtrunc.f32 v31;
	v52 =	vtrunc.f32 v23  }
0x52d: {  	v46 =	vcvt.f32.s32 v30;
	v26 =	vsub.f32 v26, v43;
	v30 =	vshll.u32 v63, $0x7  }
0x52e: {  	v43 =	vcvt.f32.s32 v52;
	v22 =	vmul.f32 $9.999990460e+00, v22;
	v40 =	vsub.f32 v40, v60;
	v32 =	vld.idx.msk [tilespmem:v27+s18+$0x0], $0xffff  }
0x52f: {  	v53 =	vor.u32 v2, v30;
	v30 =	vtrunc.f32 v35;
	v48 =	vshll.u32 v46, $0x7;
	v27 =	vld.idx.msk [tilespmem:v27+s19+$0x0], $0xffff  }
0x530: {  	v33 =	vsub.f32 v33, v62;
	v20 =	vmul.f32 v20, v40;
	v47 =	vsub.f32 v29, v61  }
0x531: {  	v28 =	vld [tilespmem:s31+$0xFFFFFF40];
	v56 =	vcvt.f32.s32 v30;
	v49 =	vshll.u32 v43, $0x7;
	v43 =	vcvt.s32.f32 v43  }
0x532: {  	v21 =	vld [tilespmem:s31+$0xFFFFFFB0];
	v54 =	vor.u32 v2, v48;
	v20 =	vadd.f32 v20, v60;
	v25 =	vmul.f32 v25, v47  }
0x533: {  	v30 =	vld [tilespmem:s31+$0x40];
	v33 =	vmul.f32 v34, v33;
	v57 =	vshll.u32 v56, $0x7;
	v43 =	vsub.f32 v23, v43  }
0x534: {  	v23 =	vld [tilespmem:s31+$0xFFFFFFE0];
	[tilespmem:s31+$0x80] =	vst v20;
	v20 =	vor.u32 v2, v49;
	v27 =	vsub.f32 v27, v32;
	v25 =	vadd.f32 v25, v61  }
0x535: {  	v46 =	vcvt.s32.f32 v46;
	v42 =	vcvt.s32.f32 v63;
	v58 =	vor.u32 v2, v57;
	v49 =	vld.idx.msk [tilespmem:v53+s18+$0x0], $0xffff  }
0x536: {  	v28 =	vmul.f32 $9.999990460e+00, v28;
	v33 =	vadd.f32 v33, v62;
	v26 =	vmul.f32 v26, v27;
	[tilespmem:s31+$0xFFFFFF80] =	vst v25;
	v25 =	vld.idx.msk [tilespmem:v53+s19+$0x0], $0xffff  }
0x537: {  	v59 =	vcvt.s32.f32 v56;
	v62 =	vtrunc.f32 v38;
	v44 =	vld.idx.msk [tilespmem:v54+s18+$0x0], $0xffff  }
0x538: {  	v31 =	vsub.f32 v31, v46;
	v46 =	vcvt.f32.s32 v62;
	[tilespmem:s31+$0xFFFFFF00] =	vst v33;
	v60 =	vld.idx.msk [tilespmem:v54+s19+$0x0], $0xffff;
	v32 =	vadd.f32 v26, v32  }
0x539: {  	v42 =	vsub.f32 v45, v42;
	v35 =	vsub.f32 v35, v59;
	v30 =	vmul.f32 $9.999990460e+00, v30;
	v63 =	vld.idx.msk [tilespmem:v20+s18+$0x0], $0xffff  }
0x53a: {  	v51 =	vshll.u32 v46, $0x7;
	v46 =	vcvt.s32.f32 v46;
	v61 =	vtrunc.f32 v36;
	v54 =	vld.idx.msk [tilespmem:v20+s19+$0x0], $0xffff;
	[tilespmem:s31+$0x0] =	vst v32  }
0x53b: {  	v47 =	vmul.f32 $9.999990460e+00, v21;
	v57 =	vor.u32 v3, v51;
	v33 =	vcvt.f32.s32 v61;
	v55 =	vld.idx.msk [tilespmem:v58+s18+$0x0], $0xffff  }
0x53c: {  	v23 =	vmul.f32 $9.999990460e+00, v23;
	v53 =	vtrunc.f32 v41;
	v34 =	vld.idx.msk [tilespmem:v58+s19+$0x0], $0xffff;
	v25 =	vsub.f32 v25, v49  }
0x53d: {  	v19 =	vld [tilespmem:s31+$0xFFFFFF30];
	v45 =	vcvt.f32.s32 v53;
	v52 =	vcvt.s32.f32 v33;
	v20 =	vshll.u32 v33, $0x7  }
0x53e: {  	v24 =	vld [tilespmem:s31+$0x30];
	v56 =	vor.u32 v3, v20;
	v37 =	vsub.f32 v60, v44;
	v25 =	vmul.f32 v42, v25  }
0x53f: {  	v59 =	vld [tilespmem:s31+$0xB0];
	v58 =	vcvt.f32.s32 v50;
	v60 =	vshll.u32 v45, $0x7;
	v32 =	vsub.f32 v54, v63  }
0x540: {  	v29 =	vld [tilespmem:s31+$0xFFFFFFC0];
	v45 =	vcvt.s32.f32 v45;
	v31 =	vmul.f32 v31, v37;
	v25 =	vadd.f32 v25, v49  }
0x541: {  	v27 =	vld [tilespmem:s31+$0xFFFFFF50];
	v40 =	vcvt.s32.f32 v58;
	v32 =	vmul.f32 v43, v32;
	v34 =	vsub.f32 v34, v55  }
0x542: {  	v26 =	vld [tilespmem:s31+$0x50];
	v61 =	vor.u32 v3, v60;
	v43 =	vmul.f32 $9.999990460e+00, v19;
	v31 =	vadd.f32 v31, v44;
	[tilespmem:s31+$0x90] =	vst v25  }
0x543: {  	v25 =	vshll.u32 v58, $0x7;
	v32 =	vadd.f32 v32, v63;
	v21 =	vmul.f32 v35, v34;
	v50 =	vld.idx.msk [tilespmem:v56+s18+$0x0], $0xffff  }
0x544: {  	v35 =	vsub.f32 v41, v45;
	v41 =	vmul.f32 $9.999990460e+00, v59;
	[tilespmem:s31+$0xFFFFFF90] =	vst v31;
	v31 =	vld.idx.msk [tilespmem:v56+s19+$0x0], $0xffff;
	v62 =	vor.u32 v3, v25  }
0x545: {  	v17 =	vor.u32 v8, v17;
	v54 =	vtrunc.f32 v47;
	v37 =	vmul.f32 $9.999990460e+00, v24;
	v51 =	vld.idx.msk [tilespmem:v57+s18+$0x0], $0xffff  }
0x546: {  	v24 =	vtrunc.f32 v43;
	v63 =	vld.idx.msk [tilespmem:v57+s19+$0x0], $0xffff;
	[tilespmem:s31+$0xFFFFFF10] =	vst v32;
	v21 =	vadd.f32 v21, v55;
	v55 =	vtrunc.f32 v41  }
0x547: {  	v53 =	vsub.f32 v38, v46;
	v56 =	vcvt.f32.s32 v54;
	v45 =	vld.idx.msk [tilespmem:v61+s18+$0x0], $0xffff;
	v46 =	vcvt.f32.s32 v55  }
0x548: {  	v32 =	vsub.f32 v36, v52;
	v36 =	vcvt.f32.s32 v24;
	v44 =	vld.idx.msk [tilespmem:v61+s19+$0x0], $0xffff;
	[tilespmem:s31+$0x10] =	vst v21;
	v21 =	vtrunc.f32 v37  }
0x549: {  	v58 =	vcvt.f32.s32 v21;
	v21 =	vshll.u32 v46, $0x7;
	v48 =	vld.idx.msk [tilespmem:v62+s18+$0x0], $0xffff;
	v24 =	vsub.f32 v31, v50  }
0x54a: {  	v29 =	vmul.f32 $9.999990460e+00, v29;
	v27 =	vmul.f32 $9.999990460e+00, v27;
	v57 =	vld.idx.msk [tilespmem:v62+s19+$0x0], $0xffff;
	v59 =	vor.u32 v4, v21  }
0x54b: {  	v20 =	vld [tilespmem:s31+$0xFFFFFF60];
	v62 =	vshll.u32 v56, $0x7;
	v31 =	vsub.f32 v63, v51;
	v24 =	vmul.f32 v32, v24  }
0x54c: {  	v60 =	vsub.f32 v39, v40;
	v61 =	vshll.u32 v36, $0x7;
	v40 =	vor.u32 v4, v62  }
0x54d: {  	[tilespmem:s30+$0xFFFFFFE0] =	vst v13;
	v55 =	vld [tilespmem:s31+$0xC0];
	v44 =	vsub.f32 v44, v45;
	v31 =	vmul.f32 v53, v31;
	v63 =	vadd.f32 v24, v50  }
0x54e: {  	v13 =	vld.idx.msk [tilespmem:v14+s18+$0x0], $0xffff;
	v26 =	vmul.f32 $9.999990460e+00, v26;
	v39 =	vor.u32 v4, v61;
	v54 =	vshll.u32 v58, $0x7  }
0x54f: {  	v35 =	vmul.f32 v35, v44;
	v31 =	vadd.f32 v31, v51;
	v38 =	vsub.f32 v57, v48;
	[tilespmem:s31+$0xA0] =	vst v63  }
0x550: {  	v20 =	vmul.f32 $9.999990460e+00, v20;
	v34 =	vcvt.s32.f32 v56;
	v56 =	vor.u32 v4, v54;
	v44 =	vld.idx.msk [tilespmem:v59+s18+$0x0], $0xffff  }
0x551: {  	v36 =	vcvt.s32.f32 v36;
	v32 =	vld.idx.msk [tilespmem:v59+s19+$0x0], $0xffff;
	v33 =	vmul.f32 v60, v38;
	[tilespmem:s31+$0xFFFFFFA0] =	vst v31;
	v31 =	vadd.f32 v35, v45  }
0x552: {  	v34 =	vsub.f32 v47, v34;
	v42 =	vcvt.s32.f32 v58;
	v35 =	vmul.f32 $9.999990460e+00, v55;
	v38 =	vld.idx.msk [tilespmem:v40+s18+$0x0], $0xffff  }
0x553: {  	v61 =	vtrunc.f32 v30;
	v58 =	vcvt.s32.f32 v46;
	[tilespmem:s31+$0xFFFFFF20] =	vst v31;
	v31 =	vld.idx.msk [tilespmem:v40+s19+$0x0], $0xffff;
	v33 =	vadd.f32 v33, v48  }
0x554: {  	v37 =	vsub.f32 v37, v42;
	v60 =	vtrunc.f32 v29;
	v59 =	vtrunc.f32 v35;
	v42 =	vld.idx.msk [tilespmem:v39+s18+$0x0], $0xffff  }
0x555: {  	v36 =	vsub.f32 v43, v36;
	v46 =	vcvt.f32.s32 v60;
	v45 =	vcvt.f32.s32 v59;
	v39 =	vld.idx.msk [tilespmem:v39+s19+$0x0], $0xffff;
	[tilespmem:s31+$0x20] =	vst v33  }
0x556: {  	v57 =	vtrunc.f32 v28;
	v40 =	vsub.f32 v41, v58;
	v32 =	vsub.f32 v32, v44;
	v41 =	vld.idx.msk [tilespmem:v56+s18+$0x0], $0xffff  }
0x557: {  	[tilespmem:s30+$0x60] =	vst v18;
	v43 =	vcvt.f32.s32 v57;
	v55 =	vshll.u32 v46, $0x7;
	v47 =	vld.idx.msk [tilespmem:v56+s19+$0x0], $0xffff;
	v62 =	vshll.u32 v45, $0x7  }
0x558: {  	v54 =	vld.idx.msk [tilespmem:v14+s19+$0x0], $0xffff;
	v63 =	vor.u32 v5, v62;
	v32 =	vmul.f32 v40, v32;
	v31 =	vsub.f32 v31, v38  }
0x559: {  	v14 =	vld.idx.msk [tilespmem:v17+s18+$0x0], $0xffff;
	v53 =	vshll.u32 v43, $0x7;
	v33 =	vcvt.f32.s32 v61;
	v59 =	vor.u32 v5, v55  }
0x55a: {  	v58 =	vld [tilespmem:s31+$0xD0];
	v57 =	vsub.f32 v39, v42;
	v18 =	vadd.f32 v32, v44;
	v31 =	vmul.f32 v34, v31  }
0x55b: {  	v50 =	vld.idx.msk [tilespmem:v17+s19+$0x0], $0xffff;
	v43 =	vcvt.s32.f32 v43;
	v48 =	vor.u32 v5, v53;
	v56 =	vshll.u32 v33, $0x7  }
0x55c: {  	v62 =	vsub.f32 v47, v41;
	[tilespmem:s31+$0xB0] =	vst v18;
	v18 =	vmul.f32 v36, v57;
	v31 =	vadd.f32 v31, v38  }
0x55d: {  	v60 =	vcvt.s32.f32 v46;
	v28 =	vsub.f32 v28, v43;
	v61 =	vor.u32 v5, v56;
	v36 =	vld.idx.msk [tilespmem:v63+s18+$0x0], $0xffff  }
0x55e: {  	v51 =	vtrunc.f32 v27;
	v63 =	vld.idx.msk [tilespmem:v63+s19+$0x0], $0xffff;
	v32 =	vmul.f32 v37, v62;
	v17 =	vadd.f32 v18, v42;
	[tilespmem:s31+$0xFFFFFFB0] =	vst v31  }
0x55f: {  	v29 =	vsub.f32 v29, v60;
	v52 =	vcvt.s32.f32 v45;
	v31 =	vmul.f32 $9.999990460e+00, v58;
	v34 =	vld.idx.msk [tilespmem:v59+s18+$0x0], $0xffff  }
0x560: {  	v33 =	vcvt.s32.f32 v33;
	v56 =	vtrunc.f32 v26;
	v39 =	vld.idx.msk [tilespmem:v59+s19+$0x0], $0xffff;
	v18 =	vadd.f32 v32, v41;
	[tilespmem:s31+$0xFFFFFF30] =	vst v17  }
0x561: {  	v53 =	vtrunc.f32 v31;
	v17 =	vsub.f32 v54, v13;
	v54 =	vtrunc.f32 v22;
	v41 =	vld.idx.msk [tilespmem:v48+s18+$0x0], $0xffff  }
0x562: {  	v30 =	vsub.f32 v30, v33;
	v40 =	vcvt.f32.s32 v53;
	v55 =	vld.idx.msk [tilespmem:v48+s19+$0x0], $0xffff;
	[tilespmem:s31+$0x30] =	vst v18;
	v59 =	vcvt.f32.s32 v54  }
0x563: {  	v33 =	vcvt.f32.s32 v51;
	v32 =	vsub.f32 v35, v52;
	v57 =	vsub.f32 v63, v36;
	v58 =	vld.idx.msk [tilespmem:v61+s18+$0x0], $0xffff  }
0x564: {  	v44 =	vcvt.f32.s32 v56;
	v60 =	vld.idx.msk [tilespmem:v61+s19+$0x0], $0xffff;
	v61 =	vshll.u32 v40, $0x7;
	v48 =	vshll.u32 v59, $0x7  }
0x565: {  	v25 =	vld [tilespmem:s31+$0x60];
	v32 =	vmul.f32 v32, v57;
	v62 =	vor.u32 v6, v61;
	v39 =	vsub.f32 v39, v34  }
0x566: {  	v18 =	vsub.f32 v50, v14;
	v63 =	vshll.u32 v33, $0x7;
	v50 =	vor.u32 v6, v48  }
0x567: {  	v51 =	vld [tilespmem:s31+$0xE0];
	v32 =	vadd.f32 v32, v36;
	v49 =	vsub.f32 v55, v41;
	v29 =	vmul.f32 v29, v39  }
0x568: {  	v56 =	vcvt.s32.f32 v44;
	v52 =	vshll.u32 v44, $0x7;
	v45 =	vor.u32 v6, v63  }
0x569: {  	v53 =	vsub.f32 v60, v58;
	[tilespmem:s31+$0xC0] =	vst v32;
	v28 =	vmul.f32 v28, v49;
	v29 =	vadd.f32 v29, v34  }
0x56a: {  	v37 =	vmul.f32 $9.999990460e+00, v25;
	v54 =	vor.u32 v6, v52;
	v33 =	vcvt.s32.f32 v33;
	v55 =	vld.idx.msk [tilespmem:v62+s18+$0x0], $0xffff  }
0x56b: {  	v38 =	vcvt.s32.f32 v59;
	v35 =	vld.idx.msk [tilespmem:v62+s19+$0x0], $0xffff;
	v28 =	vadd.f32 v28, v41;
	[tilespmem:s31+$0xFFFFFFC0] =	vst v29;
	v29 =	vmul.f32 v30, v53  }
0x56c: {  	v25 =	vcvt.s32.f32 v40;
	v27 =	vsub.f32 v27, v33;
	v32 =	vmul.f32 $9.999990460e+00, v51;
	v30 =	vld.idx.msk [tilespmem:v50+s18+$0x0], $0xffff  }
0x56d: {  	v57 =	vtrunc.f32 v20;
	v61 =	vsub.f32 v26, v56;
	[tilespmem:s31+$0xFFFFFF40] =	vst v28;
	v28 =	vld.idx.msk [tilespmem:v50+s19+$0x0], $0xffff;
	v29 =	vadd.f32 v29, v58  }
0x56e: {  	v22 =	vsub.f32 v22, v38;
	v60 =	vtrunc.f32 v23;
	v59 =	vtrunc.f32 v32;
	v58 =	vld.idx.msk [tilespmem:v45+s18+$0x0], $0xffff  }
0x56f: {  	v25 =	vsub.f32 v31, v25;
	v48 =	vcvt.f32.s32 v60;
	v26 =	vld.idx.msk [tilespmem:v45+s19+$0x0], $0xffff;
	[tilespmem:s31+$0x40] =	vst v29;
	v29 =	vcvt.f32.s32 v59  }
0x570: {  	v33 =	vcvt.f32.s32 v57;
	v62 =	vtrunc.f32 v37;
	v31 =	vsub.f32 v35, v55;
	v63 =	vld.idx.msk [tilespmem:v54+s18+$0x0], $0xffff  }
0x571: {  	v39 =	vcvt.f32.s32 v62;
	v51 =	vshll.u32 v48, $0x7;
	v34 =	vld.idx.msk [tilespmem:v54+s19+$0x0], $0xffff;
	v49 =	vshll.u32 v29, $0x7  }
0x572: {  	v19 =	vld [tilespmem:s31+$0xFFFFFF70];
	v43 =	vor.u32 v7, v51;
	v25 =	vmul.f32 v25, v31;
	v31 =	vor.u32 v7, v49  }
0x573: {  	v21 =	vld [tilespmem:s31+$0xFFFFFFF0];
	v50 =	vshll.u32 v33, $0x7;
	v52 =	vshll.u32 v39, $0x7;
	v28 =	vsub.f32 v28, v30  }
0x574: {  	v53 =	vld [tilespmem:s31+$0xF0];
	v40 =	vor.u32 v7, v50;
	v44 =	vor.u32 v7, v52;
	v25 =	vadd.f32 v25, v55  }
0x575: {  	[tilespmem:s30+$0xFFFFFF60] =	vst v12;
	v24 =	vld [tilespmem:s31+$0x70];
	v54 =	vcvt.s32.f32 v48;
	v26 =	vsub.f32 v26, v58;
	v22 =	vmul.f32 v22, v28  }
0x576: {  	v12 =	vld.idx.msk [tilespmem:v15+s18+$0x0], $0xffff;
	v29 =	vcvt.s32.f32 v29;
	v28 =	vcvt.s32.f32 v33;
	[tilespmem:s31+$0xD0] =	vst v25;
	v34 =	vsub.f32 v34, v63  }
0x577: {  	v27 =	vmul.f32 v27, v26;
	v25 =	vmul.f32 $9.999990460e+00, v19;
	v22 =	vadd.f32 v22, v30;
	v55 =	vld.idx.msk [tilespmem:v31+s18+$0x0], $0xffff  }
0x578: {  	v29 =	vsub.f32 v32, v29;
	v30 =	vcvt.s32.f32 v39;
	v31 =	vld.idx.msk [tilespmem:v31+s19+$0x0], $0xffff;
	v19 =	vmul.f32 v61, v34  }
0x579: {  	v15 =	vld.idx.msk [tilespmem:v15+s19+$0x0], $0xffff;
	v56 =	vadd.f32 v27, v58;
	[tilespmem:s31+$0xFFFFFFD0] =	vst v22;
	v22 =	vmul.f32 $9.999990460e+00, v21;
	v21 =	vmul.f32 $9.999990460e+00, v53  }
0x57a: {  	v26 =	vsub.f32 v20, v28;
	v20 =	vsub.f32 v23, v54;
	v23 =	vmul.f32 $9.999990460e+00, v24;
	v28 =	vld.idx.msk [tilespmem:v43+s18+$0x0], $0xffff  }
0x57b: {  	v57 =	vtrunc.f32 v25;
	v58 =	vld.idx.msk [tilespmem:v43+s19+$0x0], $0xffff;
	v19 =	vadd.f32 v19, v63;
	[tilespmem:s31+$0xFFFFFF50] =	vst v56;
	v24 =	vtrunc.f32 v21  }
0x57c: {  	v27 =	vsub.f32 v37, v30;
	v33 =	vcvt.f32.s32 v57;
	v30 =	vld.idx.msk [tilespmem:v40+s18+$0x0], $0xffff;
	v24 =	vcvt.f32.s32 v24  }
0x57d: {  	v60 =	vtrunc.f32 v23;
	v59 =	vtrunc.f32 v22;
	v35 =	vld.idx.msk [tilespmem:v40+s19+$0x0], $0xffff;
	[tilespmem:s31+$0x50] =	vst v19;
	v61 =	vsub.f32 v31, v55  }
0x57e: {  	v32 =	vcvt.f32.s32 v59;
	v19 =	vshll.u32 v33, $0x7;
	v36 =	vld.idx.msk [tilespmem:v44+s19+$0x0], $0xffff;
	v62 =	vshll.u32 v24, $0x7  }
0x57f: {  	v31 =	vcvt.f32.s32 v60;
	v63 =	vmul.f32 v29, v61;
	v34 =	vor.u32 v8, v62;
	v29 =	vld.idx.msk [tilespmem:v44+s18+$0x0], $0xffff  }
0x580: {  	v15 =	vsub.f32 v15, v12;
	v19 =	vor.u32 v8, v19;
	v37 =	vsub.f32 v58, v28  }
0x581: {  	s0 =	simm.s32 $0x4;
	s2 =	simm.s32 $0xEF80;
	[tilespmem:s30+$0xF0] =	vst v16;
	v38 =	vshll.u32 v32, $0x7;
	v16 =	vshll.u32 v31, $0x7;
	v39 =	vadd.f32 v63, v55  }
.LBB2_10:
0x582: {  	v40 =	vld [tilespmem:s2+$0x80];
	v35 =	vsub.f32 v35, v30;
	v37 =	vmul.f32 v20, v37;
	v20 =	vor.u32 v8, v38  }
0x583: {  	v33 =	vcvt.s32.f32 v33;
	v32 =	vcvt.s32.f32 v32;
	v16 =	vor.u32 v8, v16;
	v38 =	vld [tilespmem:s2+$0xFFFFFF80];
	[tilespmem:s31+$0xE0] =	vst v39  }
0x584: {  	v26 =	vmul.f32 v26, v35;
	v28 =	vadd.f32 v37, v28;
	v35 =	vsub.f32 v36, v29;
	v36 =	vld.idx.msk [tilespmem:v34+s18+$0x0], $0xffff  }
0x585: {  	v31 =	vcvt.s32.f32 v31;
	v25 =	vsub.f32 v25, v33;
	v22 =	vsub.f32 v22, v32;
	v32 =	vld.idx.msk [tilespmem:v34+s19+$0x0], $0xffff  }
0x586: {  	v15 =	vmul.f32 v10, v15;
	v33 =	vld [tilespmem:s2+$0x0];
	v26 =	vadd.f32 v26, v30;
	[tilespmem:s31+$0xFFFFFFE0] =	vst v28;
	v27 =	vmul.f32 v27, v35  }
0x587: {  	v17 =	vmul.f32 v9, v17;
	v23 =	vsub.f32 v23, v31;
	v10 =	vmovc v25;
	v9 =	vmovc v22;
	v28 =	vld [tilespmem:s2+$0xFFFFFF00];
	v30 =	vmul.f32 $9.999990460e+00, v40  }
0x588: {  	v18 =	vmul.f32 v11, v18;
	v25 =	vld [tilespmem:s2+$0xFFFFFF10];
	v31 =	vmul.f32 $9.999990460e+00, v38;
	[tilespmem:s31+$0xFFFFFF60] =	vst v26;
	v22 =	vadd.f32 v27, v29  }
0x589: {  	v24 =	vcvt.s32.f32 v24;
	v12 =	vadd.f32 v15, v12;
	v11 =	vmovc v23;
	v26 =	vld [tilespmem:s2+$0xFFFFFF90];
	v27 =	vtrunc.f32 v30  }
0x58a: {  	s0 =	sadd.s32 $0x4, s0;
	v13 =	vadd.f32 v17, v13;
	v15 =	vtrunc.f32 v31;
	v29 =	vld [tilespmem:s2+$0x10];
	v27 =	vcvt.f32.s32 v27;
	[tilespmem:s31+$0x60] =	vst v22  }
0x58b: {  	p0 =	slt.u32 s0, $0x3C;
	v21 =	vsub.f32 v21, v24;
	v22 =	vsub.f32 v32, v36;
	v17 =	vld [tilespmem:s2+$0xFFFFFF20];
	v23 =	vmul.f32 $9.999990460e+00, v33;
	[tilespmem:s30+$0xFFFFFF70] =	vst v12  }
0x58c: {  	v15 =	vcvt.f32.s32 v15;
	v24 =	vmul.f32 $9.999990460e+00, v28;
	v32 =	vld [tilespmem:s2+$0xFFFFFFA0];
	v12 =	vshll.u32 v27, $0x7;
	[tilespmem:s30+$0xFFFFFFF0] =	vst v13  }
0x58d: {  	v21 =	vmul.f32 v21, v22;
	v28 =	vtrunc.f32 v23;
	v33 =	vld [tilespmem:s2+$0x20];
	v34 =	vor.u32 v0, v12  }
0x58e: {  	v22 =	vshll.u32 v15, $0x7;
	v12 =	vtrunc.f32 v24;
	v13 =	vld [tilespmem:s2+$0xFFFFFF30];
	v28 =	vcvt.f32.s32 v28  }
0x58f: {  	v37 =	vor.u32 v0, v22;
	v21 =	vadd.f32 v21, v36;
	v35 =	vcvt.f32.s32 v12;
	v12 =	vld [tilespmem:s2+$0xFFFFFFB0]  }
0x590: {  	v15 =	vcvt.s32.f32 v15;
	v36 =	vcvt.s32.f32 v28;
	v22 =	vshll.u32 v28, $0x7;
	v28 =	vld [tilespmem:s2+$0x90]  }
0x591: {  	v38 =	vcvt.s32.f32 v35;
	v35 =	vshll.u32 v35, $0x7;
	v39 =	vor.u32 v0, v22;
	v22 =	vld [tilespmem:s2+$0x30];
	[tilespmem:s31+$0xF0] =	vst v21  }
0x592: {  	v31 =	vsub.f32 v31, v15;
	v21 =	vor.u32 v0, v35;
	v35 =	vsub.f32 v23, v36;
	v36 =	vld.idx.msk [tilespmem:v34+s18+$0x0], $0xffff  }
0x593: {  	v25 =	vmul.f32 $9.999990460e+00, v25;
	v26 =	vmul.f32 $9.999990460e+00, v26;
	v24 =	vsub.f32 v24, v38;
	v15 =	vld.idx.msk [tilespmem:v34+s19+$0x0], $0xffff  }
0x594: {  	v14 =	vadd.f32 v18, v14;
	v29 =	vmul.f32 $9.999990460e+00, v29;
	v23 =	vmul.f32 $9.999990460e+00, v17;
	v34 =	vld.idx.msk [tilespmem:v37+s18+$0x0], $0xffff  }
0x595: {  	v17 =	vtrunc.f32 v25;
	v18 =	vld.idx.msk [tilespmem:v37+s19+$0x0], $0xffff;
	v37 =	vmul.f32 $9.999990460e+00, v28  }
0x596: {  	v40 =	vtrunc.f32 v29;
	v28 =	vtrunc.f32 v26;
	v38 =	vld.idx.msk [tilespmem:v39+s18+$0x0], $0xffff;
	[tilespmem:s30+$0x70] =	vst v14;
	s30 =	smov.u32 s31;
	s31 =	smov.u32 s2  }
0x597: {  	v14 =	vcvt.s32.f32 v27;
	v41 =	vld.idx.msk [tilespmem:v21+s18+$0x0], $0xffff;
	v27 =	vtrunc.f32 v37  }
0x598: {  	v42 =	vcvt.f32.s32 v17;
	v21 =	vld.idx.msk [tilespmem:v21+s19+$0x0], $0xffff;
	v43 =	vcvt.f32.s32 v27  }
0x599: {  	v27 =	vcvt.f32.s32 v28;
	v14 =	vsub.f32 v30, v14;
	v17 =	vsub.f32 v15, v36;
	v39 =	vld.idx.msk [tilespmem:v39+s19+$0x0], $0xffff  }
0x59a: {  	v40 =	vcvt.f32.s32 v40;
	v30 =	vshll.u32 v42, $0x7;
	v28 =	vld [tilespmem:s2+$0xFFFFFF40];
	v44 =	vshll.u32 v43, $0x7  }
0x59b: {  	v18 =	vsub.f32 v18, v34;
	v45 =	vmul.f32 v14, v17;
	v15 =	vld [tilespmem:s2+$0xFFFFFFC0];
	v44 =	vor.u32 v2, v44  }
0x59c: {  	v47 =	vshll.u32 v40, $0x7;
	v30 =	vor.u32 v2, v30;
	v46 =	vshll.u32 v27, $0x7;
	v14 =	vld [tilespmem:s2+$0x40]  }
0x59d: {  	v18 =	vmul.f32 v31, v18;
	v31 =	vor.u32 v2, v46;
	v36 =	vadd.f32 v45, v36;
	v17 =	vld [tilespmem:s2+$0xFFFFFF50]  }
0x59e: {  	v42 =	vcvt.s32.f32 v42;
	v45 =	vor.u32 v2, v47;
	v21 =	vsub.f32 v21, v41;
	v46 =	vld [tilespmem:s2+$0xA0]  }
0x59f: {  	v27 =	vcvt.s32.f32 v27;
	v34 =	vadd.f32 v18, v34;
	v39 =	vsub.f32 v39, v38;
	v18 =	vld [tilespmem:s2+$0xFFFFFFD0];
	[tilespmem:s2+$0x80] =	vst v36  }
0x5a0: {  	v21 =	vmul.f32 v24, v21;
	v36 =	vsub.f32 v25, v42;
	v24 =	vcvt.s32.f32 v40;
	v40 =	vld.idx.msk [tilespmem:v44+s18+$0x0], $0xffff  }
0x5a1: {  	v32 =	vmul.f32 $9.999990460e+00, v32;
	v25 =	vmul.f32 v35, v39;
	[tilespmem:s2+$0xFFFFFF80] =	vst v34;
	v34 =	vsub.f32 v26, v27;
	v26 =	vld.idx.msk [tilespmem:v44+s19+$0x0], $0xffff  }
0x5a2: {  	v33 =	vmul.f32 $9.999990460e+00, v33;
	v21 =	vadd.f32 v21, v41;
	v29 =	vsub.f32 v29, v24;
	v35 =	vld.idx.msk [tilespmem:v31+s18+$0x0], $0xffff  }
0x5a3: {  	v24 =	vtrunc.f32 v23;
	v25 =	vadd.f32 v25, v38;
	v31 =	vld.idx.msk [tilespmem:v31+s19+$0x0], $0xffff;
	v38 =	vmul.f32 $9.999990460e+00, v46  }
0x5a4: {  	v39 =	vtrunc.f32 v33;
	[tilespmem:s2+$0xFFFFFF00] =	vst v21;
	v21 =	vtrunc.f32 v32;
	v27 =	vld [tilespmem:s2+$0x50]  }
0x5a5: {  	v41 =	vld.idx.msk [tilespmem:v30+s18+$0x0], $0xffff;
	[tilespmem:s2+$0x0] =	vst v25;
	v25 =	vcvt.s32.f32 v43;
	v42 =	vtrunc.f32 v38  }
0x5a6: {  	v43 =	vcvt.f32.s32 v24;
	v30 =	vld.idx.msk [tilespmem:v30+s19+$0x0], $0xffff;
	v42 =	vcvt.f32.s32 v42  }
0x5a7: {  	v44 =	vcvt.f32.s32 v21;
	v24 =	vsub.f32 v26, v40;
	v46 =	vld.idx.msk [tilespmem:v45+s18+$0x0], $0xffff;
	v21 =	vsub.f32 v37, v25  }
0x5a8: {  	v39 =	vcvt.f32.s32 v39;
	v26 =	vshll.u32 v43, $0x7;
	v37 =	vld.idx.msk [tilespmem:v45+s19+$0x0], $0xffff;
	v45 =	vshll.u32 v42, $0x7  }
0x5a9: {  	v31 =	vsub.f32 v31, v35;
	v25 =	vld [tilespmem:s2+$0xFFFFFF60];
	v21 =	vmul.f32 v21, v24;
	v45 =	vor.u32 v3, v45  }
0x5aa: {  	v48 =	vshll.u32 v39, $0x7;
	v47 =	vor.u32 v3, v26;
	v24 =	vshll.u32 v44, $0x7;
	v26 =	vld [tilespmem:s2+$0xFFFFFFE0]  }
0x5ab: {  	v31 =	vmul.f32 v34, v31;
	v34 =	vor.u32 v3, v24;
	v24 =	vld [tilespmem:s2+$0x60];
	v40 =	vadd.f32 v21, v40  }
0x5ac: {  	v48 =	vor.u32 v3, v48;
	v43 =	vcvt.s32.f32 v43;
	v30 =	vsub.f32 v30, v41;
	v49 =	vld [tilespmem:s2+$0xB0]  }
0x5ad: {  	v39 =	vcvt.s32.f32 v39;
	v31 =	vadd.f32 v31, v35;
	v35 =	vcvt.s32.f32 v44;
	v21 =	vld [tilespmem:s2+$0xFFFFFF70];
	[tilespmem:s2+$0x90] =	vst v40  }
0x5ae: {  	v30 =	vmul.f32 v36, v30;
	v36 =	vsub.f32 v23, v43;
	v23 =	vsub.f32 v37, v46;
	v37 =	vld.idx.msk [tilespmem:v45+s18+$0x0], $0xffff  }
0x5af: {  	v40 =	vmul.f32 $9.999990460e+00, v13;
	v13 =	vsub.f32 v32, v35;
	[tilespmem:s2+$0xFFFFFF90] =	vst v31;
	v31 =	vsub.f32 v33, v39;
	v32 =	vld.idx.msk [tilespmem:v45+s19+$0x0], $0xffff  }
0x5b0: {  	v35 =	vmul.f32 $9.999990460e+00, v12;
	v30 =	vadd.f32 v30, v41;
	v12 =	vmul.f32 v29, v23;
	v33 =	vld.idx.msk [tilespmem:v34+s18+$0x0], $0xffff  }
0x5b1: {  	v29 =	vmul.f32 $9.999990460e+00, v22;
	v23 =	vld.idx.msk [tilespmem:v34+s19+$0x0], $0xffff;
	v34 =	vmul.f32 $9.999990460e+00, v49  }
0x5b2: {  	v39 =	vtrunc.f32 v35;
	v12 =	vadd.f32 v12, v46;
	[tilespmem:s2+$0xFFFFFF10] =	vst v30;
	v30 =	vtrunc.f32 v40;
	v22 =	vld [tilespmem:s2+$0xFFFFFFF0]  }
0x5b3: {  	v42 =	vcvt.s32.f32 v42;
	v41 =	vld.idx.msk [tilespmem:v47+s18+$0x0], $0xffff;
	v43 =	vtrunc.f32 v34  }
0x5b4: {  	v44 =	vld.idx.msk [tilespmem:v47+s19+$0x0], $0xffff;
	[tilespmem:s2+$0x10] =	vst v12;
	v12 =	vtrunc.f32 v29;
	v43 =	vcvt.f32.s32 v43  }
0x5b5: {  	v38 =	vsub.f32 v38, v42;
	v30 =	vcvt.f32.s32 v30;
	v32 =	vsub.f32 v32, v37;
	v45 =	vld.idx.msk [tilespmem:v48+s18+$0x0], $0xffff  }
0x5b6: {  	v39 =	vcvt.f32.s32 v39;
	v46 =	vcvt.f32.s32 v12;
	v42 =	vld.idx.msk [tilespmem:v48+s19+$0x0], $0xffff;
	v12 =	vshll.u32 v43, $0x7  }
0x5b7: {  	v47 =	vsub.f32 v23, v33;
	v32 =	vmul.f32 v38, v32;
	v23 =	vld [tilespmem:s2+$0x70];
	v38 =	vor.u32 v4, v12  }
0x5b8: {  	v49 =	vshll.u32 v39, $0x7;
	v48 =	vshll.u32 v30, $0x7;
	v50 =	vshll.u32 v46, $0x7;
	v12 =	vld.idx.msk [tilespmem:v19+s18+$0x0], $0xffff  }
0x5b9: {  	v48 =	vor.u32 v4, v48;
	v13 =	vmul.f32 v13, v47;
	v32 =	vadd.f32 v32, v37;
	v19 =	vld.idx.msk [tilespmem:v19+s19+$0x0], $0xffff  }
0x5ba: {  	v47 =	vor.u32 v4, v50;
	v37 =	vsub.f32 v44, v41;
	v44 =	vor.u32 v4, v49;
	v49 =	vld [tilespmem:s2+$0xC0]  }
0x5bb: {  	v39 =	vcvt.s32.f32 v39;
	v30 =	vcvt.s32.f32 v30;
	v33 =	vadd.f32 v13, v33;
	[tilespmem:s2+$0xA0] =	vst v32;
	v13 =	vld.idx.msk [tilespmem:v20+s18+$0x0], $0xffff  }
0x5bc: {  	v32 =	vmul.f32 v36, v37;
	v36 =	vsub.f32 v42, v45;
	v37 =	vcvt.s32.f32 v46;
	v42 =	vld.idx.msk [tilespmem:v38+s18+$0x0], $0xffff  }
0x5bd: {  	v28 =	vmul.f32 $9.999990460e+00, v28;
	v30 =	vsub.f32 v40, v30;
	[tilespmem:s2+$0xFFFFFFA0] =	vst v33;
	v33 =	vsub.f32 v35, v39;
	v35 =	vld.idx.msk [tilespmem:v38+s19+$0x0], $0xffff  }
0x5be: {  	v32 =	vadd.f32 v32, v41;
	v31 =	vmul.f32 v31, v36;
	v29 =	vsub.f32 v29, v37;
	v20 =	vld.idx.msk [tilespmem:v20+s19+$0x0], $0xffff  }
0x5bf: {  	v37 =	vmul.f32 $9.999990460e+00, v15;
	v15 =	vsub.f32 v19, v12;
	v36 =	vld.idx.msk [tilespmem:v44+s18+$0x0], $0xffff;
	v38 =	vmul.f32 $9.999990460e+00, v49  }
0x5c0: {  	v39 =	vmul.f32 $9.999990460e+00, v14;
	v19 =	vtrunc.f32 v28;
	v31 =	vadd.f32 v31, v45;
	[tilespmem:s2+$0xFFFFFF20] =	vst v32;
	v32 =	vld.idx.msk [tilespmem:v44+s19+$0x0], $0xffff  }
0x5c1: {  	v14 =	vcvt.s32.f32 v43;
	v40 =	vld.idx.msk [tilespmem:v48+s18+$0x0], $0xffff;
	v41 =	vtrunc.f32 v38  }
0x5c2: {  	v44 =	vtrunc.f32 v37;
	v43 =	vld.idx.msk [tilespmem:v48+s19+$0x0], $0xffff;
	[tilespmem:s2+$0x20] =	vst v31;
	v31 =	vcvt.f32.s32 v41  }
0x5c3: {  	v45 =	vtrunc.f32 v39;
	v14 =	vsub.f32 v34, v14;
	v34 =	vsub.f32 v35, v42;
	v41 =	vld.idx.msk [tilespmem:v47+s18+$0x0], $0xffff  }
0x5c4: {  	v19 =	vcvt.f32.s32 v19;
	v35 =	vcvt.f32.s32 v44;
	v44 =	vld.idx.msk [tilespmem:v47+s19+$0x0], $0xffff;
	v46 =	vshll.u32 v31, $0x7  }
0x5c5: {  	v45 =	vcvt.f32.s32 v45;
	v34 =	vmul.f32 v14, v34;
	v46 =	vor.u32 v5, v46;
	v14 =	vld.idx.msk [tilespmem:v16+s18+$0x0], $0xffff  }
0x5c6: {  	v47 =	vshll.u32 v19, $0x7;
	v48 =	vshll.u32 v35, $0x7;
	v32 =	vsub.f32 v32, v36;
	v16 =	vld.idx.msk [tilespmem:v16+s19+$0x0], $0xffff  }
0x5c7: {  	v49 =	vshll.u32 v45, $0x7;
	v47 =	vor.u32 v5, v47;
	v34 =	vadd.f32 v34, v42  }
0x5c8: {  	v42 =	vsub.f32 v43, v40;
	v32 =	vmul.f32 v33, v32;
	v33 =	vor.u32 v5, v48;
	v43 =	vld [tilespmem:s2+$0xD0]  }
0x5c9: {  	v19 =	vcvt.s32.f32 v19;
	v35 =	vcvt.s32.f32 v35;
	v48 =	vor.u32 v5, v49;
	[tilespmem:s2+$0xB0] =	vst v34  }
0x5ca: {  	v30 =	vmul.f32 v30, v42;
	v32 =	vadd.f32 v32, v36;
	v34 =	vsub.f32 v44, v41;
	v36 =	vld.idx.msk [tilespmem:v46+s18+$0x0], $0xffff  }
0x5cb: {  	v19 =	vsub.f32 v28, v19;
	v28 =	vsub.f32 v37, v35;
	v35 =	vcvt.s32.f32 v45;
	v37 =	vld.idx.msk [tilespmem:v46+s19+$0x0], $0xffff  }
0x5cc: {  	v30 =	vadd.f32 v30, v40;
	v40 =	vmul.f32 $9.999990460e+00, v17;
	v17 =	vmul.f32 v29, v34;
	[tilespmem:s2+$0xFFFFFFB0] =	vst v32  }
0x5cd: {  	v34 =	vsub.f32 v39, v35;
	v32 =	vmul.f32 $9.999990460e+00, v18;
	v29 =	vld.idx.msk [tilespmem:v33+s18+$0x0], $0xffff;
	v35 =	vmul.f32 $9.999990460e+00, v43  }
0x5ce: {  	v27 =	vmul.f32 $9.999990460e+00, v27;
	v18 =	vadd.f32 v17, v41;
	[tilespmem:s2+$0xFFFFFF30] =	vst v30;
	v30 =	vtrunc.f32 v40;
	v33 =	vld.idx.msk [tilespmem:v33+s19+$0x0], $0xffff  }
0x5cf: {  	v31 =	vcvt.s32.f32 v31;
	v17 =	vsub.f32 v20, v13;
	v39 =	vld.idx.msk [tilespmem:v47+s18+$0x0], $0xffff;
	v41 =	vtrunc.f32 v35  }
0x5d0: {  	v42 =	vtrunc.f32 v32;
	v20 =	vld.idx.msk [tilespmem:v47+s19+$0x0], $0xffff;
	[tilespmem:s2+$0x30] =	vst v18;
	v41 =	vcvt.f32.s32 v41;
	v18 =	vsub.f32 v16, v14  }
0x5d1: {  	v31 =	vsub.f32 v38, v31;
	v43 =	vtrunc.f32 v27;
	v37 =	vsub.f32 v37, v36;
	v16 =	vld.idx.msk [tilespmem:v48+s18+$0x0], $0xffff  }
0x5d2: {  	v30 =	vcvt.f32.s32 v30;
	v38 =	vcvt.f32.s32 v42;
	v42 =	vld.idx.msk [tilespmem:v48+s19+$0x0], $0xffff;
	v44 =	vshll.u32 v41, $0x7  }
0x5d3: {  	v43 =	vcvt.f32.s32 v43;
	v31 =	vmul.f32 v31, v37;
	v37 =	vor.u32 v6, v44  }
0x5d4: {  	v45 =	vshll.u32 v38, $0x7;
	v44 =	vshll.u32 v30, $0x7;
	v33 =	vsub.f32 v33, v29  }
0x5d5: {  	v46 =	vshll.u32 v43, $0x7;
	v44 =	vor.u32 v6, v44;
	v31 =	vadd.f32 v31, v36  }
0x5d6: {  	v20 =	vsub.f32 v20, v39;
	v28 =	vmul.f32 v28, v33;
	v33 =	vor.u32 v6, v45;
	v36 =	vld [tilespmem:s2+$0xE0]  }
0x5d7: {  	v38 =	vcvt.s32.f32 v38;
	v30 =	vcvt.s32.f32 v30;
	v45 =	vor.u32 v6, v46;
	[tilespmem:s2+$0xC0] =	vst v31  }
0x5d8: {  	v19 =	vmul.f32 v19, v20;
	v20 =	vadd.f32 v28, v29;
	v28 =	vsub.f32 v42, v16;
	v29 =	vld.idx.msk [tilespmem:v37+s18+$0x0], $0xffff  }
0x5d9: {  	v30 =	vsub.f32 v40, v30;
	v31 =	vsub.f32 v32, v38;
	v32 =	vcvt.s32.f32 v43;
	v37 =	vld.idx.msk [tilespmem:v37+s19+$0x0], $0xffff  }
0x5da: {  	v25 =	vmul.f32 $9.999990460e+00, v25;
	v19 =	vadd.f32 v19, v39;
	[tilespmem:s2+$0xFFFFFFC0] =	vst v20;
	v20 =	vmul.f32 v34, v28  }
0x5db: {  	v27 =	vsub.f32 v27, v32;
	v34 =	vmul.f32 $9.999990460e+00, v26;
	v28 =	vld.idx.msk [tilespmem:v33+s18+$0x0], $0xffff;
	v32 =	vmul.f32 $9.999990460e+00, v36  }
0x5dc: {  	v24 =	vmul.f32 $9.999990460e+00, v24;
	[tilespmem:s2+$0xFFFFFF40] =	vst v19;
	v19 =	vtrunc.f32 v25;
	v26 =	vld.idx.msk [tilespmem:v33+s19+$0x0], $0xffff;
	v16 =	vadd.f32 v20, v16  }
0x5dd: {  	v20 =	vcvt.s32.f32 v41;
	v33 =	vld.idx.msk [tilespmem:v44+s18+$0x0], $0xffff;
	v36 =	vtrunc.f32 v32  }
0x5de: {  	v39 =	vtrunc.f32 v34;
	v38 =	vld.idx.msk [tilespmem:v44+s19+$0x0], $0xffff;
	[tilespmem:s2+$0x40] =	vst v16;
	v16 =	vcvt.f32.s32 v36  }
0x5df: {  	v40 =	vtrunc.f32 v24;
	v20 =	vsub.f32 v35, v20;
	v35 =	vsub.f32 v37, v29;
	v36 =	vld.idx.msk [tilespmem:v45+s18+$0x0], $0xffff  }
0x5e0: {  	v19 =	vcvt.f32.s32 v19;
	v37 =	vcvt.f32.s32 v39;
	v39 =	vld.idx.msk [tilespmem:v45+s19+$0x0], $0xffff;
	v41 =	vshll.u32 v16, $0x7  }
0x5e1: {  	v40 =	vcvt.f32.s32 v40;
	v20 =	vmul.f32 v20, v35;
	v35 =	vor.u32 v7, v41  }
0x5e2: {  	v42 =	vshll.u32 v37, $0x7;
	v41 =	vshll.u32 v19, $0x7;
	v26 =	vsub.f32 v26, v28  }
0x5e3: {  	v43 =	vshll.u32 v40, $0x7;
	v41 =	vor.u32 v7, v41;
	v20 =	vadd.f32 v20, v29  }
0x5e4: {  	v29 =	vsub.f32 v38, v33;
	v26 =	vmul.f32 v31, v26;
	v31 =	vor.u32 v7, v42;
	v38 =	vld [tilespmem:s2+$0xF0]  }
0x5e5: {  	v37 =	vcvt.s32.f32 v37;
	v19 =	vcvt.s32.f32 v19;
	v42 =	vor.u32 v7, v43;
	[tilespmem:s2+$0xD0] =	vst v20  }
0x5e6: {  	v29 =	vmul.f32 v30, v29;
	v28 =	vadd.f32 v26, v28;
	v30 =	vsub.f32 v39, v36;
	v39 =	vld.idx.msk [tilespmem:v35+s18+$0x0], $0xffff  }
0x5e7: {  	v26 =	vsub.f32 v25, v19;
	v20 =	vsub.f32 v34, v37;
	v19 =	vcvt.s32.f32 v40;
	v34 =	vld.idx.msk [tilespmem:v35+s19+$0x0], $0xffff  }
0x5e8: {  	v25 =	vmul.f32 $9.999990460e+00, v21;
	v29 =	vadd.f32 v29, v33;
	v30 =	vmul.f32 v27, v30;
	[tilespmem:s2+$0xFFFFFFD0] =	vst v28  }
0x5e9: {  	v22 =	vmul.f32 $9.999990460e+00, v22;
	v27 =	vsub.f32 v24, v19;
	v28 =	vld.idx.msk [tilespmem:v31+s18+$0x0], $0xffff;
	v21 =	vmul.f32 $9.999990460e+00, v38  }
0x5ea: {  	v23 =	vmul.f32 $9.999990460e+00, v23;
	v19 =	vtrunc.f32 v25;
	v24 =	vadd.f32 v30, v36;
	[tilespmem:s2+$0xFFFFFF50] =	vst v29;
	v37 =	vld.idx.msk [tilespmem:v31+s19+$0x0], $0xffff  }
0x5eb: {  	v16 =	vcvt.s32.f32 v16;
	v30 =	vld.idx.msk [tilespmem:v41+s18+$0x0], $0xffff;
	v29 =	vtrunc.f32 v21  }
0x5ec: {  	v31 =	vtrunc.f32 v22;
	v35 =	vld.idx.msk [tilespmem:v41+s19+$0x0], $0xffff;
	[tilespmem:s2+$0x50] =	vst v24;
	v24 =	vcvt.f32.s32 v29  }
.Ltmp4:
0x5ed: {  	v16 =	vsub.f32 v32, v16;
	v38 =	vtrunc.f32 v23;
	v34 =	vsub.f32 v34, v39;
	v29 =	vld.idx.msk [tilespmem:v42+s18+$0x0], $0xffff;
	(pc) =	sbr.rel @p0 .LBB2_10-.Ltmp4, $4  }
0x5ee: {  	v33 =	vcvt.f32.s32 v19;
	v32 =	vcvt.f32.s32 v31;
	v36 =	vld.idx.msk [tilespmem:v42+s19+$0x0], $0xffff;
	v19 =	vshll.u32 v24, $0x7  }
0x5ef: {  	v31 =	vcvt.f32.s32 v38;
	v40 =	vmul.f32 v16, v34;
	v34 =	vor.u32 v8, v19  }
0x5f0: {  	v38 =	vshll.u32 v32, $0x7;
	v16 =	vshll.u32 v33, $0x7;
	v37 =	vsub.f32 v37, v28  }
0x5f1: {  	s2 =	sadd.s32 $0x200, s2;
	v19 =	vor.u32 v8, v16;
	v16 =	vshll.u32 v31, $0x7;
	v39 =	vadd.f32 v40, v39  }
0x5f2: {  	_ = 	snop  }
0x5f3: {  	v35 =	vsub.f32 v35, v30;
	v20 =	vmul.f32 v20, v37;
	v47 =	vor.u32 v8, v38;
	_ =	sdelay $0x1  }
0x5f4: {  	[tilespmem:s31+$0xE0] =	vst v39;
	v36 =	vsub.f32 v36, v29;
	v26 =	vmul.f32 v26, v35;
	v20 =	vadd.f32 v20, v28  }
0x5f5: {  	v16 =	vor.u32 v8, v16;
	v48 =	vld.idx.msk [tilespmem:v34+s18+$0x0], $0xffff  }
0x5f6: {  	v49 =	vld.idx.msk [tilespmem:v34+s19+$0x0], $0xffff;
	v27 =	vmul.f32 v27, v36;
	v26 =	vadd.f32 v26, v30;
	[tilespmem:s31+$0xFFFFFFE0] =	vst v20  }
0x5f7: {  	v52 =	vld.idx.msk [tilespmem:v47+s18+$0x0], $0xffff  }
0x5f8: {  	v50 =	vadd.f32 v27, v29;
	v54 =	vld.idx.msk [tilespmem:v47+s19+$0x0], $0xffff;
	[tilespmem:s31+$0xFFFFFF60] =	vst v26  }
0x5f9: {  	v26 =	vld.idx.msk [tilespmem:v19+s18+$0x0], $0xffff  }
0x5fa: {  	v53 =	vcvt.s32.f32 v33;
	v24 =	vcvt.s32.f32 v24;
	v51 =	vld.idx.msk [tilespmem:v19+s19+$0x0], $0xffff;
	[tilespmem:s31+$0x60] =	vst v50  }
0x5fb: {  	v32 =	vcvt.s32.f32 v32;
	v56 =	vcvt.s32.f32 v31;
	v55 =	vld.idx.msk [tilespmem:v16+s18+$0x0], $0xffff  }
0x5fc: {  	v9 =	vmul.f32 v9, v17;
	v25 =	vsub.f32 v25, v53;
	v57 =	vsub.f32 v21, v24;
	v16 =	vld.idx.msk [tilespmem:v16+s19+$0x0], $0xffff  }
0x5fd: {  	v10 =	vmul.f32 v10, v15;
	v22 =	vsub.f32 v22, v32;
	v58 =	vsub.f32 v49, v48  }
0x5fe: {  	v11 =	vmul.f32 v11, v18;
	v23 =	vsub.f32 v23, v56;
	v9 =	vadd.f32 v9, v13  }
0x5ff: {  	v10 =	vadd.f32 v10, v12;
	v59 =	vmul.f32 v57, v58;
	v61 =	vsub.f32 v54, v52  }
0x600: {  	[tilespmem:s30+$0xFFFFFFF0] =	vst v9;
	v9 =	vadd.f32 v11, v14;
	v60 =	vsub.f32 v51, v26  }
0x601: {  	[tilespmem:s30+$0xFFFFFF70] =	vst v10;
	v10 =	vadd.f32 v59, v48;
	v11 =	vmul.f32 v22, v61;
	v62 =	vsub.f32 v16, v55  }
0x602: {  	[tilespmem:s30+$0x70] =	vst v9;
	v15 =	vmul.f32 v25, v60  }
0x603: {  	[tilespmem:s31+$0xF0] =	vst v10;
	v9 =	vadd.f32 v11, v52;
	v10 =	vmul.f32 v23, v62  }
0x604: {  	v63 =	vadd.f32 v15, v26  }
0x605: {  	[tilespmem:s31+$0xFFFFFFF0] =	vst v9;
	v10 =	vadd.f32 v10, v55  }
0x606: {  	[tilespmem:s31+$0xFFFFFF70] =	vst v63  }
0x607: {  	[tilespmem:s31+$0x70] =	vst v10  }
0x608: {  	[hbm4b:s11+s3] =	stream.linear.scatter [tilespmem:s21], [sflag:$0x8], $0x2000, $0x38;
	[tilespmem:$0x10A80] =	vst v63  }
0x609: {  	_ =	swait.ge [sflag:s24], $0x2000  }
0x60a: {  	[sflag:s24] =	ssyncset.done $0x0  }
0x60b: {  	[sflag:s24] =	ssyncadd.s32 $0xFFFFE000  }
0x60c: {  	_ =	swait.ge [sflag:s25], $0x6000  }
0x60d: {  	[sflag:s25] =	ssyncset.done $0x0  }
0x60e: {  	s29 =	sadd.s32 $0x1, s29;
	[sflag:s25] =	ssyncadd.s32 $0xFFFFA000  }
0x60f: {  	p0 =	sne.s32 s29, s12;
	_ =	swait.ge [sflag:s26], $0x6000  }
.Ltmp5:
0x610: {  	[sflag:s26] =	ssyncset.done $0x0;
	(pc) =	sbr.rel @p0 .LBB2_1-.Ltmp5, $4  }
0x611: {  	[sflag:s26] =	ssyncadd.s32 $0xFFFFA000  }
0x612: {  	_ =	swait.ge [sflag:s28], $0x2000  }
0x613: {  	[sflag:s28] =	ssyncset.done $0x0  }
0x614: {  	[sflag:s28] =	ssyncadd.s32 $0xFFFFE000  }
0x615: {  	_ =	sfence.sel $0x180000  }
0x616: {  	[bflag:$0x0] =	sbarrier.arrive $0xFFFF  }
0x617: {  	_ =	strace $0x90000047  }
0x618: {  	s0 =	stileid.u32;
	[bflag:$0x2] =	sbarrier.arrive $0xFFFF  }
0x619: {  	p0 =	sne.s32 s0, $0x0;
	s0 =	rddreg [dreg:$0x3]  }
0x61a: {  	s0 =	sadd.s32 @!p0 $0x100000, s0  }
0x61b: {  	[sflag:s0] =	ssyncadd.tile.s32 @!p0 $0x1;
	_ =	shalt  }
.Lfunc_end2:
_tile_overlayer_lowered:
.L_overlay_start_2:
0x61c: {  	(tag) =	ssettag $0x2  }
0x61d: {  	s0 =	rddreg [dreg:$0x0];
	s2 =	stileid.u32  }
0x61e: {  	s1 =	rddreg [dreg:$0x1];
	p0 =	sne.s32 s2, $0x0  }
0x61f: {  	s3 =	rddreg [dreg:$0x2];
	[bflag:$0x3] =	sbarrier.arrive $0xFFFF;
	s2 =	simm.s32 @!p0 $0x1C09  }
0x620: {  	[timem:s3], [sflag:s2] =	dma.local @!p0 [hbm:s0], s1  }
0x621: {  	s0 =	simm.s32 @!p0 $0x9  }
0x622: {  	_ =	swait.ge @!p0 [sflag:s0], s1  }
0x623: {  	s1 =	ssub.s32 @!p0 $0x0, s1;
	[sflag:s0] =	ssyncset.done @!p0 $0x0  }
0x624: {  	[sflag:s0] =	ssyncadd.s32 @!p0 s1  }
0x625: {  	[bflag:$0x3] =	sbarrier.arrive $0xFFFF  }
0x626: {  	_ =	shalt  }

</sc_bundles>
